<compile_context>
chip_gen: v7x
topology: tpu7x:2x2x1
jax: 0.10.2.dev20260603
libtpu: 0.0.44.dev20260713+nightly
codegen_flags: <defaults>
</compile_context>

<pallas_src>
import functools

import jax
import jax.numpy as jnp
from jax import lax
from jax.experimental import pallas as pl
from jax.experimental.pallas import tpu as pltpu
from jax.experimental.pallas import tpu_sc as plsc

_N = 4096
_H = 128
_BM = 512
_ROWS_TC = 3072
_NW = 32
_RPW = (_N - _ROWS_TC) // _NW
_RING = 4
_GRP = 16



def _v_kernel(pf_ref, t_ref, wp_ref, bp_ref, wt_ref, bt_ref, wo_ref, v_ref):
    pf_b = pf_ref[...].astype(jnp.bfloat16)
    wp_b = wp_ref[...].astype(jnp.bfloat16)
    ph = jnp.dot(pf_b, wp_b.T, preferred_element_type=jnp.float32)
    th = t_ref[...] * wt_ref[...]
    h = ph + bp_ref[...] + th + bt_ref[...]
    h = jnp.clip(h, -1000000.0, 1000000.0)
    h3 = h.astype(jnp.bfloat16).astype(jnp.float32).reshape(_N // _H, _H, _H)
    wo_b = wo_ref[...].astype(jnp.bfloat16).astype(jnp.float32)
    v_ref[...] = jnp.sum(h3 * wo_b.reshape(1, 1, _H), axis=2)



def _sc_body(e_hbm, v_hbm, out_hbm, vbuf, rbuf, obuf,
             sem0, sem1, sem2, sem3):
    sems = (sem0, sem1, sem2, sem3)
    cid = lax.axis_index("c")
    sid = lax.axis_index("s")
    wid = sid * 2 + cid
    base = _ROWS_TC + wid * _RPW
    pltpu.sync_copy(v_hbm, vbuf)

    for i in range(_RING):
        pltpu.make_async_copy(
            e_hbm.at[base + i], rbuf.at[i], sems[i]).start()

    def group(g, carry):
        for u in range(_GRP):
            r = g * _GRP + u
            slot = u % _RING
            pltpu.make_async_copy(
                e_hbm.at[base + r], rbuf.at[slot], sems[slot]).wait()

            def chunk(cix, acc):
                off = cix * 16
                return acc + rbuf[slot, pl.ds(off, 16)] * vbuf[pl.ds(off, 16)]

            acc = lax.fori_loop(0, _N // 16, chunk,
                                jnp.zeros((16,), jnp.float32), unroll=8)
            obuf[r, :] = acc

            @pl.when(r + _RING < _RPW)
            def _prefetch():
                pltpu.make_async_copy(
                    e_hbm.at[base + r + _RING], rbuf.at[slot],
                    sems[slot]).start()

        return carry

    lax.fori_loop(0, _RPW // _GRP, group, 0)
    pltpu.sync_copy(obuf, out_hbm.at[pl.ds(wid * _RPW, _RPW)])


@functools.partial(
    pl.kernel,
    out_type=jax.ShapeDtypeStruct((_N - _ROWS_TC, 16), jnp.float32),
    mesh=plsc.VectorSubcoreMesh(core_axis_name="c", subcore_axis_name="s"),
    scratch_types=[
        pltpu.VMEM((_N,), jnp.float32),
        pltpu.VMEM((_RING, _N), jnp.float32),
        pltpu.VMEM((_RPW, 16), jnp.float32),
        pltpu.SemaphoreType.DMA,
        pltpu.SemaphoreType.DMA,
        pltpu.SemaphoreType.DMA,
        pltpu.SemaphoreType.DMA,
    ],
)
def _sc_matvec(e_hbm, v_hbm, out_hbm, vbuf, rbuf, obuf,
               sem0, sem1, sem2, sem3):
    _sc_body(e_hbm, v_hbm, out_hbm, vbuf, rbuf, obuf,
             sem0, sem1, sem2, sem3)



def _tc_kernel(pf_ref, t_ref, wp_ref, bp_ref, wt_ref, bt_ref, wo_ref,
               bo_ref, e_ref, out_ref, h_ref):
    m = pl.program_id(0)

    @pl.when(m == 0)
    def _compute_h():
        pf_b = pf_ref[...].astype(jnp.bfloat16)
        wp_b = wp_ref[...].astype(jnp.bfloat16)
        ph = jnp.dot(pf_b, wp_b.T, preferred_element_type=jnp.float32)
        th = t_ref[...] * wt_ref[...]
        h = ph + bp_ref[...] + th + bt_ref[...]
        h = jnp.clip(h, -1000000.0, 1000000.0)
        h_ref[...] = h.astype(jnp.bfloat16)

    e_b = e_ref[...].astype(jnp.bfloat16)
    c = jnp.dot(e_b, h_ref[...], preferred_element_type=jnp.float32)
    c_b = c.astype(jnp.bfloat16).astype(jnp.float32)
    wo_b = wo_ref[...].astype(jnp.bfloat16).astype(jnp.float32)
    out_ref[...] = jnp.sum(c_b * wo_b, axis=1, keepdims=True) + bo_ref[...]


def kernel(policy_features, traffic_features, edge_index, W_policy, b_policy,
           W_traffic, b_traffic, W_out, b_out):
    t_col = traffic_features.reshape(_N, 1)
    wt_row = W_traffic.reshape(1, _H)
    bp_row = b_policy.reshape(1, _H)
    bt_row = b_traffic.reshape(1, _H)
    bo_11 = b_out.reshape(1, 1)

    v2d = pl.pallas_call(
        _v_kernel,
        out_shape=jax.ShapeDtypeStruct((_N // _H, _H), jnp.float32),
    )(policy_features, t_col, W_policy, bp_row, wt_row, bt_row, W_out)
    v_flat = v2d.reshape(_N)

    n_blocks = _ROWS_TC // _BM
    const_spec = lambda shape: pl.BlockSpec(shape, lambda m: (0, 0))
    tc_out = pl.pallas_call(
        _tc_kernel,
        grid=(n_blocks,),
        in_specs=[
            const_spec((_N, _H)),
            const_spec((_N, 1)),
            const_spec((_H, _H)),
            const_spec((1, _H)),
            const_spec((1, _H)),
            const_spec((1, _H)),
            const_spec((1, _H)),
            const_spec((1, 1)),
            pl.BlockSpec((_BM, _N), lambda m: (m, 0)),
        ],
        out_specs=pl.BlockSpec((_BM, 1), lambda m: (m, 0)),
        out_shape=jax.ShapeDtypeStruct((_ROWS_TC, 1), jnp.float32),
        scratch_shapes=[pltpu.VMEM((_N, _H), jnp.bfloat16)],
    )(policy_features, t_col, W_policy, bp_row, wt_row, bt_row, W_out, bo_11,
      edge_index)

    sc_part = _sc_matvec(edge_index, v_flat)
    sc_out = sc_part.sum(axis=1).reshape(-1, 1) + b_out.reshape(1, 1)
    return jnp.concatenate([tc_out, sc_out], axis=0)

# --- scband reference (transcript-rebuilt; emitter-appended) ---
"""Pipeline reference for scband-two-channel-edge-gnn-20340965114263 (READ-ONLY COPY).

The authoritative reference and input builder live on the scoring server;
editing this copy changes nothing except your own understanding.
"""

import jax, jax.numpy as jnp
import numpy as np

N = 4096
POLICY_IN = 128
TRAFFIC_IN = 1
HIDDEN = 128


def _xavier_uniform(key, shape):
    fan_out, fan_in = shape
    limit = float(np.sqrt(6.0 / (fan_in + fan_out)))
    return jax.random.uniform(key, shape, dtype=jnp.float32, minval=-limit, maxval=limit)


def setup_inputs(seed: int = 0) -> dict:
    key = jax.random.key(seed)
    k1, k2, k3, k4, k5, k6 = jax.random.split(key, 6)
    policy_features = jax.random.normal(k1, (N, POLICY_IN), dtype=jnp.float32)
    traffic_features = jax.random.normal(k2, (N,), dtype=jnp.float32)
    edge_index = jax.random.uniform(k3, (N, N), dtype=jnp.float32)
    W_policy = _xavier_uniform(k4, (HIDDEN, POLICY_IN))
    b_policy = jnp.zeros((HIDDEN,), dtype=jnp.float32)
    W_traffic = _xavier_uniform(k5, (HIDDEN, TRAFFIC_IN))
    b_traffic = jnp.zeros((HIDDEN,), dtype=jnp.float32)
    W_out = _xavier_uniform(k6, (TRAFFIC_IN, HIDDEN))
    b_out = jnp.zeros((TRAFFIC_IN,), dtype=jnp.float32)
    return {
        'policy_features': policy_features,
        'traffic_features': traffic_features,
        'edge_index': edge_index,
        'W_policy': W_policy,
        'b_policy': b_policy,
        'W_traffic': W_traffic,
        'b_traffic': b_traffic,
        'W_out': W_out,
        'b_out': b_out,
    }


def reference(policy_features, traffic_features, edge_index,
              W_policy, b_policy, W_traffic, b_traffic, W_out, b_out):
    traffic = traffic_features.reshape(-1, 1)
    policy_hidden = policy_features @ W_policy.T + b_policy
    traffic_hidden = traffic @ W_traffic.T + b_traffic
    combined_hidden = policy_hidden + traffic_hidden
    combined_hidden = jnp.clip(combined_hidden, -1000000.0, 1000000.0)
    combined_hidden = edge_index @ combined_hidden  # spmm: adjacency [N,N] x hidden [N,H]
    output = combined_hidden @ W_out.T + b_out
    return output

if __name__ == "__main__":
    import jax
    _d = setup_inputs()
    print(jax.jit(kernel)(*tuple(_d.values())))

</pallas_src>

<mosaic_0001>
#map = affine_map<(d0, d1) -> (0, 0)>
#map1 = affine_map<(d0, d1) -> (0)>
module attributes {stable_mosaic.version = 14 : i64} {
  func.func @_sc_matvec(%arg0: i32, %arg1: i32, %arg2: memref<4096x4096xf32, #tpu.memory_space<hbm>>, %arg3: memref<4096xf32, #tpu.memory_space<hbm>>, %arg4: memref<1024x16xf32, #tpu.memory_space<hbm>>, %arg5: memref<4096xf32, #tpu.memory_space<vmem>>, %arg6: memref<4x4096xf32, #tpu.memory_space<vmem>>, %arg7: memref<32x16xf32, #tpu.memory_space<vmem>>, %arg8: memref<!tpu.dma_semaphore, #tpu.memory_space<semaphore_mem>>, %arg9: memref<!tpu.dma_semaphore, #tpu.memory_space<semaphore_mem>>, %arg10: memref<!tpu.dma_semaphore, #tpu.memory_space<semaphore_mem>>, %arg11: memref<!tpu.dma_semaphore, #tpu.memory_space<semaphore_mem>>) attributes {dimension_semantics = [#tpu.dimension_semantics<core_parallel>, #tpu.dimension_semantics<subcore_parallel>], iteration_bounds = array<i64: 2, 16>, scalar_prefetch = 0 : i64, scratch_operands = 7 : i64, tpu.core_type = #tpu.core_type<sc_vector_subcore>, window_params = [{transform_indices = #map}, {transform_indices = #map1}, {transform_indices = #map}]} {
    %mul3A = arith.constant 2 : i32
    %mul3A_0 = arith.muli %arg1, %mul3A : i32
    %add3A = arith.addi %mul3A_0, %arg0 : i32
    %mul3A_1 = arith.constant 32 : i32
    %mul3A_2 = arith.muli %add3A, %mul3A_1 : i32
    %add3A_3 = arith.constant 3072 : i32
    %add3A_4 = arith.addi %add3A_3, %mul3A_2 : i32
    "tpu.region"() ({
      %run_scoped3A = tpu.sem_alloc : memref<!tpu.dma_semaphore, #tpu.memory_space<semaphore_mem>>
      tpu.enqueue_dma source(%arg3 : memref<4096xf32, #tpu.memory_space<hbm>>) target(%arg5 : memref<4096xf32, #tpu.memory_space<vmem>>) target_semaphore(%run_scoped3A : memref<!tpu.dma_semaphore, #tpu.memory_space<semaphore_mem>>)
      tpu.wait_dma2 semaphore(%run_scoped3A : memref<!tpu.dma_semaphore, #tpu.memory_space<semaphore_mem>>) src(%arg3 : memref<4096xf32, #tpu.memory_space<hbm>>) dst(%arg5 : memref<4096xf32, #tpu.memory_space<vmem>>)
      tpu.yield
    }) : () -> ()
    %add3A_5 = arith.constant 0 : i32
    %add3A_6 = arith.addi %add3A_4, %add3A_5 : i32
    %dma_start3A = arith.constant 0 : i32
    %dma_start3A_7 = arith.constant 0 : i32
    %dma_start3A_8 = tpu.memref_slice %arg6[%dma_start3A, %dma_start3A_7] : memref<4x4096xf32, #tpu.memory_space<vmem>> -> memref<1x4096xf32, #tpu.memory_space<vmem>>
    %dma_start3A_9 = tpu.memref_squeeze %dma_start3A_8 : memref<1x4096xf32, #tpu.memory_space<vmem>> -> memref<4096xf32, #tpu.memory_space<vmem>>
    %dma_start3A_10 = arith.constant 0 : i32
    %dma_start3A_11 = tpu.memref_slice %arg2[%add3A_6, %dma_start3A_10] : memref<4096x4096xf32, #tpu.memory_space<hbm>> -> memref<1x4096xf32, #tpu.memory_space<hbm>>
    %dma_start3A_12 = tpu.memref_squeeze %dma_start3A_11 : memref<1x4096xf32, #tpu.memory_space<hbm>> -> memref<4096xf32, #tpu.memory_space<hbm>>
    %dma_start3A_13 = arith.constant 0 : i32
    %dma_start3A_14 = tpu.memref_slice %arg6[%dma_start3A, %dma_start3A_13] : memref<4x4096xf32, #tpu.memory_space<vmem>> -> memref<1x4096xf32, #tpu.memory_space<vmem>>
    %dma_start3A_15 = tpu.memref_squeeze %dma_start3A_14 : memref<1x4096xf32, #tpu.memory_space<vmem>> -> memref<4096xf32, #tpu.memory_space<vmem>>
    %dma_start3A_16 = arith.constant 0 : i32
    %dma_start3A_17 = tpu.memref_slice %arg2[%add3A_6, %dma_start3A_16] : memref<4096x4096xf32, #tpu.memory_space<hbm>> -> memref<1x4096xf32, #tpu.memory_space<hbm>>
    %dma_start3A_18 = tpu.memref_squeeze %dma_start3A_17 : memref<1x4096xf32, #tpu.memory_space<hbm>> -> memref<4096xf32, #tpu.memory_space<hbm>>
    tpu.enqueue_dma source(%dma_start3A_18 : memref<4096xf32, #tpu.memory_space<hbm>>) target(%dma_start3A_15 : memref<4096xf32, #tpu.memory_space<vmem>>) target_semaphore(%arg8 : memref<!tpu.dma_semaphore, #tpu.memory_space<semaphore_mem>>)
    %add3A_19 = arith.constant 1 : i32
    %add3A_20 = arith.addi %add3A_4, %add3A_19 : i32
    %dma_start3A_21 = arith.constant 1 : i32
    %dma_start3A_22 = arith.constant 0 : i32
    %dma_start3A_23 = tpu.memref_slice %arg6[%dma_start3A_21, %dma_start3A_22] : memref<4x4096xf32, #tpu.memory_space<vmem>> -> memref<1x4096xf32, #tpu.memory_space<vmem>>
    %dma_start3A_24 = tpu.memref_squeeze %dma_start3A_23 : memref<1x4096xf32, #tpu.memory_space<vmem>> -> memref<4096xf32, #tpu.memory_space<vmem>>
    %dma_start3A_25 = arith.constant 0 : i32
    %dma_start3A_26 = tpu.memref_slice %arg2[%add3A_20, %dma_start3A_25] : memref<4096x4096xf32, #tpu.memory_space<hbm>> -> memref<1x4096xf32, #tpu.memory_space<hbm>>
    %dma_start3A_27 = tpu.memref_squeeze %dma_start3A_26 : memref<1x4096xf32, #tpu.memory_space<hbm>> -> memref<4096xf32, #tpu.memory_space<hbm>>
    %dma_start3A_28 = arith.constant 0 : i32
    %dma_start3A_29 = tpu.memref_slice %arg6[%dma_start3A_21, %dma_start3A_28] : memref<4x4096xf32, #tpu.memory_space<vmem>> -> memref<1x4096xf32, #tpu.memory_space<vmem>>
    %dma_start3A_30 = tpu.memref_squeeze %dma_start3A_29 : memref<1x4096xf32, #tpu.memory_space<vmem>> -> memref<4096xf32, #tpu.memory_space<vmem>>
    %dma_start3A_31 = arith.constant 0 : i32
    %dma_start3A_32 = tpu.memref_slice %arg2[%add3A_20, %dma_start3A_31] : memref<4096x4096xf32, #tpu.memory_space<hbm>> -> memref<1x4096xf32, #tpu.memory_space<hbm>>
    %dma_start3A_33 = tpu.memref_squeeze %dma_start3A_32 : memref<1x4096xf32, #tpu.memory_space<hbm>> -> memref<4096xf32, #tpu.memory_space<hbm>>
    tpu.enqueue_dma source(%dma_start3A_33 : memref<4096xf32, #tpu.memory_space<hbm>>) target(%dma_start3A_30 : memref<4096xf32, #tpu.memory_space<vmem>>) target_semaphore(%arg9 : memref<!tpu.dma_semaphore, #tpu.memory_space<semaphore_mem>>)
    %add3A_34 = arith.constant 2 : i32
    %add3A_35 = arith.addi %add3A_4, %add3A_34 : i32
    %dma_start3A_36 = arith.constant 2 : i32
    %dma_start3A_37 = arith.constant 0 : i32
    %dma_start3A_38 = tpu.memref_slice %arg6[%dma_start3A_36, %dma_start3A_37] : memref<4x4096xf32, #tpu.memory_space<vmem>> -> memref<1x4096xf32, #tpu.memory_space<vmem>>
    %dma_start3A_39 = tpu.memref_squeeze %dma_start3A_38 : memref<1x4096xf32, #tpu.memory_space<vmem>> -> memref<4096xf32, #tpu.memory_space<vmem>>
    %dma_start3A_40 = arith.constant 0 : i32
    %dma_start3A_41 = tpu.memref_slice %arg2[%add3A_35, %dma_start3A_40] : memref<4096x4096xf32, #tpu.memory_space<hbm>> -> memref<1x4096xf32, #tpu.memory_space<hbm>>
    %dma_start3A_42 = tpu.memref_squeeze %dma_start3A_41 : memref<1x4096xf32, #tpu.memory_space<hbm>> -> memref<4096xf32, #tpu.memory_space<hbm>>
    %dma_start3A_43 = arith.constant 0 : i32
    %dma_start3A_44 = tpu.memref_slice %arg6[%dma_start3A_36, %dma_start3A_43] : memref<4x4096xf32, #tpu.memory_space<vmem>> -> memref<1x4096xf32, #tpu.memory_space<vmem>>
    %dma_start3A_45 = tpu.memref_squeeze %dma_start3A_44 : memref<1x4096xf32, #tpu.memory_space<vmem>> -> memref<4096xf32, #tpu.memory_space<vmem>>
    %dma_start3A_46 = arith.constant 0 : i32
    %dma_start3A_47 = tpu.memref_slice %arg2[%add3A_35, %dma_start3A_46] : memref<4096x4096xf32, #tpu.memory_space<hbm>> -> memref<1x4096xf32, #tpu.memory_space<hbm>>
    %dma_start3A_48 = tpu.memref_squeeze %dma_start3A_47 : memref<1x4096xf32, #tpu.memory_space<hbm>> -> memref<4096xf32, #tpu.memory_space<hbm>>
    tpu.enqueue_dma source(%dma_start3A_48 : memref<4096xf32, #tpu.memory_space<hbm>>) target(%dma_start3A_45 : memref<4096xf32, #tpu.memory_space<vmem>>) target_semaphore(%arg10 : memref<!tpu.dma_semaphore, #tpu.memory_space<semaphore_mem>>)
    %add3A_49 = arith.constant 3 : i32
    %add3A_50 = arith.addi %add3A_4, %add3A_49 : i32
    %dma_start3A_51 = arith.constant 3 : i32
    %dma_start3A_52 = arith.constant 0 : i32
    %dma_start3A_53 = tpu.memref_slice %arg6[%dma_start3A_51, %dma_start3A_52] : memref<4x4096xf32, #tpu.memory_space<vmem>> -> memref<1x4096xf32, #tpu.memory_space<vmem>>
    %dma_start3A_54 = tpu.memref_squeeze %dma_start3A_53 : memref<1x4096xf32, #tpu.memory_space<vmem>> -> memref<4096xf32, #tpu.memory_space<vmem>>
    %dma_start3A_55 = arith.constant 0 : i32
    %dma_start3A_56 = tpu.memref_slice %arg2[%add3A_50, %dma_start3A_55] : memref<4096x4096xf32, #tpu.memory_space<hbm>> -> memref<1x4096xf32, #tpu.memory_space<hbm>>
    %dma_start3A_57 = tpu.memref_squeeze %dma_start3A_56 : memref<1x4096xf32, #tpu.memory_space<hbm>> -> memref<4096xf32, #tpu.memory_space<hbm>>
    %dma_start3A_58 = arith.constant 0 : i32
    %dma_start3A_59 = tpu.memref_slice %arg6[%dma_start3A_51, %dma_start3A_58] : memref<4x4096xf32, #tpu.memory_space<vmem>> -> memref<1x4096xf32, #tpu.memory_space<vmem>>
    %dma_start3A_60 = tpu.memref_squeeze %dma_start3A_59 : memref<1x4096xf32, #tpu.memory_space<vmem>> -> memref<4096xf32, #tpu.memory_space<vmem>>
    %dma_start3A_61 = arith.constant 0 : i32
    %dma_start3A_62 = tpu.memref_slice %arg2[%add3A_50, %dma_start3A_61] : memref<4096x4096xf32, #tpu.memory_space<hbm>> -> memref<1x4096xf32, #tpu.memory_space<hbm>>
    %dma_start3A_63 = tpu.memref_squeeze %dma_start3A_62 : memref<1x4096xf32, #tpu.memory_space<hbm>> -> memref<4096xf32, #tpu.memory_space<hbm>>
    tpu.enqueue_dma source(%dma_start3A_63 : memref<4096xf32, #tpu.memory_space<hbm>>) target(%dma_start3A_60 : memref<4096xf32, #tpu.memory_space<vmem>>) target_semaphore(%arg11 : memref<!tpu.dma_semaphore, #tpu.memory_space<semaphore_mem>>)
    %scan3A = arith.constant 0 : i32
    %scan3A_64 = arith.constant 0 : i32
    %scan3A_65 = arith.constant 2 : i32
    %scan3A_66 = arith.addi %scan3A_64, %scan3A_65 : i32
    %scan3A_67 = arith.constant 1 : i32
    scf.for %scan3A_71 = %scan3A_64 to %scan3A_66 step %scan3A_67  : i32 {
      %mul3A_72 = arith.constant 16 : i32
      %mul3A_73 = arith.muli %scan3A_71, %mul3A_72 : i32
      %add3A_74 = arith.constant 0 : i32
      %add3A_75 = arith.addi %mul3A_73, %add3A_74 : i32
      %add3A_76 = arith.addi %add3A_4, %add3A_75 : i32
      %dma_wait3A = arith.constant 0 : i32
      %dma_wait3A_77 = arith.constant 0 : i32
      %dma_wait3A_78 = tpu.memref_slice %arg6[%dma_wait3A, %dma_wait3A_77] : memref<4x4096xf32, #tpu.memory_space<vmem>> -> memref<1x4096xf32, #tpu.memory_space<vmem>>
      %dma_wait3A_79 = tpu.memref_squeeze %dma_wait3A_78 : memref<1x4096xf32, #tpu.memory_space<vmem>> -> memref<4096xf32, #tpu.memory_space<vmem>>
      %dma_wait3A_80 = arith.constant 0 : i32
      %dma_wait3A_81 = tpu.memref_slice %arg2[%add3A_76, %dma_wait3A_80] : memref<4096x4096xf32, #tpu.memory_space<hbm>> -> memref<1x4096xf32, #tpu.memory_space<hbm>>
      %dma_wait3A_82 = tpu.memref_squeeze %dma_wait3A_81 : memref<1x4096xf32, #tpu.memory_space<hbm>> -> memref<4096xf32, #tpu.memory_space<hbm>>
      %dma_wait3A_83 = arith.constant 0 : i32
      %dma_wait3A_84 = tpu.memref_slice %arg6[%dma_wait3A, %dma_wait3A_83] : memref<4x4096xf32, #tpu.memory_space<vmem>> -> memref<1x4096xf32, #tpu.memory_space<vmem>>
      %dma_wait3A_85 = tpu.memref_squeeze %dma_wait3A_84 : memref<1x4096xf32, #tpu.memory_space<vmem>> -> memref<4096xf32, #tpu.memory_space<vmem>>
      %dma_wait3A_86 = arith.constant 0 : i32
      %dma_wait3A_87 = tpu.memref_slice %arg2[%add3A_76, %dma_wait3A_86] : memref<4096x4096xf32, #tpu.memory_space<hbm>> -> memref<1x4096xf32, #tpu.memory_space<hbm>>
      %dma_wait3A_88 = tpu.memref_squeeze %dma_wait3A_87 : memref<1x4096xf32, #tpu.memory_space<hbm>> -> memref<4096xf32, #tpu.memory_space<hbm>>
      tpu.wait_dma2 semaphore(%arg8 : memref<!tpu.dma_semaphore, #tpu.memory_space<semaphore_mem>>) src(%dma_wait3A_88 : memref<4096xf32, #tpu.memory_space<hbm>>) dst(%dma_wait3A_85 : memref<4096xf32, #tpu.memory_space<vmem>>)
      %broadcast_in_dim3A = arith.constant 0.000000e+00 : f32
      %broadcast_in_dim3A_89 = vector.broadcast %broadcast_in_dim3A : f32 to vector<16xf32>
      %scan3A_90 = arith.constant 0 : i32
      %scan3A_91 = arith.constant 256 : i32
      %scan3A_92 = arith.addi %scan3A_90, %scan3A_91 : i32
      %scan3A_93 = arith.constant 8 : i32
      %scan3A_94 = scf.for %scan3A_674 = %scan3A_90 to %scan3A_92 step %scan3A_93 iter_args(%scan3A_675 = %broadcast_in_dim3A_89) -> (vector<16xf32>)  : i32 {
        %mul3A_676 = arith.constant 16 : i32
        %mul3A_677 = arith.muli %scan3A_674, %mul3A_676 : i32
        %get3A = arith.constant 0 : i32
        %get3A_678 = arith.index_cast %get3A : i32 to index
        %get3A_679 = arith.index_cast %mul3A_677 : i32 to index
        %get3A_680 = tpu.vector_load %arg6[%get3A_678, %get3A_679] {strides = array<i32>} : memref<4x4096xf32, #tpu.memory_space<vmem>>, vector<1x16xf32>,
        %get3A_681 = vector.shape_cast %get3A_680 : vector<1x16xf32> to vector<16xf32>
        %get3A_682 = arith.index_cast %mul3A_677 : i32 to index
        %get3A_683 = tpu.vector_load %arg5[%get3A_682] {strides = array<i32>} : memref<4096xf32, #tpu.memory_space<vmem>>, vector<16xf32>,
        %get3A_684 = vector.shape_cast %get3A_683 : vector<16xf32> to vector<16xf32>
        %mul3A_685 = arith.mulf %get3A_681, %get3A_684 : vector<16xf32>
        %add3A_686 = arith.addf %scan3A_675, %mul3A_685 : vector<16xf32>
        %scan3A_687 = arith.constant 1 : i32
        %scan3A_688 = arith.addi %scan3A_674, %scan3A_687 : i32
        %mul3A_689 = arith.constant 16 : i32
        %mul3A_690 = arith.muli %scan3A_688, %mul3A_689 : i32
        %get3A_691 = arith.constant 0 : i32
        %get3A_692 = arith.index_cast %get3A_691 : i32 to index
        %get3A_693 = arith.index_cast %mul3A_690 : i32 to index
        %get3A_694 = tpu.vector_load %arg6[%get3A_692, %get3A_693] {strides = array<i32>} : memref<4x4096xf32, #tpu.memory_space<vmem>>, vector<1x16xf32>,
        %get3A_695 = vector.shape_cast %get3A_694 : vector<1x16xf32> to vector<16xf32>
        %get3A_696 = arith.index_cast %mul3A_690 : i32 to index
        %get3A_697 = tpu.vector_load %arg5[%get3A_696] {strides = array<i32>} : memref<4096xf32, #tpu.memory_space<vmem>>, vector<16xf32>,
        %get3A_698 = vector.shape_cast %get3A_697 : vector<16xf32> to vector<16xf32>
        %mul3A_699 = arith.mulf %get3A_695, %get3A_698 : vector<16xf32>
        %add3A_700 = arith.addf %add3A_686, %mul3A_699 : vector<16xf32>
        %scan3A_701 = arith.constant 2 : i32
        %scan3A_702 = arith.addi %scan3A_674, %scan3A_701 : i32
        %mul3A_703 = arith.constant 16 : i32
        %mul3A_704 = arith.muli %scan3A_702, %mul3A_703 : i32
        %get3A_705 = arith.constant 0 : i32
        %get3A_706 = arith.index_cast %get3A_705 : i32 to index
        %get3A_707 = arith.index_cast %mul3A_704 : i32 to index
        %get3A_708 = tpu.vector_load %arg6[%get3A_706, %get3A_707] {strides = array<i32>} : memref<4x4096xf32, #tpu.memory_space<vmem>>, vector<1x16xf32>,
        %get3A_709 = vector.shape_cast %get3A_708 : vector<1x16xf32> to vector<16xf32>
        %get3A_710 = arith.index_cast %mul3A_704 : i32 to index
        %get3A_711 = tpu.vector_load %arg5[%get3A_710] {strides = array<i32>} : memref<4096xf32, #tpu.memory_space<vmem>>, vector<16xf32>,
        %get3A_712 = vector.shape_cast %get3A_711 : vector<16xf32> to vector<16xf32>
        %mul3A_713 = arith.mulf %get3A_709, %get3A_712 : vector<16xf32>
        %add3A_714 = arith.addf %add3A_700, %mul3A_713 : vector<16xf32>
        %scan3A_715 = arith.constant 3 : i32
        %scan3A_716 = arith.addi %scan3A_674, %scan3A_715 : i32
        %mul3A_717 = arith.constant 16 : i32
        %mul3A_718 = arith.muli %scan3A_716, %mul3A_717 : i32
        %get3A_719 = arith.constant 0 : i32
        %get3A_720 = arith.index_cast %get3A_719 : i32 to index
        %get3A_721 = arith.index_cast %mul3A_718 : i32 to index
        %get3A_722 = tpu.vector_load %arg6[%get3A_720, %get3A_721] {strides = array<i32>} : memref<4x4096xf32, #tpu.memory_space<vmem>>, vector<1x16xf32>,
        %get3A_723 = vector.shape_cast %get3A_722 : vector<1x16xf32> to vector<16xf32>
        %get3A_724 = arith.index_cast %mul3A_718 : i32 to index
        %get3A_725 = tpu.vector_load %arg5[%get3A_724] {strides = array<i32>} : memref<4096xf32, #tpu.memory_space<vmem>>, vector<16xf32>,
        %get3A_726 = vector.shape_cast %get3A_725 : vector<16xf32> to vector<16xf32>
        %mul3A_727 = arith.mulf %get3A_723, %get3A_726 : vector<16xf32>
        %add3A_728 = arith.addf %add3A_714, %mul3A_727 : vector<16xf32>
        %scan3A_729 = arith.constant 4 : i32
        %scan3A_730 = arith.addi %scan3A_674, %scan3A_729 : i32
        %mul3A_731 = arith.constant 16 : i32
        %mul3A_732 = arith.muli %scan3A_730, %mul3A_731 : i32
        %get3A_733 = arith.constant 0 : i32
        %get3A_734 = arith.index_cast %get3A_733 : i32 to index
        %get3A_735 = arith.index_cast %mul3A_732 : i32 to index
        %get3A_736 = tpu.vector_load %arg6[%get3A_734, %get3A_735] {strides = array<i32>} : memref<4x4096xf32, #tpu.memory_space<vmem>>, vector<1x16xf32>,
        %get3A_737 = vector.shape_cast %get3A_736 : vector<1x16xf32> to vector<16xf32>
        %get3A_738 = arith.index_cast %mul3A_732 : i32 to index
        %get3A_739 = tpu.vector_load %arg5[%get3A_738] {strides = array<i32>} : memref<4096xf32, #tpu.memory_space<vmem>>, vector<16xf32>,
        %get3A_740 = vector.shape_cast %get3A_739 : vector<16xf32> to vector<16xf32>
        %mul3A_741 = arith.mulf %get3A_737, %get3A_740 : vector<16xf32>
        %add3A_742 = arith.addf %add3A_728, %mul3A_741 : vector<16xf32>
        %scan3A_743 = arith.constant 5 : i32
        %scan3A_744 = arith.addi %scan3A_674, %scan3A_743 : i32
        %mul3A_745 = arith.constant 16 : i32
        %mul3A_746 = arith.muli %scan3A_744, %mul3A_745 : i32
        %get3A_747 = arith.constant 0 : i32
        %get3A_748 = arith.index_cast %get3A_747 : i32 to index
        %get3A_749 = arith.index_cast %mul3A_746 : i32 to index
        %get3A_750 = tpu.vector_load %arg6[%get3A_748, %get3A_749] {strides = array<i32>} : memref<4x4096xf32, #tpu.memory_space<vmem>>, vector<1x16xf32>,
        %get3A_751 = vector.shape_cast %get3A_750 : vector<1x16xf32> to vector<16xf32>
        %get3A_752 = arith.index_cast %mul3A_746 : i32 to index
        %get3A_753 = tpu.vector_load %arg5[%get3A_752] {strides = array<i32>} : memref<4096xf32, #tpu.memory_space<vmem>>, vector<16xf32>,
        %get3A_754 = vector.shape_cast %get3A_753 : vector<16xf32> to vector<16xf32>
        %mul3A_755 = arith.mulf %get3A_751, %get3A_754 : vector<16xf32>
        %add3A_756 = arith.addf %add3A_742, %mul3A_755 : vector<16xf32>
        %scan3A_757 = arith.constant 6 : i32
        %scan3A_758 = arith.addi %scan3A_674, %scan3A_757 : i32
        %mul3A_759 = arith.constant 16 : i32
        %mul3A_760 = arith.muli %scan3A_758, %mul3A_759 : i32
        %get3A_761 = arith.constant 0 : i32
        %get3A_762 = arith.index_cast %get3A_761 : i32 to index
        %get3A_763 = arith.index_cast %mul3A_760 : i32 to index
        %get3A_764 = tpu.vector_load %arg6[%get3A_762, %get3A_763] {strides = array<i32>} : memref<4x4096xf32, #tpu.memory_space<vmem>>, vector<1x16xf32>,
        %get3A_765 = vector.shape_cast %get3A_764 : vector<1x16xf32> to vector<16xf32>
        %get3A_766 = arith.index_cast %mul3A_760 : i32 to index
        %get3A_767 = tpu.vector_load %arg5[%get3A_766] {strides = array<i32>} : memref<4096xf32, #tpu.memory_space<vmem>>, vector<16xf32>,
        %get3A_768 = vector.shape_cast %get3A_767 : vector<16xf32> to vector<16xf32>
        %mul3A_769 = arith.mulf %get3A_765, %get3A_768 : vector<16xf32>
        %add3A_770 = arith.addf %add3A_756, %mul3A_769 : vector<16xf32>
        %scan3A_771 = arith.constant 7 : i32
        %scan3A_772 = arith.addi %scan3A_674, %scan3A_771 : i32
        %mul3A_773 = arith.constant 16 : i32
        %mul3A_774 = arith.muli %scan3A_772, %mul3A_773 : i32
        %get3A_775 = arith.constant 0 : i32
        %get3A_776 = arith.index_cast %get3A_775 : i32 to index
        %get3A_777 = arith.index_cast %mul3A_774 : i32 to index
        %get3A_778 = tpu.vector_load %arg6[%get3A_776, %get3A_777] {strides = array<i32>} : memref<4x4096xf32, #tpu.memory_space<vmem>>, vector<1x16xf32>,
        %get3A_779 = vector.shape_cast %get3A_778 : vector<1x16xf32> to vector<16xf32>
        %get3A_780 = arith.index_cast %mul3A_774 : i32 to index
        %get3A_781 = tpu.vector_load %arg5[%get3A_780] {strides = array<i32>} : memref<4096xf32, #tpu.memory_space<vmem>>, vector<16xf32>,
        %get3A_782 = vector.shape_cast %get3A_781 : vector<16xf32> to vector<16xf32>
        %mul3A_783 = arith.mulf %get3A_779, %get3A_782 : vector<16xf32>
        %add3A_784 = arith.addf %add3A_770, %mul3A_783 : vector<16xf32>
        scf.yield %add3A_784 : vector<16xf32>
      }
      %scan3A_95 = arith.constant 256 : i32
      %swap3A = arith.index_cast %add3A_75 : i32 to index
      %swap3A_96 = arith.constant 0 : index
      %swap3A_97 = tpu.vector_load %arg7[%swap3A, %swap3A_96] {strides = array<i32>} : memref<32x16xf32, #tpu.memory_space<vmem>>, vector<1x16xf32>,
      %swap3A_98 = vector.shape_cast %swap3A_97 : vector<1x16xf32> to vector<16xf32>
      %swap3A_99 = vector.shape_cast %scan3A_94 : vector<16xf32> to vector<1x16xf32>
      tpu.vector_store %arg7[%swap3A, %swap3A_96], %swap3A_99 {strides = array<i32>} : memref<32x16xf32, #tpu.memory_space<vmem>>, vector<1x16xf32>,
      %add3A_100 = arith.constant 4 : i32
      %add3A_101 = arith.addi %add3A_75, %add3A_100 : i32
      %lt3A = arith.constant 32 : i32
      %lt3A_102 = arith.cmpi slt, %add3A_101, %lt3A : i32
      %convert_element_type3A = arith.extui %lt3A_102 : i1 to i32
      %cond3A = arith.constant 0 : i32
      %cond3A_103 = arith.cmpi ne, %convert_element_type3A, %cond3A : i32
      scf.if %cond3A_103 {
        %add3A_674 = arith.addi %add3A_4, %add3A_75 : i32
        %add3A_675 = arith.constant 4 : i32
        %add3A_676 = arith.addi %add3A_674, %add3A_675 : i32
        %dma_start3A_677 = arith.constant 0 : i32
        %dma_start3A_678 = arith.constant 0 : i32
        %dma_start3A_679 = tpu.memref_slice %arg6[%dma_start3A_677, %dma_start3A_678] : memref<4x4096xf32, #tpu.memory_space<vmem>> -> memref<1x4096xf32, #tpu.memory_space<vmem>>
        %dma_start3A_680 = tpu.memref_squeeze %dma_start3A_679 : memref<1x4096xf32, #tpu.memory_space<vmem>> -> memref<4096xf32, #tpu.memory_space<vmem>>
        %dma_start3A_681 = arith.constant 0 : i32
        %dma_start3A_682 = tpu.memref_slice %arg2[%add3A_676, %dma_start3A_681] : memref<4096x4096xf32, #tpu.memory_space<hbm>> -> memref<1x4096xf32, #tpu.memory_space<hbm>>
        %dma_start3A_683 = tpu.memref_squeeze %dma_start3A_682 : memref<1x4096xf32, #tpu.memory_space<hbm>> -> memref<4096xf32, #tpu.memory_space<hbm>>
        %dma_start3A_684 = arith.constant 0 : i32
        %dma_start3A_685 = tpu.memref_slice %arg6[%dma_start3A_677, %dma_start3A_684] : memref<4x4096xf32, #tpu.memory_space<vmem>> -> memref<1x4096xf32, #tpu.memory_space<vmem>>
        %dma_start3A_686 = tpu.memref_squeeze %dma_start3A_685 : memref<1x4096xf32, #tpu.memory_space<vmem>> -> memref<4096xf32, #tpu.memory_space<vmem>>
        %dma_start3A_687 = arith.constant 0 : i32
        %dma_start3A_688 = tpu.memref_slice %arg2[%add3A_676, %dma_start3A_687] : memref<4096x4096xf32, #tpu.memory_space<hbm>> -> memref<1x4096xf32, #tpu.memory_space<hbm>>
        %dma_start3A_689 = tpu.memref_squeeze %dma_start3A_688 : memref<1x4096xf32, #tpu.memory_space<hbm>> -> memref<4096xf32, #tpu.memory_space<hbm>>
        tpu.enqueue_dma source(%dma_start3A_689 : memref<4096xf32, #tpu.memory_space<hbm>>) target(%dma_start3A_686 : memref<4096xf32, #tpu.memory_space<vmem>>) target_semaphore(%arg8 : memref<!tpu.dma_semaphore, #tpu.memory_space<semaphore_mem>>)
      } else {
      }
      %mul3A_104 = arith.constant 16 : i32
      %mul3A_105 = arith.muli %scan3A_71, %mul3A_104 : i32
      %add3A_106 = arith.constant 1 : i32
      %add3A_107 = arith.addi %mul3A_105, %add3A_106 : i32
      %add3A_108 = arith.addi %add3A_4, %add3A_107 : i32
      %dma_wait3A_109 = arith.constant 1 : i32
      %dma_wait3A_110 = arith.constant 0 : i32
      %dma_wait3A_111 = tpu.memref_slice %arg6[%dma_wait3A_109, %dma_wait3A_110] : memref<4x4096xf32, #tpu.memory_space<vmem>> -> memref<1x4096xf32, #tpu.memory_space<vmem>>
      %dma_wait3A_112 = tpu.memref_squeeze %dma_wait3A_111 : memref<1x4096xf32, #tpu.memory_space<vmem>> -> memref<4096xf32, #tpu.memory_space<vmem>>
      %dma_wait3A_113 = arith.constant 0 : i32
      %dma_wait3A_114 = tpu.memref_slice %arg2[%add3A_108, %dma_wait3A_113] : memref<4096x4096xf32, #tpu.memory_space<hbm>> -> memref<1x4096xf32, #tpu.memory_space<hbm>>
      %dma_wait3A_115 = tpu.memref_squeeze %dma_wait3A_114 : memref<1x4096xf32, #tpu.memory_space<hbm>> -> memref<4096xf32, #tpu.memory_space<hbm>>
      %dma_wait3A_116 = arith.constant 0 : i32
      %dma_wait3A_117 = tpu.memref_slice %arg6[%dma_wait3A_109, %dma_wait3A_116] : memref<4x4096xf32, #tpu.memory_space<vmem>> -> memref<1x4096xf32, #tpu.memory_space<vmem>>
      %dma_wait3A_118 = tpu.memref_squeeze %dma_wait3A_117 : memref<1x4096xf32, #tpu.memory_space<vmem>> -> memref<4096xf32, #tpu.memory_space<vmem>>
      %dma_wait3A_119 = arith.constant 0 : i32
      %dma_wait3A_120 = tpu.memref_slice %arg2[%add3A_108, %dma_wait3A_119] : memref<4096x4096xf32, #tpu.memory_space<hbm>> -> memref<1x4096xf32, #tpu.memory_space<hbm>>
      %dma_wait3A_121 = tpu.memref_squeeze %dma_wait3A_120 : memref<1x4096xf32, #tpu.memory_space<hbm>> -> memref<4096xf32, #tpu.memory_space<hbm>>
      tpu.wait_dma2 semaphore(%arg9 : memref<!tpu.dma_semaphore, #tpu.memory_space<semaphore_mem>>) src(%dma_wait3A_121 : memref<4096xf32, #tpu.memory_space<hbm>>) dst(%dma_wait3A_118 : memref<4096xf32, #tpu.memory_space<vmem>>)
      %broadcast_in_dim3A_122 = arith.constant 0.000000e+00 : f32
      %broadcast_in_dim3A_123 = vector.broadcast %broadcast_in_dim3A_122 : f32 to vector<16xf32>
      %scan3A_124 = arith.constant 0 : i32
      %scan3A_125 = arith.constant 256 : i32
      %scan3A_126 = arith.addi %scan3A_124, %scan3A_125 : i32
      %scan3A_127 = arith.constant 8 : i32
      %scan3A_128 = scf.for %scan3A_674 = %scan3A_124 to %scan3A_126 step %scan3A_127 iter_args(%scan3A_675 = %broadcast_in_dim3A_123) -> (vector<16xf32>)  : i32 {
        %mul3A_676 = arith.constant 16 : i32
        %mul3A_677 = arith.muli %scan3A_674, %mul3A_676 : i32
        %get3A = arith.constant 1 : i32
        %get3A_678 = arith.index_cast %get3A : i32 to index
        %get3A_679 = arith.index_cast %mul3A_677 : i32 to index
        %get3A_680 = tpu.vector_load %arg6[%get3A_678, %get3A_679] {strides = array<i32>} : memref<4x4096xf32, #tpu.memory_space<vmem>>, vector<1x16xf32>,
        %get3A_681 = vector.shape_cast %get3A_680 : vector<1x16xf32> to vector<16xf32>
        %get3A_682 = arith.index_cast %mul3A_677 : i32 to index
        %get3A_683 = tpu.vector_load %arg5[%get3A_682] {strides = array<i32>} : memref<4096xf32, #tpu.memory_space<vmem>>, vector<16xf32>,
        %get3A_684 = vector.shape_cast %get3A_683 : vector<16xf32> to vector<16xf32>
        %mul3A_685 = arith.mulf %get3A_681, %get3A_684 : vector<16xf32>
        %add3A_686 = arith.addf %scan3A_675, %mul3A_685 : vector<16xf32>
        %scan3A_687 = arith.constant 1 : i32
        %scan3A_688 = arith.addi %scan3A_674, %scan3A_687 : i32
        %mul3A_689 = arith.constant 16 : i32
        %mul3A_690 = arith.muli %scan3A_688, %mul3A_689 : i32
        %get3A_691 = arith.constant 1 : i32
        %get3A_692 = arith.index_cast %get3A_691 : i32 to index
        %get3A_693 = arith.index_cast %mul3A_690 : i32 to index
        %get3A_694 = tpu.vector_load %arg6[%get3A_692, %get3A_693] {strides = array<i32>} : memref<4x4096xf32, #tpu.memory_space<vmem>>, vector<1x16xf32>,
        %get3A_695 = vector.shape_cast %get3A_694 : vector<1x16xf32> to vector<16xf32>
        %get3A_696 = arith.index_cast %mul3A_690 : i32 to index
        %get3A_697 = tpu.vector_load %arg5[%get3A_696] {strides = array<i32>} : memref<4096xf32, #tpu.memory_space<vmem>>, vector<16xf32>,
        %get3A_698 = vector.shape_cast %get3A_697 : vector<16xf32> to vector<16xf32>
        %mul3A_699 = arith.mulf %get3A_695, %get3A_698 : vector<16xf32>
        %add3A_700 = arith.addf %add3A_686, %mul3A_699 : vector<16xf32>
        %scan3A_701 = arith.constant 2 : i32
        %scan3A_702 = arith.addi %scan3A_674, %scan3A_701 : i32
        %mul3A_703 = arith.constant 16 : i32
        %mul3A_704 = arith.muli %scan3A_702, %mul3A_703 : i32
        %get3A_705 = arith.constant 1 : i32
        %get3A_706 = arith.index_cast %get3A_705 : i32 to index
        %get3A_707 = arith.index_cast %mul3A_704 : i32 to index
        %get3A_708 = tpu.vector_load %arg6[%get3A_706, %get3A_707] {strides = array<i32>} : memref<4x4096xf32, #tpu.memory_space<vmem>>, vector<1x16xf32>,
        %get3A_709 = vector.shape_cast %get3A_708 : vector<1x16xf32> to vector<16xf32>
        %get3A_710 = arith.index_cast %mul3A_704 : i32 to index
        %get3A_711 = tpu.vector_load %arg5[%get3A_710] {strides = array<i32>} : memref<4096xf32, #tpu.memory_space<vmem>>, vector<16xf32>,
        %get3A_712 = vector.shape_cast %get3A_711 : vector<16xf32> to vector<16xf32>
        %mul3A_713 = arith.mulf %get3A_709, %get3A_712 : vector<16xf32>
        %add3A_714 = arith.addf %add3A_700, %mul3A_713 : vector<16xf32>
        %scan3A_715 = arith.constant 3 : i32
        %scan3A_716 = arith.addi %scan3A_674, %scan3A_715 : i32
        %mul3A_717 = arith.constant 16 : i32
        %mul3A_718 = arith.muli %scan3A_716, %mul3A_717 : i32
        %get3A_719 = arith.constant 1 : i32
        %get3A_720 = arith.index_cast %get3A_719 : i32 to index
        %get3A_721 = arith.index_cast %mul3A_718 : i32 to index
        %get3A_722 = tpu.vector_load %arg6[%get3A_720, %get3A_721] {strides = array<i32>} : memref<4x4096xf32, #tpu.memory_space<vmem>>, vector<1x16xf32>,
        %get3A_723 = vector.shape_cast %get3A_722 : vector<1x16xf32> to vector<16xf32>
        %get3A_724 = arith.index_cast %mul3A_718 : i32 to index
        %get3A_725 = tpu.vector_load %arg5[%get3A_724] {strides = array<i32>} : memref<4096xf32, #tpu.memory_space<vmem>>, vector<16xf32>,
        %get3A_726 = vector.shape_cast %get3A_725 : vector<16xf32> to vector<16xf32>
        %mul3A_727 = arith.mulf %get3A_723, %get3A_726 : vector<16xf32>
        %add3A_728 = arith.addf %add3A_714, %mul3A_727 : vector<16xf32>
        %scan3A_729 = arith.constant 4 : i32
        %scan3A_730 = arith.addi %scan3A_674, %scan3A_729 : i32
        %mul3A_731 = arith.constant 16 : i32
        %mul3A_732 = arith.muli %scan3A_730, %mul3A_731 : i32
        %get3A_733 = arith.constant 1 : i32
        %get3A_734 = arith.index_cast %get3A_733 : i32 to index
        %get3A_735 = arith.index_cast %mul3A_732 : i32 to index
        %get3A_736 = tpu.vector_load %arg6[%get3A_734, %get3A_735] {strides = array<i32>} : memref<4x4096xf32, #tpu.memory_space<vmem>>, vector<1x16xf32>,
        %get3A_737 = vector.shape_cast %get3A_736 : vector<1x16xf32> to vector<16xf32>
        %get3A_738 = arith.index_cast %mul3A_732 : i32 to index
        %get3A_739 = tpu.vector_load %arg5[%get3A_738] {strides = array<i32>} : memref<4096xf32, #tpu.memory_space<vmem>>, vector<16xf32>,
        %get3A_740 = vector.shape_cast %get3A_739 : vector<16xf32> to vector<16xf32>
        %mul3A_741 = arith.mulf %get3A_737, %get3A_740 : vector<16xf32>
        %add3A_742 = arith.addf %add3A_728, %mul3A_741 : vector<16xf32>
        %scan3A_743 = arith.constant 5 : i32
        %scan3A_744 = arith.addi %scan3A_674, %scan3A_743 : i32
        %mul3A_745 = arith.constant 16 : i32
        %mul3A_746 = arith.muli %scan3A_744, %mul3A_745 : i32
        %get3A_747 = arith.constant 1 : i32
        %get3A_748 = arith.index_cast %get3A_747 : i32 to index
        %get3A_749 = arith.index_cast %mul3A_746 : i32 to index
        %get3A_750 = tpu.vector_load %arg6[%get3A_748, %get3A_749] {strides = array<i32>} : memref<4x4096xf32, #tpu.memory_space<vmem>>, vector<1x16xf32>,
        %get3A_751 = vector.shape_cast %get3A_750 : vector<1x16xf32> to vector<16xf32>
        %get3A_752 = arith.index_cast %mul3A_746 : i32 to index
        %get3A_753 = tpu.vector_load %arg5[%get3A_752] {strides = array<i32>} : memref<4096xf32, #tpu.memory_space<vmem>>, vector<16xf32>,
        %get3A_754 = vector.shape_cast %get3A_753 : vector<16xf32> to vector<16xf32>
        %mul3A_755 = arith.mulf %get3A_751, %get3A_754 : vector<16xf32>
        %add3A_756 = arith.addf %add3A_742, %mul3A_755 : vector<16xf32>
        %scan3A_757 = arith.constant 6 : i32
        %scan3A_758 = arith.addi %scan3A_674, %scan3A_757 : i32
        %mul3A_759 = arith.constant 16 : i32
        %mul3A_760 = arith.muli %scan3A_758, %mul3A_759 : i32
        %get3A_761 = arith.constant 1 : i32
        %get3A_762 = arith.index_cast %get3A_761 : i32 to index
        %get3A_763 = arith.index_cast %mul3A_760 : i32 to index
        %get3A_764 = tpu.vector_load %arg6[%get3A_762, %get3A_763] {strides = array<i32>} : memref<4x4096xf32, #tpu.memory_space<vmem>>, vector<1x16xf32>,
        %get3A_765 = vector.shape_cast %get3A_764 : vector<1x16xf32> to vector<16xf32>
        %get3A_766 = arith.index_cast %mul3A_760 : i32 to index
        %get3A_767 = tpu.vector_load %arg5[%get3A_766] {strides = array<i32>} : memref<4096xf32, #tpu.memory_space<vmem>>, vector<16xf32>,
        %get3A_768 = vector.shape_cast %get3A_767 : vector<16xf32> to vector<16xf32>
        %mul3A_769 = arith.mulf %get3A_765, %get3A_768 : vector<16xf32>
        %add3A_770 = arith.addf %add3A_756, %mul3A_769 : vector<16xf32>
        %scan3A_771 = arith.constant 7 : i32
        %scan3A_772 = arith.addi %scan3A_674, %scan3A_771 : i32
        %mul3A_773 = arith.constant 16 : i32
        %mul3A_774 = arith.muli %scan3A_772, %mul3A_773 : i32
        %get3A_775 = arith.constant 1 : i32
        %get3A_776 = arith.index_cast %get3A_775 : i32 to index
        %get3A_777 = arith.index_cast %mul3A_774 : i32 to index
        %get3A_778 = tpu.vector_load %arg6[%get3A_776, %get3A_777] {strides = array<i32>} : memref<4x4096xf32, #tpu.memory_space<vmem>>, vector<1x16xf32>,
        %get3A_779 = vector.shape_cast %get3A_778 : vector<1x16xf32> to vector<16xf32>
        %get3A_780 = arith.index_cast %mul3A_774 : i32 to index
        %get3A_781 = tpu.vector_load %arg5[%get3A_780] {strides = array<i32>} : memref<4096xf32, #tpu.memory_space<vmem>>, vector<16xf32>,
        %get3A_782 = vector.shape_cast %get3A_781 : vector<16xf32> to vector<16xf32>
        %mul3A_783 = arith.mulf %get3A_779, %get3A_782 : vector<16xf32>
        %add3A_784 = arith.addf %add3A_770, %mul3A_783 : vector<16xf32>
        scf.yield %add3A_784 : vector<16xf32>
      }
      %scan3A_129 = arith.constant 256 : i32
      %swap3A_130 = arith.index_cast %add3A_107 : i32 to index
      %swap3A_131 = arith.constant 0 : index
      %swap3A_132 = tpu.vector_load %arg7[%swap3A_130, %swap3A_131] {strides = array<i32>} : memref<32x16xf32, #tpu.memory_space<vmem>>, vector<1x16xf32>,
      %swap3A_133 = vector.shape_cast %swap3A_132 : vector<1x16xf32> to vector<16xf32>
      %swap3A_134 = vector.shape_cast %scan3A_128 : vector<16xf32> to vector<1x16xf32>
      tpu.vector_store %arg7[%swap3A_130, %swap3A_131], %swap3A_134 {strides = array<i32>} : memref<32x16xf32, #tpu.memory_space<vmem>>, vector<1x16xf32>,
      %add3A_135 = arith.constant 4 : i32
      %add3A_136 = arith.addi %add3A_107, %add3A_135 : i32
      %lt3A_137 = arith.constant 32 : i32
      %lt3A_138 = arith.cmpi slt, %add3A_136, %lt3A_137 : i32
      %convert_element_type3A_139 = arith.extui %lt3A_138 : i1 to i32
      %cond3A_140 = arith.constant 0 : i32
      %cond3A_141 = arith.cmpi ne, %convert_element_type3A_139, %cond3A_140 : i32
      scf.if %cond3A_141 {
        %add3A_674 = arith.addi %add3A_4, %add3A_107 : i32
        %add3A_675 = arith.constant 4 : i32
        %add3A_676 = arith.addi %add3A_674, %add3A_675 : i32
        %dma_start3A_677 = arith.constant 1 : i32
        %dma_start3A_678 = arith.constant 0 : i32
        %dma_start3A_679 = tpu.memref_slice %arg6[%dma_start3A_677, %dma_start3A_678] : memref<4x4096xf32, #tpu.memory_space<vmem>> -> memref<1x4096xf32, #tpu.memory_space<vmem>>
        %dma_start3A_680 = tpu.memref_squeeze %dma_start3A_679 : memref<1x4096xf32, #tpu.memory_space<vmem>> -> memref<4096xf32, #tpu.memory_space<vmem>>
        %dma_start3A_681 = arith.constant 0 : i32
        %dma_start3A_682 = tpu.memref_slice %arg2[%add3A_676, %dma_start3A_681] : memref<4096x4096xf32, #tpu.memory_space<hbm>> -> memref<1x4096xf32, #tpu.memory_space<hbm>>
        %dma_start3A_683 = tpu.memref_squeeze %dma_start3A_682 : memref<1x4096xf32, #tpu.memory_space<hbm>> -> memref<4096xf32, #tpu.memory_space<hbm>>
        %dma_start3A_684 = arith.constant 0 : i32
        %dma_start3A_685 = tpu.memref_slice %arg6[%dma_start3A_677, %dma_start3A_684] : memref<4x4096xf32, #tpu.memory_space<vmem>> -> memref<1x4096xf32, #tpu.memory_space<vmem>>
        %dma_start3A_686 = tpu.memref_squeeze %dma_start3A_685 : memref<1x4096xf32, #tpu.memory_space<vmem>> -> memref<4096xf32, #tpu.memory_space<vmem>>
        %dma_start3A_687 = arith.constant 0 : i32
        %dma_start3A_688 = tpu.memref_slice %arg2[%add3A_676, %dma_start3A_687] : memref<4096x4096xf32, #tpu.memory_space<hbm>> -> memref<1x4096xf32, #tpu.memory_space<hbm>>
        %dma_start3A_689 = tpu.memref_squeeze %dma_start3A_688 : memref<1x4096xf32, #tpu.memory_space<hbm>> -> memref<4096xf32, #tpu.memory_space<hbm>>
        tpu.enqueue_dma source(%dma_start3A_689 : memref<4096xf32, #tpu.memory_space<hbm>>) target(%dma_start3A_686 : memref<4096xf32, #tpu.memory_space<vmem>>) target_semaphore(%arg9 : memref<!tpu.dma_semaphore, #tpu.memory_space<semaphore_mem>>)
      } else {
      }
      %mul3A_142 = arith.constant 16 : i32
      %mul3A_143 = arith.muli %scan3A_71, %mul3A_142 : i32
      %add3A_144 = arith.constant 2 : i32
      %add3A_145 = arith.addi %mul3A_143, %add3A_144 : i32
      %add3A_146 = arith.addi %add3A_4, %add3A_145 : i32
      %dma_wait3A_147 = arith.constant 2 : i32
      %dma_wait3A_148 = arith.constant 0 : i32
      %dma_wait3A_149 = tpu.memref_slice %arg6[%dma_wait3A_147, %dma_wait3A_148] : memref<4x4096xf32, #tpu.memory_space<vmem>> -> memref<1x4096xf32, #tpu.memory_space<vmem>>
      %dma_wait3A_150 = tpu.memref_squeeze %dma_wait3A_149 : memref<1x4096xf32, #tpu.memory_space<vmem>> -> memref<4096xf32, #tpu.memory_space<vmem>>
      %dma_wait3A_151 = arith.constant 0 : i32
      %dma_wait3A_152 = tpu.memref_slice %arg2[%add3A_146, %dma_wait3A_151] : memref<4096x4096xf32, #tpu.memory_space<hbm>> -> memref<1x4096xf32, #tpu.memory_space<hbm>>
      %dma_wait3A_153 = tpu.memref_squeeze %dma_wait3A_152 : memref<1x4096xf32, #tpu.memory_space<hbm>> -> memref<4096xf32, #tpu.memory_space<hbm>>
      %dma_wait3A_154 = arith.constant 0 : i32
      %dma_wait3A_155 = tpu.memref_slice %arg6[%dma_wait3A_147, %dma_wait3A_154] : memref<4x4096xf32, #tpu.memory_space<vmem>> -> memref<1x4096xf32, #tpu.memory_space<vmem>>
      %dma_wait3A_156 = tpu.memref_squeeze %dma_wait3A_155 : memref<1x4096xf32, #tpu.memory_space<vmem>> -> memref<4096xf32, #tpu.memory_space<vmem>>
      %dma_wait3A_157 = arith.constant 0 : i32
      %dma_wait3A_158 = tpu.memref_slice %arg2[%add3A_146, %dma_wait3A_157] : memref<4096x4096xf32, #tpu.memory_space<hbm>> -> memref<1x4096xf32, #tpu.memory_space<hbm>>
      %dma_wait3A_159 = tpu.memref_squeeze %dma_wait3A_158 : memref<1x4096xf32, #tpu.memory_space<hbm>> -> memref<4096xf32, #tpu.memory_space<hbm>>
      tpu.wait_dma2 semaphore(%arg10 : memref<!tpu.dma_semaphore, #tpu.memory_space<semaphore_mem>>) src(%dma_wait3A_159 : memref<4096xf32, #tpu.memory_space<hbm>>) dst(%dma_wait3A_156 : memref<4096xf32, #tpu.memory_space<vmem>>)
      %broadcast_in_dim3A_160 = arith.constant 0.000000e+00 : f32
      %broadcast_in_dim3A_161 = vector.broadcast %broadcast_in_dim3A_160 : f32 to vector<16xf32>
      %scan3A_162 = arith.constant 0 : i32
      %scan3A_163 = arith.constant 256 : i32
      %scan3A_164 = arith.addi %scan3A_162, %scan3A_163 : i32
      %scan3A_165 = arith.constant 8 : i32
      %scan3A_166 = scf.for %scan3A_674 = %scan3A_162 to %scan3A_164 step %scan3A_165 iter_args(%scan3A_675 = %broadcast_in_dim3A_161) -> (vector<16xf32>)  : i32 {
        %mul3A_676 = arith.constant 16 : i32
        %mul3A_677 = arith.muli %scan3A_674, %mul3A_676 : i32
        %get3A = arith.constant 2 : i32
        %get3A_678 = arith.index_cast %get3A : i32 to index
        %get3A_679 = arith.index_cast %mul3A_677 : i32 to index
        %get3A_680 = tpu.vector_load %arg6[%get3A_678, %get3A_679] {strides = array<i32>} : memref<4x4096xf32, #tpu.memory_space<vmem>>, vector<1x16xf32>,
        %get3A_681 = vector.shape_cast %get3A_680 : vector<1x16xf32> to vector<16xf32>
        %get3A_682 = arith.index_cast %mul3A_677 : i32 to index
        %get3A_683 = tpu.vector_load %arg5[%get3A_682] {strides = array<i32>} : memref<4096xf32, #tpu.memory_space<vmem>>, vector<16xf32>,
        %get3A_684 = vector.shape_cast %get3A_683 : vector<16xf32> to vector<16xf32>
        %mul3A_685 = arith.mulf %get3A_681, %get3A_684 : vector<16xf32>
        %add3A_686 = arith.addf %scan3A_675, %mul3A_685 : vector<16xf32>
        %scan3A_687 = arith.constant 1 : i32
        %scan3A_688 = arith.addi %scan3A_674, %scan3A_687 : i32
        %mul3A_689 = arith.constant 16 : i32
        %mul3A_690 = arith.muli %scan3A_688, %mul3A_689 : i32
        %get3A_691 = arith.constant 2 : i32
        %get3A_692 = arith.index_cast %get3A_691 : i32 to index
        %get3A_693 = arith.index_cast %mul3A_690 : i32 to index
        %get3A_694 = tpu.vector_load %arg6[%get3A_692, %get3A_693] {strides = array<i32>} : memref<4x4096xf32, #tpu.memory_space<vmem>>, vector<1x16xf32>,
        %get3A_695 = vector.shape_cast %get3A_694 : vector<1x16xf32> to vector<16xf32>
        %get3A_696 = arith.index_cast %mul3A_690 : i32 to index
        %get3A_697 = tpu.vector_load %arg5[%get3A_696] {strides = array<i32>} : memref<4096xf32, #tpu.memory_space<vmem>>, vector<16xf32>,
        %get3A_698 = vector.shape_cast %get3A_697 : vector<16xf32> to vector<16xf32>
        %mul3A_699 = arith.mulf %get3A_695, %get3A_698 : vector<16xf32>
        %add3A_700 = arith.addf %add3A_686, %mul3A_699 : vector<16xf32>
        %scan3A_701 = arith.constant 2 : i32
        %scan3A_702 = arith.addi %scan3A_674, %scan3A_701 : i32
        %mul3A_703 = arith.constant 16 : i32
        %mul3A_704 = arith.muli %scan3A_702, %mul3A_703 : i32
        %get3A_705 = arith.constant 2 : i32
        %get3A_706 = arith.index_cast %get3A_705 : i32 to index
        %get3A_707 = arith.index_cast %mul3A_704 : i32 to index
        %get3A_708 = tpu.vector_load %arg6[%get3A_706, %get3A_707] {strides = array<i32>} : memref<4x4096xf32, #tpu.memory_space<vmem>>, vector<1x16xf32>,
        %get3A_709 = vector.shape_cast %get3A_708 : vector<1x16xf32> to vector<16xf32>
        %get3A_710 = arith.index_cast %mul3A_704 : i32 to index
        %get3A_711 = tpu.vector_load %arg5[%get3A_710] {strides = array<i32>} : memref<4096xf32, #tpu.memory_space<vmem>>, vector<16xf32>,
        %get3A_712 = vector.shape_cast %get3A_711 : vector<16xf32> to vector<16xf32>
        %mul3A_713 = arith.mulf %get3A_709, %get3A_712 : vector<16xf32>
        %add3A_714 = arith.addf %add3A_700, %mul3A_713 : vector<16xf32>
        %scan3A_715 = arith.constant 3 : i32
        %scan3A_716 = arith.addi %scan3A_674, %scan3A_715 : i32
        %mul3A_717 = arith.constant 16 : i32
        %mul3A_718 = arith.muli %scan3A_716, %mul3A_717 : i32
        %get3A_719 = arith.constant 2 : i32
        %get3A_720 = arith.index_cast %get3A_719 : i32 to index
        %get3A_721 = arith.index_cast %mul3A_718 : i32 to index
        %get3A_722 = tpu.vector_load %arg6[%get3A_720, %get3A_721] {strides = array<i32>} : memref<4x4096xf32, #tpu.memory_space<vmem>>, vector<1x16xf32>,
        %get3A_723 = vector.shape_cast %get3A_722 : vector<1x16xf32> to vector<16xf32>
        %get3A_724 = arith.index_cast %mul3A_718 : i32 to index
        %get3A_725 = tpu.vector_load %arg5[%get3A_724] {strides = array<i32>} : memref<4096xf32, #tpu.memory_space<vmem>>, vector<16xf32>,
        %get3A_726 = vector.shape_cast %get3A_725 : vector<16xf32> to vector<16xf32>
        %mul3A_727 = arith.mulf %get3A_723, %get3A_726 : vector<16xf32>
        %add3A_728 = arith.addf %add3A_714, %mul3A_727 : vector<16xf32>
        %scan3A_729 = arith.constant 4 : i32
        %scan3A_730 = arith.addi %scan3A_674, %scan3A_729 : i32
        %mul3A_731 = arith.constant 16 : i32
        %mul3A_732 = arith.muli %scan3A_730, %mul3A_731 : i32
        %get3A_733 = arith.constant 2 : i32
        %get3A_734 = arith.index_cast %get3A_733 : i32 to index
        %get3A_735 = arith.index_cast %mul3A_732 : i32 to index
        %get3A_736 = tpu.vector_load %arg6[%get3A_734, %get3A_735] {strides = array<i32>} : memref<4x4096xf32, #tpu.memory_space<vmem>>, vector<1x16xf32>,
        %get3A_737 = vector.shape_cast %get3A_736 : vector<1x16xf32> to vector<16xf32>
        %get3A_738 = arith.index_cast %mul3A_732 : i32 to index
        %get3A_739 = tpu.vector_load %arg5[%get3A_738] {strides = array<i32>} : memref<4096xf32, #tpu.memory_space<vmem>>, vector<16xf32>,
        %get3A_740 = vector.shape_cast %get3A_739 : vector<16xf32> to vector<16xf32>
        %mul3A_741 = arith.mulf %get3A_737, %get3A_740 : vector<16xf32>
        %add3A_742 = arith.addf %add3A_728, %mul3A_741 : vector<16xf32>
        %scan3A_743 = arith.constant 5 : i32
        %scan3A_744 = arith.addi %scan3A_674, %scan3A_743 : i32
        %mul3A_745 = arith.constant 16 : i32
        %mul3A_746 = arith.muli %scan3A_744, %mul3A_745 : i32
        %get3A_747 = arith.constant 2 : i32
        %get3A_748 = arith.index_cast %get3A_747 : i32 to index
        %get3A_749 = arith.index_cast %mul3A_746 : i32 to index
        %get3A_750 = tpu.vector_load %arg6[%get3A_748, %get3A_749] {strides = array<i32>} : memref<4x4096xf32, #tpu.memory_space<vmem>>, vector<1x16xf32>,
        %get3A_751 = vector.shape_cast %get3A_750 : vector<1x16xf32> to vector<16xf32>
        %get3A_752 = arith.index_cast %mul3A_746 : i32 to index
        %get3A_753 = tpu.vector_load %arg5[%get3A_752] {strides = array<i32>} : memref<4096xf32, #tpu.memory_space<vmem>>, vector<16xf32>,
        %get3A_754 = vector.shape_cast %get3A_753 : vector<16xf32> to vector<16xf32>
        %mul3A_755 = arith.mulf %get3A_751, %get3A_754 : vector<16xf32>
        %add3A_756 = arith.addf %add3A_742, %mul3A_755 : vector<16xf32>
        %scan3A_757 = arith.constant 6 : i32
        %scan3A_758 = arith.addi %scan3A_674, %scan3A_757 : i32
        %mul3A_759 = arith.constant 16 : i32
        %mul3A_760 = arith.muli %scan3A_758, %mul3A_759 : i32
        %get3A_761 = arith.constant 2 : i32
        %get3A_762 = arith.index_cast %get3A_761 : i32 to index
        %get3A_763 = arith.index_cast %mul3A_760 : i32 to index
        %get3A_764 = tpu.vector_load %arg6[%get3A_762, %get3A_763] {strides = array<i32>} : memref<4x4096xf32, #tpu.memory_space<vmem>>, vector<1x16xf32>,
        %get3A_765 = vector.shape_cast %get3A_764 : vector<1x16xf32> to vector<16xf32>
        %get3A_766 = arith.index_cast %mul3A_760 : i32 to index
        %get3A_767 = tpu.vector_load %arg5[%get3A_766] {strides = array<i32>} : memref<4096xf32, #tpu.memory_space<vmem>>, vector<16xf32>,
        %get3A_768 = vector.shape_cast %get3A_767 : vector<16xf32> to vector<16xf32>
        %mul3A_769 = arith.mulf %get3A_765, %get3A_768 : vector<16xf32>
        %add3A_770 = arith.addf %add3A_756, %mul3A_769 : vector<16xf32>
        %scan3A_771 = arith.constant 7 : i32
        %scan3A_772 = arith.addi %scan3A_674, %scan3A_771 : i32
        %mul3A_773 = arith.constant 16 : i32
        %mul3A_774 = arith.muli %scan3A_772, %mul3A_773 : i32
        %get3A_775 = arith.constant 2 : i32
        %get3A_776 = arith.index_cast %get3A_775 : i32 to index
        %get3A_777 = arith.index_cast %mul3A_774 : i32 to index
        %get3A_778 = tpu.vector_load %arg6[%get3A_776, %get3A_777] {strides = array<i32>} : memref<4x4096xf32, #tpu.memory_space<vmem>>, vector<1x16xf32>,
        %get3A_779 = vector.shape_cast %get3A_778 : vector<1x16xf32> to vector<16xf32>
        %get3A_780 = arith.index_cast %mul3A_774 : i32 to index
        %get3A_781 = tpu.vector_load %arg5[%get3A_780] {strides = array<i32>} : memref<4096xf32, #tpu.memory_space<vmem>>, vector<16xf32>,
        %get3A_782 = vector.shape_cast %get3A_781 : vector<16xf32> to vector<16xf32>
        %mul3A_783 = arith.mulf %get3A_779, %get3A_782 : vector<16xf32>
        %add3A_784 = arith.addf %add3A_770, %mul3A_783 : vector<16xf32>
        scf.yield %add3A_784 : vector<16xf32>
      }
      %scan3A_167 = arith.constant 256 : i32
      %swap3A_168 = arith.index_cast %add3A_145 : i32 to index
      %swap3A_169 = arith.constant 0 : index
      %swap3A_170 = tpu.vector_load %arg7[%swap3A_168, %swap3A_169] {strides = array<i32>} : memref<32x16xf32, #tpu.memory_space<vmem>>, vector<1x16xf32>,
      %swap3A_171 = vector.shape_cast %swap3A_170 : vector<1x16xf32> to vector<16xf32>
      %swap3A_172 = vector.shape_cast %scan3A_166 : vector<16xf32> to vector<1x16xf32>
      tpu.vector_store %arg7[%swap3A_168, %swap3A_169], %swap3A_172 {strides = array<i32>} : memref<32x16xf32, #tpu.memory_space<vmem>>, vector<1x16xf32>,
      %add3A_173 = arith.constant 4 : i32
      %add3A_174 = arith.addi %add3A_145, %add3A_173 : i32
      %lt3A_175 = arith.constant 32 : i32
      %lt3A_176 = arith.cmpi slt, %add3A_174, %lt3A_175 : i32
      %convert_element_type3A_177 = arith.extui %lt3A_176 : i1 to i32
      %cond3A_178 = arith.constant 0 : i32
      %cond3A_179 = arith.cmpi ne, %convert_element_type3A_177, %cond3A_178 : i32
      scf.if %cond3A_179 {
        %add3A_674 = arith.addi %add3A_4, %add3A_145 : i32
        %add3A_675 = arith.constant 4 : i32
        %add3A_676 = arith.addi %add3A_674, %add3A_675 : i32
        %dma_start3A_677 = arith.constant 2 : i32
        %dma_start3A_678 = arith.constant 0 : i32
        %dma_start3A_679 = tpu.memref_slice %arg6[%dma_start3A_677, %dma_start3A_678] : memref<4x4096xf32, #tpu.memory_space<vmem>> -> memref<1x4096xf32, #tpu.memory_space<vmem>>
        %dma_start3A_680 = tpu.memref_squeeze %dma_start3A_679 : memref<1x4096xf32, #tpu.memory_space<vmem>> -> memref<4096xf32, #tpu.memory_space<vmem>>
        %dma_start3A_681 = arith.constant 0 : i32
        %dma_start3A_682 = tpu.memref_slice %arg2[%add3A_676, %dma_start3A_681] : memref<4096x4096xf32, #tpu.memory_space<hbm>> -> memref<1x4096xf32, #tpu.memory_space<hbm>>
        %dma_start3A_683 = tpu.memref_squeeze %dma_start3A_682 : memref<1x4096xf32, #tpu.memory_space<hbm>> -> memref<4096xf32, #tpu.memory_space<hbm>>
        %dma_start3A_684 = arith.constant 0 : i32
        %dma_start3A_685 = tpu.memref_slice %arg6[%dma_start3A_677, %dma_start3A_684] : memref<4x4096xf32, #tpu.memory_space<vmem>> -> memref<1x4096xf32, #tpu.memory_space<vmem>>
        %dma_start3A_686 = tpu.memref_squeeze %dma_start3A_685 : memref<1x4096xf32, #tpu.memory_space<vmem>> -> memref<4096xf32, #tpu.memory_space<vmem>>
        %dma_start3A_687 = arith.constant 0 : i32
        %dma_start3A_688 = tpu.memref_slice %arg2[%add3A_676, %dma_start3A_687] : memref<4096x4096xf32, #tpu.memory_space<hbm>> -> memref<1x4096xf32, #tpu.memory_space<hbm>>
        %dma_start3A_689 = tpu.memref_squeeze %dma_start3A_688 : memref<1x4096xf32, #tpu.memory_space<hbm>> -> memref<4096xf32, #tpu.memory_space<hbm>>
        tpu.enqueue_dma source(%dma_start3A_689 : memref<4096xf32, #tpu.memory_space<hbm>>) target(%dma_start3A_686 : memref<4096xf32, #tpu.memory_space<vmem>>) target_semaphore(%arg10 : memref<!tpu.dma_semaphore, #tpu.memory_space<semaphore_mem>>)
      } else {
      }
      %mul3A_180 = arith.constant 16 : i32
      %mul3A_181 = arith.muli %scan3A_71, %mul3A_180 : i32
      %add3A_182 = arith.constant 3 : i32
      %add3A_183 = arith.addi %mul3A_181, %add3A_182 : i32
      %add3A_184 = arith.addi %add3A_4, %add3A_183 : i32
      %dma_wait3A_185 = arith.constant 3 : i32
      %dma_wait3A_186 = arith.constant 0 : i32
      %dma_wait3A_187 = tpu.memref_slice %arg6[%dma_wait3A_185, %dma_wait3A_186] : memref<4x4096xf32, #tpu.memory_space<vmem>> -> memref<1x4096xf32, #tpu.memory_space<vmem>>
      %dma_wait3A_188 = tpu.memref_squeeze %dma_wait3A_187 : memref<1x4096xf32, #tpu.memory_space<vmem>> -> memref<4096xf32, #tpu.memory_space<vmem>>
      %dma_wait3A_189 = arith.constant 0 : i32
      %dma_wait3A_190 = tpu.memref_slice %arg2[%add3A_184, %dma_wait3A_189] : memref<4096x4096xf32, #tpu.memory_space<hbm>> -> memref<1x4096xf32, #tpu.memory_space<hbm>>
      %dma_wait3A_191 = tpu.memref_squeeze %dma_wait3A_190 : memref<1x4096xf32, #tpu.memory_space<hbm>> -> memref<4096xf32, #tpu.memory_space<hbm>>
      %dma_wait3A_192 = arith.constant 0 : i32
      %dma_wait3A_193 = tpu.memref_slice %arg6[%dma_wait3A_185, %dma_wait3A_192] : memref<4x4096xf32, #tpu.memory_space<vmem>> -> memref<1x4096xf32, #tpu.memory_space<vmem>>
      %dma_wait3A_194 = tpu.memref_squeeze %dma_wait3A_193 : memref<1x4096xf32, #tpu.memory_space<vmem>> -> memref<4096xf32, #tpu.memory_space<vmem>>
      %dma_wait3A_195 = arith.constant 0 : i32
      %dma_wait3A_196 = tpu.memref_slice %arg2[%add3A_184, %dma_wait3A_195] : memref<4096x4096xf32, #tpu.memory_space<hbm>> -> memref<1x4096xf32, #tpu.memory_space<hbm>>
      %dma_wait3A_197 = tpu.memref_squeeze %dma_wait3A_196 : memref<1x4096xf32, #tpu.memory_space<hbm>> -> memref<4096xf32, #tpu.memory_space<hbm>>
      tpu.wait_dma2 semaphore(%arg11 : memref<!tpu.dma_semaphore, #tpu.memory_space<semaphore_mem>>) src(%dma_wait3A_197 : memref<4096xf32, #tpu.memory_space<hbm>>) dst(%dma_wait3A_194 : memref<4096xf32, #tpu.memory_space<vmem>>)
      %broadcast_in_dim3A_198 = arith.constant 0.000000e+00 : f32
      %broadcast_in_dim3A_199 = vector.broadcast %broadcast_in_dim3A_198 : f32 to vector<16xf32>
      %scan3A_200 = arith.constant 0 : i32
      %scan3A_201 = arith.constant 256 : i32
      %scan3A_202 = arith.addi %scan3A_200, %scan3A_201 : i32
      %scan3A_203 = arith.constant 8 : i32
      %scan3A_204 = scf.for %scan3A_674 = %scan3A_200 to %scan3A_202 step %scan3A_203 iter_args(%scan3A_675 = %broadcast_in_dim3A_199) -> (vector<16xf32>)  : i32 {
        %mul3A_676 = arith.constant 16 : i32
        %mul3A_677 = arith.muli %scan3A_674, %mul3A_676 : i32
        %get3A = arith.constant 3 : i32
        %get3A_678 = arith.index_cast %get3A : i32 to index
        %get3A_679 = arith.index_cast %mul3A_677 : i32 to index
        %get3A_680 = tpu.vector_load %arg6[%get3A_678, %get3A_679] {strides = array<i32>} : memref<4x4096xf32, #tpu.memory_space<vmem>>, vector<1x16xf32>,
        %get3A_681 = vector.shape_cast %get3A_680 : vector<1x16xf32> to vector<16xf32>
        %get3A_682 = arith.index_cast %mul3A_677 : i32 to index
        %get3A_683 = tpu.vector_load %arg5[%get3A_682] {strides = array<i32>} : memref<4096xf32, #tpu.memory_space<vmem>>, vector<16xf32>,
        %get3A_684 = vector.shape_cast %get3A_683 : vector<16xf32> to vector<16xf32>
        %mul3A_685 = arith.mulf %get3A_681, %get3A_684 : vector<16xf32>
        %add3A_686 = arith.addf %scan3A_675, %mul3A_685 : vector<16xf32>
        %scan3A_687 = arith.constant 1 : i32
        %scan3A_688 = arith.addi %scan3A_674, %scan3A_687 : i32
        %mul3A_689 = arith.constant 16 : i32
        %mul3A_690 = arith.muli %scan3A_688, %mul3A_689 : i32
        %get3A_691 = arith.constant 3 : i32
        %get3A_692 = arith.index_cast %get3A_691 : i32 to index
        %get3A_693 = arith.index_cast %mul3A_690 : i32 to index
        %get3A_694 = tpu.vector_load %arg6[%get3A_692, %get3A_693] {strides = array<i32>} : memref<4x4096xf32, #tpu.memory_space<vmem>>, vector<1x16xf32>,
        %get3A_695 = vector.shape_cast %get3A_694 : vector<1x16xf32> to vector<16xf32>
        %get3A_696 = arith.index_cast %mul3A_690 : i32 to index
        %get3A_697 = tpu.vector_load %arg5[%get3A_696] {strides = array<i32>} : memref<4096xf32, #tpu.memory_space<vmem>>, vector<16xf32>,
        %get3A_698 = vector.shape_cast %get3A_697 : vector<16xf32> to vector<16xf32>
        %mul3A_699 = arith.mulf %get3A_695, %get3A_698 : vector<16xf32>
        %add3A_700 = arith.addf %add3A_686, %mul3A_699 : vector<16xf32>
        %scan3A_701 = arith.constant 2 : i32
        %scan3A_702 = arith.addi %scan3A_674, %scan3A_701 : i32
        %mul3A_703 = arith.constant 16 : i32
        %mul3A_704 = arith.muli %scan3A_702, %mul3A_703 : i32
        %get3A_705 = arith.constant 3 : i32
        %get3A_706 = arith.index_cast %get3A_705 : i32 to index
        %get3A_707 = arith.index_cast %mul3A_704 : i32 to index
        %get3A_708 = tpu.vector_load %arg6[%get3A_706, %get3A_707] {strides = array<i32>} : memref<4x4096xf32, #tpu.memory_space<vmem>>, vector<1x16xf32>,
        %get3A_709 = vector.shape_cast %get3A_708 : vector<1x16xf32> to vector<16xf32>
        %get3A_710 = arith.index_cast %mul3A_704 : i32 to index
        %get3A_711 = tpu.vector_load %arg5[%get3A_710] {strides = array<i32>} : memref<4096xf32, #tpu.memory_space<vmem>>, vector<16xf32>,
        %get3A_712 = vector.shape_cast %get3A_711 : vector<16xf32> to vector<16xf32>
        %mul3A_713 = arith.mulf %get3A_709, %get3A_712 : vector<16xf32>
        %add3A_714 = arith.addf %add3A_700, %mul3A_713 : vector<16xf32>
        %scan3A_715 = arith.constant 3 : i32
        %scan3A_716 = arith.addi %scan3A_674, %scan3A_715 : i32
        %mul3A_717 = arith.constant 16 : i32
        %mul3A_718 = arith.muli %scan3A_716, %mul3A_717 : i32
        %get3A_719 = arith.constant 3 : i32
        %get3A_720 = arith.index_cast %get3A_719 : i32 to index
        %get3A_721 = arith.index_cast %mul3A_718 : i32 to index
        %get3A_722 = tpu.vector_load %arg6[%get3A_720, %get3A_721] {strides = array<i32>} : memref<4x4096xf32, #tpu.memory_space<vmem>>, vector<1x16xf32>,
        %get3A_723 = vector.shape_cast %get3A_722 : vector<1x16xf32> to vector<16xf32>
        %get3A_724 = arith.index_cast %mul3A_718 : i32 to index
        %get3A_725 = tpu.vector_load %arg5[%get3A_724] {strides = array<i32>} : memref<4096xf32, #tpu.memory_space<vmem>>, vector<16xf32>,
        %get3A_726 = vector.shape_cast %get3A_725 : vector<16xf32> to vector<16xf32>
        %mul3A_727 = arith.mulf %get3A_723, %get3A_726 : vector<16xf32>
        %add3A_728 = arith.addf %add3A_714, %mul3A_727 : vector<16xf32>
        %scan3A_729 = arith.constant 4 : i32
        %scan3A_730 = arith.addi %scan3A_674, %scan3A_729 : i32
        %mul3A_731 = arith.constant 16 : i32
        %mul3A_732 = arith.muli %scan3A_730, %mul3A_731 : i32
        %get3A_733 = arith.constant 3 : i32
        %get3A_734 = arith.index_cast %get3A_733 : i32 to index
        %get3A_735 = arith.index_cast %mul3A_732 : i32 to index
        %get3A_736 = tpu.vector_load %arg6[%get3A_734, %get3A_735] {strides = array<i32>} : memref<4x4096xf32, #tpu.memory_space<vmem>>, vector<1x16xf32>,
        %get3A_737 = vector.shape_cast %get3A_736 : vector<1x16xf32> to vector<16xf32>
        %get3A_738 = arith.index_cast %mul3A_732 : i32 to index
        %get3A_739 = tpu.vector_load %arg5[%get3A_738] {strides = array<i32>} : memref<4096xf32, #tpu.memory_space<vmem>>, vector<16xf32>,
        %get3A_740 = vector.shape_cast %get3A_739 : vector<16xf32> to vector<16xf32>
        %mul3A_741 = arith.mulf %get3A_737, %get3A_740 : vector<16xf32>
        %add3A_742 = arith.addf %add3A_728, %mul3A_741 : vector<16xf32>
        %scan3A_743 = arith.constant 5 : i32
        %scan3A_744 = arith.addi %scan3A_674, %scan3A_743 : i32
        %mul3A_745 = arith.constant 16 : i32
        %mul3A_746 = arith.muli %scan3A_744, %mul3A_745 : i32
        %get3A_747 = arith.constant 3 : i32
        %get3A_748 = arith.index_cast %get3A_747 : i32 to index
        %get3A_749 = arith.index_cast %mul3A_746 : i32 to index
        %get3A_750 = tpu.vector_load %arg6[%get3A_748, %get3A_749] {strides = array<i32>} : memref<4x4096xf32, #tpu.memory_space<vmem>>, vector<1x16xf32>,
        %get3A_751 = vector.shape_cast %get3A_750 : vector<1x16xf32> to vector<16xf32>
        %get3A_752 = arith.index_cast %mul3A_746 : i32 to index
        %get3A_753 = tpu.vector_load %arg5[%get3A_752] {strides = array<i32>} : memref<4096xf32, #tpu.memory_space<vmem>>, vector<16xf32>,
        %get3A_754 = vector.shape_cast %get3A_753 : vector<16xf32> to vector<16xf32>
        %mul3A_755 = arith.mulf %get3A_751, %get3A_754 : vector<16xf32>
        %add3A_756 = arith.addf %add3A_742, %mul3A_755 : vector<16xf32>
        %scan3A_757 = arith.constant 6 : i32
        %scan3A_758 = arith.addi %scan3A_674, %scan3A_757 : i32
        %mul3A_759 = arith.constant 16 : i32
        %mul3A_760 = arith.muli %scan3A_758, %mul3A_759 : i32
        %get3A_761 = arith.constant 3 : i32
        %get3A_762 = arith.index_cast %get3A_761 : i32 to index
        %get3A_763 = arith.index_cast %mul3A_760 : i32 to index
        %get3A_764 = tpu.vector_load %arg6[%get3A_762, %get3A_763] {strides = array<i32>} : memref<4x4096xf32, #tpu.memory_space<vmem>>, vector<1x16xf32>,
        %get3A_765 = vector.shape_cast %get3A_764 : vector<1x16xf32> to vector<16xf32>
        %get3A_766 = arith.index_cast %mul3A_760 : i32 to index
        %get3A_767 = tpu.vector_load %arg5[%get3A_766] {strides = array<i32>} : memref<4096xf32, #tpu.memory_space<vmem>>, vector<16xf32>,
        %get3A_768 = vector.shape_cast %get3A_767 : vector<16xf32> to vector<16xf32>
        %mul3A_769 = arith.mulf %get3A_765, %get3A_768 : vector<16xf32>
        %add3A_770 = arith.addf %add3A_756, %mul3A_769 : vector<16xf32>
        %scan3A_771 = arith.constant 7 : i32
        %scan3A_772 = arith.addi %scan3A_674, %scan3A_771 : i32
        %mul3A_773 = arith.constant 16 : i32
        %mul3A_774 = arith.muli %scan3A_772, %mul3A_773 : i32
        %get3A_775 = arith.constant 3 : i32
        %get3A_776 = arith.index_cast %get3A_775 : i32 to index
        %get3A_777 = arith.index_cast %mul3A_774 : i32 to index
        %get3A_778 = tpu.vector_load %arg6[%get3A_776, %get3A_777] {strides = array<i32>} : memref<4x4096xf32, #tpu.memory_space<vmem>>, vector<1x16xf32>,
        %get3A_779 = vector.shape_cast %get3A_778 : vector<1x16xf32> to vector<16xf32>
        %get3A_780 = arith.index_cast %mul3A_774 : i32 to index
        %get3A_781 = tpu.vector_load %arg5[%get3A_780] {strides = array<i32>} : memref<4096xf32, #tpu.memory_space<vmem>>, vector<16xf32>,
        %get3A_782 = vector.shape_cast %get3A_781 : vector<16xf32> to vector<16xf32>
        %mul3A_783 = arith.mulf %get3A_779, %get3A_782 : vector<16xf32>
        %add3A_784 = arith.addf %add3A_770, %mul3A_783 : vector<16xf32>
        scf.yield %add3A_784 : vector<16xf32>
      }
      %scan3A_205 = arith.constant 256 : i32
      %swap3A_206 = arith.index_cast %add3A_183 : i32 to index
      %swap3A_207 = arith.constant 0 : index
      %swap3A_208 = tpu.vector_load %arg7[%swap3A_206, %swap3A_207] {strides = array<i32>} : memref<32x16xf32, #tpu.memory_space<vmem>>, vector<1x16xf32>,
      %swap3A_209 = vector.shape_cast %swap3A_208 : vector<1x16xf32> to vector<16xf32>
      %swap3A_210 = vector.shape_cast %scan3A_204 : vector<16xf32> to vector<1x16xf32>
      tpu.vector_store %arg7[%swap3A_206, %swap3A_207], %swap3A_210 {strides = array<i32>} : memref<32x16xf32, #tpu.memory_space<vmem>>, vector<1x16xf32>,
      %add3A_211 = arith.constant 4 : i32
      %add3A_212 = arith.addi %add3A_183, %add3A_211 : i32
      %lt3A_213 = arith.constant 32 : i32
      %lt3A_214 = arith.cmpi slt, %add3A_212, %lt3A_213 : i32
      %convert_element_type3A_215 = arith.extui %lt3A_214 : i1 to i32
      %cond3A_216 = arith.constant 0 : i32
      %cond3A_217 = arith.cmpi ne, %convert_element_type3A_215, %cond3A_216 : i32
      scf.if %cond3A_217 {
        %add3A_674 = arith.addi %add3A_4, %add3A_183 : i32
        %add3A_675 = arith.constant 4 : i32
        %add3A_676 = arith.addi %add3A_674, %add3A_675 : i32
        %dma_start3A_677 = arith.constant 3 : i32
        %dma_start3A_678 = arith.constant 0 : i32
        %dma_start3A_679 = tpu.memref_slice %arg6[%dma_start3A_677, %dma_start3A_678] : memref<4x4096xf32, #tpu.memory_space<vmem>> -> memref<1x4096xf32, #tpu.memory_space<vmem>>
        %dma_start3A_680 = tpu.memref_squeeze %dma_start3A_679 : memref<1x4096xf32, #tpu.memory_space<vmem>> -> memref<4096xf32, #tpu.memory_space<vmem>>
        %dma_start3A_681 = arith.constant 0 : i32
        %dma_start3A_682 = tpu.memref_slice %arg2[%add3A_676, %dma_start3A_681] : memref<4096x4096xf32, #tpu.memory_space<hbm>> -> memref<1x4096xf32, #tpu.memory_space<hbm>>
        %dma_start3A_683 = tpu.memref_squeeze %dma_start3A_682 : memref<1x4096xf32, #tpu.memory_space<hbm>> -> memref<4096xf32, #tpu.memory_space<hbm>>
        %dma_start3A_684 = arith.constant 0 : i32
        %dma_start3A_685 = tpu.memref_slice %arg6[%dma_start3A_677, %dma_start3A_684] : memref<4x4096xf32, #tpu.memory_space<vmem>> -> memref<1x4096xf32, #tpu.memory_space<vmem>>
        %dma_start3A_686 = tpu.memref_squeeze %dma_start3A_685 : memref<1x4096xf32, #tpu.memory_space<vmem>> -> memref<4096xf32, #tpu.memory_space<vmem>>
        %dma_start3A_687 = arith.constant 0 : i32
        %dma_start3A_688 = tpu.memref_slice %arg2[%add3A_676, %dma_start3A_687] : memref<4096x4096xf32, #tpu.memory_space<hbm>> -> memref<1x4096xf32, #tpu.memory_space<hbm>>
        %dma_start3A_689 = tpu.memref_squeeze %dma_start3A_688 : memref<1x4096xf32, #tpu.memory_space<hbm>> -> memref<4096xf32, #tpu.memory_space<hbm>>
        tpu.enqueue_dma source(%dma_start3A_689 : memref<4096xf32, #tpu.memory_space<hbm>>) target(%dma_start3A_686 : memref<4096xf32, #tpu.memory_space<vmem>>) target_semaphore(%arg11 : memref<!tpu.dma_semaphore, #tpu.memory_space<semaphore_mem>>)
      } else {
      }
      %mul3A_218 = arith.constant 16 : i32
      %mul3A_219 = arith.muli %scan3A_71, %mul3A_218 : i32
      %add3A_220 = arith.constant 4 : i32
      %add3A_221 = arith.addi %mul3A_219, %add3A_220 : i32
      %add3A_222 = arith.addi %add3A_4, %add3A_221 : i32
      %dma_wait3A_223 = arith.constant 0 : i32
      %dma_wait3A_224 = arith.constant 0 : i32
      %dma_wait3A_225 = tpu.memref_slice %arg6[%dma_wait3A_223, %dma_wait3A_224] : memref<4x4096xf32, #tpu.memory_space<vmem>> -> memref<1x4096xf32, #tpu.memory_space<vmem>>
      %dma_wait3A_226 = tpu.memref_squeeze %dma_wait3A_225 : memref<1x4096xf32, #tpu.memory_space<vmem>> -> memref<4096xf32, #tpu.memory_space<vmem>>
      %dma_wait3A_227 = arith.constant 0 : i32
      %dma_wait3A_228 = tpu.memref_slice %arg2[%add3A_222, %dma_wait3A_227] : memref<4096x4096xf32, #tpu.memory_space<hbm>> -> memref<1x4096xf32, #tpu.memory_space<hbm>>
      %dma_wait3A_229 = tpu.memref_squeeze %dma_wait3A_228 : memref<1x4096xf32, #tpu.memory_space<hbm>> -> memref<4096xf32, #tpu.memory_space<hbm>>
      %dma_wait3A_230 = arith.constant 0 : i32
      %dma_wait3A_231 = tpu.memref_slice %arg6[%dma_wait3A_223, %dma_wait3A_230] : memref<4x4096xf32, #tpu.memory_space<vmem>> -> memref<1x4096xf32, #tpu.memory_space<vmem>>
      %dma_wait3A_232 = tpu.memref_squeeze %dma_wait3A_231 : memref<1x4096xf32, #tpu.memory_space<vmem>> -> memref<4096xf32, #tpu.memory_space<vmem>>
      %dma_wait3A_233 = arith.constant 0 : i32
      %dma_wait3A_234 = tpu.memref_slice %arg2[%add3A_222, %dma_wait3A_233] : memref<4096x4096xf32, #tpu.memory_space<hbm>> -> memref<1x4096xf32, #tpu.memory_space<hbm>>
      %dma_wait3A_235 = tpu.memref_squeeze %dma_wait3A_234 : memref<1x4096xf32, #tpu.memory_space<hbm>> -> memref<4096xf32, #tpu.memory_space<hbm>>
      tpu.wait_dma2 semaphore(%arg8 : memref<!tpu.dma_semaphore, #tpu.memory_space<semaphore_mem>>) src(%dma_wait3A_235 : memref<4096xf32, #tpu.memory_space<hbm>>) dst(%dma_wait3A_232 : memref<4096xf32, #tpu.memory_space<vmem>>)
      %broadcast_in_dim3A_236 = arith.constant 0.000000e+00 : f32
      %broadcast_in_dim3A_237 = vector.broadcast %broadcast_in_dim3A_236 : f32 to vector<16xf32>
      %scan3A_238 = arith.constant 0 : i32
      %scan3A_239 = arith.constant 256 : i32
      %scan3A_240 = arith.addi %scan3A_238, %scan3A_239 : i32
      %scan3A_241 = arith.constant 8 : i32
      %scan3A_242 = scf.for %scan3A_674 = %scan3A_238 to %scan3A_240 step %scan3A_241 iter_args(%scan3A_675 = %broadcast_in_dim3A_237) -> (vector<16xf32>)  : i32 {
        %mul3A_676 = arith.constant 16 : i32
        %mul3A_677 = arith.muli %scan3A_674, %mul3A_676 : i32
        %get3A = arith.constant 0 : i32
        %get3A_678 = arith.index_cast %get3A : i32 to index
        %get3A_679 = arith.index_cast %mul3A_677 : i32 to index
        %get3A_680 = tpu.vector_load %arg6[%get3A_678, %get3A_679] {strides = array<i32>} : memref<4x4096xf32, #tpu.memory_space<vmem>>, vector<1x16xf32>,
        %get3A_681 = vector.shape_cast %get3A_680 : vector<1x16xf32> to vector<16xf32>
        %get3A_682 = arith.index_cast %mul3A_677 : i32 to index
        %get3A_683 = tpu.vector_load %arg5[%get3A_682] {strides = array<i32>} : memref<4096xf32, #tpu.memory_space<vmem>>, vector<16xf32>,
        %get3A_684 = vector.shape_cast %get3A_683 : vector<16xf32> to vector<16xf32>
        %mul3A_685 = arith.mulf %get3A_681, %get3A_684 : vector<16xf32>
        %add3A_686 = arith.addf %scan3A_675, %mul3A_685 : vector<16xf32>
        %scan3A_687 = arith.constant 1 : i32
        %scan3A_688 = arith.addi %scan3A_674, %scan3A_687 : i32
        %mul3A_689 = arith.constant 16 : i32
        %mul3A_690 = arith.muli %scan3A_688, %mul3A_689 : i32
        %get3A_691 = arith.constant 0 : i32
        %get3A_692 = arith.index_cast %get3A_691 : i32 to index
        %get3A_693 = arith.index_cast %mul3A_690 : i32 to index
        %get3A_694 = tpu.vector_load %arg6[%get3A_692, %get3A_693] {strides = array<i32>} : memref<4x4096xf32, #tpu.memory_space<vmem>>, vector<1x16xf32>,
        %get3A_695 = vector.shape_cast %get3A_694 : vector<1x16xf32> to vector<16xf32>
        %get3A_696 = arith.index_cast %mul3A_690 : i32 to index
        %get3A_697 = tpu.vector_load %arg5[%get3A_696] {strides = array<i32>} : memref<4096xf32, #tpu.memory_space<vmem>>, vector<16xf32>,
        %get3A_698 = vector.shape_cast %get3A_697 : vector<16xf32> to vector<16xf32>
        %mul3A_699 = arith.mulf %get3A_695, %get3A_698 : vector<16xf32>
        %add3A_700 = arith.addf %add3A_686, %mul3A_699 : vector<16xf32>
        %scan3A_701 = arith.constant 2 : i32
        %scan3A_702 = arith.addi %scan3A_674, %scan3A_701 : i32
        %mul3A_703 = arith.constant 16 : i32
        %mul3A_704 = arith.muli %scan3A_702, %mul3A_703 : i32
        %get3A_705 = arith.constant 0 : i32
        %get3A_706 = arith.index_cast %get3A_705 : i32 to index
        %get3A_707 = arith.index_cast %mul3A_704 : i32 to index
        %get3A_708 = tpu.vector_load %arg6[%get3A_706, %get3A_707] {strides = array<i32>} : memref<4x4096xf32, #tpu.memory_space<vmem>>, vector<1x16xf32>,
        %get3A_709 = vector.shape_cast %get3A_708 : vector<1x16xf32> to vector<16xf32>
        %get3A_710 = arith.index_cast %mul3A_704 : i32 to index
        %get3A_711 = tpu.vector_load %arg5[%get3A_710] {strides = array<i32>} : memref<4096xf32, #tpu.memory_space<vmem>>, vector<16xf32>,
        %get3A_712 = vector.shape_cast %get3A_711 : vector<16xf32> to vector<16xf32>
        %mul3A_713 = arith.mulf %get3A_709, %get3A_712 : vector<16xf32>
        %add3A_714 = arith.addf %add3A_700, %mul3A_713 : vector<16xf32>
        %scan3A_715 = arith.constant 3 : i32
        %scan3A_716 = arith.addi %scan3A_674, %scan3A_715 : i32
        %mul3A_717 = arith.constant 16 : i32
        %mul3A_718 = arith.muli %scan3A_716, %mul3A_717 : i32
        %get3A_719 = arith.constant 0 : i32
        %get3A_720 = arith.index_cast %get3A_719 : i32 to index
        %get3A_721 = arith.index_cast %mul3A_718 : i32 to index
        %get3A_722 = tpu.vector_load %arg6[%get3A_720, %get3A_721] {strides = array<i32>} : memref<4x4096xf32, #tpu.memory_space<vmem>>, vector<1x16xf32>,
        %get3A_723 = vector.shape_cast %get3A_722 : vector<1x16xf32> to vector<16xf32>
        %get3A_724 = arith.index_cast %mul3A_718 : i32 to index
        %get3A_725 = tpu.vector_load %arg5[%get3A_724] {strides = array<i32>} : memref<4096xf32, #tpu.memory_space<vmem>>, vector<16xf32>,
        %get3A_726 = vector.shape_cast %get3A_725 : vector<16xf32> to vector<16xf32>
        %mul3A_727 = arith.mulf %get3A_723, %get3A_726 : vector<16xf32>
        %add3A_728 = arith.addf %add3A_714, %mul3A_727 : vector<16xf32>
        %scan3A_729 = arith.constant 4 : i32
        %scan3A_730 = arith.addi %scan3A_674, %scan3A_729 : i32
        %mul3A_731 = arith.constant 16 : i32
        %mul3A_732 = arith.muli %scan3A_730, %mul3A_731 : i32
        %get3A_733 = arith.constant 0 : i32
        %get3A_734 = arith.index_cast %get3A_733 : i32 to index
        %get3A_735 = arith.index_cast %mul3A_732 : i32 to index
        %get3A_736 = tpu.vector_load %arg6[%get3A_734, %get3A_735] {strides = array<i32>} : memref<4x4096xf32, #tpu.memory_space<vmem>>, vector<1x16xf32>,
        %get3A_737 = vector.shape_cast %get3A_736 : vector<1x16xf32> to vector<16xf32>
        %get3A_738 = arith.index_cast %mul3A_732 : i32 to index
        %get3A_739 = tpu.vector_load %arg5[%get3A_738] {strides = array<i32>} : memref<4096xf32, #tpu.memory_space<vmem>>, vector<16xf32>,
        %get3A_740 = vector.shape_cast %get3A_739 : vector<16xf32> to vector<16xf32>
        %mul3A_741 = arith.mulf %get3A_737, %get3A_740 : vector<16xf32>
        %add3A_742 = arith.addf %add3A_728, %mul3A_741 : vector<16xf32>
        %scan3A_743 = arith.constant 5 : i32
        %scan3A_744 = arith.addi %scan3A_674, %scan3A_743 : i32
        %mul3A_745 = arith.constant 16 : i32
        %mul3A_746 = arith.muli %scan3A_744, %mul3A_745 : i32
        %get3A_747 = arith.constant 0 : i32
        %get3A_748 = arith.index_cast %get3A_747 : i32 to index
        %get3A_749 = arith.index_cast %mul3A_746 : i32 to index
        %get3A_750 = tpu.vector_load %arg6[%get3A_748, %get3A_749] {strides = array<i32>} : memref<4x4096xf32, #tpu.memory_space<vmem>>, vector<1x16xf32>,
        %get3A_751 = vector.shape_cast %get3A_750 : vector<1x16xf32> to vector<16xf32>
        %get3A_752 = arith.index_cast %mul3A_746 : i32 to index
        %get3A_753 = tpu.vector_load %arg5[%get3A_752] {strides = array<i32>} : memref<4096xf32, #tpu.memory_space<vmem>>, vector<16xf32>,
        %get3A_754 = vector.shape_cast %get3A_753 : vector<16xf32> to vector<16xf32>
        %mul3A_755 = arith.mulf %get3A_751, %get3A_754 : vector<16xf32>
        %add3A_756 = arith.addf %add3A_742, %mul3A_755 : vector<16xf32>
        %scan3A_757 = arith.constant 6 : i32
        %scan3A_758 = arith.addi %scan3A_674, %scan3A_757 : i32
        %mul3A_759 = arith.constant 16 : i32
        %mul3A_760 = arith.muli %scan3A_758, %mul3A_759 : i32
        %get3A_761 = arith.constant 0 : i32
        %get3A_762 = arith.index_cast %get3A_761 : i32 to index
        %get3A_763 = arith.index_cast %mul3A_760 : i32 to index
        %get3A_764 = tpu.vector_load %arg6[%get3A_762, %get3A_763] {strides = array<i32>} : memref<4x4096xf32, #tpu.memory_space<vmem>>, vector<1x16xf32>,
        %get3A_765 = vector.shape_cast %get3A_764 : vector<1x16xf32> to vector<16xf32>
        %get3A_766 = arith.index_cast %mul3A_760 : i32 to index
        %get3A_767 = tpu.vector_load %arg5[%get3A_766] {strides = array<i32>} : memref<4096xf32, #tpu.memory_space<vmem>>, vector<16xf32>,
        %get3A_768 = vector.shape_cast %get3A_767 : vector<16xf32> to vector<16xf32>
        %mul3A_769 = arith.mulf %get3A_765, %get3A_768 : vector<16xf32>
        %add3A_770 = arith.addf %add3A_756, %mul3A_769 : vector<16xf32>
        %scan3A_771 = arith.constant 7 : i32
        %scan3A_772 = arith.addi %scan3A_674, %scan3A_771 : i32
        %mul3A_773 = arith.constant 16 : i32
        %mul3A_774 = arith.muli %scan3A_772, %mul3A_773 : i32
        %get3A_775 = arith.constant 0 : i32
        %get3A_776 = arith.index_cast %get3A_775 : i32 to index
        %get3A_777 = arith.index_cast %mul3A_774 : i32 to index
        %get3A_778 = tpu.vector_load %arg6[%get3A_776, %get3A_777] {strides = array<i32>} : memref<4x4096xf32, #tpu.memory_space<vmem>>, vector<1x16xf32>,
        %get3A_779 = vector.shape_cast %get3A_778 : vector<1x16xf32> to vector<16xf32>
        %get3A_780 = arith.index_cast %mul3A_774 : i32 to index
        %get3A_781 = tpu.vector_load %arg5[%get3A_780] {strides = array<i32>} : memref<4096xf32, #tpu.memory_space<vmem>>, vector<16xf32>,
        %get3A_782 = vector.shape_cast %get3A_781 : vector<16xf32> to vector<16xf32>
        %mul3A_783 = arith.mulf %get3A_779, %get3A_782 : vector<16xf32>
        %add3A_784 = arith.addf %add3A_770, %mul3A_783 : vector<16xf32>
        scf.yield %add3A_784 : vector<16xf32>
      }
      %scan3A_243 = arith.constant 256 : i32
      %swap3A_244 = arith.index_cast %add3A_221 : i32 to index
      %swap3A_245 = arith.constant 0 : index
      %swap3A_246 = tpu.vector_load %arg7[%swap3A_244, %swap3A_245] {strides = array<i32>} : memref<32x16xf32, #tpu.memory_space<vmem>>, vector<1x16xf32>,
      %swap3A_247 = vector.shape_cast %swap3A_246 : vector<1x16xf32> to vector<16xf32>
      %swap3A_248 = vector.shape_cast %scan3A_242 : vector<16xf32> to vector<1x16xf32>
      tpu.vector_store %arg7[%swap3A_244, %swap3A_245], %swap3A_248 {strides = array<i32>} : memref<32x16xf32, #tpu.memory_space<vmem>>, vector<1x16xf32>,
      %add3A_249 = arith.constant 4 : i32
      %add3A_250 = arith.addi %add3A_221, %add3A_249 : i32
      %lt3A_251 = arith.constant 32 : i32
      %lt3A_252 = arith.cmpi slt, %add3A_250, %lt3A_251 : i32
      %convert_element_type3A_253 = arith.extui %lt3A_252 : i1 to i32
      %cond3A_254 = arith.constant 0 : i32
      %cond3A_255 = arith.cmpi ne, %convert_element_type3A_253, %cond3A_254 : i32
      scf.if %cond3A_255 {
        %add3A_674 = arith.addi %add3A_4, %add3A_221 : i32
        %add3A_675 = arith.constant 4 : i32
        %add3A_676 = arith.addi %add3A_674, %add3A_675 : i32
        %dma_start3A_677 = arith.constant 0 : i32
        %dma_start3A_678 = arith.constant 0 : i32
        %dma_start3A_679 = tpu.memref_slice %arg6[%dma_start3A_677, %dma_start3A_678] : memref<4x4096xf32, #tpu.memory_space<vmem>> -> memref<1x4096xf32, #tpu.memory_space<vmem>>
        %dma_start3A_680 = tpu.memref_squeeze %dma_start3A_679 : memref<1x4096xf32, #tpu.memory_space<vmem>> -> memref<4096xf32, #tpu.memory_space<vmem>>
        %dma_start3A_681 = arith.constant 0 : i32
        %dma_start3A_682 = tpu.memref_slice %arg2[%add3A_676, %dma_start3A_681] : memref<4096x4096xf32, #tpu.memory_space<hbm>> -> memref<1x4096xf32, #tpu.memory_space<hbm>>
        %dma_start3A_683 = tpu.memref_squeeze %dma_start3A_682 : memref<1x4096xf32, #tpu.memory_space<hbm>> -> memref<4096xf32, #tpu.memory_space<hbm>>
        %dma_start3A_684 = arith.constant 0 : i32
        %dma_start3A_685 = tpu.memref_slice %arg6[%dma_start3A_677, %dma_start3A_684] : memref<4x4096xf32, #tpu.memory_space<vmem>> -> memref<1x4096xf32, #tpu.memory_space<vmem>>
        %dma_start3A_686 = tpu.memref_squeeze %dma_start3A_685 : memref<1x4096xf32, #tpu.memory_space<vmem>> -> memref<4096xf32, #tpu.memory_space<vmem>>
        %dma_start3A_687 = arith.constant 0 : i32
        %dma_start3A_688 = tpu.memref_slice %arg2[%add3A_676, %dma_start3A_687] : memref<4096x4096xf32, #tpu.memory_space<hbm>> -> memref<1x4096xf32, #tpu.memory_space<hbm>>
        %dma_start3A_689 = tpu.memref_squeeze %dma_start3A_688 : memref<1x4096xf32, #tpu.memory_space<hbm>> -> memref<4096xf32, #tpu.memory_space<hbm>>
        tpu.enqueue_dma source(%dma_start3A_689 : memref<4096xf32, #tpu.memory_space<hbm>>) target(%dma_start3A_686 : memref<4096xf32, #tpu.memory_space<vmem>>) target_semaphore(%arg8 : memref<!tpu.dma_semaphore, #tpu.memory_space<semaphore_mem>>)
      } else {
      }
      %mul3A_256 = arith.constant 16 : i32
      %mul3A_257 = arith.muli %scan3A_71, %mul3A_256 : i32
      %add3A_258 = arith.constant 5 : i32
      %add3A_259 = arith.addi %mul3A_257, %add3A_258 : i32
      %add3A_260 = arith.addi %add3A_4, %add3A_259 : i32
      %dma_wait3A_261 = arith.constant 1 : i32
      %dma_wait3A_262 = arith.constant 0 : i32
      %dma_wait3A_263 = tpu.memref_slice %arg6[%dma_wait3A_261, %dma_wait3A_262] : memref<4x4096xf32, #tpu.memory_space<vmem>> -> memref<1x4096xf32, #tpu.memory_space<vmem>>
      %dma_wait3A_264 = tpu.memref_squeeze %dma_wait3A_263 : memref<1x4096xf32, #tpu.memory_space<vmem>> -> memref<4096xf32, #tpu.memory_space<vmem>>
      %dma_wait3A_265 = arith.constant 0 : i32
      %dma_wait3A_266 = tpu.memref_slice %arg2[%add3A_260, %dma_wait3A_265] : memref<4096x4096xf32, #tpu.memory_space<hbm>> -> memref<1x4096xf32, #tpu.memory_space<hbm>>
      %dma_wait3A_267 = tpu.memref_squeeze %dma_wait3A_266 : memref<1x4096xf32, #tpu.memory_space<hbm>> -> memref<4096xf32, #tpu.memory_space<hbm>>
      %dma_wait3A_268 = arith.constant 0 : i32
      %dma_wait3A_269 = tpu.memref_slice %arg6[%dma_wait3A_261, %dma_wait3A_268] : memref<4x4096xf32, #tpu.memory_space<vmem>> -> memref<1x4096xf32, #tpu.memory_space<vmem>>
      %dma_wait3A_270 = tpu.memref_squeeze %dma_wait3A_269 : memref<1x4096xf32, #tpu.memory_space<vmem>> -> memref<4096xf32, #tpu.memory_space<vmem>>
      %dma_wait3A_271 = arith.constant 0 : i32
      %dma_wait3A_272 = tpu.memref_slice %arg2[%add3A_260, %dma_wait3A_271] : memref<4096x4096xf32, #tpu.memory_space<hbm>> -> memref<1x4096xf32, #tpu.memory_space<hbm>>
      %dma_wait3A_273 = tpu.memref_squeeze %dma_wait3A_272 : memref<1x4096xf32, #tpu.memory_space<hbm>> -> memref<4096xf32, #tpu.memory_space<hbm>>
      tpu.wait_dma2 semaphore(%arg9 : memref<!tpu.dma_semaphore, #tpu.memory_space<semaphore_mem>>) src(%dma_wait3A_273 : memref<4096xf32, #tpu.memory_space<hbm>>) dst(%dma_wait3A_270 : memref<4096xf32, #tpu.memory_space<vmem>>)
      %broadcast_in_dim3A_274 = arith.constant 0.000000e+00 : f32
      %broadcast_in_dim3A_275 = vector.broadcast %broadcast_in_dim3A_274 : f32 to vector<16xf32>
      %scan3A_276 = arith.constant 0 : i32
      %scan3A_277 = arith.constant 256 : i32
      %scan3A_278 = arith.addi %scan3A_276, %scan3A_277 : i32
      %scan3A_279 = arith.constant 8 : i32
      %scan3A_280 = scf.for %scan3A_674 = %scan3A_276 to %scan3A_278 step %scan3A_279 iter_args(%scan3A_675 = %broadcast_in_dim3A_275) -> (vector<16xf32>)  : i32 {
        %mul3A_676 = arith.constant 16 : i32
        %mul3A_677 = arith.muli %scan3A_674, %mul3A_676 : i32
        %get3A = arith.constant 1 : i32
        %get3A_678 = arith.index_cast %get3A : i32 to index
        %get3A_679 = arith.index_cast %mul3A_677 : i32 to index
        %get3A_680 = tpu.vector_load %arg6[%get3A_678, %get3A_679] {strides = array<i32>} : memref<4x4096xf32, #tpu.memory_space<vmem>>, vector<1x16xf32>,
        %get3A_681 = vector.shape_cast %get3A_680 : vector<1x16xf32> to vector<16xf32>
        %get3A_682 = arith.index_cast %mul3A_677 : i32 to index
        %get3A_683 = tpu.vector_load %arg5[%get3A_682] {strides = array<i32>} : memref<4096xf32, #tpu.memory_space<vmem>>, vector<16xf32>,
        %get3A_684 = vector.shape_cast %get3A_683 : vector<16xf32> to vector<16xf32>
        %mul3A_685 = arith.mulf %get3A_681, %get3A_684 : vector<16xf32>
        %add3A_686 = arith.addf %scan3A_675, %mul3A_685 : vector<16xf32>
        %scan3A_687 = arith.constant 1 : i32
        %scan3A_688 = arith.addi %scan3A_674, %scan3A_687 : i32
        %mul3A_689 = arith.constant 16 : i32
        %mul3A_690 = arith.muli %scan3A_688, %mul3A_689 : i32
        %get3A_691 = arith.constant 1 : i32
        %get3A_692 = arith.index_cast %get3A_691 : i32 to index
        %get3A_693 = arith.index_cast %mul3A_690 : i32 to index
        %get3A_694 = tpu.vector_load %arg6[%get3A_692, %get3A_693] {strides = array<i32>} : memref<4x4096xf32, #tpu.memory_space<vmem>>, vector<1x16xf32>,
        %get3A_695 = vector.shape_cast %get3A_694 : vector<1x16xf32> to vector<16xf32>
        %get3A_696 = arith.index_cast %mul3A_690 : i32 to index
        %get3A_697 = tpu.vector_load %arg5[%get3A_696] {strides = array<i32>} : memref<4096xf32, #tpu.memory_space<vmem>>, vector<16xf32>,
        %get3A_698 = vector.shape_cast %get3A_697 : vector<16xf32> to vector<16xf32>
        %mul3A_699 = arith.mulf %get3A_695, %get3A_698 : vector<16xf32>
        %add3A_700 = arith.addf %add3A_686, %mul3A_699 : vector<16xf32>
        %scan3A_701 = arith.constant 2 : i32
        %scan3A_702 = arith.addi %scan3A_674, %scan3A_701 : i32
        %mul3A_703 = arith.constant 16 : i32
        %mul3A_704 = arith.muli %scan3A_702, %mul3A_703 : i32
        %get3A_705 = arith.constant 1 : i32
        %get3A_706 = arith.index_cast %get3A_705 : i32 to index
        %get3A_707 = arith.index_cast %mul3A_704 : i32 to index
        %get3A_708 = tpu.vector_load %arg6[%get3A_706, %get3A_707] {strides = array<i32>} : memref<4x4096xf32, #tpu.memory_space<vmem>>, vector<1x16xf32>,
        %get3A_709 = vector.shape_cast %get3A_708 : vector<1x16xf32> to vector<16xf32>
        %get3A_710 = arith.index_cast %mul3A_704 : i32 to index
        %get3A_711 = tpu.vector_load %arg5[%get3A_710] {strides = array<i32>} : memref<4096xf32, #tpu.memory_space<vmem>>, vector<16xf32>,
        %get3A_712 = vector.shape_cast %get3A_711 : vector<16xf32> to vector<16xf32>
        %mul3A_713 = arith.mulf %get3A_709, %get3A_712 : vector<16xf32>
        %add3A_714 = arith.addf %add3A_700, %mul3A_713 : vector<16xf32>
        %scan3A_715 = arith.constant 3 : i32
        %scan3A_716 = arith.addi %scan3A_674, %scan3A_715 : i32
        %mul3A_717 = arith.constant 16 : i32
        %mul3A_718 = arith.muli %scan3A_716, %mul3A_717 : i32
        %get3A_719 = arith.constant 1 : i32
        %get3A_720 = arith.index_cast %get3A_719 : i32 to index
        %get3A_721 = arith.index_cast %mul3A_718 : i32 to index
        %get3A_722 = tpu.vector_load %arg6[%get3A_720, %get3A_721] {strides = array<i32>} : memref<4x4096xf32, #tpu.memory_space<vmem>>, vector<1x16xf32>,
        %get3A_723 = vector.shape_cast %get3A_722 : vector<1x16xf32> to vector<16xf32>
        %get3A_724 = arith.index_cast %mul3A_718 : i32 to index
        %get3A_725 = tpu.vector_load %arg5[%get3A_724] {strides = array<i32>} : memref<4096xf32, #tpu.memory_space<vmem>>, vector<16xf32>,
        %get3A_726 = vector.shape_cast %get3A_725 : vector<16xf32> to vector<16xf32>
        %mul3A_727 = arith.mulf %get3A_723, %get3A_726 : vector<16xf32>
        %add3A_728 = arith.addf %add3A_714, %mul3A_727 : vector<16xf32>
        %scan3A_729 = arith.constant 4 : i32
        %scan3A_730 = arith.addi %scan3A_674, %scan3A_729 : i32
        %mul3A_731 = arith.constant 16 : i32
        %mul3A_732 = arith.muli %scan3A_730, %mul3A_731 : i32
        %get3A_733 = arith.constant 1 : i32
        %get3A_734 = arith.index_cast %get3A_733 : i32 to index
        %get3A_735 = arith.index_cast %mul3A_732 : i32 to index
        %get3A_736 = tpu.vector_load %arg6[%get3A_734, %get3A_735] {strides = array<i32>} : memref<4x4096xf32, #tpu.memory_space<vmem>>, vector<1x16xf32>,
        %get3A_737 = vector.shape_cast %get3A_736 : vector<1x16xf32> to vector<16xf32>
        %get3A_738 = arith.index_cast %mul3A_732 : i32 to index
        %get3A_739 = tpu.vector_load %arg5[%get3A_738] {strides = array<i32>} : memref<4096xf32, #tpu.memory_space<vmem>>, vector<16xf32>,
        %get3A_740 = vector.shape_cast %get3A_739 : vector<16xf32> to vector<16xf32>
        %mul3A_741 = arith.mulf %get3A_737, %get3A_740 : vector<16xf32>
        %add3A_742 = arith.addf %add3A_728, %mul3A_741 : vector<16xf32>
        %scan3A_743 = arith.constant 5 : i32
        %scan3A_744 = arith.addi %scan3A_674, %scan3A_743 : i32
        %mul3A_745 = arith.constant 16 : i32
        %mul3A_746 = arith.muli %scan3A_744, %mul3A_745 : i32
        %get3A_747 = arith.constant 1 : i32
        %get3A_748 = arith.index_cast %get3A_747 : i32 to index
        %get3A_749 = arith.index_cast %mul3A_746 : i32 to index
        %get3A_750 = tpu.vector_load %arg6[%get3A_748, %get3A_749] {strides = array<i32>} : memref<4x4096xf32, #tpu.memory_space<vmem>>, vector<1x16xf32>,
        %get3A_751 = vector.shape_cast %get3A_750 : vector<1x16xf32> to vector<16xf32>
        %get3A_752 = arith.index_cast %mul3A_746 : i32 to index
        %get3A_753 = tpu.vector_load %arg5[%get3A_752] {strides = array<i32>} : memref<4096xf32, #tpu.memory_space<vmem>>, vector<16xf32>,
        %get3A_754 = vector.shape_cast %get3A_753 : vector<16xf32> to vector<16xf32>
        %mul3A_755 = arith.mulf %get3A_751, %get3A_754 : vector<16xf32>
        %add3A_756 = arith.addf %add3A_742, %mul3A_755 : vector<16xf32>
        %scan3A_757 = arith.constant 6 : i32
        %scan3A_758 = arith.addi %scan3A_674, %scan3A_757 : i32
        %mul3A_759 = arith.constant 16 : i32
        %mul3A_760 = arith.muli %scan3A_758, %mul3A_759 : i32
        %get3A_761 = arith.constant 1 : i32
        %get3A_762 = arith.index_cast %get3A_761 : i32 to index
        %get3A_763 = arith.index_cast %mul3A_760 : i32 to index
        %get3A_764 = tpu.vector_load %arg6[%get3A_762, %get3A_763] {strides = array<i32>} : memref<4x4096xf32, #tpu.memory_space<vmem>>, vector<1x16xf32>,
        %get3A_765 = vector.shape_cast %get3A_764 : vector<1x16xf32> to vector<16xf32>
        %get3A_766 = arith.index_cast %mul3A_760 : i32 to index
        %get3A_767 = tpu.vector_load %arg5[%get3A_766] {strides = array<i32>} : memref<4096xf32, #tpu.memory_space<vmem>>, vector<16xf32>,
        %get3A_768 = vector.shape_cast %get3A_767 : vector<16xf32> to vector<16xf32>
        %mul3A_769 = arith.mulf %get3A_765, %get3A_768 : vector<16xf32>
        %add3A_770 = arith.addf %add3A_756, %mul3A_769 : vector<16xf32>
        %scan3A_771 = arith.constant 7 : i32
        %scan3A_772 = arith.addi %scan3A_674, %scan3A_771 : i32
        %mul3A_773 = arith.constant 16 : i32
        %mul3A_774 = arith.muli %scan3A_772, %mul3A_773 : i32
        %get3A_775 = arith.constant 1 : i32
        %get3A_776 = arith.index_cast %get3A_775 : i32 to index
        %get3A_777 = arith.index_cast %mul3A_774 : i32 to index
        %get3A_778 = tpu.vector_load %arg6[%get3A_776, %get3A_777] {strides = array<i32>} : memref<4x4096xf32, #tpu.memory_space<vmem>>, vector<1x16xf32>,
        %get3A_779 = vector.shape_cast %get3A_778 : vector<1x16xf32> to vector<16xf32>
        %get3A_780 = arith.index_cast %mul3A_774 : i32 to index
        %get3A_781 = tpu.vector_load %arg5[%get3A_780] {strides = array<i32>} : memref<4096xf32, #tpu.memory_space<vmem>>, vector<16xf32>,
        %get3A_782 = vector.shape_cast %get3A_781 : vector<16xf32> to vector<16xf32>
        %mul3A_783 = arith.mulf %get3A_779, %get3A_782 : vector<16xf32>
        %add3A_784 = arith.addf %add3A_770, %mul3A_783 : vector<16xf32>
        scf.yield %add3A_784 : vector<16xf32>
      }
      %scan3A_281 = arith.constant 256 : i32
      %swap3A_282 = arith.index_cast %add3A_259 : i32 to index
      %swap3A_283 = arith.constant 0 : index
      %swap3A_284 = tpu.vector_load %arg7[%swap3A_282, %swap3A_283] {strides = array<i32>} : memref<32x16xf32, #tpu.memory_space<vmem>>, vector<1x16xf32>,
      %swap3A_285 = vector.shape_cast %swap3A_284 : vector<1x16xf32> to vector<16xf32>
      %swap3A_286 = vector.shape_cast %scan3A_280 : vector<16xf32> to vector<1x16xf32>
      tpu.vector_store %arg7[%swap3A_282, %swap3A_283], %swap3A_286 {strides = array<i32>} : memref<32x16xf32, #tpu.memory_space<vmem>>, vector<1x16xf32>,
      %add3A_287 = arith.constant 4 : i32
      %add3A_288 = arith.addi %add3A_259, %add3A_287 : i32
      %lt3A_289 = arith.constant 32 : i32
      %lt3A_290 = arith.cmpi slt, %add3A_288, %lt3A_289 : i32
      %convert_element_type3A_291 = arith.extui %lt3A_290 : i1 to i32
      %cond3A_292 = arith.constant 0 : i32
      %cond3A_293 = arith.cmpi ne, %convert_element_type3A_291, %cond3A_292 : i32
      scf.if %cond3A_293 {
        %add3A_674 = arith.addi %add3A_4, %add3A_259 : i32
        %add3A_675 = arith.constant 4 : i32
        %add3A_676 = arith.addi %add3A_674, %add3A_675 : i32
        %dma_start3A_677 = arith.constant 1 : i32
        %dma_start3A_678 = arith.constant 0 : i32
        %dma_start3A_679 = tpu.memref_slice %arg6[%dma_start3A_677, %dma_start3A_678] : memref<4x4096xf32, #tpu.memory_space<vmem>> -> memref<1x4096xf32, #tpu.memory_space<vmem>>
        %dma_start3A_680 = tpu.memref_squeeze %dma_start3A_679 : memref<1x4096xf32, #tpu.memory_space<vmem>> -> memref<4096xf32, #tpu.memory_space<vmem>>
        %dma_start3A_681 = arith.constant 0 : i32
        %dma_start3A_682 = tpu.memref_slice %arg2[%add3A_676, %dma_start3A_681] : memref<4096x4096xf32, #tpu.memory_space<hbm>> -> memref<1x4096xf32, #tpu.memory_space<hbm>>
        %dma_start3A_683 = tpu.memref_squeeze %dma_start3A_682 : memref<1x4096xf32, #tpu.memory_space<hbm>> -> memref<4096xf32, #tpu.memory_space<hbm>>
        %dma_start3A_684 = arith.constant 0 : i32
        %dma_start3A_685 = tpu.memref_slice %arg6[%dma_start3A_677, %dma_start3A_684] : memref<4x4096xf32, #tpu.memory_space<vmem>> -> memref<1x4096xf32, #tpu.memory_space<vmem>>
        %dma_start3A_686 = tpu.memref_squeeze %dma_start3A_685 : memref<1x4096xf32, #tpu.memory_space<vmem>> -> memref<4096xf32, #tpu.memory_space<vmem>>
        %dma_start3A_687 = arith.constant 0 : i32
        %dma_start3A_688 = tpu.memref_slice %arg2[%add3A_676, %dma_start3A_687] : memref<4096x4096xf32, #tpu.memory_space<hbm>> -> memref<1x4096xf32, #tpu.memory_space<hbm>>
        %dma_start3A_689 = tpu.memref_squeeze %dma_start3A_688 : memref<1x4096xf32, #tpu.memory_space<hbm>> -> memref<4096xf32, #tpu.memory_space<hbm>>
        tpu.enqueue_dma source(%dma_start3A_689 : memref<4096xf32, #tpu.memory_space<hbm>>) target(%dma_start3A_686 : memref<4096xf32, #tpu.memory_space<vmem>>) target_semaphore(%arg9 : memref<!tpu.dma_semaphore, #tpu.memory_space<semaphore_mem>>)
      } else {
      }
      %mul3A_294 = arith.constant 16 : i32
      %mul3A_295 = arith.muli %scan3A_71, %mul3A_294 : i32
      %add3A_296 = arith.constant 6 : i32
      %add3A_297 = arith.addi %mul3A_295, %add3A_296 : i32
      %add3A_298 = arith.addi %add3A_4, %add3A_297 : i32
      %dma_wait3A_299 = arith.constant 2 : i32
      %dma_wait3A_300 = arith.constant 0 : i32
      %dma_wait3A_301 = tpu.memref_slice %arg6[%dma_wait3A_299, %dma_wait3A_300] : memref<4x4096xf32, #tpu.memory_space<vmem>> -> memref<1x4096xf32, #tpu.memory_space<vmem>>
      %dma_wait3A_302 = tpu.memref_squeeze %dma_wait3A_301 : memref<1x4096xf32, #tpu.memory_space<vmem>> -> memref<4096xf32, #tpu.memory_space<vmem>>
      %dma_wait3A_303 = arith.constant 0 : i32
      %dma_wait3A_304 = tpu.memref_slice %arg2[%add3A_298, %dma_wait3A_303] : memref<4096x4096xf32, #tpu.memory_space<hbm>> -> memref<1x4096xf32, #tpu.memory_space<hbm>>
      %dma_wait3A_305 = tpu.memref_squeeze %dma_wait3A_304 : memref<1x4096xf32, #tpu.memory_space<hbm>> -> memref<4096xf32, #tpu.memory_space<hbm>>
      %dma_wait3A_306 = arith.constant 0 : i32
      %dma_wait3A_307 = tpu.memref_slice %arg6[%dma_wait3A_299, %dma_wait3A_306] : memref<4x4096xf32, #tpu.memory_space<vmem>> -> memref<1x4096xf32, #tpu.memory_space<vmem>>
      %dma_wait3A_308 = tpu.memref_squeeze %dma_wait3A_307 : memref<1x4096xf32, #tpu.memory_space<vmem>> -> memref<4096xf32, #tpu.memory_space<vmem>>
      %dma_wait3A_309 = arith.constant 0 : i32
      %dma_wait3A_310 = tpu.memref_slice %arg2[%add3A_298, %dma_wait3A_309] : memref<4096x4096xf32, #tpu.memory_space<hbm>> -> memref<1x4096xf32, #tpu.memory_space<hbm>>
      %dma_wait3A_311 = tpu.memref_squeeze %dma_wait3A_310 : memref<1x4096xf32, #tpu.memory_space<hbm>> -> memref<4096xf32, #tpu.memory_space<hbm>>
      tpu.wait_dma2 semaphore(%arg10 : memref<!tpu.dma_semaphore, #tpu.memory_space<semaphore_mem>>) src(%dma_wait3A_311 : memref<4096xf32, #tpu.memory_space<hbm>>) dst(%dma_wait3A_308 : memref<4096xf32, #tpu.memory_space<vmem>>)
      %broadcast_in_dim3A_312 = arith.constant 0.000000e+00 : f32
      %broadcast_in_dim3A_313 = vector.broadcast %broadcast_in_dim3A_312 : f32 to vector<16xf32>
      %scan3A_314 = arith.constant 0 : i32
      %scan3A_315 = arith.constant 256 : i32
      %scan3A_316 = arith.addi %scan3A_314, %scan3A_315 : i32
      %scan3A_317 = arith.constant 8 : i32
      %scan3A_318 = scf.for %scan3A_674 = %scan3A_314 to %scan3A_316 step %scan3A_317 iter_args(%scan3A_675 = %broadcast_in_dim3A_313) -> (vector<16xf32>)  : i32 {
        %mul3A_676 = arith.constant 16 : i32
        %mul3A_677 = arith.muli %scan3A_674, %mul3A_676 : i32
        %get3A = arith.constant 2 : i32
        %get3A_678 = arith.index_cast %get3A : i32 to index
        %get3A_679 = arith.index_cast %mul3A_677 : i32 to index
        %get3A_680 = tpu.vector_load %arg6[%get3A_678, %get3A_679] {strides = array<i32>} : memref<4x4096xf32, #tpu.memory_space<vmem>>, vector<1x16xf32>,
        %get3A_681 = vector.shape_cast %get3A_680 : vector<1x16xf32> to vector<16xf32>
        %get3A_682 = arith.index_cast %mul3A_677 : i32 to index
        %get3A_683 = tpu.vector_load %arg5[%get3A_682] {strides = array<i32>} : memref<4096xf32, #tpu.memory_space<vmem>>, vector<16xf32>,
        %get3A_684 = vector.shape_cast %get3A_683 : vector<16xf32> to vector<16xf32>
        %mul3A_685 = arith.mulf %get3A_681, %get3A_684 : vector<16xf32>
        %add3A_686 = arith.addf %scan3A_675, %mul3A_685 : vector<16xf32>
        %scan3A_687 = arith.constant 1 : i32
        %scan3A_688 = arith.addi %scan3A_674, %scan3A_687 : i32
        %mul3A_689 = arith.constant 16 : i32
        %mul3A_690 = arith.muli %scan3A_688, %mul3A_689 : i32
        %get3A_691 = arith.constant 2 : i32
        %get3A_692 = arith.index_cast %get3A_691 : i32 to index
        %get3A_693 = arith.index_cast %mul3A_690 : i32 to index
        %get3A_694 = tpu.vector_load %arg6[%get3A_692, %get3A_693] {strides = array<i32>} : memref<4x4096xf32, #tpu.memory_space<vmem>>, vector<1x16xf32>,
        %get3A_695 = vector.shape_cast %get3A_694 : vector<1x16xf32> to vector<16xf32>
        %get3A_696 = arith.index_cast %mul3A_690 : i32 to index
        %get3A_697 = tpu.vector_load %arg5[%get3A_696] {strides = array<i32>} : memref<4096xf32, #tpu.memory_space<vmem>>, vector<16xf32>,
        %get3A_698 = vector.shape_cast %get3A_697 : vector<16xf32> to vector<16xf32>
        %mul3A_699 = arith.mulf %get3A_695, %get3A_698 : vector<16xf32>
        %add3A_700 = arith.addf %add3A_686, %mul3A_699 : vector<16xf32>
        %scan3A_701 = arith.constant 2 : i32
        %scan3A_702 = arith.addi %scan3A_674, %scan3A_701 : i32
        %mul3A_703 = arith.constant 16 : i32
        %mul3A_704 = arith.muli %scan3A_702, %mul3A_703 : i32
        %get3A_705 = arith.constant 2 : i32
        %get3A_706 = arith.index_cast %get3A_705 : i32 to index
        %get3A_707 = arith.index_cast %mul3A_704 : i32 to index
        %get3A_708 = tpu.vector_load %arg6[%get3A_706, %get3A_707] {strides = array<i32>} : memref<4x4096xf32, #tpu.memory_space<vmem>>, vector<1x16xf32>,
        %get3A_709 = vector.shape_cast %get3A_708 : vector<1x16xf32> to vector<16xf32>
        %get3A_710 = arith.index_cast %mul3A_704 : i32 to index
        %get3A_711 = tpu.vector_load %arg5[%get3A_710] {strides = array<i32>} : memref<4096xf32, #tpu.memory_space<vmem>>, vector<16xf32>,
        %get3A_712 = vector.shape_cast %get3A_711 : vector<16xf32> to vector<16xf32>
        %mul3A_713 = arith.mulf %get3A_709, %get3A_712 : vector<16xf32>
        %add3A_714 = arith.addf %add3A_700, %mul3A_713 : vector<16xf32>
        %scan3A_715 = arith.constant 3 : i32
        %scan3A_716 = arith.addi %scan3A_674, %scan3A_715 : i32
        %mul3A_717 = arith.constant 16 : i32
        %mul3A_718 = arith.muli %scan3A_716, %mul3A_717 : i32
        %get3A_719 = arith.constant 2 : i32
        %get3A_720 = arith.index_cast %get3A_719 : i32 to index
        %get3A_721 = arith.index_cast %mul3A_718 : i32 to index
        %get3A_722 = tpu.vector_load %arg6[%get3A_720, %get3A_721] {strides = array<i32>} : memref<4x4096xf32, #tpu.memory_space<vmem>>, vector<1x16xf32>,
        %get3A_723 = vector.shape_cast %get3A_722 : vector<1x16xf32> to vector<16xf32>
        %get3A_724 = arith.index_cast %mul3A_718 : i32 to index
        %get3A_725 = tpu.vector_load %arg5[%get3A_724] {strides = array<i32>} : memref<4096xf32, #tpu.memory_space<vmem>>, vector<16xf32>,
        %get3A_726 = vector.shape_cast %get3A_725 : vector<16xf32> to vector<16xf32>
        %mul3A_727 = arith.mulf %get3A_723, %get3A_726 : vector<16xf32>
        %add3A_728 = arith.addf %add3A_714, %mul3A_727 : vector<16xf32>
        %scan3A_729 = arith.constant 4 : i32
        %scan3A_730 = arith.addi %scan3A_674, %scan3A_729 : i32
        %mul3A_731 = arith.constant 16 : i32
        %mul3A_732 = arith.muli %scan3A_730, %mul3A_731 : i32
        %get3A_733 = arith.constant 2 : i32
        %get3A_734 = arith.index_cast %get3A_733 : i32 to index
        %get3A_735 = arith.index_cast %mul3A_732 : i32 to index
        %get3A_736 = tpu.vector_load %arg6[%get3A_734, %get3A_735] {strides = array<i32>} : memref<4x4096xf32, #tpu.memory_space<vmem>>, vector<1x16xf32>,
        %get3A_737 = vector.shape_cast %get3A_736 : vector<1x16xf32> to vector<16xf32>
        %get3A_738 = arith.index_cast %mul3A_732 : i32 to index
        %get3A_739 = tpu.vector_load %arg5[%get3A_738] {strides = array<i32>} : memref<4096xf32, #tpu.memory_space<vmem>>, vector<16xf32>,
        %get3A_740 = vector.shape_cast %get3A_739 : vector<16xf32> to vector<16xf32>
        %mul3A_741 = arith.mulf %get3A_737, %get3A_740 : vector<16xf32>
        %add3A_742 = arith.addf %add3A_728, %mul3A_741 : vector<16xf32>
        %scan3A_743 = arith.constant 5 : i32
        %scan3A_744 = arith.addi %scan3A_674, %scan3A_743 : i32
        %mul3A_745 = arith.constant 16 : i32
        %mul3A_746 = arith.muli %scan3A_744, %mul3A_745 : i32
        %get3A_747 = arith.constant 2 : i32
        %get3A_748 = arith.index_cast %get3A_747 : i32 to index
        %get3A_749 = arith.index_cast %mul3A_746 : i32 to index
        %get3A_750 = tpu.vector_load %arg6[%get3A_748, %get3A_749] {strides = array<i32>} : memref<4x4096xf32, #tpu.memory_space<vmem>>, vector<1x16xf32>,
        %get3A_751 = vector.shape_cast %get3A_750 : vector<1x16xf32> to vector<16xf32>
        %get3A_752 = arith.index_cast %mul3A_746 : i32 to index
        %get3A_753 = tpu.vector_load %arg5[%get3A_752] {strides = array<i32>} : memref<4096xf32, #tpu.memory_space<vmem>>, vector<16xf32>,
        %get3A_754 = vector.shape_cast %get3A_753 : vector<16xf32> to vector<16xf32>
        %mul3A_755 = arith.mulf %get3A_751, %get3A_754 : vector<16xf32>
        %add3A_756 = arith.addf %add3A_742, %mul3A_755 : vector<16xf32>
        %scan3A_757 = arith.constant 6 : i32
        %scan3A_758 = arith.addi %scan3A_674, %scan3A_757 : i32
        %mul3A_759 = arith.constant 16 : i32
        %mul3A_760 = arith.muli %scan3A_758, %mul3A_759 : i32
        %get3A_761 = arith.constant 2 : i32
        %get3A_762 = arith.index_cast %get3A_761 : i32 to index
        %get3A_763 = arith.index_cast %mul3A_760 : i32 to index
        %get3A_764 = tpu.vector_load %arg6[%get3A_762, %get3A_763] {strides = array<i32>} : memref<4x4096xf32, #tpu.memory_space<vmem>>, vector<1x16xf32>,
        %get3A_765 = vector.shape_cast %get3A_764 : vector<1x16xf32> to vector<16xf32>
        %get3A_766 = arith.index_cast %mul3A_760 : i32 to index
        %get3A_767 = tpu.vector_load %arg5[%get3A_766] {strides = array<i32>} : memref<4096xf32, #tpu.memory_space<vmem>>, vector<16xf32>,
        %get3A_768 = vector.shape_cast %get3A_767 : vector<16xf32> to vector<16xf32>
        %mul3A_769 = arith.mulf %get3A_765, %get3A_768 : vector<16xf32>
        %add3A_770 = arith.addf %add3A_756, %mul3A_769 : vector<16xf32>
        %scan3A_771 = arith.constant 7 : i32
        %scan3A_772 = arith.addi %scan3A_674, %scan3A_771 : i32
        %mul3A_773 = arith.constant 16 : i32
        %mul3A_774 = arith.muli %scan3A_772, %mul3A_773 : i32
        %get3A_775 = arith.constant 2 : i32
        %get3A_776 = arith.index_cast %get3A_775 : i32 to index
        %get3A_777 = arith.index_cast %mul3A_774 : i32 to index
        %get3A_778 = tpu.vector_load %arg6[%get3A_776, %get3A_777] {strides = array<i32>} : memref<4x4096xf32, #tpu.memory_space<vmem>>, vector<1x16xf32>,
        %get3A_779 = vector.shape_cast %get3A_778 : vector<1x16xf32> to vector<16xf32>
        %get3A_780 = arith.index_cast %mul3A_774 : i32 to index
        %get3A_781 = tpu.vector_load %arg5[%get3A_780] {strides = array<i32>} : memref<4096xf32, #tpu.memory_space<vmem>>, vector<16xf32>,
        %get3A_782 = vector.shape_cast %get3A_781 : vector<16xf32> to vector<16xf32>
        %mul3A_783 = arith.mulf %get3A_779, %get3A_782 : vector<16xf32>
        %add3A_784 = arith.addf %add3A_770, %mul3A_783 : vector<16xf32>
        scf.yield %add3A_784 : vector<16xf32>
      }
      %scan3A_319 = arith.constant 256 : i32
      %swap3A_320 = arith.index_cast %add3A_297 : i32 to index
      %swap3A_321 = arith.constant 0 : index
      %swap3A_322 = tpu.vector_load %arg7[%swap3A_320, %swap3A_321] {strides = array<i32>} : memref<32x16xf32, #tpu.memory_space<vmem>>, vector<1x16xf32>,
      %swap3A_323 = vector.shape_cast %swap3A_322 : vector<1x16xf32> to vector<16xf32>
      %swap3A_324 = vector.shape_cast %scan3A_318 : vector<16xf32> to vector<1x16xf32>
      tpu.vector_store %arg7[%swap3A_320, %swap3A_321], %swap3A_324 {strides = array<i32>} : memref<32x16xf32, #tpu.memory_space<vmem>>, vector<1x16xf32>,
      %add3A_325 = arith.constant 4 : i32
      %add3A_326 = arith.addi %add3A_297, %add3A_325 : i32
      %lt3A_327 = arith.constant 32 : i32
      %lt3A_328 = arith.cmpi slt, %add3A_326, %lt3A_327 : i32
      %convert_element_type3A_329 = arith.extui %lt3A_328 : i1 to i32
      %cond3A_330 = arith.constant 0 : i32
      %cond3A_331 = arith.cmpi ne, %convert_element_type3A_329, %cond3A_330 : i32
      scf.if %cond3A_331 {
        %add3A_674 = arith.addi %add3A_4, %add3A_297 : i32
        %add3A_675 = arith.constant 4 : i32
        %add3A_676 = arith.addi %add3A_674, %add3A_675 : i32
        %dma_start3A_677 = arith.constant 2 : i32
        %dma_start3A_678 = arith.constant 0 : i32
        %dma_start3A_679 = tpu.memref_slice %arg6[%dma_start3A_677, %dma_start3A_678] : memref<4x4096xf32, #tpu.memory_space<vmem>> -> memref<1x4096xf32, #tpu.memory_space<vmem>>
        %dma_start3A_680 = tpu.memref_squeeze %dma_start3A_679 : memref<1x4096xf32, #tpu.memory_space<vmem>> -> memref<4096xf32, #tpu.memory_space<vmem>>
        %dma_start3A_681 = arith.constant 0 : i32
        %dma_start3A_682 = tpu.memref_slice %arg2[%add3A_676, %dma_start3A_681] : memref<4096x4096xf32, #tpu.memory_space<hbm>> -> memref<1x4096xf32, #tpu.memory_space<hbm>>
        %dma_start3A_683 = tpu.memref_squeeze %dma_start3A_682 : memref<1x4096xf32, #tpu.memory_space<hbm>> -> memref<4096xf32, #tpu.memory_space<hbm>>
        %dma_start3A_684 = arith.constant 0 : i32
        %dma_start3A_685 = tpu.memref_slice %arg6[%dma_start3A_677, %dma_start3A_684] : memref<4x4096xf32, #tpu.memory_space<vmem>> -> memref<1x4096xf32, #tpu.memory_space<vmem>>
        %dma_start3A_686 = tpu.memref_squeeze %dma_start3A_685 : memref<1x4096xf32, #tpu.memory_space<vmem>> -> memref<4096xf32, #tpu.memory_space<vmem>>
        %dma_start3A_687 = arith.constant 0 : i32
        %dma_start3A_688 = tpu.memref_slice %arg2[%add3A_676, %dma_start3A_687] : memref<4096x4096xf32, #tpu.memory_space<hbm>> -> memref<1x4096xf32, #tpu.memory_space<hbm>>
        %dma_start3A_689 = tpu.memref_squeeze %dma_start3A_688 : memref<1x4096xf32, #tpu.memory_space<hbm>> -> memref<4096xf32, #tpu.memory_space<hbm>>
        tpu.enqueue_dma source(%dma_start3A_689 : memref<4096xf32, #tpu.memory_space<hbm>>) target(%dma_start3A_686 : memref<4096xf32, #tpu.memory_space<vmem>>) target_semaphore(%arg10 : memref<!tpu.dma_semaphore, #tpu.memory_space<semaphore_mem>>)
      } else {
      }
      %mul3A_332 = arith.constant 16 : i32
      %mul3A_333 = arith.muli %scan3A_71, %mul3A_332 : i32
      %add3A_334 = arith.constant 7 : i32
      %add3A_335 = arith.addi %mul3A_333, %add3A_334 : i32
      %add3A_336 = arith.addi %add3A_4, %add3A_335 : i32
      %dma_wait3A_337 = arith.constant 3 : i32
      %dma_wait3A_338 = arith.constant 0 : i32
      %dma_wait3A_339 = tpu.memref_slice %arg6[%dma_wait3A_337, %dma_wait3A_338] : memref<4x4096xf32, #tpu.memory_space<vmem>> -> memref<1x4096xf32, #tpu.memory_space<vmem>>
      %dma_wait3A_340 = tpu.memref_squeeze %dma_wait3A_339 : memref<1x4096xf32, #tpu.memory_space<vmem>> -> memref<4096xf32, #tpu.memory_space<vmem>>
      %dma_wait3A_341 = arith.constant 0 : i32
      %dma_wait3A_342 = tpu.memref_slice %arg2[%add3A_336, %dma_wait3A_341] : memref<4096x4096xf32, #tpu.memory_space<hbm>> -> memref<1x4096xf32, #tpu.memory_space<hbm>>
      %dma_wait3A_343 = tpu.memref_squeeze %dma_wait3A_342 : memref<1x4096xf32, #tpu.memory_space<hbm>> -> memref<4096xf32, #tpu.memory_space<hbm>>
      %dma_wait3A_344 = arith.constant 0 : i32
      %dma_wait3A_345 = tpu.memref_slice %arg6[%dma_wait3A_337, %dma_wait3A_344] : memref<4x4096xf32, #tpu.memory_space<vmem>> -> memref<1x4096xf32, #tpu.memory_space<vmem>>
      %dma_wait3A_346 = tpu.memref_squeeze %dma_wait3A_345 : memref<1x4096xf32, #tpu.memory_space<vmem>> -> memref<4096xf32, #tpu.memory_space<vmem>>
      %dma_wait3A_347 = arith.constant 0 : i32
      %dma_wait3A_348 = tpu.memref_slice %arg2[%add3A_336, %dma_wait3A_347] : memref<4096x4096xf32, #tpu.memory_space<hbm>> -> memref<1x4096xf32, #tpu.memory_space<hbm>>
      %dma_wait3A_349 = tpu.memref_squeeze %dma_wait3A_348 : memref<1x4096xf32, #tpu.memory_space<hbm>> -> memref<4096xf32, #tpu.memory_space<hbm>>
      tpu.wait_dma2 semaphore(%arg11 : memref<!tpu.dma_semaphore, #tpu.memory_space<semaphore_mem>>) src(%dma_wait3A_349 : memref<4096xf32, #tpu.memory_space<hbm>>) dst(%dma_wait3A_346 : memref<4096xf32, #tpu.memory_space<vmem>>)
      %broadcast_in_dim3A_350 = arith.constant 0.000000e+00 : f32
      %broadcast_in_dim3A_351 = vector.broadcast %broadcast_in_dim3A_350 : f32 to vector<16xf32>
      %scan3A_352 = arith.constant 0 : i32
      %scan3A_353 = arith.constant 256 : i32
      %scan3A_354 = arith.addi %scan3A_352, %scan3A_353 : i32
      %scan3A_355 = arith.constant 8 : i32
      %scan3A_356 = scf.for %scan3A_674 = %scan3A_352 to %scan3A_354 step %scan3A_355 iter_args(%scan3A_675 = %broadcast_in_dim3A_351) -> (vector<16xf32>)  : i32 {
        %mul3A_676 = arith.constant 16 : i32
        %mul3A_677 = arith.muli %scan3A_674, %mul3A_676 : i32
        %get3A = arith.constant 3 : i32
        %get3A_678 = arith.index_cast %get3A : i32 to index
        %get3A_679 = arith.index_cast %mul3A_677 : i32 to index
        %get3A_680 = tpu.vector_load %arg6[%get3A_678, %get3A_679] {strides = array<i32>} : memref<4x4096xf32, #tpu.memory_space<vmem>>, vector<1x16xf32>,
        %get3A_681 = vector.shape_cast %get3A_680 : vector<1x16xf32> to vector<16xf32>
        %get3A_682 = arith.index_cast %mul3A_677 : i32 to index
        %get3A_683 = tpu.vector_load %arg5[%get3A_682] {strides = array<i32>} : memref<4096xf32, #tpu.memory_space<vmem>>, vector<16xf32>,
        %get3A_684 = vector.shape_cast %get3A_683 : vector<16xf32> to vector<16xf32>
        %mul3A_685 = arith.mulf %get3A_681, %get3A_684 : vector<16xf32>
        %add3A_686 = arith.addf %scan3A_675, %mul3A_685 : vector<16xf32>
        %scan3A_687 = arith.constant 1 : i32
        %scan3A_688 = arith.addi %scan3A_674, %scan3A_687 : i32
        %mul3A_689 = arith.constant 16 : i32
        %mul3A_690 = arith.muli %scan3A_688, %mul3A_689 : i32
        %get3A_691 = arith.constant 3 : i32
        %get3A_692 = arith.index_cast %get3A_691 : i32 to index
        %get3A_693 = arith.index_cast %mul3A_690 : i32 to index
        %get3A_694 = tpu.vector_load %arg6[%get3A_692, %get3A_693] {strides = array<i32>} : memref<4x4096xf32, #tpu.memory_space<vmem>>, vector<1x16xf32>,
        %get3A_695 = vector.shape_cast %get3A_694 : vector<1x16xf32> to vector<16xf32>
        %get3A_696 = arith.index_cast %mul3A_690 : i32 to index
        %get3A_697 = tpu.vector_load %arg5[%get3A_696] {strides = array<i32>} : memref<4096xf32, #tpu.memory_space<vmem>>, vector<16xf32>,
        %get3A_698 = vector.shape_cast %get3A_697 : vector<16xf32> to vector<16xf32>
        %mul3A_699 = arith.mulf %get3A_695, %get3A_698 : vector<16xf32>
        %add3A_700 = arith.addf %add3A_686, %mul3A_699 : vector<16xf32>
        %scan3A_701 = arith.constant 2 : i32
        %scan3A_702 = arith.addi %scan3A_674, %scan3A_701 : i32
        %mul3A_703 = arith.constant 16 : i32
        %mul3A_704 = arith.muli %scan3A_702, %mul3A_703 : i32
        %get3A_705 = arith.constant 3 : i32
        %get3A_706 = arith.index_cast %get3A_705 : i32 to index
        %get3A_707 = arith.index_cast %mul3A_704 : i32 to index
        %get3A_708 = tpu.vector_load %arg6[%get3A_706, %get3A_707] {strides = array<i32>} : memref<4x4096xf32, #tpu.memory_space<vmem>>, vector<1x16xf32>,
        %get3A_709 = vector.shape_cast %get3A_708 : vector<1x16xf32> to vector<16xf32>
        %get3A_710 = arith.index_cast %mul3A_704 : i32 to index
        %get3A_711 = tpu.vector_load %arg5[%get3A_710] {strides = array<i32>} : memref<4096xf32, #tpu.memory_space<vmem>>, vector<16xf32>,
        %get3A_712 = vector.shape_cast %get3A_711 : vector<16xf32> to vector<16xf32>
        %mul3A_713 = arith.mulf %get3A_709, %get3A_712 : vector<16xf32>
        %add3A_714 = arith.addf %add3A_700, %mul3A_713 : vector<16xf32>
        %scan3A_715 = arith.constant 3 : i32
        %scan3A_716 = arith.addi %scan3A_674, %scan3A_715 : i32
        %mul3A_717 = arith.constant 16 : i32
        %mul3A_718 = arith.muli %scan3A_716, %mul3A_717 : i32
        %get3A_719 = arith.constant 3 : i32
        %get3A_720 = arith.index_cast %get3A_719 : i32 to index
        %get3A_721 = arith.index_cast %mul3A_718 : i32 to index
        %get3A_722 = tpu.vector_load %arg6[%get3A_720, %get3A_721] {strides = array<i32>} : memref<4x4096xf32, #tpu.memory_space<vmem>>, vector<1x16xf32>,
        %get3A_723 = vector.shape_cast %get3A_722 : vector<1x16xf32> to vector<16xf32>
        %get3A_724 = arith.index_cast %mul3A_718 : i32 to index
        %get3A_725 = tpu.vector_load %arg5[%get3A_724] {strides = array<i32>} : memref<4096xf32, #tpu.memory_space<vmem>>, vector<16xf32>,
        %get3A_726 = vector.shape_cast %get3A_725 : vector<16xf32> to vector<16xf32>
        %mul3A_727 = arith.mulf %get3A_723, %get3A_726 : vector<16xf32>
        %add3A_728 = arith.addf %add3A_714, %mul3A_727 : vector<16xf32>
        %scan3A_729 = arith.constant 4 : i32
        %scan3A_730 = arith.addi %scan3A_674, %scan3A_729 : i32
        %mul3A_731 = arith.constant 16 : i32
        %mul3A_732 = arith.muli %scan3A_730, %mul3A_731 : i32
        %get3A_733 = arith.constant 3 : i32
        %get3A_734 = arith.index_cast %get3A_733 : i32 to index
        %get3A_735 = arith.index_cast %mul3A_732 : i32 to index
        %get3A_736 = tpu.vector_load %arg6[%get3A_734, %get3A_735] {strides = array<i32>} : memref<4x4096xf32, #tpu.memory_space<vmem>>, vector<1x16xf32>,
        %get3A_737 = vector.shape_cast %get3A_736 : vector<1x16xf32> to vector<16xf32>
        %get3A_738 = arith.index_cast %mul3A_732 : i32 to index
        %get3A_739 = tpu.vector_load %arg5[%get3A_738] {strides = array<i32>} : memref<4096xf32, #tpu.memory_space<vmem>>, vector<16xf32>,
        %get3A_740 = vector.shape_cast %get3A_739 : vector<16xf32> to vector<16xf32>
        %mul3A_741 = arith.mulf %get3A_737, %get3A_740 : vector<16xf32>
        %add3A_742 = arith.addf %add3A_728, %mul3A_741 : vector<16xf32>
        %scan3A_743 = arith.constant 5 : i32
        %scan3A_744 = arith.addi %scan3A_674, %scan3A_743 : i32
        %mul3A_745 = arith.constant 16 : i32
        %mul3A_746 = arith.muli %scan3A_744, %mul3A_745 : i32
        %get3A_747 = arith.constant 3 : i32
        %get3A_748 = arith.index_cast %get3A_747 : i32 to index
        %get3A_749 = arith.index_cast %mul3A_746 : i32 to index
        %get3A_750 = tpu.vector_load %arg6[%get3A_748, %get3A_749] {strides = array<i32>} : memref<4x4096xf32, #tpu.memory_space<vmem>>, vector<1x16xf32>,
        %get3A_751 = vector.shape_cast %get3A_750 : vector<1x16xf32> to vector<16xf32>
        %get3A_752 = arith.index_cast %mul3A_746 : i32 to index
        %get3A_753 = tpu.vector_load %arg5[%get3A_752] {strides = array<i32>} : memref<4096xf32, #tpu.memory_space<vmem>>, vector<16xf32>,
        %get3A_754 = vector.shape_cast %get3A_753 : vector<16xf32> to vector<16xf32>
        %mul3A_755 = arith.mulf %get3A_751, %get3A_754 : vector<16xf32>
        %add3A_756 = arith.addf %add3A_742, %mul3A_755 : vector<16xf32>
        %scan3A_757 = arith.constant 6 : i32
        %scan3A_758 = arith.addi %scan3A_674, %scan3A_757 : i32
        %mul3A_759 = arith.constant 16 : i32
        %mul3A_760 = arith.muli %scan3A_758, %mul3A_759 : i32
        %get3A_761 = arith.constant 3 : i32
        %get3A_762 = arith.index_cast %get3A_761 : i32 to index
        %get3A_763 = arith.index_cast %mul3A_760 : i32 to index
        %get3A_764 = tpu.vector_load %arg6[%get3A_762, %get3A_763] {strides = array<i32>} : memref<4x4096xf32, #tpu.memory_space<vmem>>, vector<1x16xf32>,
        %get3A_765 = vector.shape_cast %get3A_764 : vector<1x16xf32> to vector<16xf32>
        %get3A_766 = arith.index_cast %mul3A_760 : i32 to index
        %get3A_767 = tpu.vector_load %arg5[%get3A_766] {strides = array<i32>} : memref<4096xf32, #tpu.memory_space<vmem>>, vector<16xf32>,
        %get3A_768 = vector.shape_cast %get3A_767 : vector<16xf32> to vector<16xf32>
        %mul3A_769 = arith.mulf %get3A_765, %get3A_768 : vector<16xf32>
        %add3A_770 = arith.addf %add3A_756, %mul3A_769 : vector<16xf32>
        %scan3A_771 = arith.constant 7 : i32
        %scan3A_772 = arith.addi %scan3A_674, %scan3A_771 : i32
        %mul3A_773 = arith.constant 16 : i32
        %mul3A_774 = arith.muli %scan3A_772, %mul3A_773 : i32
        %get3A_775 = arith.constant 3 : i32
        %get3A_776 = arith.index_cast %get3A_775 : i32 to index
        %get3A_777 = arith.index_cast %mul3A_774 : i32 to index
        %get3A_778 = tpu.vector_load %arg6[%get3A_776, %get3A_777] {strides = array<i32>} : memref<4x4096xf32, #tpu.memory_space<vmem>>, vector<1x16xf32>,
        %get3A_779 = vector.shape_cast %get3A_778 : vector<1x16xf32> to vector<16xf32>
        %get3A_780 = arith.index_cast %mul3A_774 : i32 to index
        %get3A_781 = tpu.vector_load %arg5[%get3A_780] {strides = array<i32>} : memref<4096xf32, #tpu.memory_space<vmem>>, vector<16xf32>,
        %get3A_782 = vector.shape_cast %get3A_781 : vector<16xf32> to vector<16xf32>
        %mul3A_783 = arith.mulf %get3A_779, %get3A_782 : vector<16xf32>
        %add3A_784 = arith.addf %add3A_770, %mul3A_783 : vector<16xf32>
        scf.yield %add3A_784 : vector<16xf32>
      }
      %scan3A_357 = arith.constant 256 : i32
      %swap3A_358 = arith.index_cast %add3A_335 : i32 to index
      %swap3A_359 = arith.constant 0 : index
      %swap3A_360 = tpu.vector_load %arg7[%swap3A_358, %swap3A_359] {strides = array<i32>} : memref<32x16xf32, #tpu.memory_space<vmem>>, vector<1x16xf32>,
      %swap3A_361 = vector.shape_cast %swap3A_360 : vector<1x16xf32> to vector<16xf32>
      %swap3A_362 = vector.shape_cast %scan3A_356 : vector<16xf32> to vector<1x16xf32>
      tpu.vector_store %arg7[%swap3A_358, %swap3A_359], %swap3A_362 {strides = array<i32>} : memref<32x16xf32, #tpu.memory_space<vmem>>, vector<1x16xf32>,
      %add3A_363 = arith.constant 4 : i32
      %add3A_364 = arith.addi %add3A_335, %add3A_363 : i32
      %lt3A_365 = arith.constant 32 : i32
      %lt3A_366 = arith.cmpi slt, %add3A_364, %lt3A_365 : i32
      %convert_element_type3A_367 = arith.extui %lt3A_366 : i1 to i32
      %cond3A_368 = arith.constant 0 : i32
      %cond3A_369 = arith.cmpi ne, %convert_element_type3A_367, %cond3A_368 : i32
      scf.if %cond3A_369 {
        %add3A_674 = arith.addi %add3A_4, %add3A_335 : i32
        %add3A_675 = arith.constant 4 : i32
        %add3A_676 = arith.addi %add3A_674, %add3A_675 : i32
        %dma_start3A_677 = arith.constant 3 : i32
        %dma_start3A_678 = arith.constant 0 : i32
        %dma_start3A_679 = tpu.memref_slice %arg6[%dma_start3A_677, %dma_start3A_678] : memref<4x4096xf32, #tpu.memory_space<vmem>> -> memref<1x4096xf32, #tpu.memory_space<vmem>>
        %dma_start3A_680 = tpu.memref_squeeze %dma_start3A_679 : memref<1x4096xf32, #tpu.memory_space<vmem>> -> memref<4096xf32, #tpu.memory_space<vmem>>
        %dma_start3A_681 = arith.constant 0 : i32
        %dma_start3A_682 = tpu.memref_slice %arg2[%add3A_676, %dma_start3A_681] : memref<4096x4096xf32, #tpu.memory_space<hbm>> -> memref<1x4096xf32, #tpu.memory_space<hbm>>
        %dma_start3A_683 = tpu.memref_squeeze %dma_start3A_682 : memref<1x4096xf32, #tpu.memory_space<hbm>> -> memref<4096xf32, #tpu.memory_space<hbm>>
        %dma_start3A_684 = arith.constant 0 : i32
        %dma_start3A_685 = tpu.memref_slice %arg6[%dma_start3A_677, %dma_start3A_684] : memref<4x4096xf32, #tpu.memory_space<vmem>> -> memref<1x4096xf32, #tpu.memory_space<vmem>>
        %dma_start3A_686 = tpu.memref_squeeze %dma_start3A_685 : memref<1x4096xf32, #tpu.memory_space<vmem>> -> memref<4096xf32, #tpu.memory_space<vmem>>
        %dma_start3A_687 = arith.constant 0 : i32
        %dma_start3A_688 = tpu.memref_slice %arg2[%add3A_676, %dma_start3A_687] : memref<4096x4096xf32, #tpu.memory_space<hbm>> -> memref<1x4096xf32, #tpu.memory_space<hbm>>
        %dma_start3A_689 = tpu.memref_squeeze %dma_start3A_688 : memref<1x4096xf32, #tpu.memory_space<hbm>> -> memref<4096xf32, #tpu.memory_space<hbm>>
        tpu.enqueue_dma source(%dma_start3A_689 : memref<4096xf32, #tpu.memory_space<hbm>>) target(%dma_start3A_686 : memref<4096xf32, #tpu.memory_space<vmem>>) target_semaphore(%arg11 : memref<!tpu.dma_semaphore, #tpu.memory_space<semaphore_mem>>)
      } else {
      }
      %mul3A_370 = arith.constant 16 : i32
      %mul3A_371 = arith.muli %scan3A_71, %mul3A_370 : i32
      %add3A_372 = arith.constant 8 : i32
      %add3A_373 = arith.addi %mul3A_371, %add3A_372 : i32
      %add3A_374 = arith.addi %add3A_4, %add3A_373 : i32
      %dma_wait3A_375 = arith.constant 0 : i32
      %dma_wait3A_376 = arith.constant 0 : i32
      %dma_wait3A_377 = tpu.memref_slice %arg6[%dma_wait3A_375, %dma_wait3A_376] : memref<4x4096xf32, #tpu.memory_space<vmem>> -> memref<1x4096xf32, #tpu.memory_space<vmem>>
      %dma_wait3A_378 = tpu.memref_squeeze %dma_wait3A_377 : memref<1x4096xf32, #tpu.memory_space<vmem>> -> memref<4096xf32, #tpu.memory_space<vmem>>
      %dma_wait3A_379 = arith.constant 0 : i32
      %dma_wait3A_380 = tpu.memref_slice %arg2[%add3A_374, %dma_wait3A_379] : memref<4096x4096xf32, #tpu.memory_space<hbm>> -> memref<1x4096xf32, #tpu.memory_space<hbm>>
      %dma_wait3A_381 = tpu.memref_squeeze %dma_wait3A_380 : memref<1x4096xf32, #tpu.memory_space<hbm>> -> memref<4096xf32, #tpu.memory_space<hbm>>
      %dma_wait3A_382 = arith.constant 0 : i32
      %dma_wait3A_383 = tpu.memref_slice %arg6[%dma_wait3A_375, %dma_wait3A_382] : memref<4x4096xf32, #tpu.memory_space<vmem>> -> memref<1x4096xf32, #tpu.memory_space<vmem>>
      %dma_wait3A_384 = tpu.memref_squeeze %dma_wait3A_383 : memref<1x4096xf32, #tpu.memory_space<vmem>> -> memref<4096xf32, #tpu.memory_space<vmem>>
      %dma_wait3A_385 = arith.constant 0 : i32
      %dma_wait3A_386 = tpu.memref_slice %arg2[%add3A_374, %dma_wait3A_385] : memref<4096x4096xf32, #tpu.memory_space<hbm>> -> memref<1x4096xf32, #tpu.memory_space<hbm>>
      %dma_wait3A_387 = tpu.memref_squeeze %dma_wait3A_386 : memref<1x4096xf32, #tpu.memory_space<hbm>> -> memref<4096xf32, #tpu.memory_space<hbm>>
      tpu.wait_dma2 semaphore(%arg8 : memref<!tpu.dma_semaphore, #tpu.memory_space<semaphore_mem>>) src(%dma_wait3A_387 : memref<4096xf32, #tpu.memory_space<hbm>>) dst(%dma_wait3A_384 : memref<4096xf32, #tpu.memory_space<vmem>>)
      %broadcast_in_dim3A_388 = arith.constant 0.000000e+00 : f32
      %broadcast_in_dim3A_389 = vector.broadcast %broadcast_in_dim3A_388 : f32 to vector<16xf32>
      %scan3A_390 = arith.constant 0 : i32
      %scan3A_391 = arith.constant 256 : i32
      %scan3A_392 = arith.addi %scan3A_390, %scan3A_391 : i32
      %scan3A_393 = arith.constant 8 : i32
      %scan3A_394 = scf.for %scan3A_674 = %scan3A_390 to %scan3A_392 step %scan3A_393 iter_args(%scan3A_675 = %broadcast_in_dim3A_389) -> (vector<16xf32>)  : i32 {
        %mul3A_676 = arith.constant 16 : i32
        %mul3A_677 = arith.muli %scan3A_674, %mul3A_676 : i32
        %get3A = arith.constant 0 : i32
        %get3A_678 = arith.index_cast %get3A : i32 to index
        %get3A_679 = arith.index_cast %mul3A_677 : i32 to index
        %get3A_680 = tpu.vector_load %arg6[%get3A_678, %get3A_679] {strides = array<i32>} : memref<4x4096xf32, #tpu.memory_space<vmem>>, vector<1x16xf32>,
        %get3A_681 = vector.shape_cast %get3A_680 : vector<1x16xf32> to vector<16xf32>
        %get3A_682 = arith.index_cast %mul3A_677 : i32 to index
        %get3A_683 = tpu.vector_load %arg5[%get3A_682] {strides = array<i32>} : memref<4096xf32, #tpu.memory_space<vmem>>, vector<16xf32>,
        %get3A_684 = vector.shape_cast %get3A_683 : vector<16xf32> to vector<16xf32>
        %mul3A_685 = arith.mulf %get3A_681, %get3A_684 : vector<16xf32>
        %add3A_686 = arith.addf %scan3A_675, %mul3A_685 : vector<16xf32>
        %scan3A_687 = arith.constant 1 : i32
        %scan3A_688 = arith.addi %scan3A_674, %scan3A_687 : i32
        %mul3A_689 = arith.constant 16 : i32
        %mul3A_690 = arith.muli %scan3A_688, %mul3A_689 : i32
        %get3A_691 = arith.constant 0 : i32
        %get3A_692 = arith.index_cast %get3A_691 : i32 to index
        %get3A_693 = arith.index_cast %mul3A_690 : i32 to index
        %get3A_694 = tpu.vector_load %arg6[%get3A_692, %get3A_693] {strides = array<i32>} : memref<4x4096xf32, #tpu.memory_space<vmem>>, vector<1x16xf32>,
        %get3A_695 = vector.shape_cast %get3A_694 : vector<1x16xf32> to vector<16xf32>
        %get3A_696 = arith.index_cast %mul3A_690 : i32 to index
        %get3A_697 = tpu.vector_load %arg5[%get3A_696] {strides = array<i32>} : memref<4096xf32, #tpu.memory_space<vmem>>, vector<16xf32>,
        %get3A_698 = vector.shape_cast %get3A_697 : vector<16xf32> to vector<16xf32>
        %mul3A_699 = arith.mulf %get3A_695, %get3A_698 : vector<16xf32>
        %add3A_700 = arith.addf %add3A_686, %mul3A_699 : vector<16xf32>
        %scan3A_701 = arith.constant 2 : i32
        %scan3A_702 = arith.addi %scan3A_674, %scan3A_701 : i32
        %mul3A_703 = arith.constant 16 : i32
        %mul3A_704 = arith.muli %scan3A_702, %mul3A_703 : i32
        %get3A_705 = arith.constant 0 : i32
        %get3A_706 = arith.index_cast %get3A_705 : i32 to index
        %get3A_707 = arith.index_cast %mul3A_704 : i32 to index
        %get3A_708 = tpu.vector_load %arg6[%get3A_706, %get3A_707] {strides = array<i32>} : memref<4x4096xf32, #tpu.memory_space<vmem>>, vector<1x16xf32>,
        %get3A_709 = vector.shape_cast %get3A_708 : vector<1x16xf32> to vector<16xf32>
        %get3A_710 = arith.index_cast %mul3A_704 : i32 to index
        %get3A_711 = tpu.vector_load %arg5[%get3A_710] {strides = array<i32>} : memref<4096xf32, #tpu.memory_space<vmem>>, vector<16xf32>,
        %get3A_712 = vector.shape_cast %get3A_711 : vector<16xf32> to vector<16xf32>
        %mul3A_713 = arith.mulf %get3A_709, %get3A_712 : vector<16xf32>
        %add3A_714 = arith.addf %add3A_700, %mul3A_713 : vector<16xf32>
        %scan3A_715 = arith.constant 3 : i32
        %scan3A_716 = arith.addi %scan3A_674, %scan3A_715 : i32
        %mul3A_717 = arith.constant 16 : i32
        %mul3A_718 = arith.muli %scan3A_716, %mul3A_717 : i32
        %get3A_719 = arith.constant 0 : i32
        %get3A_720 = arith.index_cast %get3A_719 : i32 to index
        %get3A_721 = arith.index_cast %mul3A_718 : i32 to index
        %get3A_722 = tpu.vector_load %arg6[%get3A_720, %get3A_721] {strides = array<i32>} : memref<4x4096xf32, #tpu.memory_space<vmem>>, vector<1x16xf32>,
        %get3A_723 = vector.shape_cast %get3A_722 : vector<1x16xf32> to vector<16xf32>
        %get3A_724 = arith.index_cast %mul3A_718 : i32 to index
        %get3A_725 = tpu.vector_load %arg5[%get3A_724] {strides = array<i32>} : memref<4096xf32, #tpu.memory_space<vmem>>, vector<16xf32>,
        %get3A_726 = vector.shape_cast %get3A_725 : vector<16xf32> to vector<16xf32>
        %mul3A_727 = arith.mulf %get3A_723, %get3A_726 : vector<16xf32>
        %add3A_728 = arith.addf %add3A_714, %mul3A_727 : vector<16xf32>
        %scan3A_729 = arith.constant 4 : i32
        %scan3A_730 = arith.addi %scan3A_674, %scan3A_729 : i32
        %mul3A_731 = arith.constant 16 : i32
        %mul3A_732 = arith.muli %scan3A_730, %mul3A_731 : i32
        %get3A_733 = arith.constant 0 : i32
        %get3A_734 = arith.index_cast %get3A_733 : i32 to index
        %get3A_735 = arith.index_cast %mul3A_732 : i32 to index
        %get3A_736 = tpu.vector_load %arg6[%get3A_734, %get3A_735] {strides = array<i32>} : memref<4x4096xf32, #tpu.memory_space<vmem>>, vector<1x16xf32>,
        %get3A_737 = vector.shape_cast %get3A_736 : vector<1x16xf32> to vector<16xf32>
        %get3A_738 = arith.index_cast %mul3A_732 : i32 to index
        %get3A_739 = tpu.vector_load %arg5[%get3A_738] {strides = array<i32>} : memref<4096xf32, #tpu.memory_space<vmem>>, vector<16xf32>,
        %get3A_740 = vector.shape_cast %get3A_739 : vector<16xf32> to vector<16xf32>
        %mul3A_741 = arith.mulf %get3A_737, %get3A_740 : vector<16xf32>
        %add3A_742 = arith.addf %add3A_728, %mul3A_741 : vector<16xf32>
        %scan3A_743 = arith.constant 5 : i32
        %scan3A_744 = arith.addi %scan3A_674, %scan3A_743 : i32
        %mul3A_745 = arith.constant 16 : i32
        %mul3A_746 = arith.muli %scan3A_744, %mul3A_745 : i32
        %get3A_747 = arith.constant 0 : i32
        %get3A_748 = arith.index_cast %get3A_747 : i32 to index
        %get3A_749 = arith.index_cast %mul3A_746 : i32 to index
        %get3A_750 = tpu.vector_load %arg6[%get3A_748, %get3A_749] {strides = array<i32>} : memref<4x4096xf32, #tpu.memory_space<vmem>>, vector<1x16xf32>,
        %get3A_751 = vector.shape_cast %get3A_750 : vector<1x16xf32> to vector<16xf32>
        %get3A_752 = arith.index_cast %mul3A_746 : i32 to index
        %get3A_753 = tpu.vector_load %arg5[%get3A_752] {strides = array<i32>} : memref<4096xf32, #tpu.memory_space<vmem>>, vector<16xf32>,
        %get3A_754 = vector.shape_cast %get3A_753 : vector<16xf32> to vector<16xf32>
        %mul3A_755 = arith.mulf %get3A_751, %get3A_754 : vector<16xf32>
        %add3A_756 = arith.addf %add3A_742, %mul3A_755 : vector<16xf32>
        %scan3A_757 = arith.constant 6 : i32
        %scan3A_758 = arith.addi %scan3A_674, %scan3A_757 : i32
        %mul3A_759 = arith.constant 16 : i32
        %mul3A_760 = arith.muli %scan3A_758, %mul3A_759 : i32
        %get3A_761 = arith.constant 0 : i32
        %get3A_762 = arith.index_cast %get3A_761 : i32 to index
        %get3A_763 = arith.index_cast %mul3A_760 : i32 to index
        %get3A_764 = tpu.vector_load %arg6[%get3A_762, %get3A_763] {strides = array<i32>} : memref<4x4096xf32, #tpu.memory_space<vmem>>, vector<1x16xf32>,
        %get3A_765 = vector.shape_cast %get3A_764 : vector<1x16xf32> to vector<16xf32>
        %get3A_766 = arith.index_cast %mul3A_760 : i32 to index
        %get3A_767 = tpu.vector_load %arg5[%get3A_766] {strides = array<i32>} : memref<4096xf32, #tpu.memory_space<vmem>>, vector<16xf32>,
        %get3A_768 = vector.shape_cast %get3A_767 : vector<16xf32> to vector<16xf32>
        %mul3A_769 = arith.mulf %get3A_765, %get3A_768 : vector<16xf32>
        %add3A_770 = arith.addf %add3A_756, %mul3A_769 : vector<16xf32>
        %scan3A_771 = arith.constant 7 : i32
        %scan3A_772 = arith.addi %scan3A_674, %scan3A_771 : i32
        %mul3A_773 = arith.constant 16 : i32
        %mul3A_774 = arith.muli %scan3A_772, %mul3A_773 : i32
        %get3A_775 = arith.constant 0 : i32
        %get3A_776 = arith.index_cast %get3A_775 : i32 to index
        %get3A_777 = arith.index_cast %mul3A_774 : i32 to index
        %get3A_778 = tpu.vector_load %arg6[%get3A_776, %get3A_777] {strides = array<i32>} : memref<4x4096xf32, #tpu.memory_space<vmem>>, vector<1x16xf32>,
        %get3A_779 = vector.shape_cast %get3A_778 : vector<1x16xf32> to vector<16xf32>
        %get3A_780 = arith.index_cast %mul3A_774 : i32 to index
        %get3A_781 = tpu.vector_load %arg5[%get3A_780] {strides = array<i32>} : memref<4096xf32, #tpu.memory_space<vmem>>, vector<16xf32>,
        %get3A_782 = vector.shape_cast %get3A_781 : vector<16xf32> to vector<16xf32>
        %mul3A_783 = arith.mulf %get3A_779, %get3A_782 : vector<16xf32>
        %add3A_784 = arith.addf %add3A_770, %mul3A_783 : vector<16xf32>
        scf.yield %add3A_784 : vector<16xf32>
      }
      %scan3A_395 = arith.constant 256 : i32
      %swap3A_396 = arith.index_cast %add3A_373 : i32 to index
      %swap3A_397 = arith.constant 0 : index
      %swap3A_398 = tpu.vector_load %arg7[%swap3A_396, %swap3A_397] {strides = array<i32>} : memref<32x16xf32, #tpu.memory_space<vmem>>, vector<1x16xf32>,
      %swap3A_399 = vector.shape_cast %swap3A_398 : vector<1x16xf32> to vector<16xf32>
      %swap3A_400 = vector.shape_cast %scan3A_394 : vector<16xf32> to vector<1x16xf32>
      tpu.vector_store %arg7[%swap3A_396, %swap3A_397], %swap3A_400 {strides = array<i32>} : memref<32x16xf32, #tpu.memory_space<vmem>>, vector<1x16xf32>,
      %add3A_401 = arith.constant 4 : i32
      %add3A_402 = arith.addi %add3A_373, %add3A_401 : i32
      %lt3A_403 = arith.constant 32 : i32
      %lt3A_404 = arith.cmpi slt, %add3A_402, %lt3A_403 : i32
      %convert_element_type3A_405 = arith.extui %lt3A_404 : i1 to i32
      %cond3A_406 = arith.constant 0 : i32
      %cond3A_407 = arith.cmpi ne, %convert_element_type3A_405, %cond3A_406 : i32
      scf.if %cond3A_407 {
        %add3A_674 = arith.addi %add3A_4, %add3A_373 : i32
        %add3A_675 = arith.constant 4 : i32
        %add3A_676 = arith.addi %add3A_674, %add3A_675 : i32
        %dma_start3A_677 = arith.constant 0 : i32
        %dma_start3A_678 = arith.constant 0 : i32
        %dma_start3A_679 = tpu.memref_slice %arg6[%dma_start3A_677, %dma_start3A_678] : memref<4x4096xf32, #tpu.memory_space<vmem>> -> memref<1x4096xf32, #tpu.memory_space<vmem>>
        %dma_start3A_680 = tpu.memref_squeeze %dma_start3A_679 : memref<1x4096xf32, #tpu.memory_space<vmem>> -> memref<4096xf32, #tpu.memory_space<vmem>>
        %dma_start3A_681 = arith.constant 0 : i32
        %dma_start3A_682 = tpu.memref_slice %arg2[%add3A_676, %dma_start3A_681] : memref<4096x4096xf32, #tpu.memory_space<hbm>> -> memref<1x4096xf32, #tpu.memory_space<hbm>>
        %dma_start3A_683 = tpu.memref_squeeze %dma_start3A_682 : memref<1x4096xf32, #tpu.memory_space<hbm>> -> memref<4096xf32, #tpu.memory_space<hbm>>
        %dma_start3A_684 = arith.constant 0 : i32
        %dma_start3A_685 = tpu.memref_slice %arg6[%dma_start3A_677, %dma_start3A_684] : memref<4x4096xf32, #tpu.memory_space<vmem>> -> memref<1x4096xf32, #tpu.memory_space<vmem>>
        %dma_start3A_686 = tpu.memref_squeeze %dma_start3A_685 : memref<1x4096xf32, #tpu.memory_space<vmem>> -> memref<4096xf32, #tpu.memory_space<vmem>>
        %dma_start3A_687 = arith.constant 0 : i32
        %dma_start3A_688 = tpu.memref_slice %arg2[%add3A_676, %dma_start3A_687] : memref<4096x4096xf32, #tpu.memory_space<hbm>> -> memref<1x4096xf32, #tpu.memory_space<hbm>>
        %dma_start3A_689 = tpu.memref_squeeze %dma_start3A_688 : memref<1x4096xf32, #tpu.memory_space<hbm>> -> memref<4096xf32, #tpu.memory_space<hbm>>
        tpu.enqueue_dma source(%dma_start3A_689 : memref<4096xf32, #tpu.memory_space<hbm>>) target(%dma_start3A_686 : memref<4096xf32, #tpu.memory_space<vmem>>) target_semaphore(%arg8 : memref<!tpu.dma_semaphore, #tpu.memory_space<semaphore_mem>>)
      } else {
      }
      %mul3A_408 = arith.constant 16 : i32
      %mul3A_409 = arith.muli %scan3A_71, %mul3A_408 : i32
      %add3A_410 = arith.constant 9 : i32
      %add3A_411 = arith.addi %mul3A_409, %add3A_410 : i32
      %add3A_412 = arith.addi %add3A_4, %add3A_411 : i32
      %dma_wait3A_413 = arith.constant 1 : i32
      %dma_wait3A_414 = arith.constant 0 : i32
      %dma_wait3A_415 = tpu.memref_slice %arg6[%dma_wait3A_413, %dma_wait3A_414] : memref<4x4096xf32, #tpu.memory_space<vmem>> -> memref<1x4096xf32, #tpu.memory_space<vmem>>
      %dma_wait3A_416 = tpu.memref_squeeze %dma_wait3A_415 : memref<1x4096xf32, #tpu.memory_space<vmem>> -> memref<4096xf32, #tpu.memory_space<vmem>>
      %dma_wait3A_417 = arith.constant 0 : i32
      %dma_wait3A_418 = tpu.memref_slice %arg2[%add3A_412, %dma_wait3A_417] : memref<4096x4096xf32, #tpu.memory_space<hbm>> -> memref<1x4096xf32, #tpu.memory_space<hbm>>
      %dma_wait3A_419 = tpu.memref_squeeze %dma_wait3A_418 : memref<1x4096xf32, #tpu.memory_space<hbm>> -> memref<4096xf32, #tpu.memory_space<hbm>>
      %dma_wait3A_420 = arith.constant 0 : i32
      %dma_wait3A_421 = tpu.memref_slice %arg6[%dma_wait3A_413, %dma_wait3A_420] : memref<4x4096xf32, #tpu.memory_space<vmem>> -> memref<1x4096xf32, #tpu.memory_space<vmem>>
      %dma_wait3A_422 = tpu.memref_squeeze %dma_wait3A_421 : memref<1x4096xf32, #tpu.memory_space<vmem>> -> memref<4096xf32, #tpu.memory_space<vmem>>
      %dma_wait3A_423 = arith.constant 0 : i32
      %dma_wait3A_424 = tpu.memref_slice %arg2[%add3A_412, %dma_wait3A_423] : memref<4096x4096xf32, #tpu.memory_space<hbm>> -> memref<1x4096xf32, #tpu.memory_space<hbm>>
      %dma_wait3A_425 = tpu.memref_squeeze %dma_wait3A_424 : memref<1x4096xf32, #tpu.memory_space<hbm>> -> memref<4096xf32, #tpu.memory_space<hbm>>
      tpu.wait_dma2 semaphore(%arg9 : memref<!tpu.dma_semaphore, #tpu.memory_space<semaphore_mem>>) src(%dma_wait3A_425 : memref<4096xf32, #tpu.memory_space<hbm>>) dst(%dma_wait3A_422 : memref<4096xf32, #tpu.memory_space<vmem>>)
      %broadcast_in_dim3A_426 = arith.constant 0.000000e+00 : f32
      %broadcast_in_dim3A_427 = vector.broadcast %broadcast_in_dim3A_426 : f32 to vector<16xf32>
      %scan3A_428 = arith.constant 0 : i32
      %scan3A_429 = arith.constant 256 : i32
      %scan3A_430 = arith.addi %scan3A_428, %scan3A_429 : i32
      %scan3A_431 = arith.constant 8 : i32
      %scan3A_432 = scf.for %scan3A_674 = %scan3A_428 to %scan3A_430 step %scan3A_431 iter_args(%scan3A_675 = %broadcast_in_dim3A_427) -> (vector<16xf32>)  : i32 {
        %mul3A_676 = arith.constant 16 : i32
        %mul3A_677 = arith.muli %scan3A_674, %mul3A_676 : i32
        %get3A = arith.constant 1 : i32
        %get3A_678 = arith.index_cast %get3A : i32 to index
        %get3A_679 = arith.index_cast %mul3A_677 : i32 to index
        %get3A_680 = tpu.vector_load %arg6[%get3A_678, %get3A_679] {strides = array<i32>} : memref<4x4096xf32, #tpu.memory_space<vmem>>, vector<1x16xf32>,
        %get3A_681 = vector.shape_cast %get3A_680 : vector<1x16xf32> to vector<16xf32>
        %get3A_682 = arith.index_cast %mul3A_677 : i32 to index
        %get3A_683 = tpu.vector_load %arg5[%get3A_682] {strides = array<i32>} : memref<4096xf32, #tpu.memory_space<vmem>>, vector<16xf32>,
        %get3A_684 = vector.shape_cast %get3A_683 : vector<16xf32> to vector<16xf32>
        %mul3A_685 = arith.mulf %get3A_681, %get3A_684 : vector<16xf32>
        %add3A_686 = arith.addf %scan3A_675, %mul3A_685 : vector<16xf32>
        %scan3A_687 = arith.constant 1 : i32
        %scan3A_688 = arith.addi %scan3A_674, %scan3A_687 : i32
        %mul3A_689 = arith.constant 16 : i32
        %mul3A_690 = arith.muli %scan3A_688, %mul3A_689 : i32
        %get3A_691 = arith.constant 1 : i32
        %get3A_692 = arith.index_cast %get3A_691 : i32 to index
        %get3A_693 = arith.index_cast %mul3A_690 : i32 to index
        %get3A_694 = tpu.vector_load %arg6[%get3A_692, %get3A_693] {strides = array<i32>} : memref<4x4096xf32, #tpu.memory_space<vmem>>, vector<1x16xf32>,
        %get3A_695 = vector.shape_cast %get3A_694 : vector<1x16xf32> to vector<16xf32>
        %get3A_696 = arith.index_cast %mul3A_690 : i32 to index
        %get3A_697 = tpu.vector_load %arg5[%get3A_696] {strides = array<i32>} : memref<4096xf32, #tpu.memory_space<vmem>>, vector<16xf32>,
        %get3A_698 = vector.shape_cast %get3A_697 : vector<16xf32> to vector<16xf32>
        %mul3A_699 = arith.mulf %get3A_695, %get3A_698 : vector<16xf32>
        %add3A_700 = arith.addf %add3A_686, %mul3A_699 : vector<16xf32>
        %scan3A_701 = arith.constant 2 : i32
        %scan3A_702 = arith.addi %scan3A_674, %scan3A_701 : i32
        %mul3A_703 = arith.constant 16 : i32
        %mul3A_704 = arith.muli %scan3A_702, %mul3A_703 : i32
        %get3A_705 = arith.constant 1 : i32
        %get3A_706 = arith.index_cast %get3A_705 : i32 to index
        %get3A_707 = arith.index_cast %mul3A_704 : i32 to index
        %get3A_708 = tpu.vector_load %arg6[%get3A_706, %get3A_707] {strides = array<i32>} : memref<4x4096xf32, #tpu.memory_space<vmem>>, vector<1x16xf32>,
        %get3A_709 = vector.shape_cast %get3A_708 : vector<1x16xf32> to vector<16xf32>
        %get3A_710 = arith.index_cast %mul3A_704 : i32 to index
        %get3A_711 = tpu.vector_load %arg5[%get3A_710] {strides = array<i32>} : memref<4096xf32, #tpu.memory_space<vmem>>, vector<16xf32>,
        %get3A_712 = vector.shape_cast %get3A_711 : vector<16xf32> to vector<16xf32>
        %mul3A_713 = arith.mulf %get3A_709, %get3A_712 : vector<16xf32>
        %add3A_714 = arith.addf %add3A_700, %mul3A_713 : vector<16xf32>
        %scan3A_715 = arith.constant 3 : i32
        %scan3A_716 = arith.addi %scan3A_674, %scan3A_715 : i32
        %mul3A_717 = arith.constant 16 : i32
        %mul3A_718 = arith.muli %scan3A_716, %mul3A_717 : i32
        %get3A_719 = arith.constant 1 : i32
        %get3A_720 = arith.index_cast %get3A_719 : i32 to index
        %get3A_721 = arith.index_cast %mul3A_718 : i32 to index
        %get3A_722 = tpu.vector_load %arg6[%get3A_720, %get3A_721] {strides = array<i32>} : memref<4x4096xf32, #tpu.memory_space<vmem>>, vector<1x16xf32>,
        %get3A_723 = vector.shape_cast %get3A_722 : vector<1x16xf32> to vector<16xf32>
        %get3A_724 = arith.index_cast %mul3A_718 : i32 to index
        %get3A_725 = tpu.vector_load %arg5[%get3A_724] {strides = array<i32>} : memref<4096xf32, #tpu.memory_space<vmem>>, vector<16xf32>,
        %get3A_726 = vector.shape_cast %get3A_725 : vector<16xf32> to vector<16xf32>
        %mul3A_727 = arith.mulf %get3A_723, %get3A_726 : vector<16xf32>
        %add3A_728 = arith.addf %add3A_714, %mul3A_727 : vector<16xf32>
        %scan3A_729 = arith.constant 4 : i32
        %scan3A_730 = arith.addi %scan3A_674, %scan3A_729 : i32
        %mul3A_731 = arith.constant 16 : i32
        %mul3A_732 = arith.muli %scan3A_730, %mul3A_731 : i32
        %get3A_733 = arith.constant 1 : i32
        %get3A_734 = arith.index_cast %get3A_733 : i32 to index
        %get3A_735 = arith.index_cast %mul3A_732 : i32 to index
        %get3A_736 = tpu.vector_load %arg6[%get3A_734, %get3A_735] {strides = array<i32>} : memref<4x4096xf32, #tpu.memory_space<vmem>>, vector<1x16xf32>,
        %get3A_737 = vector.shape_cast %get3A_736 : vector<1x16xf32> to vector<16xf32>
        %get3A_738 = arith.index_cast %mul3A_732 : i32 to index
        %get3A_739 = tpu.vector_load %arg5[%get3A_738] {strides = array<i32>} : memref<4096xf32, #tpu.memory_space<vmem>>, vector<16xf32>,
        %get3A_740 = vector.shape_cast %get3A_739 : vector<16xf32> to vector<16xf32>
        %mul3A_741 = arith.mulf %get3A_737, %get3A_740 : vector<16xf32>
        %add3A_742 = arith.addf %add3A_728, %mul3A_741 : vector<16xf32>
        %scan3A_743 = arith.constant 5 : i32
        %scan3A_744 = arith.addi %scan3A_674, %scan3A_743 : i32
        %mul3A_745 = arith.constant 16 : i32
        %mul3A_746 = arith.muli %scan3A_744, %mul3A_745 : i32
        %get3A_747 = arith.constant 1 : i32
        %get3A_748 = arith.index_cast %get3A_747 : i32 to index
        %get3A_749 = arith.index_cast %mul3A_746 : i32 to index
        %get3A_750 = tpu.vector_load %arg6[%get3A_748, %get3A_749] {strides = array<i32>} : memref<4x4096xf32, #tpu.memory_space<vmem>>, vector<1x16xf32>,
        %get3A_751 = vector.shape_cast %get3A_750 : vector<1x16xf32> to vector<16xf32>
        %get3A_752 = arith.index_cast %mul3A_746 : i32 to index
        %get3A_753 = tpu.vector_load %arg5[%get3A_752] {strides = array<i32>} : memref<4096xf32, #tpu.memory_space<vmem>>, vector<16xf32>,
        %get3A_754 = vector.shape_cast %get3A_753 : vector<16xf32> to vector<16xf32>
        %mul3A_755 = arith.mulf %get3A_751, %get3A_754 : vector<16xf32>
        %add3A_756 = arith.addf %add3A_742, %mul3A_755 : vector<16xf32>
        %scan3A_757 = arith.constant 6 : i32
        %scan3A_758 = arith.addi %scan3A_674, %scan3A_757 : i32
        %mul3A_759 = arith.constant 16 : i32
        %mul3A_760 = arith.muli %scan3A_758, %mul3A_759 : i32
        %get3A_761 = arith.constant 1 : i32
        %get3A_762 = arith.index_cast %get3A_761 : i32 to index
        %get3A_763 = arith.index_cast %mul3A_760 : i32 to index
        %get3A_764 = tpu.vector_load %arg6[%get3A_762, %get3A_763] {strides = array<i32>} : memref<4x4096xf32, #tpu.memory_space<vmem>>, vector<1x16xf32>,
        %get3A_765 = vector.shape_cast %get3A_764 : vector<1x16xf32> to vector<16xf32>
        %get3A_766 = arith.index_cast %mul3A_760 : i32 to index
        %get3A_767 = tpu.vector_load %arg5[%get3A_766] {strides = array<i32>} : memref<4096xf32, #tpu.memory_space<vmem>>, vector<16xf32>,
        %get3A_768 = vector.shape_cast %get3A_767 : vector<16xf32> to vector<16xf32>
        %mul3A_769 = arith.mulf %get3A_765, %get3A_768 : vector<16xf32>
        %add3A_770 = arith.addf %add3A_756, %mul3A_769 : vector<16xf32>
        %scan3A_771 = arith.constant 7 : i32
        %scan3A_772 = arith.addi %scan3A_674, %scan3A_771 : i32
        %mul3A_773 = arith.constant 16 : i32
        %mul3A_774 = arith.muli %scan3A_772, %mul3A_773 : i32
        %get3A_775 = arith.constant 1 : i32
        %get3A_776 = arith.index_cast %get3A_775 : i32 to index
        %get3A_777 = arith.index_cast %mul3A_774 : i32 to index
        %get3A_778 = tpu.vector_load %arg6[%get3A_776, %get3A_777] {strides = array<i32>} : memref<4x4096xf32, #tpu.memory_space<vmem>>, vector<1x16xf32>,
        %get3A_779 = vector.shape_cast %get3A_778 : vector<1x16xf32> to vector<16xf32>
        %get3A_780 = arith.index_cast %mul3A_774 : i32 to index
        %get3A_781 = tpu.vector_load %arg5[%get3A_780] {strides = array<i32>} : memref<4096xf32, #tpu.memory_space<vmem>>, vector<16xf32>,
        %get3A_782 = vector.shape_cast %get3A_781 : vector<16xf32> to vector<16xf32>
        %mul3A_783 = arith.mulf %get3A_779, %get3A_782 : vector<16xf32>
        %add3A_784 = arith.addf %add3A_770, %mul3A_783 : vector<16xf32>
        scf.yield %add3A_784 : vector<16xf32>
      }
      %scan3A_433 = arith.constant 256 : i32
      %swap3A_434 = arith.index_cast %add3A_411 : i32 to index
      %swap3A_435 = arith.constant 0 : index
      %swap3A_436 = tpu.vector_load %arg7[%swap3A_434, %swap3A_435] {strides = array<i32>} : memref<32x16xf32, #tpu.memory_space<vmem>>, vector<1x16xf32>,
      %swap3A_437 = vector.shape_cast %swap3A_436 : vector<1x16xf32> to vector<16xf32>
      %swap3A_438 = vector.shape_cast %scan3A_432 : vector<16xf32> to vector<1x16xf32>
      tpu.vector_store %arg7[%swap3A_434, %swap3A_435], %swap3A_438 {strides = array<i32>} : memref<32x16xf32, #tpu.memory_space<vmem>>, vector<1x16xf32>,
      %add3A_439 = arith.constant 4 : i32
      %add3A_440 = arith.addi %add3A_411, %add3A_439 : i32
      %lt3A_441 = arith.constant 32 : i32
      %lt3A_442 = arith.cmpi slt, %add3A_440, %lt3A_441 : i32
      %convert_element_type3A_443 = arith.extui %lt3A_442 : i1 to i32
      %cond3A_444 = arith.constant 0 : i32
      %cond3A_445 = arith.cmpi ne, %convert_element_type3A_443, %cond3A_444 : i32
      scf.if %cond3A_445 {
        %add3A_674 = arith.addi %add3A_4, %add3A_411 : i32
        %add3A_675 = arith.constant 4 : i32
        %add3A_676 = arith.addi %add3A_674, %add3A_675 : i32
        %dma_start3A_677 = arith.constant 1 : i32
        %dma_start3A_678 = arith.constant 0 : i32
        %dma_start3A_679 = tpu.memref_slice %arg6[%dma_start3A_677, %dma_start3A_678] : memref<4x4096xf32, #tpu.memory_space<vmem>> -> memref<1x4096xf32, #tpu.memory_space<vmem>>
        %dma_start3A_680 = tpu.memref_squeeze %dma_start3A_679 : memref<1x4096xf32, #tpu.memory_space<vmem>> -> memref<4096xf32, #tpu.memory_space<vmem>>
        %dma_start3A_681 = arith.constant 0 : i32
        %dma_start3A_682 = tpu.memref_slice %arg2[%add3A_676, %dma_start3A_681] : memref<4096x4096xf32, #tpu.memory_space<hbm>> -> memref<1x4096xf32, #tpu.memory_space<hbm>>
        %dma_start3A_683 = tpu.memref_squeeze %dma_start3A_682 : memref<1x4096xf32, #tpu.memory_space<hbm>> -> memref<4096xf32, #tpu.memory_space<hbm>>
        %dma_start3A_684 = arith.constant 0 : i32
        %dma_start3A_685 = tpu.memref_slice %arg6[%dma_start3A_677, %dma_start3A_684] : memref<4x4096xf32, #tpu.memory_space<vmem>> -> memref<1x4096xf32, #tpu.memory_space<vmem>>
        %dma_start3A_686 = tpu.memref_squeeze %dma_start3A_685 : memref<1x4096xf32, #tpu.memory_space<vmem>> -> memref<4096xf32, #tpu.memory_space<vmem>>
        %dma_start3A_687 = arith.constant 0 : i32
        %dma_start3A_688 = tpu.memref_slice %arg2[%add3A_676, %dma_start3A_687] : memref<4096x4096xf32, #tpu.memory_space<hbm>> -> memref<1x4096xf32, #tpu.memory_space<hbm>>
        %dma_start3A_689 = tpu.memref_squeeze %dma_start3A_688 : memref<1x4096xf32, #tpu.memory_space<hbm>> -> memref<4096xf32, #tpu.memory_space<hbm>>
        tpu.enqueue_dma source(%dma_start3A_689 : memref<4096xf32, #tpu.memory_space<hbm>>) target(%dma_start3A_686 : memref<4096xf32, #tpu.memory_space<vmem>>) target_semaphore(%arg9 : memref<!tpu.dma_semaphore, #tpu.memory_space<semaphore_mem>>)
      } else {
      }
      %mul3A_446 = arith.constant 16 : i32
      %mul3A_447 = arith.muli %scan3A_71, %mul3A_446 : i32
      %add3A_448 = arith.constant 10 : i32
      %add3A_449 = arith.addi %mul3A_447, %add3A_448 : i32
      %add3A_450 = arith.addi %add3A_4, %add3A_449 : i32
      %dma_wait3A_451 = arith.constant 2 : i32
      %dma_wait3A_452 = arith.constant 0 : i32
      %dma_wait3A_453 = tpu.memref_slice %arg6[%dma_wait3A_451, %dma_wait3A_452] : memref<4x4096xf32, #tpu.memory_space<vmem>> -> memref<1x4096xf32, #tpu.memory_space<vmem>>
      %dma_wait3A_454 = tpu.memref_squeeze %dma_wait3A_453 : memref<1x4096xf32, #tpu.memory_space<vmem>> -> memref<4096xf32, #tpu.memory_space<vmem>>
      %dma_wait3A_455 = arith.constant 0 : i32
      %dma_wait3A_456 = tpu.memref_slice %arg2[%add3A_450, %dma_wait3A_455] : memref<4096x4096xf32, #tpu.memory_space<hbm>> -> memref<1x4096xf32, #tpu.memory_space<hbm>>
      %dma_wait3A_457 = tpu.memref_squeeze %dma_wait3A_456 : memref<1x4096xf32, #tpu.memory_space<hbm>> -> memref<4096xf32, #tpu.memory_space<hbm>>
      %dma_wait3A_458 = arith.constant 0 : i32
      %dma_wait3A_459 = tpu.memref_slice %arg6[%dma_wait3A_451, %dma_wait3A_458] : memref<4x4096xf32, #tpu.memory_space<vmem>> -> memref<1x4096xf32, #tpu.memory_space<vmem>>
      %dma_wait3A_460 = tpu.memref_squeeze %dma_wait3A_459 : memref<1x4096xf32, #tpu.memory_space<vmem>> -> memref<4096xf32, #tpu.memory_space<vmem>>
      %dma_wait3A_461 = arith.constant 0 : i32
      %dma_wait3A_462 = tpu.memref_slice %arg2[%add3A_450, %dma_wait3A_461] : memref<4096x4096xf32, #tpu.memory_space<hbm>> -> memref<1x4096xf32, #tpu.memory_space<hbm>>
      %dma_wait3A_463 = tpu.memref_squeeze %dma_wait3A_462 : memref<1x4096xf32, #tpu.memory_space<hbm>> -> memref<4096xf32, #tpu.memory_space<hbm>>
      tpu.wait_dma2 semaphore(%arg10 : memref<!tpu.dma_semaphore, #tpu.memory_space<semaphore_mem>>) src(%dma_wait3A_463 : memref<4096xf32, #tpu.memory_space<hbm>>) dst(%dma_wait3A_460 : memref<4096xf32, #tpu.memory_space<vmem>>)
      %broadcast_in_dim3A_464 = arith.constant 0.000000e+00 : f32
      %broadcast_in_dim3A_465 = vector.broadcast %broadcast_in_dim3A_464 : f32 to vector<16xf32>
      %scan3A_466 = arith.constant 0 : i32
      %scan3A_467 = arith.constant 256 : i32
      %scan3A_468 = arith.addi %scan3A_466, %scan3A_467 : i32
      %scan3A_469 = arith.constant 8 : i32
      %scan3A_470 = scf.for %scan3A_674 = %scan3A_466 to %scan3A_468 step %scan3A_469 iter_args(%scan3A_675 = %broadcast_in_dim3A_465) -> (vector<16xf32>)  : i32 {
        %mul3A_676 = arith.constant 16 : i32
        %mul3A_677 = arith.muli %scan3A_674, %mul3A_676 : i32
        %get3A = arith.constant 2 : i32
        %get3A_678 = arith.index_cast %get3A : i32 to index
        %get3A_679 = arith.index_cast %mul3A_677 : i32 to index
        %get3A_680 = tpu.vector_load %arg6[%get3A_678, %get3A_679] {strides = array<i32>} : memref<4x4096xf32, #tpu.memory_space<vmem>>, vector<1x16xf32>,
        %get3A_681 = vector.shape_cast %get3A_680 : vector<1x16xf32> to vector<16xf32>
        %get3A_682 = arith.index_cast %mul3A_677 : i32 to index
        %get3A_683 = tpu.vector_load %arg5[%get3A_682] {strides = array<i32>} : memref<4096xf32, #tpu.memory_space<vmem>>, vector<16xf32>,
        %get3A_684 = vector.shape_cast %get3A_683 : vector<16xf32> to vector<16xf32>
        %mul3A_685 = arith.mulf %get3A_681, %get3A_684 : vector<16xf32>
        %add3A_686 = arith.addf %scan3A_675, %mul3A_685 : vector<16xf32>
        %scan3A_687 = arith.constant 1 : i32
        %scan3A_688 = arith.addi %scan3A_674, %scan3A_687 : i32
        %mul3A_689 = arith.constant 16 : i32
        %mul3A_690 = arith.muli %scan3A_688, %mul3A_689 : i32
        %get3A_691 = arith.constant 2 : i32
        %get3A_692 = arith.index_cast %get3A_691 : i32 to index
        %get3A_693 = arith.index_cast %mul3A_690 : i32 to index
        %get3A_694 = tpu.vector_load %arg6[%get3A_692, %get3A_693] {strides = array<i32>} : memref<4x4096xf32, #tpu.memory_space<vmem>>, vector<1x16xf32>,
        %get3A_695 = vector.shape_cast %get3A_694 : vector<1x16xf32> to vector<16xf32>
        %get3A_696 = arith.index_cast %mul3A_690 : i32 to index
        %get3A_697 = tpu.vector_load %arg5[%get3A_696] {strides = array<i32>} : memref<4096xf32, #tpu.memory_space<vmem>>, vector<16xf32>,
        %get3A_698 = vector.shape_cast %get3A_697 : vector<16xf32> to vector<16xf32>
        %mul3A_699 = arith.mulf %get3A_695, %get3A_698 : vector<16xf32>
        %add3A_700 = arith.addf %add3A_686, %mul3A_699 : vector<16xf32>
        %scan3A_701 = arith.constant 2 : i32
        %scan3A_702 = arith.addi %scan3A_674, %scan3A_701 : i32
        %mul3A_703 = arith.constant 16 : i32
        %mul3A_704 = arith.muli %scan3A_702, %mul3A_703 : i32
        %get3A_705 = arith.constant 2 : i32
        %get3A_706 = arith.index_cast %get3A_705 : i32 to index
        %get3A_707 = arith.index_cast %mul3A_704 : i32 to index
        %get3A_708 = tpu.vector_load %arg6[%get3A_706, %get3A_707] {strides = array<i32>} : memref<4x4096xf32, #tpu.memory_space<vmem>>, vector<1x16xf32>,
        %get3A_709 = vector.shape_cast %get3A_708 : vector<1x16xf32> to vector<16xf32>
        %get3A_710 = arith.index_cast %mul3A_704 : i32 to index
        %get3A_711 = tpu.vector_load %arg5[%get3A_710] {strides = array<i32>} : memref<4096xf32, #tpu.memory_space<vmem>>, vector<16xf32>,
        %get3A_712 = vector.shape_cast %get3A_711 : vector<16xf32> to vector<16xf32>
        %mul3A_713 = arith.mulf %get3A_709, %get3A_712 : vector<16xf32>
        %add3A_714 = arith.addf %add3A_700, %mul3A_713 : vector<16xf32>
        %scan3A_715 = arith.constant 3 : i32
        %scan3A_716 = arith.addi %scan3A_674, %scan3A_715 : i32
        %mul3A_717 = arith.constant 16 : i32
        %mul3A_718 = arith.muli %scan3A_716, %mul3A_717 : i32
        %get3A_719 = arith.constant 2 : i32
        %get3A_720 = arith.index_cast %get3A_719 : i32 to index
        %get3A_721 = arith.index_cast %mul3A_718 : i32 to index
        %get3A_722 = tpu.vector_load %arg6[%get3A_720, %get3A_721] {strides = array<i32>} : memref<4x4096xf32, #tpu.memory_space<vmem>>, vector<1x16xf32>,
        %get3A_723 = vector.shape_cast %get3A_722 : vector<1x16xf32> to vector<16xf32>
        %get3A_724 = arith.index_cast %mul3A_718 : i32 to index
        %get3A_725 = tpu.vector_load %arg5[%get3A_724] {strides = array<i32>} : memref<4096xf32, #tpu.memory_space<vmem>>, vector<16xf32>,
        %get3A_726 = vector.shape_cast %get3A_725 : vector<16xf32> to vector<16xf32>
        %mul3A_727 = arith.mulf %get3A_723, %get3A_726 : vector<16xf32>
        %add3A_728 = arith.addf %add3A_714, %mul3A_727 : vector<16xf32>
        %scan3A_729 = arith.constant 4 : i32
        %scan3A_730 = arith.addi %scan3A_674, %scan3A_729 : i32
        %mul3A_731 = arith.constant 16 : i32
        %mul3A_732 = arith.muli %scan3A_730, %mul3A_731 : i32
        %get3A_733 = arith.constant 2 : i32
        %get3A_734 = arith.index_cast %get3A_733 : i32 to index
        %get3A_735 = arith.index_cast %mul3A_732 : i32 to index
        %get3A_736 = tpu.vector_load %arg6[%get3A_734, %get3A_735] {strides = array<i32>} : memref<4x4096xf32, #tpu.memory_space<vmem>>, vector<1x16xf32>,
        %get3A_737 = vector.shape_cast %get3A_736 : vector<1x16xf32> to vector<16xf32>
        %get3A_738 = arith.index_cast %mul3A_732 : i32 to index
        %get3A_739 = tpu.vector_load %arg5[%get3A_738] {strides = array<i32>} : memref<4096xf32, #tpu.memory_space<vmem>>, vector<16xf32>,
        %get3A_740 = vector.shape_cast %get3A_739 : vector<16xf32> to vector<16xf32>
        %mul3A_741 = arith.mulf %get3A_737, %get3A_740 : vector<16xf32>
        %add3A_742 = arith.addf %add3A_728, %mul3A_741 : vector<16xf32>
        %scan3A_743 = arith.constant 5 : i32
        %scan3A_744 = arith.addi %scan3A_674, %scan3A_743 : i32
        %mul3A_745 = arith.constant 16 : i32
        %mul3A_746 = arith.muli %scan3A_744, %mul3A_745 : i32
        %get3A_747 = arith.constant 2 : i32
        %get3A_748 = arith.index_cast %get3A_747 : i32 to index
        %get3A_749 = arith.index_cast %mul3A_746 : i32 to index
        %get3A_750 = tpu.vector_load %arg6[%get3A_748, %get3A_749] {strides = array<i32>} : memref<4x4096xf32, #tpu.memory_space<vmem>>, vector<1x16xf32>,
        %get3A_751 = vector.shape_cast %get3A_750 : vector<1x16xf32> to vector<16xf32>
        %get3A_752 = arith.index_cast %mul3A_746 : i32 to index
        %get3A_753 = tpu.vector_load %arg5[%get3A_752] {strides = array<i32>} : memref<4096xf32, #tpu.memory_space<vmem>>, vector<16xf32>,
        %get3A_754 = vector.shape_cast %get3A_753 : vector<16xf32> to vector<16xf32>
        %mul3A_755 = arith.mulf %get3A_751, %get3A_754 : vector<16xf32>
        %add3A_756 = arith.addf %add3A_742, %mul3A_755 : vector<16xf32>
        %scan3A_757 = arith.constant 6 : i32
        %scan3A_758 = arith.addi %scan3A_674, %scan3A_757 : i32
        %mul3A_759 = arith.constant 16 : i32
        %mul3A_760 = arith.muli %scan3A_758, %mul3A_759 : i32
        %get3A_761 = arith.constant 2 : i32
        %get3A_762 = arith.index_cast %get3A_761 : i32 to index
        %get3A_763 = arith.index_cast %mul3A_760 : i32 to index
        %get3A_764 = tpu.vector_load %arg6[%get3A_762, %get3A_763] {strides = array<i32>} : memref<4x4096xf32, #tpu.memory_space<vmem>>, vector<1x16xf32>,
        %get3A_765 = vector.shape_cast %get3A_764 : vector<1x16xf32> to vector<16xf32>
        %get3A_766 = arith.index_cast %mul3A_760 : i32 to index
        %get3A_767 = tpu.vector_load %arg5[%get3A_766] {strides = array<i32>} : memref<4096xf32, #tpu.memory_space<vmem>>, vector<16xf32>,
        %get3A_768 = vector.shape_cast %get3A_767 : vector<16xf32> to vector<16xf32>
        %mul3A_769 = arith.mulf %get3A_765, %get3A_768 : vector<16xf32>
        %add3A_770 = arith.addf %add3A_756, %mul3A_769 : vector<16xf32>
        %scan3A_771 = arith.constant 7 : i32
        %scan3A_772 = arith.addi %scan3A_674, %scan3A_771 : i32
        %mul3A_773 = arith.constant 16 : i32
        %mul3A_774 = arith.muli %scan3A_772, %mul3A_773 : i32
        %get3A_775 = arith.constant 2 : i32
        %get3A_776 = arith.index_cast %get3A_775 : i32 to index
        %get3A_777 = arith.index_cast %mul3A_774 : i32 to index
        %get3A_778 = tpu.vector_load %arg6[%get3A_776, %get3A_777] {strides = array<i32>} : memref<4x4096xf32, #tpu.memory_space<vmem>>, vector<1x16xf32>,
        %get3A_779 = vector.shape_cast %get3A_778 : vector<1x16xf32> to vector<16xf32>
        %get3A_780 = arith.index_cast %mul3A_774 : i32 to index
        %get3A_781 = tpu.vector_load %arg5[%get3A_780] {strides = array<i32>} : memref<4096xf32, #tpu.memory_space<vmem>>, vector<16xf32>,
        %get3A_782 = vector.shape_cast %get3A_781 : vector<16xf32> to vector<16xf32>
        %mul3A_783 = arith.mulf %get3A_779, %get3A_782 : vector<16xf32>
        %add3A_784 = arith.addf %add3A_770, %mul3A_783 : vector<16xf32>
        scf.yield %add3A_784 : vector<16xf32>
      }
      %scan3A_471 = arith.constant 256 : i32
      %swap3A_472 = arith.index_cast %add3A_449 : i32 to index
      %swap3A_473 = arith.constant 0 : index
      %swap3A_474 = tpu.vector_load %arg7[%swap3A_472, %swap3A_473] {strides = array<i32>} : memref<32x16xf32, #tpu.memory_space<vmem>>, vector<1x16xf32>,
      %swap3A_475 = vector.shape_cast %swap3A_474 : vector<1x16xf32> to vector<16xf32>
      %swap3A_476 = vector.shape_cast %scan3A_470 : vector<16xf32> to vector<1x16xf32>
      tpu.vector_store %arg7[%swap3A_472, %swap3A_473], %swap3A_476 {strides = array<i32>} : memref<32x16xf32, #tpu.memory_space<vmem>>, vector<1x16xf32>,
      %add3A_477 = arith.constant 4 : i32
      %add3A_478 = arith.addi %add3A_449, %add3A_477 : i32
      %lt3A_479 = arith.constant 32 : i32
      %lt3A_480 = arith.cmpi slt, %add3A_478, %lt3A_479 : i32
      %convert_element_type3A_481 = arith.extui %lt3A_480 : i1 to i32
      %cond3A_482 = arith.constant 0 : i32
      %cond3A_483 = arith.cmpi ne, %convert_element_type3A_481, %cond3A_482 : i32
      scf.if %cond3A_483 {
        %add3A_674 = arith.addi %add3A_4, %add3A_449 : i32
        %add3A_675 = arith.constant 4 : i32
        %add3A_676 = arith.addi %add3A_674, %add3A_675 : i32
        %dma_start3A_677 = arith.constant 2 : i32
        %dma_start3A_678 = arith.constant 0 : i32
        %dma_start3A_679 = tpu.memref_slice %arg6[%dma_start3A_677, %dma_start3A_678] : memref<4x4096xf32, #tpu.memory_space<vmem>> -> memref<1x4096xf32, #tpu.memory_space<vmem>>
        %dma_start3A_680 = tpu.memref_squeeze %dma_start3A_679 : memref<1x4096xf32, #tpu.memory_space<vmem>> -> memref<4096xf32, #tpu.memory_space<vmem>>
        %dma_start3A_681 = arith.constant 0 : i32
        %dma_start3A_682 = tpu.memref_slice %arg2[%add3A_676, %dma_start3A_681] : memref<4096x4096xf32, #tpu.memory_space<hbm>> -> memref<1x4096xf32, #tpu.memory_space<hbm>>
        %dma_start3A_683 = tpu.memref_squeeze %dma_start3A_682 : memref<1x4096xf32, #tpu.memory_space<hbm>> -> memref<4096xf32, #tpu.memory_space<hbm>>
        %dma_start3A_684 = arith.constant 0 : i32
        %dma_start3A_685 = tpu.memref_slice %arg6[%dma_start3A_677, %dma_start3A_684] : memref<4x4096xf32, #tpu.memory_space<vmem>> -> memref<1x4096xf32, #tpu.memory_space<vmem>>
        %dma_start3A_686 = tpu.memref_squeeze %dma_start3A_685 : memref<1x4096xf32, #tpu.memory_space<vmem>> -> memref<4096xf32, #tpu.memory_space<vmem>>
        %dma_start3A_687 = arith.constant 0 : i32
        %dma_start3A_688 = tpu.memref_slice %arg2[%add3A_676, %dma_start3A_687] : memref<4096x4096xf32, #tpu.memory_space<hbm>> -> memref<1x4096xf32, #tpu.memory_space<hbm>>
        %dma_start3A_689 = tpu.memref_squeeze %dma_start3A_688 : memref<1x4096xf32, #tpu.memory_space<hbm>> -> memref<4096xf32, #tpu.memory_space<hbm>>
        tpu.enqueue_dma source(%dma_start3A_689 : memref<4096xf32, #tpu.memory_space<hbm>>) target(%dma_start3A_686 : memref<4096xf32, #tpu.memory_space<vmem>>) target_semaphore(%arg10 : memref<!tpu.dma_semaphore, #tpu.memory_space<semaphore_mem>>)
      } else {
      }
      %mul3A_484 = arith.constant 16 : i32
      %mul3A_485 = arith.muli %scan3A_71, %mul3A_484 : i32
      %add3A_486 = arith.constant 11 : i32
      %add3A_487 = arith.addi %mul3A_485, %add3A_486 : i32
      %add3A_488 = arith.addi %add3A_4, %add3A_487 : i32
      %dma_wait3A_489 = arith.constant 3 : i32
      %dma_wait3A_490 = arith.constant 0 : i32
      %dma_wait3A_491 = tpu.memref_slice %arg6[%dma_wait3A_489, %dma_wait3A_490] : memref<4x4096xf32, #tpu.memory_space<vmem>> -> memref<1x4096xf32, #tpu.memory_space<vmem>>
      %dma_wait3A_492 = tpu.memref_squeeze %dma_wait3A_491 : memref<1x4096xf32, #tpu.memory_space<vmem>> -> memref<4096xf32, #tpu.memory_space<vmem>>
      %dma_wait3A_493 = arith.constant 0 : i32
      %dma_wait3A_494 = tpu.memref_slice %arg2[%add3A_488, %dma_wait3A_493] : memref<4096x4096xf32, #tpu.memory_space<hbm>> -> memref<1x4096xf32, #tpu.memory_space<hbm>>
      %dma_wait3A_495 = tpu.memref_squeeze %dma_wait3A_494 : memref<1x4096xf32, #tpu.memory_space<hbm>> -> memref<4096xf32, #tpu.memory_space<hbm>>
      %dma_wait3A_496 = arith.constant 0 : i32
      %dma_wait3A_497 = tpu.memref_slice %arg6[%dma_wait3A_489, %dma_wait3A_496] : memref<4x4096xf32, #tpu.memory_space<vmem>> -> memref<1x4096xf32, #tpu.memory_space<vmem>>
      %dma_wait3A_498 = tpu.memref_squeeze %dma_wait3A_497 : memref<1x4096xf32, #tpu.memory_space<vmem>> -> memref<4096xf32, #tpu.memory_space<vmem>>
      %dma_wait3A_499 = arith.constant 0 : i32
      %dma_wait3A_500 = tpu.memref_slice %arg2[%add3A_488, %dma_wait3A_499] : memref<4096x4096xf32, #tpu.memory_space<hbm>> -> memref<1x4096xf32, #tpu.memory_space<hbm>>
      %dma_wait3A_501 = tpu.memref_squeeze %dma_wait3A_500 : memref<1x4096xf32, #tpu.memory_space<hbm>> -> memref<4096xf32, #tpu.memory_space<hbm>>
      tpu.wait_dma2 semaphore(%arg11 : memref<!tpu.dma_semaphore, #tpu.memory_space<semaphore_mem>>) src(%dma_wait3A_501 : memref<4096xf32, #tpu.memory_space<hbm>>) dst(%dma_wait3A_498 : memref<4096xf32, #tpu.memory_space<vmem>>)
      %broadcast_in_dim3A_502 = arith.constant 0.000000e+00 : f32
      %broadcast_in_dim3A_503 = vector.broadcast %broadcast_in_dim3A_502 : f32 to vector<16xf32>
      %scan3A_504 = arith.constant 0 : i32
      %scan3A_505 = arith.constant 256 : i32
      %scan3A_506 = arith.addi %scan3A_504, %scan3A_505 : i32
      %scan3A_507 = arith.constant 8 : i32
      %scan3A_508 = scf.for %scan3A_674 = %scan3A_504 to %scan3A_506 step %scan3A_507 iter_args(%scan3A_675 = %broadcast_in_dim3A_503) -> (vector<16xf32>)  : i32 {
        %mul3A_676 = arith.constant 16 : i32
        %mul3A_677 = arith.muli %scan3A_674, %mul3A_676 : i32
        %get3A = arith.constant 3 : i32
        %get3A_678 = arith.index_cast %get3A : i32 to index
        %get3A_679 = arith.index_cast %mul3A_677 : i32 to index
        %get3A_680 = tpu.vector_load %arg6[%get3A_678, %get3A_679] {strides = array<i32>} : memref<4x4096xf32, #tpu.memory_space<vmem>>, vector<1x16xf32>,
        %get3A_681 = vector.shape_cast %get3A_680 : vector<1x16xf32> to vector<16xf32>
        %get3A_682 = arith.index_cast %mul3A_677 : i32 to index
        %get3A_683 = tpu.vector_load %arg5[%get3A_682] {strides = array<i32>} : memref<4096xf32, #tpu.memory_space<vmem>>, vector<16xf32>,
        %get3A_684 = vector.shape_cast %get3A_683 : vector<16xf32> to vector<16xf32>
        %mul3A_685 = arith.mulf %get3A_681, %get3A_684 : vector<16xf32>
        %add3A_686 = arith.addf %scan3A_675, %mul3A_685 : vector<16xf32>
        %scan3A_687 = arith.constant 1 : i32
        %scan3A_688 = arith.addi %scan3A_674, %scan3A_687 : i32
        %mul3A_689 = arith.constant 16 : i32
        %mul3A_690 = arith.muli %scan3A_688, %mul3A_689 : i32
        %get3A_691 = arith.constant 3 : i32
        %get3A_692 = arith.index_cast %get3A_691 : i32 to index
        %get3A_693 = arith.index_cast %mul3A_690 : i32 to index
        %get3A_694 = tpu.vector_load %arg6[%get3A_692, %get3A_693] {strides = array<i32>} : memref<4x4096xf32, #tpu.memory_space<vmem>>, vector<1x16xf32>,
        %get3A_695 = vector.shape_cast %get3A_694 : vector<1x16xf32> to vector<16xf32>
        %get3A_696 = arith.index_cast %mul3A_690 : i32 to index
        %get3A_697 = tpu.vector_load %arg5[%get3A_696] {strides = array<i32>} : memref<4096xf32, #tpu.memory_space<vmem>>, vector<16xf32>,
        %get3A_698 = vector.shape_cast %get3A_697 : vector<16xf32> to vector<16xf32>
        %mul3A_699 = arith.mulf %get3A_695, %get3A_698 : vector<16xf32>
        %add3A_700 = arith.addf %add3A_686, %mul3A_699 : vector<16xf32>
        %scan3A_701 = arith.constant 2 : i32
        %scan3A_702 = arith.addi %scan3A_674, %scan3A_701 : i32
        %mul3A_703 = arith.constant 16 : i32
        %mul3A_704 = arith.muli %scan3A_702, %mul3A_703 : i32
        %get3A_705 = arith.constant 3 : i32
        %get3A_706 = arith.index_cast %get3A_705 : i32 to index
        %get3A_707 = arith.index_cast %mul3A_704 : i32 to index
        %get3A_708 = tpu.vector_load %arg6[%get3A_706, %get3A_707] {strides = array<i32>} : memref<4x4096xf32, #tpu.memory_space<vmem>>, vector<1x16xf32>,
        %get3A_709 = vector.shape_cast %get3A_708 : vector<1x16xf32> to vector<16xf32>
        %get3A_710 = arith.index_cast %mul3A_704 : i32 to index
        %get3A_711 = tpu.vector_load %arg5[%get3A_710] {strides = array<i32>} : memref<4096xf32, #tpu.memory_space<vmem>>, vector<16xf32>,
        %get3A_712 = vector.shape_cast %get3A_711 : vector<16xf32> to vector<16xf32>
        %mul3A_713 = arith.mulf %get3A_709, %get3A_712 : vector<16xf32>
        %add3A_714 = arith.addf %add3A_700, %mul3A_713 : vector<16xf32>
        %scan3A_715 = arith.constant 3 : i32
        %scan3A_716 = arith.addi %scan3A_674, %scan3A_715 : i32
        %mul3A_717 = arith.constant 16 : i32
        %mul3A_718 = arith.muli %scan3A_716, %mul3A_717 : i32
        %get3A_719 = arith.constant 3 : i32
        %get3A_720 = arith.index_cast %get3A_719 : i32 to index
        %get3A_721 = arith.index_cast %mul3A_718 : i32 to index
        %get3A_722 = tpu.vector_load %arg6[%get3A_720, %get3A_721] {strides = array<i32>} : memref<4x4096xf32, #tpu.memory_space<vmem>>, vector<1x16xf32>,
        %get3A_723 = vector.shape_cast %get3A_722 : vector<1x16xf32> to vector<16xf32>
        %get3A_724 = arith.index_cast %mul3A_718 : i32 to index
        %get3A_725 = tpu.vector_load %arg5[%get3A_724] {strides = array<i32>} : memref<4096xf32, #tpu.memory_space<vmem>>, vector<16xf32>,
        %get3A_726 = vector.shape_cast %get3A_725 : vector<16xf32> to vector<16xf32>
        %mul3A_727 = arith.mulf %get3A_723, %get3A_726 : vector<16xf32>
        %add3A_728 = arith.addf %add3A_714, %mul3A_727 : vector<16xf32>
        %scan3A_729 = arith.constant 4 : i32
        %scan3A_730 = arith.addi %scan3A_674, %scan3A_729 : i32
        %mul3A_731 = arith.constant 16 : i32
        %mul3A_732 = arith.muli %scan3A_730, %mul3A_731 : i32
        %get3A_733 = arith.constant 3 : i32
        %get3A_734 = arith.index_cast %get3A_733 : i32 to index
        %get3A_735 = arith.index_cast %mul3A_732 : i32 to index
        %get3A_736 = tpu.vector_load %arg6[%get3A_734, %get3A_735] {strides = array<i32>} : memref<4x4096xf32, #tpu.memory_space<vmem>>, vector<1x16xf32>,
        %get3A_737 = vector.shape_cast %get3A_736 : vector<1x16xf32> to vector<16xf32>
        %get3A_738 = arith.index_cast %mul3A_732 : i32 to index
        %get3A_739 = tpu.vector_load %arg5[%get3A_738] {strides = array<i32>} : memref<4096xf32, #tpu.memory_space<vmem>>, vector<16xf32>,
        %get3A_740 = vector.shape_cast %get3A_739 : vector<16xf32> to vector<16xf32>
        %mul3A_741 = arith.mulf %get3A_737, %get3A_740 : vector<16xf32>
        %add3A_742 = arith.addf %add3A_728, %mul3A_741 : vector<16xf32>
        %scan3A_743 = arith.constant 5 : i32
        %scan3A_744 = arith.addi %scan3A_674, %scan3A_743 : i32
        %mul3A_745 = arith.constant 16 : i32
        %mul3A_746 = arith.muli %scan3A_744, %mul3A_745 : i32
        %get3A_747 = arith.constant 3 : i32
        %get3A_748 = arith.index_cast %get3A_747 : i32 to index
        %get3A_749 = arith.index_cast %mul3A_746 : i32 to index
        %get3A_750 = tpu.vector_load %arg6[%get3A_748, %get3A_749] {strides = array<i32>} : memref<4x4096xf32, #tpu.memory_space<vmem>>, vector<1x16xf32>,
        %get3A_751 = vector.shape_cast %get3A_750 : vector<1x16xf32> to vector<16xf32>
        %get3A_752 = arith.index_cast %mul3A_746 : i32 to index
        %get3A_753 = tpu.vector_load %arg5[%get3A_752] {strides = array<i32>} : memref<4096xf32, #tpu.memory_space<vmem>>, vector<16xf32>,
        %get3A_754 = vector.shape_cast %get3A_753 : vector<16xf32> to vector<16xf32>
        %mul3A_755 = arith.mulf %get3A_751, %get3A_754 : vector<16xf32>
        %add3A_756 = arith.addf %add3A_742, %mul3A_755 : vector<16xf32>
        %scan3A_757 = arith.constant 6 : i32
        %scan3A_758 = arith.addi %scan3A_674, %scan3A_757 : i32
        %mul3A_759 = arith.constant 16 : i32
        %mul3A_760 = arith.muli %scan3A_758, %mul3A_759 : i32
        %get3A_761 = arith.constant 3 : i32
        %get3A_762 = arith.index_cast %get3A_761 : i32 to index
        %get3A_763 = arith.index_cast %mul3A_760 : i32 to index
        %get3A_764 = tpu.vector_load %arg6[%get3A_762, %get3A_763] {strides = array<i32>} : memref<4x4096xf32, #tpu.memory_space<vmem>>, vector<1x16xf32>,
        %get3A_765 = vector.shape_cast %get3A_764 : vector<1x16xf32> to vector<16xf32>
        %get3A_766 = arith.index_cast %mul3A_760 : i32 to index
        %get3A_767 = tpu.vector_load %arg5[%get3A_766] {strides = array<i32>} : memref<4096xf32, #tpu.memory_space<vmem>>, vector<16xf32>,
        %get3A_768 = vector.shape_cast %get3A_767 : vector<16xf32> to vector<16xf32>
        %mul3A_769 = arith.mulf %get3A_765, %get3A_768 : vector<16xf32>
        %add3A_770 = arith.addf %add3A_756, %mul3A_769 : vector<16xf32>
        %scan3A_771 = arith.constant 7 : i32
        %scan3A_772 = arith.addi %scan3A_674, %scan3A_771 : i32
        %mul3A_773 = arith.constant 16 : i32
        %mul3A_774 = arith.muli %scan3A_772, %mul3A_773 : i32
        %get3A_775 = arith.constant 3 : i32
        %get3A_776 = arith.index_cast %get3A_775 : i32 to index
        %get3A_777 = arith.index_cast %mul3A_774 : i32 to index
        %get3A_778 = tpu.vector_load %arg6[%get3A_776, %get3A_777] {strides = array<i32>} : memref<4x4096xf32, #tpu.memory_space<vmem>>, vector<1x16xf32>,
        %get3A_779 = vector.shape_cast %get3A_778 : vector<1x16xf32> to vector<16xf32>
        %get3A_780 = arith.index_cast %mul3A_774 : i32 to index
        %get3A_781 = tpu.vector_load %arg5[%get3A_780] {strides = array<i32>} : memref<4096xf32, #tpu.memory_space<vmem>>, vector<16xf32>,
        %get3A_782 = vector.shape_cast %get3A_781 : vector<16xf32> to vector<16xf32>
        %mul3A_783 = arith.mulf %get3A_779, %get3A_782 : vector<16xf32>
        %add3A_784 = arith.addf %add3A_770, %mul3A_783 : vector<16xf32>
        scf.yield %add3A_784 : vector<16xf32>
      }
      %scan3A_509 = arith.constant 256 : i32
      %swap3A_510 = arith.index_cast %add3A_487 : i32 to index
      %swap3A_511 = arith.constant 0 : index
      %swap3A_512 = tpu.vector_load %arg7[%swap3A_510, %swap3A_511] {strides = array<i32>} : memref<32x16xf32, #tpu.memory_space<vmem>>, vector<1x16xf32>,
      %swap3A_513 = vector.shape_cast %swap3A_512 : vector<1x16xf32> to vector<16xf32>
      %swap3A_514 = vector.shape_cast %scan3A_508 : vector<16xf32> to vector<1x16xf32>
      tpu.vector_store %arg7[%swap3A_510, %swap3A_511], %swap3A_514 {strides = array<i32>} : memref<32x16xf32, #tpu.memory_space<vmem>>, vector<1x16xf32>,
      %add3A_515 = arith.constant 4 : i32
      %add3A_516 = arith.addi %add3A_487, %add3A_515 : i32
      %lt3A_517 = arith.constant 32 : i32
      %lt3A_518 = arith.cmpi slt, %add3A_516, %lt3A_517 : i32
      %convert_element_type3A_519 = arith.extui %lt3A_518 : i1 to i32
      %cond3A_520 = arith.constant 0 : i32
      %cond3A_521 = arith.cmpi ne, %convert_element_type3A_519, %cond3A_520 : i32
      scf.if %cond3A_521 {
        %add3A_674 = arith.addi %add3A_4, %add3A_487 : i32
        %add3A_675 = arith.constant 4 : i32
        %add3A_676 = arith.addi %add3A_674, %add3A_675 : i32
        %dma_start3A_677 = arith.constant 3 : i32
        %dma_start3A_678 = arith.constant 0 : i32
        %dma_start3A_679 = tpu.memref_slice %arg6[%dma_start3A_677, %dma_start3A_678] : memref<4x4096xf32, #tpu.memory_space<vmem>> -> memref<1x4096xf32, #tpu.memory_space<vmem>>
        %dma_start3A_680 = tpu.memref_squeeze %dma_start3A_679 : memref<1x4096xf32, #tpu.memory_space<vmem>> -> memref<4096xf32, #tpu.memory_space<vmem>>
        %dma_start3A_681 = arith.constant 0 : i32
        %dma_start3A_682 = tpu.memref_slice %arg2[%add3A_676, %dma_start3A_681] : memref<4096x4096xf32, #tpu.memory_space<hbm>> -> memref<1x4096xf32, #tpu.memory_space<hbm>>
        %dma_start3A_683 = tpu.memref_squeeze %dma_start3A_682 : memref<1x4096xf32, #tpu.memory_space<hbm>> -> memref<4096xf32, #tpu.memory_space<hbm>>
        %dma_start3A_684 = arith.constant 0 : i32
        %dma_start3A_685 = tpu.memref_slice %arg6[%dma_start3A_677, %dma_start3A_684] : memref<4x4096xf32, #tpu.memory_space<vmem>> -> memref<1x4096xf32, #tpu.memory_space<vmem>>
        %dma_start3A_686 = tpu.memref_squeeze %dma_start3A_685 : memref<1x4096xf32, #tpu.memory_space<vmem>> -> memref<4096xf32, #tpu.memory_space<vmem>>
        %dma_start3A_687 = arith.constant 0 : i32
        %dma_start3A_688 = tpu.memref_slice %arg2[%add3A_676, %dma_start3A_687] : memref<4096x4096xf32, #tpu.memory_space<hbm>> -> memref<1x4096xf32, #tpu.memory_space<hbm>>
        %dma_start3A_689 = tpu.memref_squeeze %dma_start3A_688 : memref<1x4096xf32, #tpu.memory_space<hbm>> -> memref<4096xf32, #tpu.memory_space<hbm>>
        tpu.enqueue_dma source(%dma_start3A_689 : memref<4096xf32, #tpu.memory_space<hbm>>) target(%dma_start3A_686 : memref<4096xf32, #tpu.memory_space<vmem>>) target_semaphore(%arg11 : memref<!tpu.dma_semaphore, #tpu.memory_space<semaphore_mem>>)
      } else {
      }
      %mul3A_522 = arith.constant 16 : i32
      %mul3A_523 = arith.muli %scan3A_71, %mul3A_522 : i32
      %add3A_524 = arith.constant 12 : i32
      %add3A_525 = arith.addi %mul3A_523, %add3A_524 : i32
      %add3A_526 = arith.addi %add3A_4, %add3A_525 : i32
      %dma_wait3A_527 = arith.constant 0 : i32
      %dma_wait3A_528 = arith.constant 0 : i32
      %dma_wait3A_529 = tpu.memref_slice %arg6[%dma_wait3A_527, %dma_wait3A_528] : memref<4x4096xf32, #tpu.memory_space<vmem>> -> memref<1x4096xf32, #tpu.memory_space<vmem>>
      %dma_wait3A_530 = tpu.memref_squeeze %dma_wait3A_529 : memref<1x4096xf32, #tpu.memory_space<vmem>> -> memref<4096xf32, #tpu.memory_space<vmem>>
      %dma_wait3A_531 = arith.constant 0 : i32
      %dma_wait3A_532 = tpu.memref_slice %arg2[%add3A_526, %dma_wait3A_531] : memref<4096x4096xf32, #tpu.memory_space<hbm>> -> memref<1x4096xf32, #tpu.memory_space<hbm>>
      %dma_wait3A_533 = tpu.memref_squeeze %dma_wait3A_532 : memref<1x4096xf32, #tpu.memory_space<hbm>> -> memref<4096xf32, #tpu.memory_space<hbm>>
      %dma_wait3A_534 = arith.constant 0 : i32
      %dma_wait3A_535 = tpu.memref_slice %arg6[%dma_wait3A_527, %dma_wait3A_534] : memref<4x4096xf32, #tpu.memory_space<vmem>> -> memref<1x4096xf32, #tpu.memory_space<vmem>>
      %dma_wait3A_536 = tpu.memref_squeeze %dma_wait3A_535 : memref<1x4096xf32, #tpu.memory_space<vmem>> -> memref<4096xf32, #tpu.memory_space<vmem>>
      %dma_wait3A_537 = arith.constant 0 : i32
      %dma_wait3A_538 = tpu.memref_slice %arg2[%add3A_526, %dma_wait3A_537] : memref<4096x4096xf32, #tpu.memory_space<hbm>> -> memref<1x4096xf32, #tpu.memory_space<hbm>>
      %dma_wait3A_539 = tpu.memref_squeeze %dma_wait3A_538 : memref<1x4096xf32, #tpu.memory_space<hbm>> -> memref<4096xf32, #tpu.memory_space<hbm>>
      tpu.wait_dma2 semaphore(%arg8 : memref<!tpu.dma_semaphore, #tpu.memory_space<semaphore_mem>>) src(%dma_wait3A_539 : memref<4096xf32, #tpu.memory_space<hbm>>) dst(%dma_wait3A_536 : memref<4096xf32, #tpu.memory_space<vmem>>)
      %broadcast_in_dim3A_540 = arith.constant 0.000000e+00 : f32
      %broadcast_in_dim3A_541 = vector.broadcast %broadcast_in_dim3A_540 : f32 to vector<16xf32>
      %scan3A_542 = arith.constant 0 : i32
      %scan3A_543 = arith.constant 256 : i32
      %scan3A_544 = arith.addi %scan3A_542, %scan3A_543 : i32
      %scan3A_545 = arith.constant 8 : i32
      %scan3A_546 = scf.for %scan3A_674 = %scan3A_542 to %scan3A_544 step %scan3A_545 iter_args(%scan3A_675 = %broadcast_in_dim3A_541) -> (vector<16xf32>)  : i32 {
        %mul3A_676 = arith.constant 16 : i32
        %mul3A_677 = arith.muli %scan3A_674, %mul3A_676 : i32
        %get3A = arith.constant 0 : i32
        %get3A_678 = arith.index_cast %get3A : i32 to index
        %get3A_679 = arith.index_cast %mul3A_677 : i32 to index
        %get3A_680 = tpu.vector_load %arg6[%get3A_678, %get3A_679] {strides = array<i32>} : memref<4x4096xf32, #tpu.memory_space<vmem>>, vector<1x16xf32>,
        %get3A_681 = vector.shape_cast %get3A_680 : vector<1x16xf32> to vector<16xf32>
        %get3A_682 = arith.index_cast %mul3A_677 : i32 to index
        %get3A_683 = tpu.vector_load %arg5[%get3A_682] {strides = array<i32>} : memref<4096xf32, #tpu.memory_space<vmem>>, vector<16xf32>,
        %get3A_684 = vector.shape_cast %get3A_683 : vector<16xf32> to vector<16xf32>
        %mul3A_685 = arith.mulf %get3A_681, %get3A_684 : vector<16xf32>
        %add3A_686 = arith.addf %scan3A_675, %mul3A_685 : vector<16xf32>
        %scan3A_687 = arith.constant 1 : i32
        %scan3A_688 = arith.addi %scan3A_674, %scan3A_687 : i32
        %mul3A_689 = arith.constant 16 : i32
        %mul3A_690 = arith.muli %scan3A_688, %mul3A_689 : i32
        %get3A_691 = arith.constant 0 : i32
        %get3A_692 = arith.index_cast %get3A_691 : i32 to index
        %get3A_693 = arith.index_cast %mul3A_690 : i32 to index
        %get3A_694 = tpu.vector_load %arg6[%get3A_692, %get3A_693] {strides = array<i32>} : memref<4x4096xf32, #tpu.memory_space<vmem>>, vector<1x16xf32>,
        %get3A_695 = vector.shape_cast %get3A_694 : vector<1x16xf32> to vector<16xf32>
        %get3A_696 = arith.index_cast %mul3A_690 : i32 to index
        %get3A_697 = tpu.vector_load %arg5[%get3A_696] {strides = array<i32>} : memref<4096xf32, #tpu.memory_space<vmem>>, vector<16xf32>,
        %get3A_698 = vector.shape_cast %get3A_697 : vector<16xf32> to vector<16xf32>
        %mul3A_699 = arith.mulf %get3A_695, %get3A_698 : vector<16xf32>
        %add3A_700 = arith.addf %add3A_686, %mul3A_699 : vector<16xf32>
        %scan3A_701 = arith.constant 2 : i32
        %scan3A_702 = arith.addi %scan3A_674, %scan3A_701 : i32
        %mul3A_703 = arith.constant 16 : i32
        %mul3A_704 = arith.muli %scan3A_702, %mul3A_703 : i32
        %get3A_705 = arith.constant 0 : i32
        %get3A_706 = arith.index_cast %get3A_705 : i32 to index
        %get3A_707 = arith.index_cast %mul3A_704 : i32 to index
        %get3A_708 = tpu.vector_load %arg6[%get3A_706, %get3A_707] {strides = array<i32>} : memref<4x4096xf32, #tpu.memory_space<vmem>>, vector<1x16xf32>,
        %get3A_709 = vector.shape_cast %get3A_708 : vector<1x16xf32> to vector<16xf32>
        %get3A_710 = arith.index_cast %mul3A_704 : i32 to index
        %get3A_711 = tpu.vector_load %arg5[%get3A_710] {strides = array<i32>} : memref<4096xf32, #tpu.memory_space<vmem>>, vector<16xf32>,
        %get3A_712 = vector.shape_cast %get3A_711 : vector<16xf32> to vector<16xf32>
        %mul3A_713 = arith.mulf %get3A_709, %get3A_712 : vector<16xf32>
        %add3A_714 = arith.addf %add3A_700, %mul3A_713 : vector<16xf32>
        %scan3A_715 = arith.constant 3 : i32
        %scan3A_716 = arith.addi %scan3A_674, %scan3A_715 : i32
        %mul3A_717 = arith.constant 16 : i32
        %mul3A_718 = arith.muli %scan3A_716, %mul3A_717 : i32
        %get3A_719 = arith.constant 0 : i32
        %get3A_720 = arith.index_cast %get3A_719 : i32 to index
        %get3A_721 = arith.index_cast %mul3A_718 : i32 to index
        %get3A_722 = tpu.vector_load %arg6[%get3A_720, %get3A_721] {strides = array<i32>} : memref<4x4096xf32, #tpu.memory_space<vmem>>, vector<1x16xf32>,
        %get3A_723 = vector.shape_cast %get3A_722 : vector<1x16xf32> to vector<16xf32>
        %get3A_724 = arith.index_cast %mul3A_718 : i32 to index
        %get3A_725 = tpu.vector_load %arg5[%get3A_724] {strides = array<i32>} : memref<4096xf32, #tpu.memory_space<vmem>>, vector<16xf32>,
        %get3A_726 = vector.shape_cast %get3A_725 : vector<16xf32> to vector<16xf32>
        %mul3A_727 = arith.mulf %get3A_723, %get3A_726 : vector<16xf32>
        %add3A_728 = arith.addf %add3A_714, %mul3A_727 : vector<16xf32>
        %scan3A_729 = arith.constant 4 : i32
        %scan3A_730 = arith.addi %scan3A_674, %scan3A_729 : i32
        %mul3A_731 = arith.constant 16 : i32
        %mul3A_732 = arith.muli %scan3A_730, %mul3A_731 : i32
        %get3A_733 = arith.constant 0 : i32
        %get3A_734 = arith.index_cast %get3A_733 : i32 to index
        %get3A_735 = arith.index_cast %mul3A_732 : i32 to index
        %get3A_736 = tpu.vector_load %arg6[%get3A_734, %get3A_735] {strides = array<i32>} : memref<4x4096xf32, #tpu.memory_space<vmem>>, vector<1x16xf32>,
        %get3A_737 = vector.shape_cast %get3A_736 : vector<1x16xf32> to vector<16xf32>
        %get3A_738 = arith.index_cast %mul3A_732 : i32 to index
        %get3A_739 = tpu.vector_load %arg5[%get3A_738] {strides = array<i32>} : memref<4096xf32, #tpu.memory_space<vmem>>, vector<16xf32>,
        %get3A_740 = vector.shape_cast %get3A_739 : vector<16xf32> to vector<16xf32>
        %mul3A_741 = arith.mulf %get3A_737, %get3A_740 : vector<16xf32>
        %add3A_742 = arith.addf %add3A_728, %mul3A_741 : vector<16xf32>
        %scan3A_743 = arith.constant 5 : i32
        %scan3A_744 = arith.addi %scan3A_674, %scan3A_743 : i32
        %mul3A_745 = arith.constant 16 : i32
        %mul3A_746 = arith.muli %scan3A_744, %mul3A_745 : i32
        %get3A_747 = arith.constant 0 : i32
        %get3A_748 = arith.index_cast %get3A_747 : i32 to index
        %get3A_749 = arith.index_cast %mul3A_746 : i32 to index
        %get3A_750 = tpu.vector_load %arg6[%get3A_748, %get3A_749] {strides = array<i32>} : memref<4x4096xf32, #tpu.memory_space<vmem>>, vector<1x16xf32>,
        %get3A_751 = vector.shape_cast %get3A_750 : vector<1x16xf32> to vector<16xf32>
        %get3A_752 = arith.index_cast %mul3A_746 : i32 to index
        %get3A_753 = tpu.vector_load %arg5[%get3A_752] {strides = array<i32>} : memref<4096xf32, #tpu.memory_space<vmem>>, vector<16xf32>,
        %get3A_754 = vector.shape_cast %get3A_753 : vector<16xf32> to vector<16xf32>
        %mul3A_755 = arith.mulf %get3A_751, %get3A_754 : vector<16xf32>
        %add3A_756 = arith.addf %add3A_742, %mul3A_755 : vector<16xf32>
        %scan3A_757 = arith.constant 6 : i32
        %scan3A_758 = arith.addi %scan3A_674, %scan3A_757 : i32
        %mul3A_759 = arith.constant 16 : i32
        %mul3A_760 = arith.muli %scan3A_758, %mul3A_759 : i32
        %get3A_761 = arith.constant 0 : i32
        %get3A_762 = arith.index_cast %get3A_761 : i32 to index
        %get3A_763 = arith.index_cast %mul3A_760 : i32 to index
        %get3A_764 = tpu.vector_load %arg6[%get3A_762, %get3A_763] {strides = array<i32>} : memref<4x4096xf32, #tpu.memory_space<vmem>>, vector<1x16xf32>,
        %get3A_765 = vector.shape_cast %get3A_764 : vector<1x16xf32> to vector<16xf32>
        %get3A_766 = arith.index_cast %mul3A_760 : i32 to index
        %get3A_767 = tpu.vector_load %arg5[%get3A_766] {strides = array<i32>} : memref<4096xf32, #tpu.memory_space<vmem>>, vector<16xf32>,
        %get3A_768 = vector.shape_cast %get3A_767 : vector<16xf32> to vector<16xf32>
        %mul3A_769 = arith.mulf %get3A_765, %get3A_768 : vector<16xf32>
        %add3A_770 = arith.addf %add3A_756, %mul3A_769 : vector<16xf32>
        %scan3A_771 = arith.constant 7 : i32
        %scan3A_772 = arith.addi %scan3A_674, %scan3A_771 : i32
        %mul3A_773 = arith.constant 16 : i32
        %mul3A_774 = arith.muli %scan3A_772, %mul3A_773 : i32
        %get3A_775 = arith.constant 0 : i32
        %get3A_776 = arith.index_cast %get3A_775 : i32 to index
        %get3A_777 = arith.index_cast %mul3A_774 : i32 to index
        %get3A_778 = tpu.vector_load %arg6[%get3A_776, %get3A_777] {strides = array<i32>} : memref<4x4096xf32, #tpu.memory_space<vmem>>, vector<1x16xf32>,
        %get3A_779 = vector.shape_cast %get3A_778 : vector<1x16xf32> to vector<16xf32>
        %get3A_780 = arith.index_cast %mul3A_774 : i32 to index
        %get3A_781 = tpu.vector_load %arg5[%get3A_780] {strides = array<i32>} : memref<4096xf32, #tpu.memory_space<vmem>>, vector<16xf32>,
        %get3A_782 = vector.shape_cast %get3A_781 : vector<16xf32> to vector<16xf32>
        %mul3A_783 = arith.mulf %get3A_779, %get3A_782 : vector<16xf32>
        %add3A_784 = arith.addf %add3A_770, %mul3A_783 : vector<16xf32>
        scf.yield %add3A_784 : vector<16xf32>
      }
      %scan3A_547 = arith.constant 256 : i32
      %swap3A_548 = arith.index_cast %add3A_525 : i32 to index
      %swap3A_549 = arith.constant 0 : index
      %swap3A_550 = tpu.vector_load %arg7[%swap3A_548, %swap3A_549] {strides = array<i32>} : memref<32x16xf32, #tpu.memory_space<vmem>>, vector<1x16xf32>,
      %swap3A_551 = vector.shape_cast %swap3A_550 : vector<1x16xf32> to vector<16xf32>
      %swap3A_552 = vector.shape_cast %scan3A_546 : vector<16xf32> to vector<1x16xf32>
      tpu.vector_store %arg7[%swap3A_548, %swap3A_549], %swap3A_552 {strides = array<i32>} : memref<32x16xf32, #tpu.memory_space<vmem>>, vector<1x16xf32>,
      %add3A_553 = arith.constant 4 : i32
      %add3A_554 = arith.addi %add3A_525, %add3A_553 : i32
      %lt3A_555 = arith.constant 32 : i32
      %lt3A_556 = arith.cmpi slt, %add3A_554, %lt3A_555 : i32
      %convert_element_type3A_557 = arith.extui %lt3A_556 : i1 to i32
      %cond3A_558 = arith.constant 0 : i32
      %cond3A_559 = arith.cmpi ne, %convert_element_type3A_557, %cond3A_558 : i32
      scf.if %cond3A_559 {
        %add3A_674 = arith.addi %add3A_4, %add3A_525 : i32
        %add3A_675 = arith.constant 4 : i32
        %add3A_676 = arith.addi %add3A_674, %add3A_675 : i32
        %dma_start3A_677 = arith.constant 0 : i32
        %dma_start3A_678 = arith.constant 0 : i32
        %dma_start3A_679 = tpu.memref_slice %arg6[%dma_start3A_677, %dma_start3A_678] : memref<4x4096xf32, #tpu.memory_space<vmem>> -> memref<1x4096xf32, #tpu.memory_space<vmem>>
        %dma_start3A_680 = tpu.memref_squeeze %dma_start3A_679 : memref<1x4096xf32, #tpu.memory_space<vmem>> -> memref<4096xf32, #tpu.memory_space<vmem>>
        %dma_start3A_681 = arith.constant 0 : i32
        %dma_start3A_682 = tpu.memref_slice %arg2[%add3A_676, %dma_start3A_681] : memref<4096x4096xf32, #tpu.memory_space<hbm>> -> memref<1x4096xf32, #tpu.memory_space<hbm>>
        %dma_start3A_683 = tpu.memref_squeeze %dma_start3A_682 : memref<1x4096xf32, #tpu.memory_space<hbm>> -> memref<4096xf32, #tpu.memory_space<hbm>>
        %dma_start3A_684 = arith.constant 0 : i32
        %dma_start3A_685 = tpu.memref_slice %arg6[%dma_start3A_677, %dma_start3A_684] : memref<4x4096xf32, #tpu.memory_space<vmem>> -> memref<1x4096xf32, #tpu.memory_space<vmem>>
        %dma_start3A_686 = tpu.memref_squeeze %dma_start3A_685 : memref<1x4096xf32, #tpu.memory_space<vmem>> -> memref<4096xf32, #tpu.memory_space<vmem>>
        %dma_start3A_687 = arith.constant 0 : i32
        %dma_start3A_688 = tpu.memref_slice %arg2[%add3A_676, %dma_start3A_687] : memref<4096x4096xf32, #tpu.memory_space<hbm>> -> memref<1x4096xf32, #tpu.memory_space<hbm>>
        %dma_start3A_689 = tpu.memref_squeeze %dma_start3A_688 : memref<1x4096xf32, #tpu.memory_space<hbm>> -> memref<4096xf32, #tpu.memory_space<hbm>>
        tpu.enqueue_dma source(%dma_start3A_689 : memref<4096xf32, #tpu.memory_space<hbm>>) target(%dma_start3A_686 : memref<4096xf32, #tpu.memory_space<vmem>>) target_semaphore(%arg8 : memref<!tpu.dma_semaphore, #tpu.memory_space<semaphore_mem>>)
      } else {
      }
      %mul3A_560 = arith.constant 16 : i32
      %mul3A_561 = arith.muli %scan3A_71, %mul3A_560 : i32
      %add3A_562 = arith.constant 13 : i32
      %add3A_563 = arith.addi %mul3A_561, %add3A_562 : i32
      %add3A_564 = arith.addi %add3A_4, %add3A_563 : i32
      %dma_wait3A_565 = arith.constant 1 : i32
      %dma_wait3A_566 = arith.constant 0 : i32
      %dma_wait3A_567 = tpu.memref_slice %arg6[%dma_wait3A_565, %dma_wait3A_566] : memref<4x4096xf32, #tpu.memory_space<vmem>> -> memref<1x4096xf32, #tpu.memory_space<vmem>>
      %dma_wait3A_568 = tpu.memref_squeeze %dma_wait3A_567 : memref<1x4096xf32, #tpu.memory_space<vmem>> -> memref<4096xf32, #tpu.memory_space<vmem>>
      %dma_wait3A_569 = arith.constant 0 : i32
      %dma_wait3A_570 = tpu.memref_slice %arg2[%add3A_564, %dma_wait3A_569] : memref<4096x4096xf32, #tpu.memory_space<hbm>> -> memref<1x4096xf32, #tpu.memory_space<hbm>>
      %dma_wait3A_571 = tpu.memref_squeeze %dma_wait3A_570 : memref<1x4096xf32, #tpu.memory_space<hbm>> -> memref<4096xf32, #tpu.memory_space<hbm>>
      %dma_wait3A_572 = arith.constant 0 : i32
      %dma_wait3A_573 = tpu.memref_slice %arg6[%dma_wait3A_565, %dma_wait3A_572] : memref<4x4096xf32, #tpu.memory_space<vmem>> -> memref<1x4096xf32, #tpu.memory_space<vmem>>
      %dma_wait3A_574 = tpu.memref_squeeze %dma_wait3A_573 : memref<1x4096xf32, #tpu.memory_space<vmem>> -> memref<4096xf32, #tpu.memory_space<vmem>>
      %dma_wait3A_575 = arith.constant 0 : i32
      %dma_wait3A_576 = tpu.memref_slice %arg2[%add3A_564, %dma_wait3A_575] : memref<4096x4096xf32, #tpu.memory_space<hbm>> -> memref<1x4096xf32, #tpu.memory_space<hbm>>
      %dma_wait3A_577 = tpu.memref_squeeze %dma_wait3A_576 : memref<1x4096xf32, #tpu.memory_space<hbm>> -> memref<4096xf32, #tpu.memory_space<hbm>>
      tpu.wait_dma2 semaphore(%arg9 : memref<!tpu.dma_semaphore, #tpu.memory_space<semaphore_mem>>) src(%dma_wait3A_577 : memref<4096xf32, #tpu.memory_space<hbm>>) dst(%dma_wait3A_574 : memref<4096xf32, #tpu.memory_space<vmem>>)
      %broadcast_in_dim3A_578 = arith.constant 0.000000e+00 : f32
      %broadcast_in_dim3A_579 = vector.broadcast %broadcast_in_dim3A_578 : f32 to vector<16xf32>
      %scan3A_580 = arith.constant 0 : i32
      %scan3A_581 = arith.constant 256 : i32
      %scan3A_582 = arith.addi %scan3A_580, %scan3A_581 : i32
      %scan3A_583 = arith.constant 8 : i32
      %scan3A_584 = scf.for %scan3A_674 = %scan3A_580 to %scan3A_582 step %scan3A_583 iter_args(%scan3A_675 = %broadcast_in_dim3A_579) -> (vector<16xf32>)  : i32 {
        %mul3A_676 = arith.constant 16 : i32
        %mul3A_677 = arith.muli %scan3A_674, %mul3A_676 : i32
        %get3A = arith.constant 1 : i32
        %get3A_678 = arith.index_cast %get3A : i32 to index
        %get3A_679 = arith.index_cast %mul3A_677 : i32 to index
        %get3A_680 = tpu.vector_load %arg6[%get3A_678, %get3A_679] {strides = array<i32>} : memref<4x4096xf32, #tpu.memory_space<vmem>>, vector<1x16xf32>,
        %get3A_681 = vector.shape_cast %get3A_680 : vector<1x16xf32> to vector<16xf32>
        %get3A_682 = arith.index_cast %mul3A_677 : i32 to index
        %get3A_683 = tpu.vector_load %arg5[%get3A_682] {strides = array<i32>} : memref<4096xf32, #tpu.memory_space<vmem>>, vector<16xf32>,
        %get3A_684 = vector.shape_cast %get3A_683 : vector<16xf32> to vector<16xf32>
        %mul3A_685 = arith.mulf %get3A_681, %get3A_684 : vector<16xf32>
        %add3A_686 = arith.addf %scan3A_675, %mul3A_685 : vector<16xf32>
        %scan3A_687 = arith.constant 1 : i32
        %scan3A_688 = arith.addi %scan3A_674, %scan3A_687 : i32
        %mul3A_689 = arith.constant 16 : i32
        %mul3A_690 = arith.muli %scan3A_688, %mul3A_689 : i32
        %get3A_691 = arith.constant 1 : i32
        %get3A_692 = arith.index_cast %get3A_691 : i32 to index
        %get3A_693 = arith.index_cast %mul3A_690 : i32 to index
        %get3A_694 = tpu.vector_load %arg6[%get3A_692, %get3A_693] {strides = array<i32>} : memref<4x4096xf32, #tpu.memory_space<vmem>>, vector<1x16xf32>,
        %get3A_695 = vector.shape_cast %get3A_694 : vector<1x16xf32> to vector<16xf32>
        %get3A_696 = arith.index_cast %mul3A_690 : i32 to index
        %get3A_697 = tpu.vector_load %arg5[%get3A_696] {strides = array<i32>} : memref<4096xf32, #tpu.memory_space<vmem>>, vector<16xf32>,
        %get3A_698 = vector.shape_cast %get3A_697 : vector<16xf32> to vector<16xf32>
        %mul3A_699 = arith.mulf %get3A_695, %get3A_698 : vector<16xf32>
        %add3A_700 = arith.addf %add3A_686, %mul3A_699 : vector<16xf32>
        %scan3A_701 = arith.constant 2 : i32
        %scan3A_702 = arith.addi %scan3A_674, %scan3A_701 : i32
        %mul3A_703 = arith.constant 16 : i32
        %mul3A_704 = arith.muli %scan3A_702, %mul3A_703 : i32
        %get3A_705 = arith.constant 1 : i32
        %get3A_706 = arith.index_cast %get3A_705 : i32 to index
        %get3A_707 = arith.index_cast %mul3A_704 : i32 to index
        %get3A_708 = tpu.vector_load %arg6[%get3A_706, %get3A_707] {strides = array<i32>} : memref<4x4096xf32, #tpu.memory_space<vmem>>, vector<1x16xf32>,
        %get3A_709 = vector.shape_cast %get3A_708 : vector<1x16xf32> to vector<16xf32>
        %get3A_710 = arith.index_cast %mul3A_704 : i32 to index
        %get3A_711 = tpu.vector_load %arg5[%get3A_710] {strides = array<i32>} : memref<4096xf32, #tpu.memory_space<vmem>>, vector<16xf32>,
        %get3A_712 = vector.shape_cast %get3A_711 : vector<16xf32> to vector<16xf32>
        %mul3A_713 = arith.mulf %get3A_709, %get3A_712 : vector<16xf32>
        %add3A_714 = arith.addf %add3A_700, %mul3A_713 : vector<16xf32>
        %scan3A_715 = arith.constant 3 : i32
        %scan3A_716 = arith.addi %scan3A_674, %scan3A_715 : i32
        %mul3A_717 = arith.constant 16 : i32
        %mul3A_718 = arith.muli %scan3A_716, %mul3A_717 : i32
        %get3A_719 = arith.constant 1 : i32
        %get3A_720 = arith.index_cast %get3A_719 : i32 to index
        %get3A_721 = arith.index_cast %mul3A_718 : i32 to index
        %get3A_722 = tpu.vector_load %arg6[%get3A_720, %get3A_721] {strides = array<i32>} : memref<4x4096xf32, #tpu.memory_space<vmem>>, vector<1x16xf32>,
        %get3A_723 = vector.shape_cast %get3A_722 : vector<1x16xf32> to vector<16xf32>
        %get3A_724 = arith.index_cast %mul3A_718 : i32 to index
        %get3A_725 = tpu.vector_load %arg5[%get3A_724] {strides = array<i32>} : memref<4096xf32, #tpu.memory_space<vmem>>, vector<16xf32>,
        %get3A_726 = vector.shape_cast %get3A_725 : vector<16xf32> to vector<16xf32>
        %mul3A_727 = arith.mulf %get3A_723, %get3A_726 : vector<16xf32>
        %add3A_728 = arith.addf %add3A_714, %mul3A_727 : vector<16xf32>
        %scan3A_729 = arith.constant 4 : i32
        %scan3A_730 = arith.addi %scan3A_674, %scan3A_729 : i32
        %mul3A_731 = arith.constant 16 : i32
        %mul3A_732 = arith.muli %scan3A_730, %mul3A_731 : i32
        %get3A_733 = arith.constant 1 : i32
        %get3A_734 = arith.index_cast %get3A_733 : i32 to index
        %get3A_735 = arith.index_cast %mul3A_732 : i32 to index
        %get3A_736 = tpu.vector_load %arg6[%get3A_734, %get3A_735] {strides = array<i32>} : memref<4x4096xf32, #tpu.memory_space<vmem>>, vector<1x16xf32>,
        %get3A_737 = vector.shape_cast %get3A_736 : vector<1x16xf32> to vector<16xf32>
        %get3A_738 = arith.index_cast %mul3A_732 : i32 to index
        %get3A_739 = tpu.vector_load %arg5[%get3A_738] {strides = array<i32>} : memref<4096xf32, #tpu.memory_space<vmem>>, vector<16xf32>,
        %get3A_740 = vector.shape_cast %get3A_739 : vector<16xf32> to vector<16xf32>
        %mul3A_741 = arith.mulf %get3A_737, %get3A_740 : vector<16xf32>
        %add3A_742 = arith.addf %add3A_728, %mul3A_741 : vector<16xf32>
        %scan3A_743 = arith.constant 5 : i32
        %scan3A_744 = arith.addi %scan3A_674, %scan3A_743 : i32
        %mul3A_745 = arith.constant 16 : i32
        %mul3A_746 = arith.muli %scan3A_744, %mul3A_745 : i32
        %get3A_747 = arith.constant 1 : i32
        %get3A_748 = arith.index_cast %get3A_747 : i32 to index
        %get3A_749 = arith.index_cast %mul3A_746 : i32 to index
        %get3A_750 = tpu.vector_load %arg6[%get3A_748, %get3A_749] {strides = array<i32>} : memref<4x4096xf32, #tpu.memory_space<vmem>>, vector<1x16xf32>,
        %get3A_751 = vector.shape_cast %get3A_750 : vector<1x16xf32> to vector<16xf32>
        %get3A_752 = arith.index_cast %mul3A_746 : i32 to index
        %get3A_753 = tpu.vector_load %arg5[%get3A_752] {strides = array<i32>} : memref<4096xf32, #tpu.memory_space<vmem>>, vector<16xf32>,
        %get3A_754 = vector.shape_cast %get3A_753 : vector<16xf32> to vector<16xf32>
        %mul3A_755 = arith.mulf %get3A_751, %get3A_754 : vector<16xf32>
        %add3A_756 = arith.addf %add3A_742, %mul3A_755 : vector<16xf32>
        %scan3A_757 = arith.constant 6 : i32
        %scan3A_758 = arith.addi %scan3A_674, %scan3A_757 : i32
        %mul3A_759 = arith.constant 16 : i32
        %mul3A_760 = arith.muli %scan3A_758, %mul3A_759 : i32
        %get3A_761 = arith.constant 1 : i32
        %get3A_762 = arith.index_cast %get3A_761 : i32 to index
        %get3A_763 = arith.index_cast %mul3A_760 : i32 to index
        %get3A_764 = tpu.vector_load %arg6[%get3A_762, %get3A_763] {strides = array<i32>} : memref<4x4096xf32, #tpu.memory_space<vmem>>, vector<1x16xf32>,
        %get3A_765 = vector.shape_cast %get3A_764 : vector<1x16xf32> to vector<16xf32>
        %get3A_766 = arith.index_cast %mul3A_760 : i32 to index
        %get3A_767 = tpu.vector_load %arg5[%get3A_766] {strides = array<i32>} : memref<4096xf32, #tpu.memory_space<vmem>>, vector<16xf32>,
        %get3A_768 = vector.shape_cast %get3A_767 : vector<16xf32> to vector<16xf32>
        %mul3A_769 = arith.mulf %get3A_765, %get3A_768 : vector<16xf32>
        %add3A_770 = arith.addf %add3A_756, %mul3A_769 : vector<16xf32>
        %scan3A_771 = arith.constant 7 : i32
        %scan3A_772 = arith.addi %scan3A_674, %scan3A_771 : i32
        %mul3A_773 = arith.constant 16 : i32
        %mul3A_774 = arith.muli %scan3A_772, %mul3A_773 : i32
        %get3A_775 = arith.constant 1 : i32
        %get3A_776 = arith.index_cast %get3A_775 : i32 to index
        %get3A_777 = arith.index_cast %mul3A_774 : i32 to index
        %get3A_778 = tpu.vector_load %arg6[%get3A_776, %get3A_777] {strides = array<i32>} : memref<4x4096xf32, #tpu.memory_space<vmem>>, vector<1x16xf32>,
        %get3A_779 = vector.shape_cast %get3A_778 : vector<1x16xf32> to vector<16xf32>
        %get3A_780 = arith.index_cast %mul3A_774 : i32 to index
        %get3A_781 = tpu.vector_load %arg5[%get3A_780] {strides = array<i32>} : memref<4096xf32, #tpu.memory_space<vmem>>, vector<16xf32>,
        %get3A_782 = vector.shape_cast %get3A_781 : vector<16xf32> to vector<16xf32>
        %mul3A_783 = arith.mulf %get3A_779, %get3A_782 : vector<16xf32>
        %add3A_784 = arith.addf %add3A_770, %mul3A_783 : vector<16xf32>
        scf.yield %add3A_784 : vector<16xf32>
      }
      %scan3A_585 = arith.constant 256 : i32
      %swap3A_586 = arith.index_cast %add3A_563 : i32 to index
      %swap3A_587 = arith.constant 0 : index
      %swap3A_588 = tpu.vector_load %arg7[%swap3A_586, %swap3A_587] {strides = array<i32>} : memref<32x16xf32, #tpu.memory_space<vmem>>, vector<1x16xf32>,
      %swap3A_589 = vector.shape_cast %swap3A_588 : vector<1x16xf32> to vector<16xf32>
      %swap3A_590 = vector.shape_cast %scan3A_584 : vector<16xf32> to vector<1x16xf32>
      tpu.vector_store %arg7[%swap3A_586, %swap3A_587], %swap3A_590 {strides = array<i32>} : memref<32x16xf32, #tpu.memory_space<vmem>>, vector<1x16xf32>,
      %add3A_591 = arith.constant 4 : i32
      %add3A_592 = arith.addi %add3A_563, %add3A_591 : i32
      %lt3A_593 = arith.constant 32 : i32
      %lt3A_594 = arith.cmpi slt, %add3A_592, %lt3A_593 : i32
      %convert_element_type3A_595 = arith.extui %lt3A_594 : i1 to i32
      %cond3A_596 = arith.constant 0 : i32
      %cond3A_597 = arith.cmpi ne, %convert_element_type3A_595, %cond3A_596 : i32
      scf.if %cond3A_597 {
        %add3A_674 = arith.addi %add3A_4, %add3A_563 : i32
        %add3A_675 = arith.constant 4 : i32
        %add3A_676 = arith.addi %add3A_674, %add3A_675 : i32
        %dma_start3A_677 = arith.constant 1 : i32
        %dma_start3A_678 = arith.constant 0 : i32
        %dma_start3A_679 = tpu.memref_slice %arg6[%dma_start3A_677, %dma_start3A_678] : memref<4x4096xf32, #tpu.memory_space<vmem>> -> memref<1x4096xf32, #tpu.memory_space<vmem>>
        %dma_start3A_680 = tpu.memref_squeeze %dma_start3A_679 : memref<1x4096xf32, #tpu.memory_space<vmem>> -> memref<4096xf32, #tpu.memory_space<vmem>>
        %dma_start3A_681 = arith.constant 0 : i32
        %dma_start3A_682 = tpu.memref_slice %arg2[%add3A_676, %dma_start3A_681] : memref<4096x4096xf32, #tpu.memory_space<hbm>> -> memref<1x4096xf32, #tpu.memory_space<hbm>>
        %dma_start3A_683 = tpu.memref_squeeze %dma_start3A_682 : memref<1x4096xf32, #tpu.memory_space<hbm>> -> memref<4096xf32, #tpu.memory_space<hbm>>
        %dma_start3A_684 = arith.constant 0 : i32
        %dma_start3A_685 = tpu.memref_slice %arg6[%dma_start3A_677, %dma_start3A_684] : memref<4x4096xf32, #tpu.memory_space<vmem>> -> memref<1x4096xf32, #tpu.memory_space<vmem>>
        %dma_start3A_686 = tpu.memref_squeeze %dma_start3A_685 : memref<1x4096xf32, #tpu.memory_space<vmem>> -> memref<4096xf32, #tpu.memory_space<vmem>>
        %dma_start3A_687 = arith.constant 0 : i32
        %dma_start3A_688 = tpu.memref_slice %arg2[%add3A_676, %dma_start3A_687] : memref<4096x4096xf32, #tpu.memory_space<hbm>> -> memref<1x4096xf32, #tpu.memory_space<hbm>>
        %dma_start3A_689 = tpu.memref_squeeze %dma_start3A_688 : memref<1x4096xf32, #tpu.memory_space<hbm>> -> memref<4096xf32, #tpu.memory_space<hbm>>
        tpu.enqueue_dma source(%dma_start3A_689 : memref<4096xf32, #tpu.memory_space<hbm>>) target(%dma_start3A_686 : memref<4096xf32, #tpu.memory_space<vmem>>) target_semaphore(%arg9 : memref<!tpu.dma_semaphore, #tpu.memory_space<semaphore_mem>>)
      } else {
      }
      %mul3A_598 = arith.constant 16 : i32
      %mul3A_599 = arith.muli %scan3A_71, %mul3A_598 : i32
      %add3A_600 = arith.constant 14 : i32
      %add3A_601 = arith.addi %mul3A_599, %add3A_600 : i32
      %add3A_602 = arith.addi %add3A_4, %add3A_601 : i32
      %dma_wait3A_603 = arith.constant 2 : i32
      %dma_wait3A_604 = arith.constant 0 : i32
      %dma_wait3A_605 = tpu.memref_slice %arg6[%dma_wait3A_603, %dma_wait3A_604] : memref<4x4096xf32, #tpu.memory_space<vmem>> -> memref<1x4096xf32, #tpu.memory_space<vmem>>
      %dma_wait3A_606 = tpu.memref_squeeze %dma_wait3A_605 : memref<1x4096xf32, #tpu.memory_space<vmem>> -> memref<4096xf32, #tpu.memory_space<vmem>>
      %dma_wait3A_607 = arith.constant 0 : i32
      %dma_wait3A_608 = tpu.memref_slice %arg2[%add3A_602, %dma_wait3A_607] : memref<4096x4096xf32, #tpu.memory_space<hbm>> -> memref<1x4096xf32, #tpu.memory_space<hbm>>
      %dma_wait3A_609 = tpu.memref_squeeze %dma_wait3A_608 : memref<1x4096xf32, #tpu.memory_space<hbm>> -> memref<4096xf32, #tpu.memory_space<hbm>>
      %dma_wait3A_610 = arith.constant 0 : i32
      %dma_wait3A_611 = tpu.memref_slice %arg6[%dma_wait3A_603, %dma_wait3A_610] : memref<4x4096xf32, #tpu.memory_space<vmem>> -> memref<1x4096xf32, #tpu.memory_space<vmem>>
      %dma_wait3A_612 = tpu.memref_squeeze %dma_wait3A_611 : memref<1x4096xf32, #tpu.memory_space<vmem>> -> memref<4096xf32, #tpu.memory_space<vmem>>
      %dma_wait3A_613 = arith.constant 0 : i32
      %dma_wait3A_614 = tpu.memref_slice %arg2[%add3A_602, %dma_wait3A_613] : memref<4096x4096xf32, #tpu.memory_space<hbm>> -> memref<1x4096xf32, #tpu.memory_space<hbm>>
      %dma_wait3A_615 = tpu.memref_squeeze %dma_wait3A_614 : memref<1x4096xf32, #tpu.memory_space<hbm>> -> memref<4096xf32, #tpu.memory_space<hbm>>
      tpu.wait_dma2 semaphore(%arg10 : memref<!tpu.dma_semaphore, #tpu.memory_space<semaphore_mem>>) src(%dma_wait3A_615 : memref<4096xf32, #tpu.memory_space<hbm>>) dst(%dma_wait3A_612 : memref<4096xf32, #tpu.memory_space<vmem>>)
      %broadcast_in_dim3A_616 = arith.constant 0.000000e+00 : f32
      %broadcast_in_dim3A_617 = vector.broadcast %broadcast_in_dim3A_616 : f32 to vector<16xf32>
      %scan3A_618 = arith.constant 0 : i32
      %scan3A_619 = arith.constant 256 : i32
      %scan3A_620 = arith.addi %scan3A_618, %scan3A_619 : i32
      %scan3A_621 = arith.constant 8 : i32
      %scan3A_622 = scf.for %scan3A_674 = %scan3A_618 to %scan3A_620 step %scan3A_621 iter_args(%scan3A_675 = %broadcast_in_dim3A_617) -> (vector<16xf32>)  : i32 {
        %mul3A_676 = arith.constant 16 : i32
        %mul3A_677 = arith.muli %scan3A_674, %mul3A_676 : i32
        %get3A = arith.constant 2 : i32
        %get3A_678 = arith.index_cast %get3A : i32 to index
        %get3A_679 = arith.index_cast %mul3A_677 : i32 to index
        %get3A_680 = tpu.vector_load %arg6[%get3A_678, %get3A_679] {strides = array<i32>} : memref<4x4096xf32, #tpu.memory_space<vmem>>, vector<1x16xf32>,
        %get3A_681 = vector.shape_cast %get3A_680 : vector<1x16xf32> to vector<16xf32>
        %get3A_682 = arith.index_cast %mul3A_677 : i32 to index
        %get3A_683 = tpu.vector_load %arg5[%get3A_682] {strides = array<i32>} : memref<4096xf32, #tpu.memory_space<vmem>>, vector<16xf32>,
        %get3A_684 = vector.shape_cast %get3A_683 : vector<16xf32> to vector<16xf32>
        %mul3A_685 = arith.mulf %get3A_681, %get3A_684 : vector<16xf32>
        %add3A_686 = arith.addf %scan3A_675, %mul3A_685 : vector<16xf32>
        %scan3A_687 = arith.constant 1 : i32
        %scan3A_688 = arith.addi %scan3A_674, %scan3A_687 : i32
        %mul3A_689 = arith.constant 16 : i32
        %mul3A_690 = arith.muli %scan3A_688, %mul3A_689 : i32
        %get3A_691 = arith.constant 2 : i32
        %get3A_692 = arith.index_cast %get3A_691 : i32 to index
        %get3A_693 = arith.index_cast %mul3A_690 : i32 to index
        %get3A_694 = tpu.vector_load %arg6[%get3A_692, %get3A_693] {strides = array<i32>} : memref<4x4096xf32, #tpu.memory_space<vmem>>, vector<1x16xf32>,
        %get3A_695 = vector.shape_cast %get3A_694 : vector<1x16xf32> to vector<16xf32>
        %get3A_696 = arith.index_cast %mul3A_690 : i32 to index
        %get3A_697 = tpu.vector_load %arg5[%get3A_696] {strides = array<i32>} : memref<4096xf32, #tpu.memory_space<vmem>>, vector<16xf32>,
        %get3A_698 = vector.shape_cast %get3A_697 : vector<16xf32> to vector<16xf32>
        %mul3A_699 = arith.mulf %get3A_695, %get3A_698 : vector<16xf32>
        %add3A_700 = arith.addf %add3A_686, %mul3A_699 : vector<16xf32>
        %scan3A_701 = arith.constant 2 : i32
        %scan3A_702 = arith.addi %scan3A_674, %scan3A_701 : i32
        %mul3A_703 = arith.constant 16 : i32
        %mul3A_704 = arith.muli %scan3A_702, %mul3A_703 : i32
        %get3A_705 = arith.constant 2 : i32
        %get3A_706 = arith.index_cast %get3A_705 : i32 to index
        %get3A_707 = arith.index_cast %mul3A_704 : i32 to index
        %get3A_708 = tpu.vector_load %arg6[%get3A_706, %get3A_707] {strides = array<i32>} : memref<4x4096xf32, #tpu.memory_space<vmem>>, vector<1x16xf32>,
        %get3A_709 = vector.shape_cast %get3A_708 : vector<1x16xf32> to vector<16xf32>
        %get3A_710 = arith.index_cast %mul3A_704 : i32 to index
        %get3A_711 = tpu.vector_load %arg5[%get3A_710] {strides = array<i32>} : memref<4096xf32, #tpu.memory_space<vmem>>, vector<16xf32>,
        %get3A_712 = vector.shape_cast %get3A_711 : vector<16xf32> to vector<16xf32>
        %mul3A_713 = arith.mulf %get3A_709, %get3A_712 : vector<16xf32>
        %add3A_714 = arith.addf %add3A_700, %mul3A_713 : vector<16xf32>
        %scan3A_715 = arith.constant 3 : i32
        %scan3A_716 = arith.addi %scan3A_674, %scan3A_715 : i32
        %mul3A_717 = arith.constant 16 : i32
        %mul3A_718 = arith.muli %scan3A_716, %mul3A_717 : i32
        %get3A_719 = arith.constant 2 : i32
        %get3A_720 = arith.index_cast %get3A_719 : i32 to index
        %get3A_721 = arith.index_cast %mul3A_718 : i32 to index
        %get3A_722 = tpu.vector_load %arg6[%get3A_720, %get3A_721] {strides = array<i32>} : memref<4x4096xf32, #tpu.memory_space<vmem>>, vector<1x16xf32>,
        %get3A_723 = vector.shape_cast %get3A_722 : vector<1x16xf32> to vector<16xf32>
        %get3A_724 = arith.index_cast %mul3A_718 : i32 to index
        %get3A_725 = tpu.vector_load %arg5[%get3A_724] {strides = array<i32>} : memref<4096xf32, #tpu.memory_space<vmem>>, vector<16xf32>,
        %get3A_726 = vector.shape_cast %get3A_725 : vector<16xf32> to vector<16xf32>
        %mul3A_727 = arith.mulf %get3A_723, %get3A_726 : vector<16xf32>
        %add3A_728 = arith.addf %add3A_714, %mul3A_727 : vector<16xf32>
        %scan3A_729 = arith.constant 4 : i32
        %scan3A_730 = arith.addi %scan3A_674, %scan3A_729 : i32
        %mul3A_731 = arith.constant 16 : i32
        %mul3A_732 = arith.muli %scan3A_730, %mul3A_731 : i32
        %get3A_733 = arith.constant 2 : i32
        %get3A_734 = arith.index_cast %get3A_733 : i32 to index
        %get3A_735 = arith.index_cast %mul3A_732 : i32 to index
        %get3A_736 = tpu.vector_load %arg6[%get3A_734, %get3A_735] {strides = array<i32>} : memref<4x4096xf32, #tpu.memory_space<vmem>>, vector<1x16xf32>,
        %get3A_737 = vector.shape_cast %get3A_736 : vector<1x16xf32> to vector<16xf32>
        %get3A_738 = arith.index_cast %mul3A_732 : i32 to index
        %get3A_739 = tpu.vector_load %arg5[%get3A_738] {strides = array<i32>} : memref<4096xf32, #tpu.memory_space<vmem>>, vector<16xf32>,
        %get3A_740 = vector.shape_cast %get3A_739 : vector<16xf32> to vector<16xf32>
        %mul3A_741 = arith.mulf %get3A_737, %get3A_740 : vector<16xf32>
        %add3A_742 = arith.addf %add3A_728, %mul3A_741 : vector<16xf32>
        %scan3A_743 = arith.constant 5 : i32
        %scan3A_744 = arith.addi %scan3A_674, %scan3A_743 : i32
        %mul3A_745 = arith.constant 16 : i32
        %mul3A_746 = arith.muli %scan3A_744, %mul3A_745 : i32
        %get3A_747 = arith.constant 2 : i32
        %get3A_748 = arith.index_cast %get3A_747 : i32 to index
        %get3A_749 = arith.index_cast %mul3A_746 : i32 to index
        %get3A_750 = tpu.vector_load %arg6[%get3A_748, %get3A_749] {strides = array<i32>} : memref<4x4096xf32, #tpu.memory_space<vmem>>, vector<1x16xf32>,
        %get3A_751 = vector.shape_cast %get3A_750 : vector<1x16xf32> to vector<16xf32>
        %get3A_752 = arith.index_cast %mul3A_746 : i32 to index
        %get3A_753 = tpu.vector_load %arg5[%get3A_752] {strides = array<i32>} : memref<4096xf32, #tpu.memory_space<vmem>>, vector<16xf32>,
        %get3A_754 = vector.shape_cast %get3A_753 : vector<16xf32> to vector<16xf32>
        %mul3A_755 = arith.mulf %get3A_751, %get3A_754 : vector<16xf32>
        %add3A_756 = arith.addf %add3A_742, %mul3A_755 : vector<16xf32>
        %scan3A_757 = arith.constant 6 : i32
        %scan3A_758 = arith.addi %scan3A_674, %scan3A_757 : i32
        %mul3A_759 = arith.constant 16 : i32
        %mul3A_760 = arith.muli %scan3A_758, %mul3A_759 : i32
        %get3A_761 = arith.constant 2 : i32
        %get3A_762 = arith.index_cast %get3A_761 : i32 to index
        %get3A_763 = arith.index_cast %mul3A_760 : i32 to index
        %get3A_764 = tpu.vector_load %arg6[%get3A_762, %get3A_763] {strides = array<i32>} : memref<4x4096xf32, #tpu.memory_space<vmem>>, vector<1x16xf32>,
        %get3A_765 = vector.shape_cast %get3A_764 : vector<1x16xf32> to vector<16xf32>
        %get3A_766 = arith.index_cast %mul3A_760 : i32 to index
        %get3A_767 = tpu.vector_load %arg5[%get3A_766] {strides = array<i32>} : memref<4096xf32, #tpu.memory_space<vmem>>, vector<16xf32>,
        %get3A_768 = vector.shape_cast %get3A_767 : vector<16xf32> to vector<16xf32>
        %mul3A_769 = arith.mulf %get3A_765, %get3A_768 : vector<16xf32>
        %add3A_770 = arith.addf %add3A_756, %mul3A_769 : vector<16xf32>
        %scan3A_771 = arith.constant 7 : i32
        %scan3A_772 = arith.addi %scan3A_674, %scan3A_771 : i32
        %mul3A_773 = arith.constant 16 : i32
        %mul3A_774 = arith.muli %scan3A_772, %mul3A_773 : i32
        %get3A_775 = arith.constant 2 : i32
        %get3A_776 = arith.index_cast %get3A_775 : i32 to index
        %get3A_777 = arith.index_cast %mul3A_774 : i32 to index
        %get3A_778 = tpu.vector_load %arg6[%get3A_776, %get3A_777] {strides = array<i32>} : memref<4x4096xf32, #tpu.memory_space<vmem>>, vector<1x16xf32>,
        %get3A_779 = vector.shape_cast %get3A_778 : vector<1x16xf32> to vector<16xf32>
        %get3A_780 = arith.index_cast %mul3A_774 : i32 to index
        %get3A_781 = tpu.vector_load %arg5[%get3A_780] {strides = array<i32>} : memref<4096xf32, #tpu.memory_space<vmem>>, vector<16xf32>,
        %get3A_782 = vector.shape_cast %get3A_781 : vector<16xf32> to vector<16xf32>
        %mul3A_783 = arith.mulf %get3A_779, %get3A_782 : vector<16xf32>
        %add3A_784 = arith.addf %add3A_770, %mul3A_783 : vector<16xf32>
        scf.yield %add3A_784 : vector<16xf32>
      }
      %scan3A_623 = arith.constant 256 : i32
      %swap3A_624 = arith.index_cast %add3A_601 : i32 to index
      %swap3A_625 = arith.constant 0 : index
      %swap3A_626 = tpu.vector_load %arg7[%swap3A_624, %swap3A_625] {strides = array<i32>} : memref<32x16xf32, #tpu.memory_space<vmem>>, vector<1x16xf32>,
      %swap3A_627 = vector.shape_cast %swap3A_626 : vector<1x16xf32> to vector<16xf32>
      %swap3A_628 = vector.shape_cast %scan3A_622 : vector<16xf32> to vector<1x16xf32>
      tpu.vector_store %arg7[%swap3A_624, %swap3A_625], %swap3A_628 {strides = array<i32>} : memref<32x16xf32, #tpu.memory_space<vmem>>, vector<1x16xf32>,
      %add3A_629 = arith.constant 4 : i32
      %add3A_630 = arith.addi %add3A_601, %add3A_629 : i32
      %lt3A_631 = arith.constant 32 : i32
      %lt3A_632 = arith.cmpi slt, %add3A_630, %lt3A_631 : i32
      %convert_element_type3A_633 = arith.extui %lt3A_632 : i1 to i32
      %cond3A_634 = arith.constant 0 : i32
      %cond3A_635 = arith.cmpi ne, %convert_element_type3A_633, %cond3A_634 : i32
      scf.if %cond3A_635 {
        %add3A_674 = arith.addi %add3A_4, %add3A_601 : i32
        %add3A_675 = arith.constant 4 : i32
        %add3A_676 = arith.addi %add3A_674, %add3A_675 : i32
        %dma_start3A_677 = arith.constant 2 : i32
        %dma_start3A_678 = arith.constant 0 : i32
        %dma_start3A_679 = tpu.memref_slice %arg6[%dma_start3A_677, %dma_start3A_678] : memref<4x4096xf32, #tpu.memory_space<vmem>> -> memref<1x4096xf32, #tpu.memory_space<vmem>>
        %dma_start3A_680 = tpu.memref_squeeze %dma_start3A_679 : memref<1x4096xf32, #tpu.memory_space<vmem>> -> memref<4096xf32, #tpu.memory_space<vmem>>
        %dma_start3A_681 = arith.constant 0 : i32
        %dma_start3A_682 = tpu.memref_slice %arg2[%add3A_676, %dma_start3A_681] : memref<4096x4096xf32, #tpu.memory_space<hbm>> -> memref<1x4096xf32, #tpu.memory_space<hbm>>
        %dma_start3A_683 = tpu.memref_squeeze %dma_start3A_682 : memref<1x4096xf32, #tpu.memory_space<hbm>> -> memref<4096xf32, #tpu.memory_space<hbm>>
        %dma_start3A_684 = arith.constant 0 : i32
        %dma_start3A_685 = tpu.memref_slice %arg6[%dma_start3A_677, %dma_start3A_684] : memref<4x4096xf32, #tpu.memory_space<vmem>> -> memref<1x4096xf32, #tpu.memory_space<vmem>>
        %dma_start3A_686 = tpu.memref_squeeze %dma_start3A_685 : memref<1x4096xf32, #tpu.memory_space<vmem>> -> memref<4096xf32, #tpu.memory_space<vmem>>
        %dma_start3A_687 = arith.constant 0 : i32
        %dma_start3A_688 = tpu.memref_slice %arg2[%add3A_676, %dma_start3A_687] : memref<4096x4096xf32, #tpu.memory_space<hbm>> -> memref<1x4096xf32, #tpu.memory_space<hbm>>
        %dma_start3A_689 = tpu.memref_squeeze %dma_start3A_688 : memref<1x4096xf32, #tpu.memory_space<hbm>> -> memref<4096xf32, #tpu.memory_space<hbm>>
        tpu.enqueue_dma source(%dma_start3A_689 : memref<4096xf32, #tpu.memory_space<hbm>>) target(%dma_start3A_686 : memref<4096xf32, #tpu.memory_space<vmem>>) target_semaphore(%arg10 : memref<!tpu.dma_semaphore, #tpu.memory_space<semaphore_mem>>)
      } else {
      }
      %mul3A_636 = arith.constant 16 : i32
      %mul3A_637 = arith.muli %scan3A_71, %mul3A_636 : i32
      %add3A_638 = arith.constant 15 : i32
      %add3A_639 = arith.addi %mul3A_637, %add3A_638 : i32
      %add3A_640 = arith.addi %add3A_4, %add3A_639 : i32
      %dma_wait3A_641 = arith.constant 3 : i32
      %dma_wait3A_642 = arith.constant 0 : i32
      %dma_wait3A_643 = tpu.memref_slice %arg6[%dma_wait3A_641, %dma_wait3A_642] : memref<4x4096xf32, #tpu.memory_space<vmem>> -> memref<1x4096xf32, #tpu.memory_space<vmem>>
      %dma_wait3A_644 = tpu.memref_squeeze %dma_wait3A_643 : memref<1x4096xf32, #tpu.memory_space<vmem>> -> memref<4096xf32, #tpu.memory_space<vmem>>
      %dma_wait3A_645 = arith.constant 0 : i32
      %dma_wait3A_646 = tpu.memref_slice %arg2[%add3A_640, %dma_wait3A_645] : memref<4096x4096xf32, #tpu.memory_space<hbm>> -> memref<1x4096xf32, #tpu.memory_space<hbm>>
      %dma_wait3A_647 = tpu.memref_squeeze %dma_wait3A_646 : memref<1x4096xf32, #tpu.memory_space<hbm>> -> memref<4096xf32, #tpu.memory_space<hbm>>
      %dma_wait3A_648 = arith.constant 0 : i32
      %dma_wait3A_649 = tpu.memref_slice %arg6[%dma_wait3A_641, %dma_wait3A_648] : memref<4x4096xf32, #tpu.memory_space<vmem>> -> memref<1x4096xf32, #tpu.memory_space<vmem>>
      %dma_wait3A_650 = tpu.memref_squeeze %dma_wait3A_649 : memref<1x4096xf32, #tpu.memory_space<vmem>> -> memref<4096xf32, #tpu.memory_space<vmem>>
      %dma_wait3A_651 = arith.constant 0 : i32
      %dma_wait3A_652 = tpu.memref_slice %arg2[%add3A_640, %dma_wait3A_651] : memref<4096x4096xf32, #tpu.memory_space<hbm>> -> memref<1x4096xf32, #tpu.memory_space<hbm>>
      %dma_wait3A_653 = tpu.memref_squeeze %dma_wait3A_652 : memref<1x4096xf32, #tpu.memory_space<hbm>> -> memref<4096xf32, #tpu.memory_space<hbm>>
      tpu.wait_dma2 semaphore(%arg11 : memref<!tpu.dma_semaphore, #tpu.memory_space<semaphore_mem>>) src(%dma_wait3A_653 : memref<4096xf32, #tpu.memory_space<hbm>>) dst(%dma_wait3A_650 : memref<4096xf32, #tpu.memory_space<vmem>>)
      %broadcast_in_dim3A_654 = arith.constant 0.000000e+00 : f32
      %broadcast_in_dim3A_655 = vector.broadcast %broadcast_in_dim3A_654 : f32 to vector<16xf32>
      %scan3A_656 = arith.constant 0 : i32
      %scan3A_657 = arith.constant 256 : i32
      %scan3A_658 = arith.addi %scan3A_656, %scan3A_657 : i32
      %scan3A_659 = arith.constant 8 : i32
      %scan3A_660 = scf.for %scan3A_674 = %scan3A_656 to %scan3A_658 step %scan3A_659 iter_args(%scan3A_675 = %broadcast_in_dim3A_655) -> (vector<16xf32>)  : i32 {
        %mul3A_676 = arith.constant 16 : i32
        %mul3A_677 = arith.muli %scan3A_674, %mul3A_676 : i32
        %get3A = arith.constant 3 : i32
        %get3A_678 = arith.index_cast %get3A : i32 to index
        %get3A_679 = arith.index_cast %mul3A_677 : i32 to index
        %get3A_680 = tpu.vector_load %arg6[%get3A_678, %get3A_679] {strides = array<i32>} : memref<4x4096xf32, #tpu.memory_space<vmem>>, vector<1x16xf32>,
        %get3A_681 = vector.shape_cast %get3A_680 : vector<1x16xf32> to vector<16xf32>
        %get3A_682 = arith.index_cast %mul3A_677 : i32 to index
        %get3A_683 = tpu.vector_load %arg5[%get3A_682] {strides = array<i32>} : memref<4096xf32, #tpu.memory_space<vmem>>, vector<16xf32>,
        %get3A_684 = vector.shape_cast %get3A_683 : vector<16xf32> to vector<16xf32>
        %mul3A_685 = arith.mulf %get3A_681, %get3A_684 : vector<16xf32>
        %add3A_686 = arith.addf %scan3A_675, %mul3A_685 : vector<16xf32>
        %scan3A_687 = arith.constant 1 : i32
        %scan3A_688 = arith.addi %scan3A_674, %scan3A_687 : i32
        %mul3A_689 = arith.constant 16 : i32
        %mul3A_690 = arith.muli %scan3A_688, %mul3A_689 : i32
        %get3A_691 = arith.constant 3 : i32
        %get3A_692 = arith.index_cast %get3A_691 : i32 to index
        %get3A_693 = arith.index_cast %mul3A_690 : i32 to index
        %get3A_694 = tpu.vector_load %arg6[%get3A_692, %get3A_693] {strides = array<i32>} : memref<4x4096xf32, #tpu.memory_space<vmem>>, vector<1x16xf32>,
        %get3A_695 = vector.shape_cast %get3A_694 : vector<1x16xf32> to vector<16xf32>
        %get3A_696 = arith.index_cast %mul3A_690 : i32 to index
        %get3A_697 = tpu.vector_load %arg5[%get3A_696] {strides = array<i32>} : memref<4096xf32, #tpu.memory_space<vmem>>, vector<16xf32>,
        %get3A_698 = vector.shape_cast %get3A_697 : vector<16xf32> to vector<16xf32>
        %mul3A_699 = arith.mulf %get3A_695, %get3A_698 : vector<16xf32>
        %add3A_700 = arith.addf %add3A_686, %mul3A_699 : vector<16xf32>
        %scan3A_701 = arith.constant 2 : i32
        %scan3A_702 = arith.addi %scan3A_674, %scan3A_701 : i32
        %mul3A_703 = arith.constant 16 : i32
        %mul3A_704 = arith.muli %scan3A_702, %mul3A_703 : i32
        %get3A_705 = arith.constant 3 : i32
        %get3A_706 = arith.index_cast %get3A_705 : i32 to index
        %get3A_707 = arith.index_cast %mul3A_704 : i32 to index
        %get3A_708 = tpu.vector_load %arg6[%get3A_706, %get3A_707] {strides = array<i32>} : memref<4x4096xf32, #tpu.memory_space<vmem>>, vector<1x16xf32>,
        %get3A_709 = vector.shape_cast %get3A_708 : vector<1x16xf32> to vector<16xf32>
        %get3A_710 = arith.index_cast %mul3A_704 : i32 to index
        %get3A_711 = tpu.vector_load %arg5[%get3A_710] {strides = array<i32>} : memref<4096xf32, #tpu.memory_space<vmem>>, vector<16xf32>,
        %get3A_712 = vector.shape_cast %get3A_711 : vector<16xf32> to vector<16xf32>
        %mul3A_713 = arith.mulf %get3A_709, %get3A_712 : vector<16xf32>
        %add3A_714 = arith.addf %add3A_700, %mul3A_713 : vector<16xf32>
        %scan3A_715 = arith.constant 3 : i32
        %scan3A_716 = arith.addi %scan3A_674, %scan3A_715 : i32
        %mul3A_717 = arith.constant 16 : i32
        %mul3A_718 = arith.muli %scan3A_716, %mul3A_717 : i32
        %get3A_719 = arith.constant 3 : i32
        %get3A_720 = arith.index_cast %get3A_719 : i32 to index
        %get3A_721 = arith.index_cast %mul3A_718 : i32 to index
        %get3A_722 = tpu.vector_load %arg6[%get3A_720, %get3A_721] {strides = array<i32>} : memref<4x4096xf32, #tpu.memory_space<vmem>>, vector<1x16xf32>,
        %get3A_723 = vector.shape_cast %get3A_722 : vector<1x16xf32> to vector<16xf32>
        %get3A_724 = arith.index_cast %mul3A_718 : i32 to index
        %get3A_725 = tpu.vector_load %arg5[%get3A_724] {strides = array<i32>} : memref<4096xf32, #tpu.memory_space<vmem>>, vector<16xf32>,
        %get3A_726 = vector.shape_cast %get3A_725 : vector<16xf32> to vector<16xf32>
        %mul3A_727 = arith.mulf %get3A_723, %get3A_726 : vector<16xf32>
        %add3A_728 = arith.addf %add3A_714, %mul3A_727 : vector<16xf32>
        %scan3A_729 = arith.constant 4 : i32
        %scan3A_730 = arith.addi %scan3A_674, %scan3A_729 : i32
        %mul3A_731 = arith.constant 16 : i32
        %mul3A_732 = arith.muli %scan3A_730, %mul3A_731 : i32
        %get3A_733 = arith.constant 3 : i32
        %get3A_734 = arith.index_cast %get3A_733 : i32 to index
        %get3A_735 = arith.index_cast %mul3A_732 : i32 to index
        %get3A_736 = tpu.vector_load %arg6[%get3A_734, %get3A_735] {strides = array<i32>} : memref<4x4096xf32, #tpu.memory_space<vmem>>, vector<1x16xf32>,
        %get3A_737 = vector.shape_cast %get3A_736 : vector<1x16xf32> to vector<16xf32>
        %get3A_738 = arith.index_cast %mul3A_732 : i32 to index
        %get3A_739 = tpu.vector_load %arg5[%get3A_738] {strides = array<i32>} : memref<4096xf32, #tpu.memory_space<vmem>>, vector<16xf32>,
        %get3A_740 = vector.shape_cast %get3A_739 : vector<16xf32> to vector<16xf32>
        %mul3A_741 = arith.mulf %get3A_737, %get3A_740 : vector<16xf32>
        %add3A_742 = arith.addf %add3A_728, %mul3A_741 : vector<16xf32>
        %scan3A_743 = arith.constant 5 : i32
        %scan3A_744 = arith.addi %scan3A_674, %scan3A_743 : i32
        %mul3A_745 = arith.constant 16 : i32
        %mul3A_746 = arith.muli %scan3A_744, %mul3A_745 : i32
        %get3A_747 = arith.constant 3 : i32
        %get3A_748 = arith.index_cast %get3A_747 : i32 to index
        %get3A_749 = arith.index_cast %mul3A_746 : i32 to index
        %get3A_750 = tpu.vector_load %arg6[%get3A_748, %get3A_749] {strides = array<i32>} : memref<4x4096xf32, #tpu.memory_space<vmem>>, vector<1x16xf32>,
        %get3A_751 = vector.shape_cast %get3A_750 : vector<1x16xf32> to vector<16xf32>
        %get3A_752 = arith.index_cast %mul3A_746 : i32 to index
        %get3A_753 = tpu.vector_load %arg5[%get3A_752] {strides = array<i32>} : memref<4096xf32, #tpu.memory_space<vmem>>, vector<16xf32>,
        %get3A_754 = vector.shape_cast %get3A_753 : vector<16xf32> to vector<16xf32>
        %mul3A_755 = arith.mulf %get3A_751, %get3A_754 : vector<16xf32>
        %add3A_756 = arith.addf %add3A_742, %mul3A_755 : vector<16xf32>
        %scan3A_757 = arith.constant 6 : i32
        %scan3A_758 = arith.addi %scan3A_674, %scan3A_757 : i32
        %mul3A_759 = arith.constant 16 : i32
        %mul3A_760 = arith.muli %scan3A_758, %mul3A_759 : i32
        %get3A_761 = arith.constant 3 : i32
        %get3A_762 = arith.index_cast %get3A_761 : i32 to index
        %get3A_763 = arith.index_cast %mul3A_760 : i32 to index
        %get3A_764 = tpu.vector_load %arg6[%get3A_762, %get3A_763] {strides = array<i32>} : memref<4x4096xf32, #tpu.memory_space<vmem>>, vector<1x16xf32>,
        %get3A_765 = vector.shape_cast %get3A_764 : vector<1x16xf32> to vector<16xf32>
        %get3A_766 = arith.index_cast %mul3A_760 : i32 to index
        %get3A_767 = tpu.vector_load %arg5[%get3A_766] {strides = array<i32>} : memref<4096xf32, #tpu.memory_space<vmem>>, vector<16xf32>,
        %get3A_768 = vector.shape_cast %get3A_767 : vector<16xf32> to vector<16xf32>
        %mul3A_769 = arith.mulf %get3A_765, %get3A_768 : vector<16xf32>
        %add3A_770 = arith.addf %add3A_756, %mul3A_769 : vector<16xf32>
        %scan3A_771 = arith.constant 7 : i32
        %scan3A_772 = arith.addi %scan3A_674, %scan3A_771 : i32
        %mul3A_773 = arith.constant 16 : i32
        %mul3A_774 = arith.muli %scan3A_772, %mul3A_773 : i32
        %get3A_775 = arith.constant 3 : i32
        %get3A_776 = arith.index_cast %get3A_775 : i32 to index
        %get3A_777 = arith.index_cast %mul3A_774 : i32 to index
        %get3A_778 = tpu.vector_load %arg6[%get3A_776, %get3A_777] {strides = array<i32>} : memref<4x4096xf32, #tpu.memory_space<vmem>>, vector<1x16xf32>,
        %get3A_779 = vector.shape_cast %get3A_778 : vector<1x16xf32> to vector<16xf32>
        %get3A_780 = arith.index_cast %mul3A_774 : i32 to index
        %get3A_781 = tpu.vector_load %arg5[%get3A_780] {strides = array<i32>} : memref<4096xf32, #tpu.memory_space<vmem>>, vector<16xf32>,
        %get3A_782 = vector.shape_cast %get3A_781 : vector<16xf32> to vector<16xf32>
        %mul3A_783 = arith.mulf %get3A_779, %get3A_782 : vector<16xf32>
        %add3A_784 = arith.addf %add3A_770, %mul3A_783 : vector<16xf32>
        scf.yield %add3A_784 : vector<16xf32>
      }
      %scan3A_661 = arith.constant 256 : i32
      %swap3A_662 = arith.index_cast %add3A_639 : i32 to index
      %swap3A_663 = arith.constant 0 : index
      %swap3A_664 = tpu.vector_load %arg7[%swap3A_662, %swap3A_663] {strides = array<i32>} : memref<32x16xf32, #tpu.memory_space<vmem>>, vector<1x16xf32>,
      %swap3A_665 = vector.shape_cast %swap3A_664 : vector<1x16xf32> to vector<16xf32>
      %swap3A_666 = vector.shape_cast %scan3A_660 : vector<16xf32> to vector<1x16xf32>
      tpu.vector_store %arg7[%swap3A_662, %swap3A_663], %swap3A_666 {strides = array<i32>} : memref<32x16xf32, #tpu.memory_space<vmem>>, vector<1x16xf32>,
      %add3A_667 = arith.constant 4 : i32
      %add3A_668 = arith.addi %add3A_639, %add3A_667 : i32
      %lt3A_669 = arith.constant 32 : i32
      %lt3A_670 = arith.cmpi slt, %add3A_668, %lt3A_669 : i32
      %convert_element_type3A_671 = arith.extui %lt3A_670 : i1 to i32
      %cond3A_672 = arith.constant 0 : i32
      %cond3A_673 = arith.cmpi ne, %convert_element_type3A_671, %cond3A_672 : i32
      scf.if %cond3A_673 {
        %add3A_674 = arith.addi %add3A_4, %add3A_639 : i32
        %add3A_675 = arith.constant 4 : i32
        %add3A_676 = arith.addi %add3A_674, %add3A_675 : i32
        %dma_start3A_677 = arith.constant 3 : i32
        %dma_start3A_678 = arith.constant 0 : i32
        %dma_start3A_679 = tpu.memref_slice %arg6[%dma_start3A_677, %dma_start3A_678] : memref<4x4096xf32, #tpu.memory_space<vmem>> -> memref<1x4096xf32, #tpu.memory_space<vmem>>
        %dma_start3A_680 = tpu.memref_squeeze %dma_start3A_679 : memref<1x4096xf32, #tpu.memory_space<vmem>> -> memref<4096xf32, #tpu.memory_space<vmem>>
        %dma_start3A_681 = arith.constant 0 : i32
        %dma_start3A_682 = tpu.memref_slice %arg2[%add3A_676, %dma_start3A_681] : memref<4096x4096xf32, #tpu.memory_space<hbm>> -> memref<1x4096xf32, #tpu.memory_space<hbm>>
        %dma_start3A_683 = tpu.memref_squeeze %dma_start3A_682 : memref<1x4096xf32, #tpu.memory_space<hbm>> -> memref<4096xf32, #tpu.memory_space<hbm>>
        %dma_start3A_684 = arith.constant 0 : i32
        %dma_start3A_685 = tpu.memref_slice %arg6[%dma_start3A_677, %dma_start3A_684] : memref<4x4096xf32, #tpu.memory_space<vmem>> -> memref<1x4096xf32, #tpu.memory_space<vmem>>
        %dma_start3A_686 = tpu.memref_squeeze %dma_start3A_685 : memref<1x4096xf32, #tpu.memory_space<vmem>> -> memref<4096xf32, #tpu.memory_space<vmem>>
        %dma_start3A_687 = arith.constant 0 : i32
        %dma_start3A_688 = tpu.memref_slice %arg2[%add3A_676, %dma_start3A_687] : memref<4096x4096xf32, #tpu.memory_space<hbm>> -> memref<1x4096xf32, #tpu.memory_space<hbm>>
        %dma_start3A_689 = tpu.memref_squeeze %dma_start3A_688 : memref<1x4096xf32, #tpu.memory_space<hbm>> -> memref<4096xf32, #tpu.memory_space<hbm>>
        tpu.enqueue_dma source(%dma_start3A_689 : memref<4096xf32, #tpu.memory_space<hbm>>) target(%dma_start3A_686 : memref<4096xf32, #tpu.memory_space<vmem>>) target_semaphore(%arg11 : memref<!tpu.dma_semaphore, #tpu.memory_space<semaphore_mem>>)
      } else {
      }
    }
    %scan3A_68 = arith.constant 2 : i32
    %mul3A_69 = arith.constant 32 : i32
    %mul3A_70 = arith.muli %add3A, %mul3A_69 : i32
    "tpu.region"() ({
      %run_scoped3A = tpu.sem_alloc : memref<!tpu.dma_semaphore, #tpu.memory_space<semaphore_mem>>
      %dma_start3A_71 = arith.constant 0 : i32
      %dma_start3A_72 = tpu.memref_slice %arg4[%mul3A_70, %dma_start3A_71] : memref<1024x16xf32, #tpu.memory_space<hbm>> -> memref<32x16xf32, #tpu.memory_space<hbm>>
      %dma_start3A_73 = arith.constant 0 : i32
      %dma_start3A_74 = tpu.memref_slice %arg4[%mul3A_70, %dma_start3A_73] : memref<1024x16xf32, #tpu.memory_space<hbm>> -> memref<32x16xf32, #tpu.memory_space<hbm>>
      tpu.enqueue_dma source(%arg7 : memref<32x16xf32, #tpu.memory_space<vmem>>) target(%dma_start3A_74 : memref<32x16xf32, #tpu.memory_space<hbm>>) target_semaphore(%run_scoped3A : memref<!tpu.dma_semaphore, #tpu.memory_space<semaphore_mem>>)
      %dma_wait3A = arith.constant 0 : i32
      %dma_wait3A_75 = tpu.memref_slice %arg4[%mul3A_70, %dma_wait3A] : memref<1024x16xf32, #tpu.memory_space<hbm>> -> memref<32x16xf32, #tpu.memory_space<hbm>>
      %dma_wait3A_76 = arith.constant 0 : i32
      %dma_wait3A_77 = tpu.memref_slice %arg4[%mul3A_70, %dma_wait3A_76] : memref<1024x16xf32, #tpu.memory_space<hbm>> -> memref<32x16xf32, #tpu.memory_space<hbm>>
      tpu.wait_dma2 semaphore(%run_scoped3A : memref<!tpu.dma_semaphore, #tpu.memory_space<semaphore_mem>>) src(%arg7 : memref<32x16xf32, #tpu.memory_space<vmem>>) dst(%dma_wait3A_77 : memref<32x16xf32, #tpu.memory_space<hbm>>)
      tpu.yield
    }) : () -> ()
    return
  }
}

module attributes {stable_mosaic.version = 14 : i64} {
  func.func @_v_kernel(%arg0: memref<4096x128xf32, #tpu.memory_space<vmem>>, %arg1: memref<4096x1xf32, #tpu.memory_space<vmem>>, %arg2: memref<128x128xf32, #tpu.memory_space<vmem>>, %arg3: memref<1x128xf32, #tpu.memory_space<vmem>>, %arg4: memref<1x128xf32, #tpu.memory_space<vmem>>, %arg5: memref<1x128xf32, #tpu.memory_space<vmem>>, %arg6: memref<1x128xf32, #tpu.memory_space<vmem>>, %arg7: memref<32x128xf32, #tpu.memory_space<vmem>>) attributes {dimension_semantics = [], scalar_prefetch = 0 : i64, scratch_operands = 0 : i64, tpu.core_type = #tpu.core_type<tc>} {
    %get3A = arith.constant 0 : index
    %get3A_0 = arith.constant 0 : index
    %get3A_1 = vector.load %arg0[%get3A, %get3A_0] : memref<4096x128xf32, #tpu.memory_space<vmem>>, vector<4096x128xf32>
    %convert_element_type3A = arith.truncf %get3A_1 : vector<4096x128xf32> to vector<4096x128xbf16>
    %get3A_2 = arith.constant 0 : index
    %get3A_3 = arith.constant 0 : index
    %get3A_4 = vector.load %arg2[%get3A_2, %get3A_3] : memref<128x128xf32, #tpu.memory_space<vmem>>, vector<128x128xf32>
    %convert_element_type3A_5 = arith.truncf %get3A_4 : vector<128x128xf32> to vector<128x128xbf16>
    %transpose3A = tpu.transpose %convert_element_type3A_5, [1, 0] : vector<128x128xbf16> -> vector<128x128xbf16>
    %dot_general3A = arith.constant dense<0.000000e+00> : vector<4096x128xf32>
    %dot_general3A_6 = tpu.matmul %convert_element_type3A, %transpose3A, %dot_general3A {dimension_numbers = #tpu.dot_dimension_numbers<[1], [0], [0], [1], [0, 0, 1, 1], [], []>, transpose_lhs_hint = false} : vector<4096x128xbf16>, vector<128x128xbf16>, vector<4096x128xf32> -> vector<4096x128xf32>
    %get3A_7 = arith.constant 0 : index
    %get3A_8 = arith.constant 0 : index
    %get3A_9 = vector.load %arg1[%get3A_7, %get3A_8] : memref<4096x1xf32, #tpu.memory_space<vmem>>, vector<4096x1xf32>
    %get3A_10 = arith.constant 0 : index
    %get3A_11 = arith.constant 0 : index
    %get3A_12 = vector.load %arg4[%get3A_10, %get3A_11] : memref<1x128xf32, #tpu.memory_space<vmem>>, vector<1x128xf32>
    %mul3A = vector.broadcast %get3A_9 : vector<4096x1xf32> to vector<4096x128xf32>
    %mul3A_13 = vector.broadcast %get3A_12 : vector<1x128xf32> to vector<4096x128xf32>
    %mul3A_14 = arith.mulf %mul3A, %mul3A_13 : vector<4096x128xf32>
    %get3A_15 = arith.constant 0 : index
    %get3A_16 = arith.constant 0 : index
    %get3A_17 = vector.load %arg3[%get3A_15, %get3A_16] : memref<1x128xf32, #tpu.memory_space<vmem>>, vector<1x128xf32>
    %add3A = vector.broadcast %get3A_17 : vector<1x128xf32> to vector<4096x128xf32>
    %add3A_18 = arith.addf %dot_general3A_6, %add3A : vector<4096x128xf32>
    %add3A_19 = arith.addf %add3A_18, %mul3A_14 : vector<4096x128xf32>
    %get3A_20 = arith.constant 0 : index
    %get3A_21 = arith.constant 0 : index
    %get3A_22 = vector.load %arg5[%get3A_20, %get3A_21] : memref<1x128xf32, #tpu.memory_space<vmem>>, vector<1x128xf32>
    %add3A_23 = vector.broadcast %get3A_22 : vector<1x128xf32> to vector<4096x128xf32>
    %add3A_24 = arith.addf %add3A_19, %add3A_23 : vector<4096x128xf32>
    %jit3A = arith.constant -1.000000e+06 : f32
    %jit3A_25 = arith.constant 1.000000e+06 : f32
    %max3A = vector.broadcast %jit3A : f32 to vector<4096x128xf32>
    %max3A_26 = arith.maximumf %max3A, %add3A_24 : vector<4096x128xf32>
    %min3A = vector.broadcast %jit3A_25 : f32 to vector<4096x128xf32>
    %min3A_27 = arith.minimumf %min3A, %max3A_26 : vector<4096x128xf32>
    %convert_element_type3A_28 = arith.truncf %min3A_27 : vector<4096x128xf32> to vector<4096x128xbf16>
    %convert_element_type3A_29 = arith.extf %convert_element_type3A_28 : vector<4096x128xbf16> to vector<4096x128xf32>
    %reshape3A = vector.shape_cast %convert_element_type3A_29 : vector<4096x128xf32> to vector<32x128x128xf32>
    %get3A_30 = arith.constant 0 : index
    %get3A_31 = arith.constant 0 : index
    %get3A_32 = vector.load %arg6[%get3A_30, %get3A_31] : memref<1x128xf32, #tpu.memory_space<vmem>>, vector<1x128xf32>
    %convert_element_type3A_33 = arith.truncf %get3A_32 : vector<1x128xf32> to vector<1x128xbf16>
    %convert_element_type3A_34 = arith.extf %convert_element_type3A_33 : vector<1x128xbf16> to vector<1x128xf32>
    %reshape3A_35 = vector.shape_cast %convert_element_type3A_34 : vector<1x128xf32> to vector<1x1x128xf32>
    %mul3A_36 = vector.broadcast %reshape3A_35 : vector<1x1x128xf32> to vector<32x128x128xf32>
    %mul3A_37 = arith.mulf %reshape3A, %mul3A_36 : vector<32x128x128xf32>
    %reduce_sum3A = arith.constant dense<0.000000e+00> : vector<32x128xf32>
    %reduce_sum3A_38 = vector.multi_reduction <add>, %mul3A_37, %reduce_sum3A [2] : vector<32x128x128xf32> to vector<32x128xf32>
    %swap3A = arith.constant 0 : index
    %swap3A_39 = arith.constant 0 : index
    %swap3A_40 = vector.load %arg7[%swap3A, %swap3A_39] : memref<32x128xf32, #tpu.memory_space<vmem>>, vector<32x128xf32>
    tpu.vector_store %arg7[%swap3A, %swap3A_39], %reduce_sum3A_38 {strides = array<i32>} : memref<32x128xf32, #tpu.memory_space<vmem>>, vector<32x128xf32>,
    return
  }
}

module attributes {stable_mosaic.version = 14 : i64} {
  func.func @_tc_kernel(%arg0: i32, %arg1: memref<4096x128xf32, #tpu.memory_space<vmem>>, %arg2: memref<4096x1xf32, #tpu.memory_space<vmem>>, %arg3: memref<128x128xf32, #tpu.memory_space<vmem>>, %arg4: memref<1x128xf32, #tpu.memory_space<vmem>>, %arg5: memref<1x128xf32, #tpu.memory_space<vmem>>, %arg6: memref<1x128xf32, #tpu.memory_space<vmem>>, %arg7: memref<1x128xf32, #tpu.memory_space<vmem>>, %arg8: memref<1x1xf32, #tpu.memory_space<vmem>>, %arg9: memref<512x4096xf32, #tpu.memory_space<vmem>>, %arg10: memref<512x1xf32, #tpu.memory_space<vmem>>, %arg11: memref<4096x128xbf16, #tpu.memory_space<vmem>>) attributes {dimension_semantics = [#tpu.dimension_semantics<arbitrary>], iteration_bounds = array<i64: 6>, scalar_prefetch = 0 : i64, scratch_operands = 1 : i64, tpu.core_type = #tpu.core_type<tc>, window_params = [{pipeline_mode = #tpu.pipeline_mode<synchronous>, transform_indices = @transform_0, window_bounds = array<i64: 4096, 128>}, {pipeline_mode = #tpu.pipeline_mode<synchronous>, transform_indices = @transform_1, window_bounds = array<i64: 4096, 1>}, {pipeline_mode = #tpu.pipeline_mode<synchronous>, transform_indices = @transform_2, window_bounds = array<i64: 128, 128>}, {pipeline_mode = #tpu.pipeline_mode<synchronous>, transform_indices = @transform_3, window_bounds = array<i64: 1, 128>}, {pipeline_mode = #tpu.pipeline_mode<synchronous>, transform_indices = @transform_4, window_bounds = array<i64: 1, 128>}, {pipeline_mode = #tpu.pipeline_mode<synchronous>, transform_indices = @transform_5, window_bounds = array<i64: 1, 128>}, {pipeline_mode = #tpu.pipeline_mode<synchronous>, transform_indices = @transform_6, window_bounds = array<i64: 1, 128>}, {pipeline_mode = #tpu.pipeline_mode<synchronous>, transform_indices = @transform_7, window_bounds = array<i64: 1, 1>}, {transform_indices = @transform_8, window_bounds = array<i64: 512, 4096>}, {transform_indices = @transform_9, window_bounds = array<i64: 512, 1>}]} {
    %eq3A = arith.constant 0 : i32
    %eq3A_0 = arith.cmpi eq, %arg0, %eq3A : i32
    %convert_element_type3A = arith.extui %eq3A_0 : i1 to i32
    %cond3A = arith.constant 0 : i32
    %cond3A_1 = arith.cmpi ne, %convert_element_type3A, %cond3A : i32
    scf.if %cond3A_1 {
      %get3A_24 = arith.constant 0 : index
      %get3A_25 = arith.constant 0 : index
      %get3A_26 = vector.load %arg1[%get3A_24, %get3A_25] : memref<4096x128xf32, #tpu.memory_space<vmem>>, vector<4096x128xf32>
      %convert_element_type3A_27 = arith.truncf %get3A_26 : vector<4096x128xf32> to vector<4096x128xbf16>
      %get3A_28 = arith.constant 0 : index
      %get3A_29 = arith.constant 0 : index
      %get3A_30 = vector.load %arg3[%get3A_28, %get3A_29] : memref<128x128xf32, #tpu.memory_space<vmem>>, vector<128x128xf32>
      %convert_element_type3A_31 = arith.truncf %get3A_30 : vector<128x128xf32> to vector<128x128xbf16>
      %transpose3A = tpu.transpose %convert_element_type3A_31, [1, 0] : vector<128x128xbf16> -> vector<128x128xbf16>
      %dot_general3A_32 = arith.constant dense<0.000000e+00> : vector<4096x128xf32>
      %dot_general3A_33 = tpu.matmul %convert_element_type3A_27, %transpose3A, %dot_general3A_32 {dimension_numbers = #tpu.dot_dimension_numbers<[1], [0], [0], [1], [0, 0, 1, 1], [], []>, transpose_lhs_hint = false} : vector<4096x128xbf16>, vector<128x128xbf16>, vector<4096x128xf32> -> vector<4096x128xf32>
      %get3A_34 = arith.constant 0 : index
      %get3A_35 = arith.constant 0 : index
      %get3A_36 = vector.load %arg2[%get3A_34, %get3A_35] : memref<4096x1xf32, #tpu.memory_space<vmem>>, vector<4096x1xf32>
      %get3A_37 = arith.constant 0 : index
      %get3A_38 = arith.constant 0 : index
      %get3A_39 = vector.load %arg5[%get3A_37, %get3A_38] : memref<1x128xf32, #tpu.memory_space<vmem>>, vector<1x128xf32>
      %mul3A_40 = vector.broadcast %get3A_36 : vector<4096x1xf32> to vector<4096x128xf32>
      %mul3A_41 = vector.broadcast %get3A_39 : vector<1x128xf32> to vector<4096x128xf32>
      %mul3A_42 = arith.mulf %mul3A_40, %mul3A_41 : vector<4096x128xf32>
      %get3A_43 = arith.constant 0 : index
      %get3A_44 = arith.constant 0 : index
      %get3A_45 = vector.load %arg4[%get3A_43, %get3A_44] : memref<1x128xf32, #tpu.memory_space<vmem>>, vector<1x128xf32>
      %add3A_46 = vector.broadcast %get3A_45 : vector<1x128xf32> to vector<4096x128xf32>
      %add3A_47 = arith.addf %dot_general3A_33, %add3A_46 : vector<4096x128xf32>
      %add3A_48 = arith.addf %add3A_47, %mul3A_42 : vector<4096x128xf32>
      %get3A_49 = arith.constant 0 : index
      %get3A_50 = arith.constant 0 : index
      %get3A_51 = vector.load %arg6[%get3A_49, %get3A_50] : memref<1x128xf32, #tpu.memory_space<vmem>>, vector<1x128xf32>
      %add3A_52 = vector.broadcast %get3A_51 : vector<1x128xf32> to vector<4096x128xf32>
      %add3A_53 = arith.addf %add3A_48, %add3A_52 : vector<4096x128xf32>
      %jit3A = arith.constant -1.000000e+06 : f32
      %jit3A_54 = arith.constant 1.000000e+06 : f32
      %max3A = vector.broadcast %jit3A : f32 to vector<4096x128xf32>
      %max3A_55 = arith.maximumf %max3A, %add3A_53 : vector<4096x128xf32>
      %min3A = vector.broadcast %jit3A_54 : f32 to vector<4096x128xf32>
      %min3A_56 = arith.minimumf %min3A, %max3A_55 : vector<4096x128xf32>
      %convert_element_type3A_57 = arith.truncf %min3A_56 : vector<4096x128xf32> to vector<4096x128xbf16>
      %swap3A_58 = arith.constant 0 : index
      %swap3A_59 = arith.constant 0 : index
      %swap3A_60 = vector.load %arg11[%swap3A_58, %swap3A_59] : memref<4096x128xbf16, #tpu.memory_space<vmem>>, vector<4096x128xbf16>
      tpu.vector_store %arg11[%swap3A_58, %swap3A_59], %convert_element_type3A_57 {strides = array<i32>} : memref<4096x128xbf16, #tpu.memory_space<vmem>>, vector<4096x128xbf16>,
    } else {
    }
    %get3A = arith.constant 0 : index
    %get3A_2 = arith.constant 0 : index
    %get3A_3 = vector.load %arg9[%get3A, %get3A_2] : memref<512x4096xf32, #tpu.memory_space<vmem>>, vector<512x4096xf32>
    %convert_element_type3A_4 = arith.truncf %get3A_3 : vector<512x4096xf32> to vector<512x4096xbf16>
    %get3A_5 = arith.constant 0 : index
    %get3A_6 = arith.constant 0 : index
    %get3A_7 = vector.load %arg11[%get3A_5, %get3A_6] : memref<4096x128xbf16, #tpu.memory_space<vmem>>, vector<4096x128xbf16>
    %dot_general3A = arith.constant dense<0.000000e+00> : vector<512x128xf32>
    %dot_general3A_8 = tpu.matmul %convert_element_type3A_4, %get3A_7, %dot_general3A {dimension_numbers = #tpu.dot_dimension_numbers<[1], [0], [0], [1], [0, 0, 1, 1], [], []>, transpose_lhs_hint = false} : vector<512x4096xbf16>, vector<4096x128xbf16>, vector<512x128xf32> -> vector<512x128xf32>
    %convert_element_type3A_9 = arith.truncf %dot_general3A_8 : vector<512x128xf32> to vector<512x128xbf16>
    %convert_element_type3A_10 = arith.extf %convert_element_type3A_9 : vector<512x128xbf16> to vector<512x128xf32>
    %get3A_11 = arith.constant 0 : index
    %get3A_12 = arith.constant 0 : index
    %get3A_13 = vector.load %arg7[%get3A_11, %get3A_12] : memref<1x128xf32, #tpu.memory_space<vmem>>, vector<1x128xf32>
    %convert_element_type3A_14 = arith.truncf %get3A_13 : vector<1x128xf32> to vector<1x128xbf16>
    %convert_element_type3A_15 = arith.extf %convert_element_type3A_14 : vector<1x128xbf16> to vector<1x128xf32>
    %mul3A = vector.broadcast %convert_element_type3A_15 : vector<1x128xf32> to vector<512x128xf32>
    %mul3A_16 = arith.mulf %convert_element_type3A_10, %mul3A : vector<512x128xf32>
    %reduce_sum3A = arith.constant dense<0.000000e+00> : vector<512xf32>
    %reduce_sum3A_17 = vector.multi_reduction <add>, %mul3A_16, %reduce_sum3A [1] : vector<512x128xf32> to vector<512xf32>
    %broadcast_in_dim3A = vector.shape_cast %reduce_sum3A_17 : vector<512xf32> to vector<512x1xf32>
    %get3A_18 = arith.constant 0 : index
    %get3A_19 = arith.constant 0 : index
    %get3A_20 = vector.load %arg8[%get3A_18, %get3A_19] : memref<1x1xf32, #tpu.memory_space<vmem>>, vector<1x1xf32>
    %add3A = vector.broadcast %get3A_20 : vector<1x1xf32> to vector<512x1xf32>
    %add3A_21 = arith.addf %broadcast_in_dim3A, %add3A : vector<512x1xf32>
    %swap3A = arith.constant 0 : index
    %swap3A_22 = arith.constant 0 : index
    %swap3A_23 = vector.load %arg10[%swap3A, %swap3A_22] : memref<512x1xf32, #tpu.memory_space<vmem>>, vector<512x1xf32>
    tpu.vector_store %arg10[%swap3A, %swap3A_22], %add3A_21 {strides = array<i32>} : memref<512x1xf32, #tpu.memory_space<vmem>>, vector<512x1xf32>,
    return
  }
  func.func @transform_0(%arg0: i32) -> (i32, i32) {
    %c0_i32 = arith.constant 0 : i32
    %c0_i32_0 = arith.constant 0 : i32
    %c0_i32_1 = arith.constant 0 : i32
    return %c0_i32, %c0_i32_0 : i32, i32
  }
  func.func @transform_1(%arg0: i32) -> (i32, i32) {
    %c0_i32 = arith.constant 0 : i32
    %c0_i32_0 = arith.constant 0 : i32
    %c0_i32_1 = arith.constant 0 : i32
    return %c0_i32, %c0_i32_0 : i32, i32
  }
  func.func @transform_2(%arg0: i32) -> (i32, i32) {
    %c0_i32 = arith.constant 0 : i32
    %c0_i32_0 = arith.constant 0 : i32
    %c0_i32_1 = arith.constant 0 : i32
    return %c0_i32, %c0_i32_0 : i32, i32
  }
  func.func @transform_3(%arg0: i32) -> (i32, i32) {
    %c0_i32 = arith.constant 0 : i32
    %c0_i32_0 = arith.constant 0 : i32
    %c0_i32_1 = arith.constant 0 : i32
    return %c0_i32, %c0_i32_0 : i32, i32
  }
  func.func @transform_4(%arg0: i32) -> (i32, i32) {
    %c0_i32 = arith.constant 0 : i32
    %c0_i32_0 = arith.constant 0 : i32
    %c0_i32_1 = arith.constant 0 : i32
    return %c0_i32, %c0_i32_0 : i32, i32
  }
  func.func @transform_5(%arg0: i32) -> (i32, i32) {
    %c0_i32 = arith.constant 0 : i32
    %c0_i32_0 = arith.constant 0 : i32
    %c0_i32_1 = arith.constant 0 : i32
    return %c0_i32, %c0_i32_0 : i32, i32
  }
  func.func @transform_6(%arg0: i32) -> (i32, i32) {
    %c0_i32 = arith.constant 0 : i32
    %c0_i32_0 = arith.constant 0 : i32
    %c0_i32_1 = arith.constant 0 : i32
    return %c0_i32, %c0_i32_0 : i32, i32
  }
  func.func @transform_7(%arg0: i32) -> (i32, i32) {
    %c0_i32 = arith.constant 0 : i32
    %c0_i32_0 = arith.constant 0 : i32
    %c0_i32_1 = arith.constant 0 : i32
    return %c0_i32, %c0_i32_0 : i32, i32
  }
  func.func @transform_8(%arg0: i32) -> (i32, i32) {
    %c0_i32 = arith.constant 0 : i32
    %c0_i32_0 = arith.constant 0 : i32
    return %arg0, %c0_i32 : i32, i32
  }
  func.func @transform_9(%arg0: i32) -> (i32, i32) {
    %c0_i32 = arith.constant 0 : i32
    %c0_i32_0 = arith.constant 0 : i32
    return %arg0, %c0_i32 : i32, i32
  }
}

</mosaic_0001>

<sc_bundles>
// kernel: kernel.5.cloned.1.call-start
scs
__scs_entry_jumppad:
0x0: {  	(pc) =	sbr.rel $0x88, $3  }
0x1: {  	(tag) =	ssettag $0x0;
	lr =	simm.s32 $0x1  }
0x2: {  	[smem:$0x3F98] =	sst lr;
	_ =	strace $0xD0000000  }
0x3: {  	_ = 	snop  }
0x4: {  	_ = 	snop  }
0x5: {  	_ = 	snop  }
0x6: {  	_ = 	snop  }
0x7: {  	_ = 	snop  }
__scs_overlays_trampoline_lowered:
0x8: {  	[smem:$0x3FA7] =	sst s0  }
0x9: {  	[smem:$0x3FA8] =	sst s1  }
0xa: {  	[smem:$0x3FA9] =	sst s2  }
0xb: {  	[smem:$0x3FAA] =	sst s3  }
0xc: {  	[smem:$0x3FAB] =	sst s4  }
0xd: {  	[smem:$0x3FAC] =	sst s5  }
0xe: {  	[smem:$0x3FAD] =	sst s6  }
0xf: {  	[smem:$0x3FAE] =	sst s7  }
0x10: {  	[smem:$0x3FAF] =	sst s8  }
0x11: {  	[smem:$0x3FB0] =	sst s9;
	s0 =	simm.s32 @!p0 $0x0  }
0x12: {  	s1 =	sld [smem:$0x3F96];
	s0 =	simm.s32 @p0 $0x1  }
0x13: {  	[smem:$0x3FB1] =	sst s0;
	s0 =	simm.s32 @!p1 $0x0  }
0x14: {  	s2 =	sld [smem:$0x3F95];
	s0 =	simm.s32 @p1 $0x1  }
0x15: {  	[smem:$0x3FB2] =	sst s0;
	s0 =	simm.s32 @!p2 $0x0  }
0x16: {  	s3 =	sld [smem:$0x3FDB];
	s0 =	simm.s32 @p2 $0x1  }
0x17: {  	s4 =	simm.s32 $0x1BF5;
	[smem:$0x3FB4] =	sst s0  }
0x18: {  	s0 =	sld [smem:$0x3F97];
	_ =	swait.ge [sflag:s4], $0x0  }
0x19: {  	s7 =	sld [smem:$0x3F98]  }
0x1a: {  	s8 =	sadd.s32 $0xFFFFE003, lr  }
0x1b: {  	s9 =	sadd.s32 $0xFFFFFEF7, lr;
	s5 =	simm.s32 $0xFFFFFFFF;
	p2 =	slt.u32 s8, $0xFFFFF086  }
0x1c: {  	p1 =	slt.u32 s9, $0xF7A;
	s5 =	simm.s32 @!p2 $0x0  }
0x1d: {  	s5 =	simm.s32 @p1 $0x1;
	p0 =	seq.s32 s7, s2  }
0x1e: {  	s7 =	smul.u32 @!p0 $0xF7A, s2;
	p2 =	seq.s32 @!p0 s5, $0x0  }
0x1f: {  	s9 =	smul.u32 $0xF7A, s1;
	s8 =	simm.s32 @!p0 $0x1BF5;
	p2 =	por !p2, p0  }
0x20: {  	[sflag:s8] =	ssyncset.s32 @!p0 $0xFFFFF086;
	s6 =	sadd.s32 @!p0 s3, s7;
	s7 =	simm.s32 @!p0 $0x108  }
0x21: {  	s3 =	sadd.s32 s3, s9;
	s6 =	sadd.s32 @!p0 $0x88, s6;
	s7 =	simm.s32 @p2 $0x1082  }
0x22: {  	[simem:s7], [sflag:s8] =	dma.local @!p0 [hbm:s6], $0xF7A  }
0x23: {  	s9 =	sor.u32 $0xD0000000, s2;
	s6 =	simm.s32 $0x108;
	_ =	swait.ge @!p0 [sflag:s8], $0x0  }
0x24: {  	s3 =	sadd.s32 $0x88, s3;
	s6 =	simm.s32 @!p1 $0x1082;
	[sflag:s4] =	ssyncset.s32 $0xFFFFF086  }
0x25: {  	[simem:s6], [sflag:s4] =	dma.local [hbm:s3], $0xF7A  }
0x26: {  	[smem:$0x3F98] =	sst s1;
	(tag) =	ssettag s2;
	_ =	strace s9  }
0x27: {  	s1 =	sld [smem:$0x3FA8]  }
0x28: {  	s2 =	sld [smem:$0x3FA9]  }
0x29: {  	s4 =	sld [smem:$0x3FAB]  }
0x2a: {  	p0 =	seq.s32 s5, $0x0;
	s5 =	sld [smem:$0x3FAC]  }
0x2b: {  	s6 =	sld [smem:$0x3FAD]  }
0x2c: {  	s7 =	sld [smem:$0x3FAE]  }
0x2d: {  	s3 =	simm.s32 $0x108;
	s8 =	sld [smem:$0x3FAF]  }
0x2e: {  	s3 =	simm.s32 @!p0 $0x1082;
	s9 =	sld [smem:$0x3FB0]  }
0x2f: {  	lr =	sadd.s32 s0, s3;
	s0 =	sld [smem:$0x3FA7]  }
0x30: {  	s3 =	sld [smem:$0x3FAA]  }
0x31: {  	[smem:$0x3FB3] =	sst s10  }
0x32: {  	s10 =	sld [smem:$0x3FB1];
	_ =	sdelay $0x3  }
0x33: {  	p0 =	seq.s32 s10, $0x1;
	s10 =	sld [smem:$0x3FB3];
	_ =	sdelay $0x3  }
0x34: {  	[smem:$0x3FB3] =	sst s10  }
0x35: {  	s10 =	sld [smem:$0x3FB2];
	_ =	sdelay $0x3  }
0x36: {  	p1 =	seq.s32 s10, $0x1;
	s10 =	sld [smem:$0x3FB3];
	_ =	sdelay $0x3  }
0x37: {  	[smem:$0x3FB3] =	sst s10  }
0x38: {  	s10 =	sld [smem:$0x3FB4]  }
0x39: {  	_ = 	snop;
	(pc) =	sbr.ind lr, $3  }
0x3a: {  	_ = 	snop  }
0x3b: {  	_ = 	snop  }
0x3c: {  	p2 =	seq.s32 s10, $0x1;
	s10 =	sld [smem:$0x3FB3]  }
0x3d: {  	_ =	shalt  }
0x3e: {  	_ =	shalt  }
0x3f: {  	_ =	shalt  }
0x40: {  	_ =	shalt  }
0x41: {  	_ =	shalt  }
0x42: {  	_ =	shalt  }
0x43: {  	_ =	shalt  }
0x44: {  	_ =	shalt  }
0x45: {  	_ =	shalt  }
0x46: {  	_ =	shalt  }
0x47: {  	_ =	shalt  }
0x48: {  	_ =	shalt  }
0x49: {  	_ =	shalt  }
0x4a: {  	_ =	shalt  }
0x4b: {  	_ =	shalt  }
0x4c: {  	_ =	shalt  }
0x4d: {  	_ =	shalt  }
0x4e: {  	_ =	shalt  }
0x4f: {  	_ =	shalt  }
0x50: {  	_ =	shalt  }
0x51: {  	_ =	shalt  }
0x52: {  	_ =	shalt  }
0x53: {  	_ =	shalt  }
0x54: {  	_ =	shalt  }
0x55: {  	_ =	shalt  }
0x56: {  	_ =	shalt  }
0x57: {  	_ =	shalt  }
0x58: {  	_ =	shalt  }
0x59: {  	_ =	shalt  }
0x5a: {  	_ =	shalt  }
0x5b: {  	_ =	shalt  }
0x5c: {  	_ =	shalt  }
0x5d: {  	_ =	shalt  }
0x5e: {  	_ =	shalt  }
0x5f: {  	_ =	shalt  }
0x60: {  	_ =	shalt  }
0x61: {  	_ =	shalt  }
0x62: {  	_ =	shalt  }
0x63: {  	_ =	shalt  }
0x64: {  	_ =	shalt  }
0x65: {  	_ =	shalt  }
0x66: {  	_ =	shalt  }
0x67: {  	_ =	shalt  }
0x68: {  	_ =	shalt  }
0x69: {  	_ =	shalt  }
0x6a: {  	_ =	shalt  }
0x6b: {  	_ =	shalt  }
0x6c: {  	_ =	shalt  }
0x6d: {  	_ =	shalt  }
0x6e: {  	_ =	shalt  }
0x6f: {  	_ =	shalt  }
0x70: {  	_ =	shalt  }
0x71: {  	_ =	shalt  }
0x72: {  	_ =	shalt  }
0x73: {  	_ =	shalt  }
0x74: {  	_ =	shalt  }
0x75: {  	_ =	shalt  }
0x76: {  	_ =	shalt  }
0x77: {  	_ =	shalt  }
0x78: {  	_ =	shalt  }
0x79: {  	_ =	shalt  }
0x7a: {  	_ =	shalt  }
0x7b: {  	_ =	shalt  }
0x7c: {  	_ =	shalt  }
0x7d: {  	_ =	shalt  }
0x7e: {  	_ =	shalt  }
0x7f: {  	_ =	shalt  }
0x80: {  	_ =	shalt  }
0x81: {  	_ =	shalt  }
0x82: {  	_ =	shalt  }
0x83: {  	_ =	shalt  }
0x84: {  	_ =	shalt  }
0x85: {  	_ =	shalt  }
0x86: {  	_ =	shalt  }
0x87: {  	_ =	shalt  }
.Lfunc_end0:
.L_simem_size_0:
called_computation_lowered:
.L_overlay_start_0:
0x88: {  	s2 =	sld [smem:$0x3FD9]  }
0x89: {  	s3 =	sld [smem:$0x3FFE];
	_ =	sdelay $0x1  }
0x8a: {  	s1 =	srdreg.scid  }
0x8b: {  	s0 =	sand.u32 $0x1, s1  }
0x8c: {  	s17 =	sshll.u32 s0, $0xA;
	s2 =	sadd.s32 s3, s2  }
0x8d: {  	s2 =	sadd.s32 s2, s17  }
0x8e: {  	[smem:$0x3FBF] =	sst s2  }
0x8f: {  	_ = 	snop  }
0x90: {  	s2 =	sld [smem:$0x3FC7]  }
0x91: {  	s18 =	sld [smem:$0x3FD0];
	(tm) =	ssettm $0x1  }
0x92: {  	s4 =	sld [smem:$0x3FFB];
	_ =	sdelay $0x3  }
0x93: {  	_ =	strace s4  }
0x94: {  	s4 =	sld [smem:$0x3FFC];
	_ =	sdelay $0x3  }
0x95: {  	_ =	strace s4  }
0x96: {  	s4 =	sld [smem:$0x3FFD];
	_ =	sdelay $0x3  }
0x97: {  	_ =	strace s4  }
0x98: {  	_ =	strace $0x8FFFFFFF  }
0x99: {  	s19 =	sld [smem:$0x3FDB];
	_ =	sdelay $0x1  }
0x9a: {  	s5 =	simm.s32 $_scs_section_size  }
0x9b: {  	s6 =	simm.s32 $_size__tile_overlayer_lowered;
	s7 =	simm.s32 $_tile_overlayer_lowered  }
0x9c: {  	s22 =	simm.s32 $0x1BFF;
	s21 =	sshll.u32 s7, $0x1;
	s4 =	sadd.s32 s5, s19  }
0x9d: {  	s8 =	simm.s32 $0x0;
	s20 =	sshll.u32 s6, $0x1;
	s6 =	sadd.s32 s21, s4  }
0x9e: {  	[timem:s8], [sflag:s22] =	dma.local [hbm:s6], s20  }
0x9f: {  	_ =	swait.ge [sflag:s22], s20  }
0xa0: {  	s5 =	ssub.s32 $0x0, s20;
	[sflag:s22] =	ssyncset.done $0x0  }
0xa1: {  	[sflag:s22] =	ssyncadd.s32 s5;
	_ =	sdelay $0x1  }
0xa2: {  	s23 =	simm.s32 $0x1B8B  }
0xa3: {  	_ =	swait.ge [sflag:s23], $0x1  }
0xa4: {  	[sflag:s23] =	ssyncset.done $0x0  }
0xa5: {  	s25 =	simm.s32 $0x1B8E;
	s24 =	sld [smem:$0x3FFE];
	[sflag:s23] =	ssyncadd.s32 $0xFFFFFFFF  }
0xa6: {  	s26 =	simm.s32 $execute0_lowered;
	[smem:$0x3FD2] =	sst s25  }
0xa7: {  	s6 =	sshll.u32 s26, $0x1;
	_ =	strace $0x80000046;
	[dreg:$0x1] =	wrdreg $0xFFFFFFFF  }
0xa8: {  	s28 =	simm.s32 $_size_execute0_lowered;
	s4 =	sadd.s32 s4, s6;
	[dreg:$0x0] =	wrdreg $0x0  }
0xa9: {  	s6 =	sshll.u32 s28, $0x1;
	[dreg:$0x2] =	wrdreg s4  }
0xaa: {  	[dreg:$0x3] =	wrdreg s6  }
0xab: {  	[dreg:$0x4] =	wrdreg $0xC0  }
0xac: {  	_ =	task [dreg:s8], $0x5FFFF  }
0xad: {  	[dreg:$0x1] =	wrdreg $0xFFFFFFFF  }
0xae: {  	[dreg:$0x0] =	wrdreg $0x60  }
0xaf: {  	[dreg:$0x2] =	wrdreg s2  }
0xb0: {  	[dreg:$0x3] =	wrdreg s18  }
0xb1: {  	[dreg:$0x4] =	wrdreg s24  }
0xb2: {  	[dreg:$0x5] =	wrdreg $0x9  }
0xb3: {  	_ =	task.clear_ibuf [dreg:s8], $0x6FFFF;
	_ =	strace $0x90000046  }
0xb4: {  	s29 =	simm.s32 $0x9;
	_ =	strace $0x80000048  }
0xb5: {  	_ =	swait.ge [sflag:s29], $0x1  }
0xb6: {  	[sflag:s29] =	ssyncadd.s32 $0xFFFFFFFF  }
0xb7: {  	_ =	strace $0x90000048  }
0xb8: {  	_ =	sfence  }
0xb9: {  	s30 =	sld [smem:$0x0];
	_ =	sdelay $0x2  }
0xba: {  	s31 =	sshll.u32 s1, $0xD;
	s1 =	sshrl.u32 s1, $0x2  }
0xbb: {  	s3 =	sand.u32 $0x4000, s31;
	s1 =	sadd.s32 s1, s30  }
0xbc: {  	s0 =	sor.u32 s3, s0;
	s1 =	sshll.u32 s1, $0x11  }
0xbd: {  	s0 =	sor.u32 s1, s0  }
0xbe: {  	s0 =	sadd.s32 $0x8F2B, s0  }
0xbf: {  	[sflag:s0] =	ssyncadd.remote.s32 $0x1  }
0xc0: {  	_ =	sfence.sel $0xFFFF  }
0xc1: {  	[dreg:$0x0] =	wrdreg $0xFFFFFFFF;
	(pc) =	sbr.abs _section_cstart, $3  }
0xc2: {  	[dreg:$0x1] =	wrdreg $0xFFFFFFFF  }
0xc3: {  	_ =	task.clear_ibuf [dreg:s8], $0x2FFFF;
	_ =	strace $0x9FFFFFFF  }
0xc4: {  	(tm) =	ssettm $0x7FFFFFFF  }
0xc5: {  	_ =	shalt  }
tec
execute0_lowered:
.L_overlay_start_1:
0x0: {  	(tag) =	ssettag $0x1  }
0x1: {  	s0 =	rddreg [dreg:$0x0]  }
0x2: {  	s1 =	rddreg [dreg:$0x2]  }
0x3: {  	s2 =	srdreg.scid;
	s4 =	stileid.u32;
	s3 =	simm.s32 $0x0  }
0x4: {  	s24 =	simm.s32 $0x1;
	s28 =	simm.s32 $0x4;
	s30 =	simm.s32 $0x0  }
0x5: {  	s2 =	sand.u32 $0x1, s2;
	s4 =	sshll.u32 s4, $0x6;
	[smem:$0x7FF] =	sst s3  }
0x6: {  	s9 =	sadd.s32 $0x40, s0;
	s10 =	sadd.s32 $0x50, s0;
	s11 =	sadd.s32 $0x60, s0  }
0x7: {  	s12 =	sadd.s32 $0x70, s0;
	s13 =	sadd.s32 $0x800, s0;
	s14 =	sadd.s32 $0x10, s0  }
0x8: {  	s15 =	sadd.s32 $0x20, s0;
	s18 =	sadd.s32 $0x30, s0;
	s5 =	sshll.u32 s2, $0x5  }
0x9: {  	_ =	strace $0x80000047;
	s2 =	ssub.s32 $0x2, s2;
	s4 =	sor.u32 s5, s4  }
0xa: {  	s6 =	sshrl.u32 s2, $0x1;
	s5 =	sshll.u32 s4, $0x4;
	s25 =	sshll.u32 s4, $0x9  }
0xb: {  	s4 =	sor.u32 $0xC00, s4;
	s2 =	ssub.s32 s2, s6;
	s20 =	sadd.s32 s25, s0  }
0xc: {  	s1 =	sadd.s32 s5, s1;
	s26 =	sshll.u32 s4, $0x9;
	s5 =	sadd.s32 $0x180010, s20  }
.Ltmp0:
0xd: {  	s31 =	smax.u32 s2, $0x1;
	s7 =	sadd.s32 $0x180020, s20;
	(pc) =	sbr.rel .LBB2_1-.Ltmp0, $4  }
0xe: {  	s25 =	simm.s32 $0x2;
	s8 =	sadd.s32 $0x180030, s20;
	s16 =	sadd.s32 $0x182000, s20  }
0xf: {  	s6 =	sadd.s32 s0, s26;
	s17 =	sadd.s32 $0x182010, s20;
	s19 =	sadd.s32 $0x182020, s20  }
0x10: {  	s20 =	sadd.s32 $0x182030, s20;
	s29 =	sadd.s32 $0x1000, s1;
	[dreg:$0x5] =	wrdreg s31  }
0x11: {  	s1 =	simm.s32 $0x5;
	s26 =	simm.s32 $0x3;
	[dreg:$0x4] =	wrdreg s29  }
.LBB2_82:
0x12: {  	s0 =	rddreg [dreg:$0x4];
	s1 =	simm.s32 $0x5000  }
0x13: {  	[hbm4b:s0+s3] =	stream.linear.scatter [tilespmem:s1], [sflag:$0x5], $0x1000, $0x38;
	[tilespmem:$0x6000] =	vst v63  }
0x14: {  	s1 =	simm.s32 $0x5  }
0x15: {  	_ =	swait.ge [sflag:s1], $0x1000  }
0x16: {  	s30 =	sadd.s32 $0x1, s30;
	s31 =	rddreg [dreg:$0x5]  }
0x17: {  	p0 =	sne.s32 s30, s31  }
.Ltmp1:
0x18: {  	_ = 	snop;
	(pc) =	sbr.rel @!p0 .LBB2_83-.Ltmp1, $3  }
0x19: {  	_ =	sdelay $0x1  }
0x1a: {  	[sflag:s1] =	ssyncset.done $0x0  }
0x1b: {  	[sflag:s1] =	ssyncadd.s32 $0xFFFFF000  }
.LBB2_1:
0x1c: {  	s0 =	rddreg [dreg:$0x1]  }
0x1d: {  	[tilespmem:s3], [sflag:$0x5] =	stream.linear.gather [hbm4b:s0+s3], $0x1000, $0x38;
	[tilespmem:$0x6000] =	vst v63  }
0x1e: {  	_ =	swait.ge [sflag:s1], $0x1000  }
0x1f: {  	s21 =	sadd.s32 $0x0, s6;
	s2 =	simm.s32 $0x1200;
	[sflag:s1] =	ssyncset.done $0x0  }
0x20: {  	s0 =	simm.s32 $0x1000;
	[sflag:s1] =	ssyncadd.s32 $0xFFFFF000;
	s1 =	simm.s32 $0x80  }
.LBB2_2:
0x21: {  	[tilespmem:s0], [sflag:$0x1] =	stream.linear.gather [hbm4b:s21+s3], $0x80, $0x38;
	[tilespmem:$0x6000] =	vst v63  }
0x22: {  	s21 =	smov.u32 s1;
	s0 =	smov.u32 s2;
	p0 =	sne.s32 s1, $0xF80  }
.Ltmp2:
0x23: {  	s1 =	sadd.s32 $0x80, s1;
	(pc) =	sbr.rel @p0 .LBB2_2-.Ltmp2, $2  }
0x24: {  	_ =	sdelay $0x2  }
0x25: {  	s2 =	sadd.s32 $0x200, s2;
	s21 =	sadd.s32 s21, s6  }
0x26: {  	[tilespmem:s0], [sflag:$0x1] =	stream.linear.gather [hbm4b:s21+s3], $0x80, $0x38;
	[tilespmem:$0x6000] =	vst v63  }
0x27: {  	s0 =	simm.s32 $0x1080  }
0x28: {  	s1 =	simm.s32 $0x80;
	s21 =	sadd.s32 $0x0, s5;
	s2 =	simm.s32 $0x1280  }
.LBB2_4:
0x29: {  	[tilespmem:s0], [sflag:$0x2] =	stream.linear.gather [hbm4b:s21+s3], $0x80, $0x38;
	[tilespmem:$0x6000] =	vst v63  }
0x2a: {  	s21 =	smov.u32 s1;
	s0 =	smov.u32 s2;
	p0 =	sne.s32 s1, $0xF80  }
.Ltmp3:
0x2b: {  	s1 =	sadd.s32 $0x80, s1;
	(pc) =	sbr.rel @p0 .LBB2_4-.Ltmp3, $2  }
0x2c: {  	_ =	sdelay $0x2  }
0x2d: {  	s2 =	sadd.s32 $0x200, s2;
	s21 =	sadd.s32 s21, s5  }
0x2e: {  	[tilespmem:s0], [sflag:$0x2] =	stream.linear.gather [hbm4b:s21+s3], $0x80, $0x38;
	[tilespmem:$0x6000] =	vst v63  }
0x2f: {  	s0 =	simm.s32 $0x1100  }
0x30: {  	s1 =	simm.s32 $0x80;
	s21 =	sadd.s32 $0x0, s7;
	s2 =	simm.s32 $0x1300  }
.LBB2_6:
0x31: {  	[tilespmem:s0], [sflag:$0x3] =	stream.linear.gather [hbm4b:s21+s3], $0x80, $0x38;
	[tilespmem:$0x6000] =	vst v63  }
0x32: {  	s21 =	smov.u32 s1;
	s0 =	smov.u32 s2;
	p0 =	sne.s32 s1, $0xF80  }
.Ltmp4:
0x33: {  	s1 =	sadd.s32 $0x80, s1;
	(pc) =	sbr.rel @p0 .LBB2_6-.Ltmp4, $2  }
0x34: {  	_ =	sdelay $0x2  }
0x35: {  	s2 =	sadd.s32 $0x200, s2;
	s21 =	sadd.s32 s21, s7  }
0x36: {  	[tilespmem:s0], [sflag:$0x3] =	stream.linear.gather [hbm4b:s21+s3], $0x80, $0x38;
	[tilespmem:$0x6000] =	vst v63  }
0x37: {  	s1 =	simm.s32 $0x0;
	s0 =	simm.s32 $0x1180;
	s2 =	simm.s32 $0x0  }
.LBB2_8:
0x38: {  	p0 =	sne.s32 s2, $0xF80  }
.Ltmp5:
0x39: {  	_ = 	snop;
	(pc) =	sbr.rel @p0 .LBB2_8-.Ltmp5, $4  }
0x3a: {  	_ = 	snop  }
0x3b: {  	s21 =	sadd.s32 s2, s8  }
0x3c: {  	[tilespmem:s0], [sflag:$0x4] =	stream.linear.gather [hbm4b:s21+s1], $0x80, $0x38;
	[tilespmem:$0x6000] =	vst v63  }
0x3d: {  	s2 =	sadd.s32 $0x80, s2;
	s0 =	sadd.s32 $0x200, s0  }
0x3e: {  	p0 =	por $0x1, $0x1  }
.LBB2_10:
0x3f: {  	_ =	swait.ge [sflag:s24], $0x1000  }
0x40: {  	[sflag:s24] =	ssyncset.done $0x0  }
0x41: {  	s2 =	simm.s32 $0x1040;
	[sflag:s24] =	ssyncadd.s32 $0xFFFFF000  }
0x42: {  	s0 =	simm.s32 $0x40;
	v0 =	vld [tilespmem:s2+$0xFFFFFFC0]  }
0x43: {  	v1 =	vld [tilespmem:s0+$0xFFFFFFC0]  }
0x44: {  	v2 =	vld [tilespmem:s2+$0xFFFFFFD0]  }
0x45: {  	v3 =	vld [tilespmem:s0+$0xFFFFFFD0]  }
0x46: {  	v4 =	vld [tilespmem:s2+$0xFFFFFFE0]  }
0x47: {  	v5 =	vld [tilespmem:s0+$0xFFFFFFE0]  }
0x48: {  	v6 =	vld [tilespmem:s2+$0xFFFFFFF0];
	v0 =	vmul.f32 v1, v0  }
0x49: {  	v7 =	vld [tilespmem:s0+$0xFFFFFFF0];
	v1 =	vimm.f32 $0.0e+00  }
0x4a: {  	v8 =	vld [tilespmem:s2+$0x0];
	v2 =	vmul.f32 v3, v2;
	v0 =	vadd.f32 v0, v1  }
0x4b: {  	v9 =	vld [tilespmem:s0+$0x0]  }
0x4c: {  	v3 =	vmul.f32 v5, v4;
	v4 =	vld [tilespmem:s0+$0x10];
	v2 =	vadd.f32 v2, v0  }
0x4d: {  	v1 =	vld [tilespmem:s2+$0x10]  }
0x4e: {  	v6 =	vmul.f32 v7, v6;
	v0 =	vld [tilespmem:s2+$0x20];
	v5 =	vadd.f32 v3, v2  }
0x4f: {  	v3 =	vld [tilespmem:s0+$0x20]  }
0x50: {  	v7 =	vmul.f32 v9, v8;
	v2 =	vld [tilespmem:s2+$0x30];
	v6 =	vadd.f32 v6, v5  }
0x51: {  	s29 =	simm.s32 $0x1240;
	s2 =	simm.s32 $0x0;
	v5 =	vld [tilespmem:s0+$0x30]  }
.LBB2_11:
0x52: {  	v8 =	vld [tilespmem:s29+$0xFFFFFFC0];
	v6 =	vadd.f32 v7, v6;
	v1 =	vmul.f32 v4, v1;
	s0 =	sadd.s32 $0x80, s0  }
0x53: {  	s2 =	sadd.s32 $0x8, s2;
	v4 =	vld [tilespmem:s0+$0xFFFFFFC0]  }
0x54: {  	p1 =	slt.u32 s2, $0xF8;
	v7 =	vld [tilespmem:s29+$0xFFFFFFD0];
	v1 =	vadd.f32 v1, v6;
	v0 =	vmul.f32 v3, v0  }
0x55: {  	v3 =	vld [tilespmem:s0+$0xFFFFFFD0]  }
0x56: {  	v6 =	vld [tilespmem:s29+$0xFFFFFFE0];
	v0 =	vadd.f32 v0, v1;
	v1 =	vmul.f32 v5, v2  }
0x57: {  	v2 =	vld [tilespmem:s0+$0xFFFFFFE0]  }
0x58: {  	v4 =	vmul.f32 v4, v8;
	v5 =	vld [tilespmem:s29+$0xFFFFFFF0];
	v0 =	vadd.f32 v1, v0  }
0x59: {  	v8 =	vld [tilespmem:s0+$0xFFFFFFF0]  }
0x5a: {  	v0 =	vadd.f32 v4, v0;
	v1 =	vmul.f32 v3, v7;
	v7 =	vld [tilespmem:s29+$0x0]  }
0x5b: {  	v9 =	vld [tilespmem:s0+$0x0]  }
0x5c: {  	v0 =	vadd.f32 v1, v0;
	v2 =	vmul.f32 v2, v6;
	v1 =	vld [tilespmem:s29+$0x10]  }
.Ltmp6:
0x5d: {  	v4 =	vld [tilespmem:s0+$0x10];
	(pc) =	sbr.rel @p1 .LBB2_11-.Ltmp6, $4  }
0x5e: {  	v2 =	vadd.f32 v2, v0;
	v5 =	vmul.f32 v8, v5;
	v0 =	vld [tilespmem:s29+$0x20]  }
0x5f: {  	v3 =	vld [tilespmem:s0+$0x20]  }
0x60: {  	v6 =	vadd.f32 v5, v2;
	v7 =	vmul.f32 v9, v7;
	v2 =	vld [tilespmem:s29+$0x30]  }
0x61: {  	s29 =	sadd.s32 $0x200, s29;
	v5 =	vld [tilespmem:s0+$0x30]  }
0x62: {  	v6 =	vadd.f32 v7, v6;
	v1 =	vmul.f32 v4, v1;
	_ =	sdelay $0x1  }
0x63: {  	v1 =	vadd.f32 v1, v6;
	v0 =	vmul.f32 v3, v0  }
0x64: {  	s0 =	sshll.u32 s1, $0x4  }
0x65: {  	s2 =	sor.u32 s4, s0;
	v0 =	vadd.f32 v0, v1;
	v63 =	vmul.f32 v5, v2  }
0x66: {  	s2 =	sshll.u32 s2, $0x9  }
0x67: {  	s21 =	sshll.u32 s1, $0xB;
	s1 =	sand.u32 $0x1FFFE000, s2;
	v0 =	vadd.f32 v63, v0  }
0x68: {  	s29 =	simm.s32 $0x80;
	s31 =	sand.u32 $0x3FFFF800, s21;
	s2 =	sadd.s32 s1, s9  }
0x69: {  	s22 =	simm.s32 $0x1200;
	s21 =	simm.s32 $0x1000;
	s23 =	sadd.s32 $0x0, s2;
	[tilespmem:s31+$0x5000] =	vst v0  }
.LBB2_13:
0x6a: {  	[tilespmem:s21], [sflag:$0x1] =	stream.linear.gather [hbm4b:s23+s3], $0x80, $0x38;
	[tilespmem:$0x6000] =	vst v63  }
0x6b: {  	s23 =	smov.u32 s29;
	s21 =	smov.u32 s22;
	p1 =	sne.s32 s29, $0xF80  }
.Ltmp7:
0x6c: {  	s29 =	sadd.s32 $0x80, s29;
	(pc) =	sbr.rel @p1 .LBB2_13-.Ltmp7, $2  }
0x6d: {  	_ =	sdelay $0x2  }
0x6e: {  	s22 =	sadd.s32 $0x200, s22;
	s23 =	sadd.s32 s23, s2  }
0x6f: {  	[tilespmem:s21], [sflag:$0x1] =	stream.linear.gather [hbm4b:s23+s3], $0x80, $0x38;
	[tilespmem:$0x6000] =	vst v63  }
0x70: {  	_ =	swait.ge [sflag:s25], $0x1000  }
0x71: {  	[sflag:s25] =	ssyncset.done $0x0  }
0x72: {  	s23 =	simm.s32 $0x10F0;
	[sflag:s25] =	ssyncadd.s32 $0xFFFFF000  }
0x73: {  	s2 =	simm.s32 $0x40;
	v0 =	vld [tilespmem:s23+$0xFFFFFF90]  }
0x74: {  	v1 =	vld [tilespmem:s2+$0xFFFFFFC0]  }
0x75: {  	v2 =	vld [tilespmem:s23+$0xFFFFFFA0]  }
0x76: {  	v3 =	vld [tilespmem:s2+$0xFFFFFFD0]  }
0x77: {  	v4 =	vld [tilespmem:s23+$0xFFFFFFB0]  }
0x78: {  	v5 =	vld [tilespmem:s2+$0xFFFFFFE0]  }
0x79: {  	v6 =	vld [tilespmem:s23+$0xFFFFFFC0];
	v0 =	vmul.f32 v1, v0  }
0x7a: {  	v7 =	vld [tilespmem:s2+$0xFFFFFFF0];
	v1 =	vimm.f32 $0.0e+00  }
0x7b: {  	v8 =	vld [tilespmem:s23+$0xFFFFFFD0];
	v2 =	vmul.f32 v3, v2;
	v0 =	vadd.f32 v0, v1  }
0x7c: {  	v9 =	vld [tilespmem:s2+$0x0]  }
0x7d: {  	v3 =	vmul.f32 v5, v4;
	v4 =	vld [tilespmem:s2+$0x10];
	v2 =	vadd.f32 v2, v0  }
0x7e: {  	v1 =	vld [tilespmem:s23+$0xFFFFFFE0]  }
0x7f: {  	v6 =	vmul.f32 v7, v6;
	v0 =	vld [tilespmem:s23+$0xFFFFFFF0];
	v5 =	vadd.f32 v3, v2  }
0x80: {  	v3 =	vld [tilespmem:s2+$0x20]  }
0x81: {  	v7 =	vmul.f32 v9, v8;
	v2 =	vld [tilespmem:s23+$0x0];
	v6 =	vadd.f32 v6, v5  }
0x82: {  	s29 =	simm.s32 $0x0;
	s21 =	simm.s32 $0x12F0;
	v5 =	vld [tilespmem:s2+$0x30]  }
.LBB2_15:
0x83: {  	v8 =	vld [tilespmem:s21+$0xFFFFFF90];
	v6 =	vadd.f32 v7, v6;
	v1 =	vmul.f32 v4, v1;
	s2 =	sadd.s32 $0x80, s2  }
0x84: {  	s29 =	sadd.s32 $0x8, s29;
	v4 =	vld [tilespmem:s2+$0xFFFFFFC0]  }
0x85: {  	p1 =	slt.u32 s29, $0xF8;
	v7 =	vld [tilespmem:s21+$0xFFFFFFA0];
	v1 =	vadd.f32 v1, v6;
	v0 =	vmul.f32 v3, v0  }
0x86: {  	v3 =	vld [tilespmem:s2+$0xFFFFFFD0]  }
0x87: {  	v6 =	vld [tilespmem:s21+$0xFFFFFFB0];
	v0 =	vadd.f32 v0, v1;
	v1 =	vmul.f32 v5, v2  }
0x88: {  	v2 =	vld [tilespmem:s2+$0xFFFFFFE0]  }
0x89: {  	v4 =	vmul.f32 v4, v8;
	v5 =	vld [tilespmem:s21+$0xFFFFFFC0];
	v0 =	vadd.f32 v1, v0  }
0x8a: {  	v8 =	vld [tilespmem:s2+$0xFFFFFFF0]  }
0x8b: {  	v0 =	vadd.f32 v4, v0;
	v1 =	vmul.f32 v3, v7;
	v7 =	vld [tilespmem:s21+$0xFFFFFFD0]  }
0x8c: {  	v9 =	vld [tilespmem:s2+$0x0]  }
0x8d: {  	v0 =	vadd.f32 v1, v0;
	v2 =	vmul.f32 v2, v6;
	v1 =	vld [tilespmem:s21+$0xFFFFFFE0]  }
.Ltmp8:
0x8e: {  	v4 =	vld [tilespmem:s2+$0x10];
	(pc) =	sbr.rel @p1 .LBB2_15-.Ltmp8, $4  }
0x8f: {  	v2 =	vadd.f32 v2, v0;
	v5 =	vmul.f32 v8, v5;
	v0 =	vld [tilespmem:s21+$0xFFFFFFF0]  }
0x90: {  	v3 =	vld [tilespmem:s2+$0x20]  }
0x91: {  	v6 =	vadd.f32 v5, v2;
	v7 =	vmul.f32 v9, v7;
	v2 =	vld [tilespmem:s21+$0x0]  }
0x92: {  	s21 =	sadd.s32 $0x200, s21;
	v5 =	vld [tilespmem:s2+$0x30]  }
0x93: {  	v6 =	vadd.f32 v7, v6;
	v1 =	vmul.f32 v4, v1;
	_ =	sdelay $0x1  }
0x94: {  	v1 =	vadd.f32 v1, v6;
	v0 =	vmul.f32 v3, v0;
	_ =	sdelay $0x1  }
0x95: {  	v0 =	vadd.f32 v0, v1;
	v63 =	vmul.f32 v5, v2;
	_ =	sdelay $0x1  }
0x96: {  	v0 =	vadd.f32 v63, v0  }
0x97: {  	s2 =	sadd.s32 s1, s10;
	s21 =	simm.s32 $0x1080  }
0x98: {  	s29 =	simm.s32 $0x80;
	s22 =	simm.s32 $0x1280;
	s23 =	sadd.s32 $0x0, s2;
	[tilespmem:s31+$0x5080] =	vst v0  }
.LBB2_17:
0x99: {  	[tilespmem:s21], [sflag:$0x2] =	stream.linear.gather [hbm4b:s23+s3], $0x80, $0x38;
	[tilespmem:$0x6000] =	vst v63  }
0x9a: {  	s23 =	smov.u32 s29;
	s21 =	smov.u32 s22;
	p1 =	sne.s32 s29, $0xF80  }
.Ltmp9:
0x9b: {  	s29 =	sadd.s32 $0x80, s29;
	(pc) =	sbr.rel @p1 .LBB2_17-.Ltmp9, $2  }
0x9c: {  	_ =	sdelay $0x2  }
0x9d: {  	s22 =	sadd.s32 $0x200, s22;
	s23 =	sadd.s32 s23, s2  }
0x9e: {  	[tilespmem:s21], [sflag:$0x2] =	stream.linear.gather [hbm4b:s23+s3], $0x80, $0x38;
	[tilespmem:$0x6000] =	vst v63  }
0x9f: {  	_ =	swait.ge [sflag:s26], $0x1000  }
0xa0: {  	[sflag:s26] =	ssyncset.done $0x0  }
0xa1: {  	s23 =	simm.s32 $0x1170;
	[sflag:s26] =	ssyncadd.s32 $0xFFFFF000  }
0xa2: {  	s2 =	simm.s32 $0x40;
	v0 =	vld [tilespmem:s23+$0xFFFFFF90]  }
0xa3: {  	v1 =	vld [tilespmem:s2+$0xFFFFFFC0]  }
0xa4: {  	v2 =	vld [tilespmem:s23+$0xFFFFFFA0]  }
0xa5: {  	v3 =	vld [tilespmem:s2+$0xFFFFFFD0]  }
0xa6: {  	v4 =	vld [tilespmem:s23+$0xFFFFFFB0]  }
0xa7: {  	v5 =	vld [tilespmem:s2+$0xFFFFFFE0]  }
0xa8: {  	v6 =	vld [tilespmem:s23+$0xFFFFFFC0];
	v0 =	vmul.f32 v1, v0  }
0xa9: {  	v7 =	vld [tilespmem:s2+$0xFFFFFFF0];
	v1 =	vimm.f32 $0.0e+00  }
0xaa: {  	v8 =	vld [tilespmem:s23+$0xFFFFFFD0];
	v2 =	vmul.f32 v3, v2;
	v0 =	vadd.f32 v0, v1  }
0xab: {  	v9 =	vld [tilespmem:s2+$0x0]  }
0xac: {  	v3 =	vmul.f32 v5, v4;
	v4 =	vld [tilespmem:s2+$0x10];
	v2 =	vadd.f32 v2, v0  }
0xad: {  	v1 =	vld [tilespmem:s23+$0xFFFFFFE0]  }
0xae: {  	v6 =	vmul.f32 v7, v6;
	v0 =	vld [tilespmem:s23+$0xFFFFFFF0];
	v5 =	vadd.f32 v3, v2  }
0xaf: {  	v3 =	vld [tilespmem:s2+$0x20]  }
0xb0: {  	v7 =	vmul.f32 v9, v8;
	v2 =	vld [tilespmem:s23+$0x0];
	v6 =	vadd.f32 v6, v5  }
0xb1: {  	s29 =	simm.s32 $0x0;
	s21 =	simm.s32 $0x1370;
	v5 =	vld [tilespmem:s2+$0x30]  }
.LBB2_19:
0xb2: {  	v8 =	vld [tilespmem:s21+$0xFFFFFF90];
	v6 =	vadd.f32 v7, v6;
	v1 =	vmul.f32 v4, v1;
	s2 =	sadd.s32 $0x80, s2  }
0xb3: {  	s29 =	sadd.s32 $0x8, s29;
	v4 =	vld [tilespmem:s2+$0xFFFFFFC0]  }
0xb4: {  	p1 =	slt.u32 s29, $0xF8;
	v7 =	vld [tilespmem:s21+$0xFFFFFFA0];
	v1 =	vadd.f32 v1, v6;
	v0 =	vmul.f32 v3, v0  }
0xb5: {  	v3 =	vld [tilespmem:s2+$0xFFFFFFD0]  }
0xb6: {  	v6 =	vld [tilespmem:s21+$0xFFFFFFB0];
	v0 =	vadd.f32 v0, v1;
	v1 =	vmul.f32 v5, v2  }
0xb7: {  	v2 =	vld [tilespmem:s2+$0xFFFFFFE0]  }
0xb8: {  	v4 =	vmul.f32 v4, v8;
	v5 =	vld [tilespmem:s21+$0xFFFFFFC0];
	v0 =	vadd.f32 v1, v0  }
0xb9: {  	v8 =	vld [tilespmem:s2+$0xFFFFFFF0]  }
0xba: {  	v0 =	vadd.f32 v4, v0;
	v1 =	vmul.f32 v3, v7;
	v7 =	vld [tilespmem:s21+$0xFFFFFFD0]  }
0xbb: {  	v9 =	vld [tilespmem:s2+$0x0]  }
0xbc: {  	v0 =	vadd.f32 v1, v0;
	v2 =	vmul.f32 v2, v6;
	v1 =	vld [tilespmem:s21+$0xFFFFFFE0]  }
.Ltmp10:
0xbd: {  	v4 =	vld [tilespmem:s2+$0x10];
	(pc) =	sbr.rel @p1 .LBB2_19-.Ltmp10, $4  }
0xbe: {  	v2 =	vadd.f32 v2, v0;
	v5 =	vmul.f32 v8, v5;
	v0 =	vld [tilespmem:s21+$0xFFFFFFF0]  }
0xbf: {  	v3 =	vld [tilespmem:s2+$0x20]  }
0xc0: {  	v6 =	vadd.f32 v5, v2;
	v7 =	vmul.f32 v9, v7;
	v2 =	vld [tilespmem:s21+$0x0]  }
0xc1: {  	s21 =	sadd.s32 $0x200, s21;
	v5 =	vld [tilespmem:s2+$0x30]  }
0xc2: {  	v6 =	vadd.f32 v7, v6;
	v1 =	vmul.f32 v4, v1;
	_ =	sdelay $0x1  }
0xc3: {  	v1 =	vadd.f32 v1, v6;
	v0 =	vmul.f32 v3, v0;
	_ =	sdelay $0x1  }
0xc4: {  	v0 =	vadd.f32 v0, v1;
	v63 =	vmul.f32 v5, v2;
	_ =	sdelay $0x1  }
0xc5: {  	v0 =	vadd.f32 v63, v0  }
0xc6: {  	s2 =	sadd.s32 s1, s11;
	s21 =	simm.s32 $0x1100  }
0xc7: {  	s29 =	simm.s32 $0x80;
	s22 =	simm.s32 $0x1300;
	s23 =	sadd.s32 $0x0, s2;
	[tilespmem:s31+$0x5100] =	vst v0  }
.LBB2_21:
0xc8: {  	[tilespmem:s21], [sflag:$0x3] =	stream.linear.gather [hbm4b:s23+s3], $0x80, $0x38;
	[tilespmem:$0x6000] =	vst v63  }
0xc9: {  	s23 =	smov.u32 s29;
	s21 =	smov.u32 s22;
	p1 =	sne.s32 s29, $0xF80  }
.Ltmp11:
0xca: {  	s29 =	sadd.s32 $0x80, s29;
	(pc) =	sbr.rel @p1 .LBB2_21-.Ltmp11, $2  }
0xcb: {  	_ =	sdelay $0x2  }
0xcc: {  	s22 =	sadd.s32 $0x200, s22;
	s23 =	sadd.s32 s23, s2  }
0xcd: {  	[tilespmem:s21], [sflag:$0x3] =	stream.linear.gather [hbm4b:s23+s3], $0x80, $0x38;
	[tilespmem:$0x6000] =	vst v63  }
0xce: {  	_ =	swait.ge [sflag:s28], $0x1000  }
0xcf: {  	[sflag:s28] =	ssyncset.done $0x0  }
0xd0: {  	s23 =	simm.s32 $0x11F0;
	[sflag:s28] =	ssyncadd.s32 $0xFFFFF000  }
0xd1: {  	s2 =	simm.s32 $0x40;
	v0 =	vld [tilespmem:s23+$0xFFFFFF90]  }
0xd2: {  	v1 =	vld [tilespmem:s2+$0xFFFFFFC0]  }
0xd3: {  	v2 =	vld [tilespmem:s23+$0xFFFFFFA0]  }
0xd4: {  	v3 =	vld [tilespmem:s2+$0xFFFFFFD0]  }
0xd5: {  	v4 =	vld [tilespmem:s23+$0xFFFFFFB0]  }
0xd6: {  	v5 =	vld [tilespmem:s2+$0xFFFFFFE0]  }
0xd7: {  	v6 =	vld [tilespmem:s23+$0xFFFFFFC0];
	v0 =	vmul.f32 v1, v0  }
0xd8: {  	v7 =	vld [tilespmem:s2+$0xFFFFFFF0];
	v1 =	vimm.f32 $0.0e+00  }
0xd9: {  	v8 =	vld [tilespmem:s23+$0xFFFFFFD0];
	v2 =	vmul.f32 v3, v2;
	v0 =	vadd.f32 v0, v1  }
0xda: {  	v9 =	vld [tilespmem:s2+$0x0]  }
0xdb: {  	v3 =	vmul.f32 v5, v4;
	v4 =	vld [tilespmem:s2+$0x10];
	v2 =	vadd.f32 v2, v0  }
0xdc: {  	v1 =	vld [tilespmem:s23+$0xFFFFFFE0]  }
0xdd: {  	v6 =	vmul.f32 v7, v6;
	v0 =	vld [tilespmem:s23+$0xFFFFFFF0];
	v5 =	vadd.f32 v3, v2  }
0xde: {  	v3 =	vld [tilespmem:s2+$0x20]  }
0xdf: {  	v7 =	vmul.f32 v9, v8;
	v2 =	vld [tilespmem:s23+$0x0];
	v6 =	vadd.f32 v6, v5  }
0xe0: {  	s29 =	simm.s32 $0x0;
	s21 =	simm.s32 $0x13F0;
	v5 =	vld [tilespmem:s2+$0x30]  }
.LBB2_23:
0xe1: {  	v8 =	vld [tilespmem:s21+$0xFFFFFF90];
	v6 =	vadd.f32 v7, v6;
	v1 =	vmul.f32 v4, v1;
	s2 =	sadd.s32 $0x80, s2  }
0xe2: {  	s29 =	sadd.s32 $0x8, s29;
	v4 =	vld [tilespmem:s2+$0xFFFFFFC0]  }
0xe3: {  	p1 =	slt.u32 s29, $0xF8;
	v7 =	vld [tilespmem:s21+$0xFFFFFFA0];
	v1 =	vadd.f32 v1, v6;
	v0 =	vmul.f32 v3, v0  }
0xe4: {  	v3 =	vld [tilespmem:s2+$0xFFFFFFD0]  }
0xe5: {  	v6 =	vld [tilespmem:s21+$0xFFFFFFB0];
	v0 =	vadd.f32 v0, v1;
	v1 =	vmul.f32 v5, v2  }
0xe6: {  	v2 =	vld [tilespmem:s2+$0xFFFFFFE0]  }
0xe7: {  	v4 =	vmul.f32 v4, v8;
	v5 =	vld [tilespmem:s21+$0xFFFFFFC0];
	v0 =	vadd.f32 v1, v0  }
0xe8: {  	v8 =	vld [tilespmem:s2+$0xFFFFFFF0]  }
0xe9: {  	v0 =	vadd.f32 v4, v0;
	v1 =	vmul.f32 v3, v7;
	v7 =	vld [tilespmem:s21+$0xFFFFFFD0]  }
0xea: {  	v9 =	vld [tilespmem:s2+$0x0]  }
0xeb: {  	v0 =	vadd.f32 v1, v0;
	v2 =	vmul.f32 v2, v6;
	v1 =	vld [tilespmem:s21+$0xFFFFFFE0]  }
.Ltmp12:
0xec: {  	v4 =	vld [tilespmem:s2+$0x10];
	(pc) =	sbr.rel @p1 .LBB2_23-.Ltmp12, $4  }
0xed: {  	v2 =	vadd.f32 v2, v0;
	v5 =	vmul.f32 v8, v5;
	v0 =	vld [tilespmem:s21+$0xFFFFFFF0]  }
0xee: {  	v3 =	vld [tilespmem:s2+$0x20]  }
0xef: {  	v6 =	vadd.f32 v5, v2;
	v7 =	vmul.f32 v9, v7;
	v2 =	vld [tilespmem:s21+$0x0]  }
0xf0: {  	s21 =	sadd.s32 $0x200, s21;
	v5 =	vld [tilespmem:s2+$0x30]  }
0xf1: {  	v6 =	vadd.f32 v7, v6;
	v1 =	vmul.f32 v4, v1;
	_ =	sdelay $0x1  }
0xf2: {  	v1 =	vadd.f32 v1, v6;
	v0 =	vmul.f32 v3, v0;
	_ =	sdelay $0x1  }
0xf3: {  	v0 =	vadd.f32 v0, v1;
	v63 =	vmul.f32 v5, v2;
	_ =	sdelay $0x1  }
0xf4: {  	v0 =	vadd.f32 v63, v0  }
0xf5: {  	s1 =	sadd.s32 s1, s12;
	s2 =	simm.s32 $0x1180  }
0xf6: {  	s21 =	simm.s32 $0x80;
	s22 =	simm.s32 $0x1380;
	s23 =	sadd.s32 $0x0, s1;
	[tilespmem:s31+$0x5180] =	vst v0  }
.LBB2_25:
0xf7: {  	[tilespmem:s2], [sflag:$0x4] =	stream.linear.gather [hbm4b:s23+s3], $0x80, $0x38;
	[tilespmem:$0x6000] =	vst v63  }
0xf8: {  	s23 =	smov.u32 s21;
	s2 =	smov.u32 s22;
	p1 =	sne.s32 s21, $0xF80  }
.Ltmp13:
0xf9: {  	s21 =	sadd.s32 $0x80, s21;
	(pc) =	sbr.rel @p1 .LBB2_25-.Ltmp13, $2  }
0xfa: {  	_ =	sdelay $0x2  }
0xfb: {  	s22 =	sadd.s32 $0x200, s22;
	s23 =	sadd.s32 s23, s1  }
0xfc: {  	[tilespmem:s2], [sflag:$0x4] =	stream.linear.gather [hbm4b:s23+s3], $0x80, $0x38;
	[tilespmem:$0x6000] =	vst v63  }
0xfd: {  	_ =	swait.ge [sflag:s24], $0x1000  }
0xfe: {  	[sflag:s24] =	ssyncset.done $0x0  }
0xff: {  	s29 =	simm.s32 $0x1040;
	[sflag:s24] =	ssyncadd.s32 $0xFFFFF000  }
0x100: {  	s1 =	simm.s32 $0x40;
	v0 =	vld [tilespmem:s29+$0xFFFFFFC0]  }
0x101: {  	v1 =	vld [tilespmem:s1+$0xFFFFFFC0]  }
0x102: {  	v2 =	vld [tilespmem:s29+$0xFFFFFFD0]  }
0x103: {  	v3 =	vld [tilespmem:s1+$0xFFFFFFD0]  }
0x104: {  	v4 =	vld [tilespmem:s29+$0xFFFFFFE0]  }
0x105: {  	v5 =	vld [tilespmem:s1+$0xFFFFFFE0]  }
0x106: {  	v6 =	vld [tilespmem:s29+$0xFFFFFFF0];
	v0 =	vmul.f32 v1, v0  }
0x107: {  	v7 =	vld [tilespmem:s1+$0xFFFFFFF0];
	v1 =	vimm.f32 $0.0e+00  }
0x108: {  	v8 =	vld [tilespmem:s29+$0x0];
	v2 =	vmul.f32 v3, v2;
	v0 =	vadd.f32 v0, v1  }
0x109: {  	v9 =	vld [tilespmem:s1+$0x0]  }
0x10a: {  	v3 =	vmul.f32 v5, v4;
	v4 =	vld [tilespmem:s1+$0x10];
	v2 =	vadd.f32 v2, v0  }
0x10b: {  	v1 =	vld [tilespmem:s29+$0x10]  }
0x10c: {  	v6 =	vmul.f32 v7, v6;
	v0 =	vld [tilespmem:s29+$0x20];
	v5 =	vadd.f32 v3, v2  }
0x10d: {  	v3 =	vld [tilespmem:s1+$0x20]  }
0x10e: {  	v7 =	vmul.f32 v9, v8;
	v2 =	vld [tilespmem:s29+$0x30];
	v6 =	vadd.f32 v6, v5  }
0x10f: {  	s2 =	simm.s32 $0x0;
	s21 =	simm.s32 $0x1240;
	v5 =	vld [tilespmem:s1+$0x30]  }
.LBB2_27:
0x110: {  	v8 =	vld [tilespmem:s21+$0xFFFFFFC0];
	v6 =	vadd.f32 v7, v6;
	v1 =	vmul.f32 v4, v1;
	s1 =	sadd.s32 $0x80, s1  }
0x111: {  	s2 =	sadd.s32 $0x8, s2;
	v4 =	vld [tilespmem:s1+$0xFFFFFFC0]  }
0x112: {  	p1 =	slt.u32 s2, $0xF8;
	v7 =	vld [tilespmem:s21+$0xFFFFFFD0];
	v1 =	vadd.f32 v1, v6;
	v0 =	vmul.f32 v3, v0  }
0x113: {  	v3 =	vld [tilespmem:s1+$0xFFFFFFD0]  }
0x114: {  	v6 =	vld [tilespmem:s21+$0xFFFFFFE0];
	v0 =	vadd.f32 v0, v1;
	v1 =	vmul.f32 v5, v2  }
0x115: {  	v2 =	vld [tilespmem:s1+$0xFFFFFFE0]  }
0x116: {  	v4 =	vmul.f32 v4, v8;
	v5 =	vld [tilespmem:s21+$0xFFFFFFF0];
	v0 =	vadd.f32 v1, v0  }
0x117: {  	v8 =	vld [tilespmem:s1+$0xFFFFFFF0]  }
0x118: {  	v0 =	vadd.f32 v4, v0;
	v1 =	vmul.f32 v3, v7;
	v7 =	vld [tilespmem:s21+$0x0]  }
0x119: {  	v9 =	vld [tilespmem:s1+$0x0]  }
0x11a: {  	v0 =	vadd.f32 v1, v0;
	v2 =	vmul.f32 v2, v6;
	v1 =	vld [tilespmem:s21+$0x10]  }
.Ltmp14:
0x11b: {  	v4 =	vld [tilespmem:s1+$0x10];
	(pc) =	sbr.rel @p1 .LBB2_27-.Ltmp14, $4  }
0x11c: {  	v2 =	vadd.f32 v2, v0;
	v5 =	vmul.f32 v8, v5;
	v0 =	vld [tilespmem:s21+$0x20]  }
0x11d: {  	v3 =	vld [tilespmem:s1+$0x20]  }
0x11e: {  	v6 =	vadd.f32 v5, v2;
	v7 =	vmul.f32 v9, v7;
	v2 =	vld [tilespmem:s21+$0x30]  }
0x11f: {  	s21 =	sadd.s32 $0x200, s21;
	v5 =	vld [tilespmem:s1+$0x30]  }
0x120: {  	v6 =	vadd.f32 v7, v6;
	v1 =	vmul.f32 v4, v1;
	_ =	sdelay $0x1  }
0x121: {  	v1 =	vadd.f32 v1, v6;
	v0 =	vmul.f32 v3, v0;
	_ =	sdelay $0x1  }
0x122: {  	s1 =	sor.u32 $0x4, s0;
	v0 =	vadd.f32 v0, v1;
	v63 =	vmul.f32 v5, v2  }
0x123: {  	s2 =	sor.u32 s4, s1  }
0x124: {  	s1 =	sshll.u32 s1, $0x7;
	s2 =	sshll.u32 s2, $0x9;
	v0 =	vadd.f32 v63, v0  }
0x125: {  	s22 =	simm.s32 $0x1200;
	s21 =	sand.u32 $0x3FFFFF80, s1;
	s1 =	sadd.s32 s2, s13  }
0x126: {  	s2 =	simm.s32 $0x1000;
	s23 =	sadd.s32 $0x0, s1;
	[tilespmem:s21+$0x5000] =	vst v0;
	s21 =	simm.s32 $0x80  }
.LBB2_29:
0x127: {  	[tilespmem:s2], [sflag:$0x1] =	stream.linear.gather [hbm4b:s23+s3], $0x80, $0x38;
	[tilespmem:$0x6000] =	vst v63  }
0x128: {  	s23 =	smov.u32 s21;
	s2 =	smov.u32 s22;
	p1 =	sne.s32 s21, $0xF80  }
.Ltmp15:
0x129: {  	s21 =	sadd.s32 $0x80, s21;
	(pc) =	sbr.rel @p1 .LBB2_29-.Ltmp15, $2  }
0x12a: {  	_ =	sdelay $0x2  }
0x12b: {  	s22 =	sadd.s32 $0x200, s22;
	s23 =	sadd.s32 s23, s1  }
0x12c: {  	[tilespmem:s2], [sflag:$0x1] =	stream.linear.gather [hbm4b:s23+s3], $0x80, $0x38;
	[tilespmem:$0x6000] =	vst v63  }
0x12d: {  	_ =	swait.ge [sflag:s25], $0x1000  }
0x12e: {  	[sflag:s25] =	ssyncset.done $0x0  }
0x12f: {  	s29 =	simm.s32 $0x10F0;
	[sflag:s25] =	ssyncadd.s32 $0xFFFFF000  }
0x130: {  	s1 =	simm.s32 $0x40;
	v0 =	vld [tilespmem:s29+$0xFFFFFF90]  }
0x131: {  	v1 =	vld [tilespmem:s1+$0xFFFFFFC0]  }
0x132: {  	v2 =	vld [tilespmem:s29+$0xFFFFFFA0]  }
0x133: {  	v3 =	vld [tilespmem:s1+$0xFFFFFFD0]  }
0x134: {  	v4 =	vld [tilespmem:s29+$0xFFFFFFB0]  }
0x135: {  	v5 =	vld [tilespmem:s1+$0xFFFFFFE0]  }
0x136: {  	v6 =	vld [tilespmem:s29+$0xFFFFFFC0];
	v0 =	vmul.f32 v1, v0  }
0x137: {  	v7 =	vimm.f32 $0.0e+00;
	v1 =	vld [tilespmem:s1+$0xFFFFFFF0]  }
0x138: {  	v8 =	vld [tilespmem:s29+$0xFFFFFFD0];
	v3 =	vmul.f32 v3, v2;
	v0 =	vadd.f32 v0, v7  }
0x139: {  	v7 =	vld [tilespmem:s1+$0x0]  }
0x13a: {  	v2 =	vld [tilespmem:s29+$0xFFFFFFE0];
	v5 =	vmul.f32 v5, v4;
	v3 =	vadd.f32 v3, v0  }
0x13b: {  	v4 =	vld [tilespmem:s1+$0x10]  }
0x13c: {  	v0 =	vld [tilespmem:s29+$0xFFFFFFF0];
	v6 =	vmul.f32 v1, v6;
	v5 =	vadd.f32 v5, v3  }
0x13d: {  	v3 =	vld [tilespmem:s1+$0x20]  }
0x13e: {  	v1 =	vld [tilespmem:s29+$0x0];
	v7 =	vmul.f32 v7, v8;
	v6 =	vadd.f32 v6, v5  }
0x13f: {  	s2 =	simm.s32 $0x0;
	s21 =	simm.s32 $0x12F0;
	v5 =	vld [tilespmem:s1+$0x30]  }
.LBB2_31:
0x140: {  	v8 =	vld [tilespmem:s21+$0xFFFFFF90];
	v6 =	vadd.f32 v7, v6;
	v2 =	vmul.f32 v4, v2;
	s1 =	sadd.s32 $0x80, s1  }
0x141: {  	s2 =	sadd.s32 $0x8, s2;
	v4 =	vld [tilespmem:s1+$0xFFFFFFC0]  }
0x142: {  	p1 =	slt.u32 s2, $0xF8;
	v7 =	vld [tilespmem:s21+$0xFFFFFFA0];
	v2 =	vadd.f32 v2, v6;
	v0 =	vmul.f32 v3, v0  }
0x143: {  	v3 =	vld [tilespmem:s1+$0xFFFFFFD0]  }
0x144: {  	v6 =	vld [tilespmem:s21+$0xFFFFFFB0];
	v0 =	vadd.f32 v0, v2;
	v1 =	vmul.f32 v5, v1  }
0x145: {  	v2 =	vld [tilespmem:s1+$0xFFFFFFE0]  }
0x146: {  	v4 =	vmul.f32 v4, v8;
	v5 =	vld [tilespmem:s21+$0xFFFFFFC0];
	v0 =	vadd.f32 v1, v0  }
0x147: {  	v1 =	vld [tilespmem:s1+$0xFFFFFFF0]  }
0x148: {  	v0 =	vadd.f32 v4, v0;
	v3 =	vmul.f32 v3, v7;
	v7 =	vld [tilespmem:s21+$0xFFFFFFD0]  }
0x149: {  	v8 =	vld [tilespmem:s1+$0x0]  }
0x14a: {  	v0 =	vadd.f32 v3, v0;
	v3 =	vmul.f32 v2, v6;
	v2 =	vld [tilespmem:s21+$0xFFFFFFE0]  }
.Ltmp16:
0x14b: {  	v4 =	vld [tilespmem:s1+$0x10];
	(pc) =	sbr.rel @p1 .LBB2_31-.Ltmp16, $4  }
0x14c: {  	v6 =	vadd.f32 v3, v0;
	v1 =	vmul.f32 v1, v5;
	v0 =	vld [tilespmem:s21+$0xFFFFFFF0]  }
0x14d: {  	v3 =	vld [tilespmem:s1+$0x20]  }
0x14e: {  	v6 =	vadd.f32 v1, v6;
	v7 =	vmul.f32 v8, v7;
	v1 =	vld [tilespmem:s21+$0x0]  }
0x14f: {  	s21 =	sadd.s32 $0x200, s21;
	v5 =	vld [tilespmem:s1+$0x30]  }
0x150: {  	v6 =	vadd.f32 v7, v6;
	v2 =	vmul.f32 v4, v2;
	_ =	sdelay $0x1  }
0x151: {  	s1 =	sor.u32 $0x5, s0;
	v2 =	vadd.f32 v2, v6;
	v0 =	vmul.f32 v3, v0  }
0x152: {  	s2 =	sor.u32 s4, s1  }
0x153: {  	s2 =	sshll.u32 s2, $0x9;
	v0 =	vadd.f32 v0, v2;
	v1 =	vmul.f32 v5, v1  }
0x154: {  	s2 =	sadd.s32 $0x800, s2  }
0x155: {  	s1 =	sshll.u32 s1, $0x7;
	s2 =	sand.u32 $0x1FFFF000, s2;
	v0 =	vadd.f32 v1, v0  }
0x156: {  	s22 =	simm.s32 $0x1280;
	s21 =	sand.u32 $0x3FFFFF80, s1;
	s1 =	sadd.s32 s2, s14  }
0x157: {  	s2 =	simm.s32 $0x1080;
	s23 =	sadd.s32 $0x0, s1;
	[tilespmem:s21+$0x5000] =	vst v0;
	s21 =	simm.s32 $0x80  }
.LBB2_33:
0x158: {  	[tilespmem:s2], [sflag:$0x2] =	stream.linear.gather [hbm4b:s23+s3], $0x80, $0x38;
	[tilespmem:$0x6000] =	vst v63  }
0x159: {  	s23 =	smov.u32 s21;
	s2 =	smov.u32 s22;
	p1 =	sne.s32 s21, $0xF80  }
.Ltmp17:
0x15a: {  	s21 =	sadd.s32 $0x80, s21;
	(pc) =	sbr.rel @p1 .LBB2_33-.Ltmp17, $2  }
0x15b: {  	_ =	sdelay $0x2  }
0x15c: {  	s22 =	sadd.s32 $0x200, s22;
	s23 =	sadd.s32 s23, s1  }
0x15d: {  	[tilespmem:s2], [sflag:$0x2] =	stream.linear.gather [hbm4b:s23+s3], $0x80, $0x38;
	[tilespmem:$0x6000] =	vst v63  }
0x15e: {  	_ =	swait.ge [sflag:s26], $0x1000  }
0x15f: {  	[sflag:s26] =	ssyncset.done $0x0  }
0x160: {  	s29 =	simm.s32 $0x1170;
	[sflag:s26] =	ssyncadd.s32 $0xFFFFF000  }
0x161: {  	s1 =	simm.s32 $0x40;
	v0 =	vld [tilespmem:s29+$0xFFFFFF90]  }
0x162: {  	v1 =	vld [tilespmem:s1+$0xFFFFFFC0]  }
0x163: {  	v2 =	vld [tilespmem:s29+$0xFFFFFFA0]  }
0x164: {  	v3 =	vld [tilespmem:s1+$0xFFFFFFD0]  }
0x165: {  	v4 =	vld [tilespmem:s29+$0xFFFFFFB0]  }
0x166: {  	v5 =	vld [tilespmem:s1+$0xFFFFFFE0]  }
0x167: {  	v6 =	vld [tilespmem:s29+$0xFFFFFFC0];
	v0 =	vmul.f32 v1, v0  }
0x168: {  	v7 =	vimm.f32 $0.0e+00;
	v1 =	vld [tilespmem:s1+$0xFFFFFFF0]  }
0x169: {  	v8 =	vld [tilespmem:s29+$0xFFFFFFD0];
	v3 =	vmul.f32 v3, v2;
	v0 =	vadd.f32 v0, v7  }
0x16a: {  	v7 =	vld [tilespmem:s1+$0x0]  }
0x16b: {  	v2 =	vld [tilespmem:s29+$0xFFFFFFE0];
	v5 =	vmul.f32 v5, v4;
	v3 =	vadd.f32 v3, v0  }
0x16c: {  	v4 =	vld [tilespmem:s1+$0x10]  }
0x16d: {  	v0 =	vld [tilespmem:s29+$0xFFFFFFF0];
	v6 =	vmul.f32 v1, v6;
	v5 =	vadd.f32 v5, v3  }
0x16e: {  	v3 =	vld [tilespmem:s1+$0x20]  }
0x16f: {  	v1 =	vld [tilespmem:s29+$0x0];
	v7 =	vmul.f32 v7, v8;
	v6 =	vadd.f32 v6, v5  }
0x170: {  	s2 =	simm.s32 $0x0;
	s21 =	simm.s32 $0x1370;
	v5 =	vld [tilespmem:s1+$0x30]  }
.LBB2_35:
0x171: {  	v8 =	vld [tilespmem:s21+$0xFFFFFF90];
	v6 =	vadd.f32 v7, v6;
	v2 =	vmul.f32 v4, v2;
	s1 =	sadd.s32 $0x80, s1  }
0x172: {  	s2 =	sadd.s32 $0x8, s2;
	v4 =	vld [tilespmem:s1+$0xFFFFFFC0]  }
0x173: {  	p1 =	slt.u32 s2, $0xF8;
	v7 =	vld [tilespmem:s21+$0xFFFFFFA0];
	v2 =	vadd.f32 v2, v6;
	v0 =	vmul.f32 v3, v0  }
0x174: {  	v3 =	vld [tilespmem:s1+$0xFFFFFFD0]  }
0x175: {  	v6 =	vld [tilespmem:s21+$0xFFFFFFB0];
	v0 =	vadd.f32 v0, v2;
	v1 =	vmul.f32 v5, v1  }
0x176: {  	v2 =	vld [tilespmem:s1+$0xFFFFFFE0]  }
0x177: {  	v4 =	vmul.f32 v4, v8;
	v5 =	vld [tilespmem:s21+$0xFFFFFFC0];
	v0 =	vadd.f32 v1, v0  }
0x178: {  	v1 =	vld [tilespmem:s1+$0xFFFFFFF0]  }
0x179: {  	v0 =	vadd.f32 v4, v0;
	v3 =	vmul.f32 v3, v7;
	v7 =	vld [tilespmem:s21+$0xFFFFFFD0]  }
0x17a: {  	v8 =	vld [tilespmem:s1+$0x0]  }
0x17b: {  	v0 =	vadd.f32 v3, v0;
	v3 =	vmul.f32 v2, v6;
	v2 =	vld [tilespmem:s21+$0xFFFFFFE0]  }
.Ltmp18:
0x17c: {  	v4 =	vld [tilespmem:s1+$0x10];
	(pc) =	sbr.rel @p1 .LBB2_35-.Ltmp18, $4  }
0x17d: {  	v6 =	vadd.f32 v3, v0;
	v1 =	vmul.f32 v1, v5;
	v0 =	vld [tilespmem:s21+$0xFFFFFFF0]  }
0x17e: {  	v3 =	vld [tilespmem:s1+$0x20]  }
0x17f: {  	v6 =	vadd.f32 v1, v6;
	v7 =	vmul.f32 v8, v7;
	v1 =	vld [tilespmem:s21+$0x0]  }
0x180: {  	s21 =	sadd.s32 $0x200, s21;
	v5 =	vld [tilespmem:s1+$0x30]  }
0x181: {  	v6 =	vadd.f32 v7, v6;
	v2 =	vmul.f32 v4, v2;
	_ =	sdelay $0x1  }
0x182: {  	s1 =	sor.u32 $0x6, s0;
	v2 =	vadd.f32 v2, v6;
	v0 =	vmul.f32 v3, v0  }
0x183: {  	s2 =	sor.u32 s4, s1  }
0x184: {  	s2 =	sshll.u32 s2, $0x9;
	v0 =	vadd.f32 v0, v2;
	v1 =	vmul.f32 v5, v1  }
0x185: {  	s2 =	sadd.s32 $0x800, s2  }
0x186: {  	s1 =	sshll.u32 s1, $0x7;
	s2 =	sand.u32 $0x1FFFF000, s2;
	v0 =	vadd.f32 v1, v0  }
0x187: {  	s22 =	simm.s32 $0x1300;
	s21 =	sand.u32 $0x3FFFFF80, s1;
	s1 =	sadd.s32 s2, s15  }
0x188: {  	s2 =	simm.s32 $0x1100;
	s23 =	sadd.s32 $0x0, s1;
	[tilespmem:s21+$0x5000] =	vst v0;
	s21 =	simm.s32 $0x80  }
.LBB2_37:
0x189: {  	[tilespmem:s2], [sflag:$0x3] =	stream.linear.gather [hbm4b:s23+s3], $0x80, $0x38;
	[tilespmem:$0x6000] =	vst v63  }
0x18a: {  	s23 =	smov.u32 s21;
	s2 =	smov.u32 s22;
	p1 =	sne.s32 s21, $0xF80  }
.Ltmp19:
0x18b: {  	s21 =	sadd.s32 $0x80, s21;
	(pc) =	sbr.rel @p1 .LBB2_37-.Ltmp19, $2  }
0x18c: {  	_ =	sdelay $0x2  }
0x18d: {  	s22 =	sadd.s32 $0x200, s22;
	s23 =	sadd.s32 s23, s1  }
0x18e: {  	[tilespmem:s2], [sflag:$0x3] =	stream.linear.gather [hbm4b:s23+s3], $0x80, $0x38;
	[tilespmem:$0x6000] =	vst v63  }
0x18f: {  	_ =	swait.ge [sflag:s28], $0x1000  }
0x190: {  	[sflag:s28] =	ssyncset.done $0x0  }
0x191: {  	s29 =	simm.s32 $0x11F0;
	[sflag:s28] =	ssyncadd.s32 $0xFFFFF000  }
0x192: {  	s1 =	simm.s32 $0x40;
	v0 =	vld [tilespmem:s29+$0xFFFFFF90]  }
0x193: {  	v1 =	vld [tilespmem:s1+$0xFFFFFFC0]  }
0x194: {  	v2 =	vld [tilespmem:s29+$0xFFFFFFA0]  }
0x195: {  	v3 =	vld [tilespmem:s1+$0xFFFFFFD0]  }
0x196: {  	v4 =	vld [tilespmem:s29+$0xFFFFFFB0]  }
0x197: {  	v5 =	vld [tilespmem:s1+$0xFFFFFFE0]  }
0x198: {  	v6 =	vld [tilespmem:s29+$0xFFFFFFC0];
	v0 =	vmul.f32 v1, v0  }
0x199: {  	v7 =	vimm.f32 $0.0e+00;
	v1 =	vld [tilespmem:s1+$0xFFFFFFF0]  }
0x19a: {  	v8 =	vld [tilespmem:s29+$0xFFFFFFD0];
	v3 =	vmul.f32 v3, v2;
	v0 =	vadd.f32 v0, v7  }
0x19b: {  	v7 =	vld [tilespmem:s1+$0x0]  }
0x19c: {  	v2 =	vld [tilespmem:s29+$0xFFFFFFE0];
	v5 =	vmul.f32 v5, v4;
	v3 =	vadd.f32 v3, v0  }
0x19d: {  	v4 =	vld [tilespmem:s1+$0x10]  }
0x19e: {  	v0 =	vld [tilespmem:s29+$0xFFFFFFF0];
	v6 =	vmul.f32 v1, v6;
	v5 =	vadd.f32 v5, v3  }
0x19f: {  	v3 =	vld [tilespmem:s1+$0x20]  }
0x1a0: {  	v1 =	vld [tilespmem:s29+$0x0];
	v7 =	vmul.f32 v7, v8;
	v6 =	vadd.f32 v6, v5  }
0x1a1: {  	s2 =	simm.s32 $0x0;
	s21 =	simm.s32 $0x13F0;
	v5 =	vld [tilespmem:s1+$0x30]  }
.LBB2_39:
0x1a2: {  	v8 =	vld [tilespmem:s21+$0xFFFFFF90];
	v6 =	vadd.f32 v7, v6;
	v2 =	vmul.f32 v4, v2;
	s1 =	sadd.s32 $0x80, s1  }
0x1a3: {  	s2 =	sadd.s32 $0x8, s2;
	v4 =	vld [tilespmem:s1+$0xFFFFFFC0]  }
0x1a4: {  	p1 =	slt.u32 s2, $0xF8;
	v7 =	vld [tilespmem:s21+$0xFFFFFFA0];
	v2 =	vadd.f32 v2, v6;
	v0 =	vmul.f32 v3, v0  }
0x1a5: {  	v3 =	vld [tilespmem:s1+$0xFFFFFFD0]  }
0x1a6: {  	v6 =	vld [tilespmem:s21+$0xFFFFFFB0];
	v0 =	vadd.f32 v0, v2;
	v1 =	vmul.f32 v5, v1  }
0x1a7: {  	v2 =	vld [tilespmem:s1+$0xFFFFFFE0]  }
0x1a8: {  	v4 =	vmul.f32 v4, v8;
	v5 =	vld [tilespmem:s21+$0xFFFFFFC0];
	v0 =	vadd.f32 v1, v0  }
0x1a9: {  	v1 =	vld [tilespmem:s1+$0xFFFFFFF0]  }
0x1aa: {  	v0 =	vadd.f32 v4, v0;
	v3 =	vmul.f32 v3, v7;
	v7 =	vld [tilespmem:s21+$0xFFFFFFD0]  }
0x1ab: {  	v8 =	vld [tilespmem:s1+$0x0]  }
0x1ac: {  	v0 =	vadd.f32 v3, v0;
	v3 =	vmul.f32 v2, v6;
	v2 =	vld [tilespmem:s21+$0xFFFFFFE0]  }
.Ltmp20:
0x1ad: {  	v4 =	vld [tilespmem:s1+$0x10];
	(pc) =	sbr.rel @p1 .LBB2_39-.Ltmp20, $4  }
0x1ae: {  	v6 =	vadd.f32 v3, v0;
	v1 =	vmul.f32 v1, v5;
	v0 =	vld [tilespmem:s21+$0xFFFFFFF0]  }
0x1af: {  	v3 =	vld [tilespmem:s1+$0x20]  }
0x1b0: {  	v6 =	vadd.f32 v1, v6;
	v7 =	vmul.f32 v8, v7;
	v1 =	vld [tilespmem:s21+$0x0]  }
0x1b1: {  	s21 =	sadd.s32 $0x200, s21;
	v5 =	vld [tilespmem:s1+$0x30]  }
0x1b2: {  	v6 =	vadd.f32 v7, v6;
	v2 =	vmul.f32 v4, v2;
	_ =	sdelay $0x1  }
0x1b3: {  	s1 =	sor.u32 $0x7, s0;
	v2 =	vadd.f32 v2, v6;
	v0 =	vmul.f32 v3, v0  }
0x1b4: {  	s2 =	sor.u32 s4, s1  }
0x1b5: {  	s2 =	sshll.u32 s2, $0x9;
	v0 =	vadd.f32 v0, v2;
	v1 =	vmul.f32 v5, v1  }
0x1b6: {  	s2 =	sadd.s32 $0x800, s2  }
0x1b7: {  	s1 =	sshll.u32 s1, $0x7;
	s2 =	sand.u32 $0x1FFFF000, s2;
	v0 =	vadd.f32 v1, v0  }
0x1b8: {  	s22 =	simm.s32 $0x1380;
	s21 =	sand.u32 $0x3FFFFF80, s1;
	s1 =	sadd.s32 s2, s18  }
0x1b9: {  	s2 =	simm.s32 $0x1180;
	s23 =	sadd.s32 $0x0, s1;
	[tilespmem:s21+$0x5000] =	vst v0;
	s21 =	simm.s32 $0x80  }
.LBB2_41:
0x1ba: {  	[tilespmem:s2], [sflag:$0x4] =	stream.linear.gather [hbm4b:s23+s3], $0x80, $0x38;
	[tilespmem:$0x6000] =	vst v63  }
0x1bb: {  	s23 =	smov.u32 s21;
	s2 =	smov.u32 s22;
	p1 =	sne.s32 s21, $0xF80  }
.Ltmp21:
0x1bc: {  	s21 =	sadd.s32 $0x80, s21;
	(pc) =	sbr.rel @p1 .LBB2_41-.Ltmp21, $2  }
0x1bd: {  	_ =	sdelay $0x2  }
0x1be: {  	s22 =	sadd.s32 $0x200, s22;
	s23 =	sadd.s32 s23, s1  }
0x1bf: {  	[tilespmem:s2], [sflag:$0x4] =	stream.linear.gather [hbm4b:s23+s3], $0x80, $0x38;
	[tilespmem:$0x6000] =	vst v63  }
0x1c0: {  	_ =	swait.ge [sflag:s24], $0x1000  }
0x1c1: {  	[sflag:s24] =	ssyncset.done $0x0  }
0x1c2: {  	s29 =	simm.s32 $0x1040;
	[sflag:s24] =	ssyncadd.s32 $0xFFFFF000  }
0x1c3: {  	s1 =	simm.s32 $0x40;
	v0 =	vld [tilespmem:s29+$0xFFFFFFC0]  }
0x1c4: {  	v1 =	vld [tilespmem:s1+$0xFFFFFFC0]  }
0x1c5: {  	v2 =	vld [tilespmem:s29+$0xFFFFFFD0]  }
0x1c6: {  	v3 =	vld [tilespmem:s1+$0xFFFFFFD0]  }
0x1c7: {  	v4 =	vld [tilespmem:s29+$0xFFFFFFE0]  }
0x1c8: {  	v5 =	vld [tilespmem:s1+$0xFFFFFFE0]  }
0x1c9: {  	v6 =	vld [tilespmem:s29+$0xFFFFFFF0];
	v0 =	vmul.f32 v1, v0  }
0x1ca: {  	v7 =	vld [tilespmem:s1+$0xFFFFFFF0];
	v1 =	vimm.f32 $0.0e+00  }
0x1cb: {  	v8 =	vld [tilespmem:s29+$0x0];
	v2 =	vmul.f32 v3, v2;
	v0 =	vadd.f32 v0, v1  }
0x1cc: {  	v9 =	vld [tilespmem:s1+$0x0]  }
0x1cd: {  	v3 =	vmul.f32 v5, v4;
	v4 =	vld [tilespmem:s1+$0x10];
	v2 =	vadd.f32 v2, v0  }
0x1ce: {  	v1 =	vld [tilespmem:s29+$0x10]  }
0x1cf: {  	v6 =	vmul.f32 v7, v6;
	v0 =	vld [tilespmem:s29+$0x20];
	v5 =	vadd.f32 v3, v2  }
0x1d0: {  	v3 =	vld [tilespmem:s1+$0x20]  }
0x1d1: {  	v7 =	vmul.f32 v9, v8;
	v2 =	vld [tilespmem:s29+$0x30];
	v6 =	vadd.f32 v6, v5  }
0x1d2: {  	s2 =	simm.s32 $0x0;
	s21 =	simm.s32 $0x1240;
	v5 =	vld [tilespmem:s1+$0x30]  }
.LBB2_43:
0x1d3: {  	v8 =	vld [tilespmem:s21+$0xFFFFFFC0];
	v6 =	vadd.f32 v7, v6;
	v1 =	vmul.f32 v4, v1;
	s1 =	sadd.s32 $0x80, s1  }
0x1d4: {  	s2 =	sadd.s32 $0x8, s2;
	v4 =	vld [tilespmem:s1+$0xFFFFFFC0]  }
0x1d5: {  	p1 =	slt.u32 s2, $0xF8;
	v7 =	vld [tilespmem:s21+$0xFFFFFFD0];
	v1 =	vadd.f32 v1, v6;
	v0 =	vmul.f32 v3, v0  }
0x1d6: {  	v3 =	vld [tilespmem:s1+$0xFFFFFFD0]  }
0x1d7: {  	v6 =	vld [tilespmem:s21+$0xFFFFFFE0];
	v0 =	vadd.f32 v0, v1;
	v1 =	vmul.f32 v5, v2  }
0x1d8: {  	v2 =	vld [tilespmem:s1+$0xFFFFFFE0]  }
0x1d9: {  	v4 =	vmul.f32 v4, v8;
	v5 =	vld [tilespmem:s21+$0xFFFFFFF0];
	v0 =	vadd.f32 v1, v0  }
0x1da: {  	v8 =	vld [tilespmem:s1+$0xFFFFFFF0]  }
0x1db: {  	v0 =	vadd.f32 v4, v0;
	v1 =	vmul.f32 v3, v7;
	v7 =	vld [tilespmem:s21+$0x0]  }
0x1dc: {  	v9 =	vld [tilespmem:s1+$0x0]  }
0x1dd: {  	v0 =	vadd.f32 v1, v0;
	v2 =	vmul.f32 v2, v6;
	v1 =	vld [tilespmem:s21+$0x10]  }
.Ltmp22:
0x1de: {  	v4 =	vld [tilespmem:s1+$0x10];
	(pc) =	sbr.rel @p1 .LBB2_43-.Ltmp22, $4  }
0x1df: {  	v2 =	vadd.f32 v2, v0;
	v5 =	vmul.f32 v8, v5;
	v0 =	vld [tilespmem:s21+$0x20]  }
0x1e0: {  	v3 =	vld [tilespmem:s1+$0x20]  }
0x1e1: {  	v6 =	vadd.f32 v5, v2;
	v7 =	vmul.f32 v9, v7;
	v2 =	vld [tilespmem:s21+$0x30]  }
0x1e2: {  	s21 =	sadd.s32 $0x200, s21;
	v5 =	vld [tilespmem:s1+$0x30]  }
0x1e3: {  	v6 =	vadd.f32 v7, v6;
	v1 =	vmul.f32 v4, v1;
	_ =	sdelay $0x1  }
0x1e4: {  	v1 =	vadd.f32 v1, v6;
	v0 =	vmul.f32 v3, v0  }
0x1e5: {  	s1 =	sor.u32 $0x8, s0  }
0x1e6: {  	s2 =	sor.u32 s4, s1;
	v0 =	vadd.f32 v0, v1;
	v63 =	vmul.f32 v5, v2  }
0x1e7: {  	s2 =	sshll.u32 s2, $0x9  }
0x1e8: {  	s1 =	sshll.u32 s1, $0x7;
	s2 =	sand.u32 $0x1FFFF000, s2;
	v0 =	vadd.f32 v63, v0  }
0x1e9: {  	s22 =	simm.s32 $0x1200;
	s21 =	sand.u32 $0x3FFFFF80, s1;
	s1 =	sadd.s32 s2, s9  }
0x1ea: {  	s2 =	simm.s32 $0x1000;
	s23 =	sadd.s32 $0x0, s1;
	[tilespmem:s21+$0x5000] =	vst v0;
	s21 =	simm.s32 $0x80  }
.LBB2_45:
0x1eb: {  	[tilespmem:s2], [sflag:$0x1] =	stream.linear.gather [hbm4b:s23+s3], $0x80, $0x38;
	[tilespmem:$0x6000] =	vst v63  }
0x1ec: {  	s23 =	smov.u32 s21;
	s2 =	smov.u32 s22;
	p1 =	sne.s32 s21, $0xF80  }
.Ltmp23:
0x1ed: {  	s21 =	sadd.s32 $0x80, s21;
	(pc) =	sbr.rel @p1 .LBB2_45-.Ltmp23, $2  }
0x1ee: {  	_ =	sdelay $0x2  }
0x1ef: {  	s22 =	sadd.s32 $0x200, s22;
	s23 =	sadd.s32 s23, s1  }
0x1f0: {  	[tilespmem:s2], [sflag:$0x1] =	stream.linear.gather [hbm4b:s23+s3], $0x80, $0x38;
	[tilespmem:$0x6000] =	vst v63  }
0x1f1: {  	_ =	swait.ge [sflag:s25], $0x1000  }
0x1f2: {  	[sflag:s25] =	ssyncset.done $0x0  }
0x1f3: {  	s29 =	simm.s32 $0x10F0;
	[sflag:s25] =	ssyncadd.s32 $0xFFFFF000  }
0x1f4: {  	s1 =	simm.s32 $0x40;
	v0 =	vld [tilespmem:s29+$0xFFFFFF90]  }
0x1f5: {  	v1 =	vld [tilespmem:s1+$0xFFFFFFC0]  }
0x1f6: {  	v2 =	vld [tilespmem:s29+$0xFFFFFFA0]  }
0x1f7: {  	v3 =	vld [tilespmem:s1+$0xFFFFFFD0]  }
0x1f8: {  	v4 =	vld [tilespmem:s29+$0xFFFFFFB0]  }
0x1f9: {  	v5 =	vld [tilespmem:s1+$0xFFFFFFE0]  }
0x1fa: {  	v6 =	vld [tilespmem:s29+$0xFFFFFFC0];
	v0 =	vmul.f32 v1, v0  }
0x1fb: {  	v7 =	vld [tilespmem:s1+$0xFFFFFFF0];
	v1 =	vimm.f32 $0.0e+00  }
0x1fc: {  	v8 =	vld [tilespmem:s29+$0xFFFFFFD0];
	v2 =	vmul.f32 v3, v2;
	v0 =	vadd.f32 v0, v1  }
0x1fd: {  	v9 =	vld [tilespmem:s1+$0x0]  }
0x1fe: {  	v3 =	vmul.f32 v5, v4;
	v4 =	vld [tilespmem:s1+$0x10];
	v2 =	vadd.f32 v2, v0  }
0x1ff: {  	v1 =	vld [tilespmem:s29+$0xFFFFFFE0]  }
0x200: {  	v6 =	vmul.f32 v7, v6;
	v0 =	vld [tilespmem:s29+$0xFFFFFFF0];
	v5 =	vadd.f32 v3, v2  }
0x201: {  	v3 =	vld [tilespmem:s1+$0x20]  }
0x202: {  	v7 =	vmul.f32 v9, v8;
	v2 =	vld [tilespmem:s29+$0x0];
	v6 =	vadd.f32 v6, v5  }
0x203: {  	s2 =	simm.s32 $0x0;
	s21 =	simm.s32 $0x12F0;
	v5 =	vld [tilespmem:s1+$0x30]  }
.LBB2_47:
0x204: {  	v8 =	vld [tilespmem:s21+$0xFFFFFF90];
	v6 =	vadd.f32 v7, v6;
	v1 =	vmul.f32 v4, v1;
	s1 =	sadd.s32 $0x80, s1  }
0x205: {  	s2 =	sadd.s32 $0x8, s2;
	v4 =	vld [tilespmem:s1+$0xFFFFFFC0]  }
0x206: {  	p1 =	slt.u32 s2, $0xF8;
	v7 =	vld [tilespmem:s21+$0xFFFFFFA0];
	v1 =	vadd.f32 v1, v6;
	v0 =	vmul.f32 v3, v0  }
0x207: {  	v3 =	vld [tilespmem:s1+$0xFFFFFFD0]  }
0x208: {  	v6 =	vld [tilespmem:s21+$0xFFFFFFB0];
	v0 =	vadd.f32 v0, v1;
	v1 =	vmul.f32 v5, v2  }
0x209: {  	v2 =	vld [tilespmem:s1+$0xFFFFFFE0]  }
0x20a: {  	v4 =	vmul.f32 v4, v8;
	v5 =	vld [tilespmem:s21+$0xFFFFFFC0];
	v0 =	vadd.f32 v1, v0  }
0x20b: {  	v8 =	vld [tilespmem:s1+$0xFFFFFFF0]  }
0x20c: {  	v0 =	vadd.f32 v4, v0;
	v1 =	vmul.f32 v3, v7;
	v7 =	vld [tilespmem:s21+$0xFFFFFFD0]  }
0x20d: {  	v9 =	vld [tilespmem:s1+$0x0]  }
0x20e: {  	v0 =	vadd.f32 v1, v0;
	v2 =	vmul.f32 v2, v6;
	v1 =	vld [tilespmem:s21+$0xFFFFFFE0]  }
.Ltmp24:
0x20f: {  	v4 =	vld [tilespmem:s1+$0x10];
	(pc) =	sbr.rel @p1 .LBB2_47-.Ltmp24, $4  }
0x210: {  	v2 =	vadd.f32 v2, v0;
	v5 =	vmul.f32 v8, v5;
	v0 =	vld [tilespmem:s21+$0xFFFFFFF0]  }
0x211: {  	v3 =	vld [tilespmem:s1+$0x20]  }
0x212: {  	v6 =	vadd.f32 v5, v2;
	v7 =	vmul.f32 v9, v7;
	v2 =	vld [tilespmem:s21+$0x0]  }
0x213: {  	s21 =	sadd.s32 $0x200, s21;
	v5 =	vld [tilespmem:s1+$0x30]  }
0x214: {  	v6 =	vadd.f32 v7, v6;
	v1 =	vmul.f32 v4, v1;
	_ =	sdelay $0x1  }
0x215: {  	v1 =	vadd.f32 v1, v6;
	v0 =	vmul.f32 v3, v0  }
0x216: {  	s1 =	sor.u32 $0x9, s0  }
0x217: {  	s2 =	sor.u32 s4, s1;
	v0 =	vadd.f32 v0, v1;
	v63 =	vmul.f32 v5, v2  }
0x218: {  	s2 =	sshll.u32 s2, $0x9  }
0x219: {  	s1 =	sshll.u32 s1, $0x7;
	s2 =	sand.u32 $0x1FFFF000, s2;
	v0 =	vadd.f32 v63, v0  }
0x21a: {  	s22 =	simm.s32 $0x1280;
	s21 =	sand.u32 $0x3FFFFF80, s1;
	s1 =	sadd.s32 s2, s10  }
0x21b: {  	s2 =	simm.s32 $0x1080;
	s23 =	sadd.s32 $0x0, s1;
	[tilespmem:s21+$0x5000] =	vst v0;
	s21 =	simm.s32 $0x80  }
.LBB2_49:
0x21c: {  	[tilespmem:s2], [sflag:$0x2] =	stream.linear.gather [hbm4b:s23+s3], $0x80, $0x38;
	[tilespmem:$0x6000] =	vst v63  }
0x21d: {  	s23 =	smov.u32 s21;
	s2 =	smov.u32 s22;
	p1 =	sne.s32 s21, $0xF80  }
.Ltmp25:
0x21e: {  	s21 =	sadd.s32 $0x80, s21;
	(pc) =	sbr.rel @p1 .LBB2_49-.Ltmp25, $2  }
0x21f: {  	_ =	sdelay $0x2  }
0x220: {  	s22 =	sadd.s32 $0x200, s22;
	s23 =	sadd.s32 s23, s1  }
0x221: {  	[tilespmem:s2], [sflag:$0x2] =	stream.linear.gather [hbm4b:s23+s3], $0x80, $0x38;
	[tilespmem:$0x6000] =	vst v63  }
0x222: {  	_ =	swait.ge [sflag:s26], $0x1000  }
0x223: {  	[sflag:s26] =	ssyncset.done $0x0  }
0x224: {  	s29 =	simm.s32 $0x1170;
	[sflag:s26] =	ssyncadd.s32 $0xFFFFF000  }
0x225: {  	s1 =	simm.s32 $0x40;
	v0 =	vld [tilespmem:s29+$0xFFFFFF90]  }
0x226: {  	v1 =	vld [tilespmem:s1+$0xFFFFFFC0]  }
0x227: {  	v2 =	vld [tilespmem:s29+$0xFFFFFFA0]  }
0x228: {  	v3 =	vld [tilespmem:s1+$0xFFFFFFD0]  }
0x229: {  	v4 =	vld [tilespmem:s29+$0xFFFFFFB0]  }
0x22a: {  	v5 =	vld [tilespmem:s1+$0xFFFFFFE0]  }
0x22b: {  	v6 =	vld [tilespmem:s29+$0xFFFFFFC0];
	v0 =	vmul.f32 v1, v0  }
0x22c: {  	v7 =	vld [tilespmem:s1+$0xFFFFFFF0];
	v1 =	vimm.f32 $0.0e+00  }
0x22d: {  	v8 =	vld [tilespmem:s29+$0xFFFFFFD0];
	v2 =	vmul.f32 v3, v2;
	v0 =	vadd.f32 v0, v1  }
0x22e: {  	v9 =	vld [tilespmem:s1+$0x0]  }
0x22f: {  	v3 =	vmul.f32 v5, v4;
	v4 =	vld [tilespmem:s1+$0x10];
	v2 =	vadd.f32 v2, v0  }
0x230: {  	v1 =	vld [tilespmem:s29+$0xFFFFFFE0]  }
0x231: {  	v6 =	vmul.f32 v7, v6;
	v0 =	vld [tilespmem:s29+$0xFFFFFFF0];
	v5 =	vadd.f32 v3, v2  }
0x232: {  	v3 =	vld [tilespmem:s1+$0x20]  }
0x233: {  	v7 =	vmul.f32 v9, v8;
	v2 =	vld [tilespmem:s29+$0x0];
	v6 =	vadd.f32 v6, v5  }
0x234: {  	s2 =	simm.s32 $0x0;
	s21 =	simm.s32 $0x1370;
	v5 =	vld [tilespmem:s1+$0x30]  }
.LBB2_51:
0x235: {  	v8 =	vld [tilespmem:s21+$0xFFFFFF90];
	v6 =	vadd.f32 v7, v6;
	v1 =	vmul.f32 v4, v1;
	s1 =	sadd.s32 $0x80, s1  }
0x236: {  	s2 =	sadd.s32 $0x8, s2;
	v4 =	vld [tilespmem:s1+$0xFFFFFFC0]  }
0x237: {  	p1 =	slt.u32 s2, $0xF8;
	v7 =	vld [tilespmem:s21+$0xFFFFFFA0];
	v1 =	vadd.f32 v1, v6;
	v0 =	vmul.f32 v3, v0  }
0x238: {  	v3 =	vld [tilespmem:s1+$0xFFFFFFD0]  }
0x239: {  	v6 =	vld [tilespmem:s21+$0xFFFFFFB0];
	v0 =	vadd.f32 v0, v1;
	v1 =	vmul.f32 v5, v2  }
0x23a: {  	v2 =	vld [tilespmem:s1+$0xFFFFFFE0]  }
0x23b: {  	v4 =	vmul.f32 v4, v8;
	v5 =	vld [tilespmem:s21+$0xFFFFFFC0];
	v0 =	vadd.f32 v1, v0  }
0x23c: {  	v8 =	vld [tilespmem:s1+$0xFFFFFFF0]  }
0x23d: {  	v0 =	vadd.f32 v4, v0;
	v1 =	vmul.f32 v3, v7;
	v7 =	vld [tilespmem:s21+$0xFFFFFFD0]  }
0x23e: {  	v9 =	vld [tilespmem:s1+$0x0]  }
0x23f: {  	v0 =	vadd.f32 v1, v0;
	v2 =	vmul.f32 v2, v6;
	v1 =	vld [tilespmem:s21+$0xFFFFFFE0]  }
.Ltmp26:
0x240: {  	v4 =	vld [tilespmem:s1+$0x10];
	(pc) =	sbr.rel @p1 .LBB2_51-.Ltmp26, $4  }
0x241: {  	v2 =	vadd.f32 v2, v0;
	v5 =	vmul.f32 v8, v5;
	v0 =	vld [tilespmem:s21+$0xFFFFFFF0]  }
0x242: {  	v3 =	vld [tilespmem:s1+$0x20]  }
0x243: {  	v6 =	vadd.f32 v5, v2;
	v7 =	vmul.f32 v9, v7;
	v2 =	vld [tilespmem:s21+$0x0]  }
0x244: {  	s21 =	sadd.s32 $0x200, s21;
	v5 =	vld [tilespmem:s1+$0x30]  }
0x245: {  	v6 =	vadd.f32 v7, v6;
	v1 =	vmul.f32 v4, v1;
	_ =	sdelay $0x1  }
0x246: {  	v1 =	vadd.f32 v1, v6;
	v0 =	vmul.f32 v3, v0  }
0x247: {  	s1 =	sor.u32 $0xA, s0  }
0x248: {  	s2 =	sor.u32 s4, s1;
	v0 =	vadd.f32 v0, v1;
	v63 =	vmul.f32 v5, v2  }
0x249: {  	s2 =	sshll.u32 s2, $0x9  }
0x24a: {  	s1 =	sshll.u32 s1, $0x7;
	s2 =	sand.u32 $0x1FFFF000, s2;
	v0 =	vadd.f32 v63, v0  }
0x24b: {  	s22 =	simm.s32 $0x1300;
	s21 =	sand.u32 $0x3FFFFF80, s1;
	s1 =	sadd.s32 s2, s11  }
0x24c: {  	s2 =	simm.s32 $0x1100;
	s23 =	sadd.s32 $0x0, s1;
	[tilespmem:s21+$0x5000] =	vst v0;
	s21 =	simm.s32 $0x80  }
.LBB2_53:
0x24d: {  	[tilespmem:s2], [sflag:$0x3] =	stream.linear.gather [hbm4b:s23+s3], $0x80, $0x38;
	[tilespmem:$0x6000] =	vst v63  }
0x24e: {  	s23 =	smov.u32 s21;
	s2 =	smov.u32 s22;
	p1 =	sne.s32 s21, $0xF80  }
.Ltmp27:
0x24f: {  	s21 =	sadd.s32 $0x80, s21;
	(pc) =	sbr.rel @p1 .LBB2_53-.Ltmp27, $2  }
0x250: {  	_ =	sdelay $0x2  }
0x251: {  	s22 =	sadd.s32 $0x200, s22;
	s23 =	sadd.s32 s23, s1  }
0x252: {  	[tilespmem:s2], [sflag:$0x3] =	stream.linear.gather [hbm4b:s23+s3], $0x80, $0x38;
	[tilespmem:$0x6000] =	vst v63  }
0x253: {  	_ =	swait.ge [sflag:s28], $0x1000  }
0x254: {  	[sflag:s28] =	ssyncset.done $0x0  }
0x255: {  	s29 =	simm.s32 $0x11F0;
	[sflag:s28] =	ssyncadd.s32 $0xFFFFF000  }
0x256: {  	s1 =	simm.s32 $0x40;
	v0 =	vld [tilespmem:s29+$0xFFFFFF90]  }
0x257: {  	v1 =	vld [tilespmem:s1+$0xFFFFFFC0]  }
0x258: {  	v2 =	vld [tilespmem:s29+$0xFFFFFFA0]  }
0x259: {  	v3 =	vld [tilespmem:s1+$0xFFFFFFD0]  }
0x25a: {  	v4 =	vld [tilespmem:s29+$0xFFFFFFB0]  }
0x25b: {  	v5 =	vld [tilespmem:s1+$0xFFFFFFE0]  }
0x25c: {  	v6 =	vld [tilespmem:s29+$0xFFFFFFC0];
	v0 =	vmul.f32 v1, v0  }
0x25d: {  	v7 =	vld [tilespmem:s1+$0xFFFFFFF0];
	v1 =	vimm.f32 $0.0e+00  }
0x25e: {  	v8 =	vld [tilespmem:s29+$0xFFFFFFD0];
	v2 =	vmul.f32 v3, v2;
	v0 =	vadd.f32 v0, v1  }
0x25f: {  	v9 =	vld [tilespmem:s1+$0x0]  }
0x260: {  	v3 =	vmul.f32 v5, v4;
	v4 =	vld [tilespmem:s1+$0x10];
	v2 =	vadd.f32 v2, v0  }
0x261: {  	v1 =	vld [tilespmem:s29+$0xFFFFFFE0]  }
0x262: {  	v6 =	vmul.f32 v7, v6;
	v0 =	vld [tilespmem:s29+$0xFFFFFFF0];
	v5 =	vadd.f32 v3, v2  }
0x263: {  	v3 =	vld [tilespmem:s1+$0x20]  }
0x264: {  	v7 =	vmul.f32 v9, v8;
	v2 =	vld [tilespmem:s29+$0x0];
	v6 =	vadd.f32 v6, v5  }
0x265: {  	s2 =	simm.s32 $0x0;
	s21 =	simm.s32 $0x13F0;
	v5 =	vld [tilespmem:s1+$0x30]  }
.LBB2_55:
0x266: {  	v8 =	vld [tilespmem:s21+$0xFFFFFF90];
	v6 =	vadd.f32 v7, v6;
	v1 =	vmul.f32 v4, v1;
	s1 =	sadd.s32 $0x80, s1  }
0x267: {  	s2 =	sadd.s32 $0x8, s2;
	v4 =	vld [tilespmem:s1+$0xFFFFFFC0]  }
0x268: {  	p1 =	slt.u32 s2, $0xF8;
	v7 =	vld [tilespmem:s21+$0xFFFFFFA0];
	v1 =	vadd.f32 v1, v6;
	v0 =	vmul.f32 v3, v0  }
0x269: {  	v3 =	vld [tilespmem:s1+$0xFFFFFFD0]  }
0x26a: {  	v6 =	vld [tilespmem:s21+$0xFFFFFFB0];
	v0 =	vadd.f32 v0, v1;
	v1 =	vmul.f32 v5, v2  }
0x26b: {  	v2 =	vld [tilespmem:s1+$0xFFFFFFE0]  }
0x26c: {  	v4 =	vmul.f32 v4, v8;
	v5 =	vld [tilespmem:s21+$0xFFFFFFC0];
	v0 =	vadd.f32 v1, v0  }
0x26d: {  	v8 =	vld [tilespmem:s1+$0xFFFFFFF0]  }
0x26e: {  	v0 =	vadd.f32 v4, v0;
	v1 =	vmul.f32 v3, v7;
	v7 =	vld [tilespmem:s21+$0xFFFFFFD0]  }
0x26f: {  	v9 =	vld [tilespmem:s1+$0x0]  }
0x270: {  	v0 =	vadd.f32 v1, v0;
	v2 =	vmul.f32 v2, v6;
	v1 =	vld [tilespmem:s21+$0xFFFFFFE0]  }
.Ltmp28:
0x271: {  	v4 =	vld [tilespmem:s1+$0x10];
	(pc) =	sbr.rel @p1 .LBB2_55-.Ltmp28, $4  }
0x272: {  	v2 =	vadd.f32 v2, v0;
	v5 =	vmul.f32 v8, v5;
	v0 =	vld [tilespmem:s21+$0xFFFFFFF0]  }
0x273: {  	v3 =	vld [tilespmem:s1+$0x20]  }
0x274: {  	v6 =	vadd.f32 v5, v2;
	v7 =	vmul.f32 v9, v7;
	v2 =	vld [tilespmem:s21+$0x0]  }
0x275: {  	s21 =	sadd.s32 $0x200, s21;
	v5 =	vld [tilespmem:s1+$0x30]  }
0x276: {  	v6 =	vadd.f32 v7, v6;
	v1 =	vmul.f32 v4, v1;
	_ =	sdelay $0x1  }
0x277: {  	v1 =	vadd.f32 v1, v6;
	v0 =	vmul.f32 v3, v0  }
0x278: {  	s0 =	sor.u32 $0xB, s0  }
0x279: {  	s1 =	sor.u32 s4, s0;
	v0 =	vadd.f32 v0, v1;
	v63 =	vmul.f32 v5, v2  }
0x27a: {  	s1 =	sshll.u32 s1, $0x9  }
0x27b: {  	s0 =	sshll.u32 s0, $0x7;
	s1 =	sand.u32 $0x1FFFF000, s1;
	v0 =	vadd.f32 v63, v0  }
0x27c: {  	s21 =	simm.s32 $0x1380;
	s2 =	sand.u32 $0x3FFFFF80, s0;
	s0 =	sadd.s32 s1, s12  }
0x27d: {  	s1 =	simm.s32 $0x1180;
	s22 =	sadd.s32 $0x0, s0;
	[tilespmem:s2+$0x5000] =	vst v0;
	s2 =	simm.s32 $0x80  }
.LBB2_57:
0x27e: {  	[tilespmem:s1], [sflag:$0x4] =	stream.linear.gather [hbm4b:s22+s3], $0x80, $0x38;
	[tilespmem:$0x6000] =	vst v63  }
0x27f: {  	s22 =	smov.u32 s2;
	s1 =	smov.u32 s21;
	p1 =	sne.s32 s2, $0xF80  }
.Ltmp29:
0x280: {  	s2 =	sadd.s32 $0x80, s2;
	(pc) =	sbr.rel @p1 .LBB2_57-.Ltmp29, $2  }
0x281: {  	_ =	sdelay $0x2  }
0x282: {  	s21 =	sadd.s32 $0x200, s21;
	s22 =	sadd.s32 s22, s0  }
0x283: {  	[tilespmem:s1], [sflag:$0x4] =	stream.linear.gather [hbm4b:s22+s3], $0x80, $0x38;
	[tilespmem:$0x6000] =	vst v63  }
0x284: {  	_ =	swait.ge [sflag:s24], $0x1000  }
0x285: {  	[sflag:s24] =	ssyncset.done $0x0  }
0x286: {  	s29 =	simm.s32 $0x1040;
	[sflag:s24] =	ssyncadd.s32 $0xFFFFF000  }
0x287: {  	s0 =	simm.s32 $0x40;
	v0 =	vld [tilespmem:s29+$0xFFFFFFC0]  }
0x288: {  	v1 =	vld [tilespmem:s0+$0xFFFFFFC0]  }
0x289: {  	v2 =	vld [tilespmem:s29+$0xFFFFFFD0]  }
0x28a: {  	v3 =	vld [tilespmem:s0+$0xFFFFFFD0]  }
0x28b: {  	v4 =	vld [tilespmem:s29+$0xFFFFFFE0]  }
0x28c: {  	v5 =	vld [tilespmem:s0+$0xFFFFFFE0]  }
0x28d: {  	v6 =	vld [tilespmem:s29+$0xFFFFFFF0];
	v0 =	vmul.f32 v1, v0  }
0x28e: {  	v7 =	vld [tilespmem:s0+$0xFFFFFFF0];
	v1 =	vimm.f32 $0.0e+00  }
0x28f: {  	v8 =	vld [tilespmem:s29+$0x0];
	v2 =	vmul.f32 v3, v2;
	v0 =	vadd.f32 v0, v1  }
0x290: {  	v9 =	vld [tilespmem:s0+$0x0]  }
0x291: {  	v3 =	vmul.f32 v5, v4;
	v4 =	vld [tilespmem:s0+$0x10];
	v2 =	vadd.f32 v2, v0  }
0x292: {  	v1 =	vld [tilespmem:s29+$0x10]  }
0x293: {  	v6 =	vmul.f32 v7, v6;
	v0 =	vld [tilespmem:s29+$0x20];
	v5 =	vadd.f32 v3, v2  }
0x294: {  	v3 =	vld [tilespmem:s0+$0x20]  }
0x295: {  	v7 =	vmul.f32 v9, v8;
	v2 =	vld [tilespmem:s29+$0x30];
	v6 =	vadd.f32 v6, v5  }
0x296: {  	s1 =	simm.s32 $0x0;
	s2 =	simm.s32 $0x1240;
	v5 =	vld [tilespmem:s0+$0x30]  }
.LBB2_59:
0x297: {  	v8 =	vld [tilespmem:s2+$0xFFFFFFC0];
	v6 =	vadd.f32 v7, v6;
	v1 =	vmul.f32 v4, v1;
	s0 =	sadd.s32 $0x80, s0  }
0x298: {  	s1 =	sadd.s32 $0x8, s1;
	v4 =	vld [tilespmem:s0+$0xFFFFFFC0]  }
0x299: {  	p1 =	slt.u32 s1, $0xF8;
	v7 =	vld [tilespmem:s2+$0xFFFFFFD0];
	v1 =	vadd.f32 v1, v6;
	v0 =	vmul.f32 v3, v0  }
0x29a: {  	v3 =	vld [tilespmem:s0+$0xFFFFFFD0]  }
0x29b: {  	v6 =	vld [tilespmem:s2+$0xFFFFFFE0];
	v0 =	vadd.f32 v0, v1;
	v1 =	vmul.f32 v5, v2  }
0x29c: {  	v2 =	vld [tilespmem:s0+$0xFFFFFFE0]  }
0x29d: {  	v4 =	vmul.f32 v4, v8;
	v5 =	vld [tilespmem:s2+$0xFFFFFFF0];
	v0 =	vadd.f32 v1, v0  }
0x29e: {  	v8 =	vld [tilespmem:s0+$0xFFFFFFF0]  }
0x29f: {  	v0 =	vadd.f32 v4, v0;
	v1 =	vmul.f32 v3, v7;
	v7 =	vld [tilespmem:s2+$0x0]  }
0x2a0: {  	v9 =	vld [tilespmem:s0+$0x0]  }
0x2a1: {  	v0 =	vadd.f32 v1, v0;
	v2 =	vmul.f32 v2, v6;
	v1 =	vld [tilespmem:s2+$0x10]  }
.Ltmp30:
0x2a2: {  	v4 =	vld [tilespmem:s0+$0x10];
	(pc) =	sbr.rel @p1 .LBB2_59-.Ltmp30, $4  }
0x2a3: {  	v2 =	vadd.f32 v2, v0;
	v5 =	vmul.f32 v8, v5;
	v0 =	vld [tilespmem:s2+$0x20]  }
0x2a4: {  	v3 =	vld [tilespmem:s0+$0x20]  }
0x2a5: {  	v6 =	vadd.f32 v5, v2;
	v7 =	vmul.f32 v9, v7;
	v2 =	vld [tilespmem:s2+$0x30]  }
0x2a6: {  	s2 =	sadd.s32 $0x200, s2;
	v5 =	vld [tilespmem:s0+$0x30]  }
0x2a7: {  	v6 =	vadd.f32 v7, v6;
	v1 =	vmul.f32 v4, v1;
	_ =	sdelay $0x1  }
0x2a8: {  	v1 =	vadd.f32 v1, v6;
	v0 =	vmul.f32 v3, v0;
	_ =	sdelay $0x1  }
.Ltmp31:
0x2a9: {  	v0 =	vadd.f32 v0, v1;
	v63 =	vmul.f32 v5, v2;
	(pc) =	sbr.rel @!p0 .LBB2_64-.Ltmp31, $3  }
0x2aa: {  	_ = 	snop  }
0x2ab: {  	v0 =	vadd.f32 v63, v0;
	_ =	sdelay $0x1  }
0x2ac: {  	[tilespmem:s31+$0x5600] =	vst v0  }
0x2ad: {  	s0 =	simm.s32 $0x1000  }
0x2ae: {  	s1 =	simm.s32 $0x80;
	s21 =	sadd.s32 $0x0, s16;
	s2 =	simm.s32 $0x1200  }
.LBB2_62:
0x2af: {  	[tilespmem:s0], [sflag:$0x1] =	stream.linear.gather [hbm4b:s21+s3], $0x80, $0x38;
	[tilespmem:$0x6000] =	vst v63  }
0x2b0: {  	s21 =	smov.u32 s1;
	s0 =	smov.u32 s2;
	p1 =	sne.s32 s1, $0xF80  }
.Ltmp32:
0x2b1: {  	s1 =	sadd.s32 $0x80, s1;
	(pc) =	sbr.rel @p1 .LBB2_62-.Ltmp32, $2  }
0x2b2: {  	_ =	sdelay $0x2  }
0x2b3: {  	s2 =	sadd.s32 $0x200, s2;
	s21 =	sadd.s32 s21, s16  }
0x2b4: {  	[tilespmem:s0], [sflag:$0x1] =	stream.linear.gather [hbm4b:s21+s3], $0x80, $0x38;
	[tilespmem:$0x6000] =	vst v63  }
.LBB2_64:
0x2b5: {  	_ =	swait.ge [sflag:s25], $0x1000  }
0x2b6: {  	[sflag:s25] =	ssyncset.done $0x0  }
0x2b7: {  	s1 =	simm.s32 $0x10F0;
	[sflag:s25] =	ssyncadd.s32 $0xFFFFF000  }
0x2b8: {  	s0 =	simm.s32 $0x40;
	v0 =	vld [tilespmem:s1+$0xFFFFFF90]  }
0x2b9: {  	v1 =	vld [tilespmem:s0+$0xFFFFFFC0]  }
0x2ba: {  	v2 =	vld [tilespmem:s1+$0xFFFFFFA0]  }
0x2bb: {  	v3 =	vld [tilespmem:s0+$0xFFFFFFD0]  }
0x2bc: {  	v4 =	vld [tilespmem:s1+$0xFFFFFFB0]  }
0x2bd: {  	v5 =	vld [tilespmem:s0+$0xFFFFFFE0]  }
0x2be: {  	v6 =	vld [tilespmem:s1+$0xFFFFFFC0];
	v0 =	vmul.f32 v1, v0  }
0x2bf: {  	v7 =	vld [tilespmem:s0+$0xFFFFFFF0];
	v1 =	vimm.f32 $0.0e+00  }
0x2c0: {  	v8 =	vld [tilespmem:s1+$0xFFFFFFD0];
	v2 =	vmul.f32 v3, v2;
	v0 =	vadd.f32 v0, v1  }
0x2c1: {  	v9 =	vld [tilespmem:s0+$0x0]  }
0x2c2: {  	v3 =	vmul.f32 v5, v4;
	v4 =	vld [tilespmem:s0+$0x10];
	v2 =	vadd.f32 v2, v0  }
0x2c3: {  	v1 =	vld [tilespmem:s1+$0xFFFFFFE0]  }
0x2c4: {  	v6 =	vmul.f32 v7, v6;
	v0 =	vld [tilespmem:s1+$0xFFFFFFF0];
	v5 =	vadd.f32 v3, v2  }
0x2c5: {  	v3 =	vld [tilespmem:s0+$0x20]  }
0x2c6: {  	v7 =	vmul.f32 v9, v8;
	v2 =	vld [tilespmem:s1+$0x0];
	v6 =	vadd.f32 v6, v5  }
0x2c7: {  	s2 =	simm.s32 $0x12F0;
	s1 =	simm.s32 $0x0;
	v5 =	vld [tilespmem:s0+$0x30]  }
.LBB2_65:
0x2c8: {  	v8 =	vld [tilespmem:s2+$0xFFFFFF90];
	v6 =	vadd.f32 v7, v6;
	v1 =	vmul.f32 v4, v1;
	s0 =	sadd.s32 $0x80, s0  }
0x2c9: {  	s1 =	sadd.s32 $0x8, s1;
	v4 =	vld [tilespmem:s0+$0xFFFFFFC0]  }
0x2ca: {  	p1 =	slt.u32 s1, $0xF8;
	v7 =	vld [tilespmem:s2+$0xFFFFFFA0];
	v1 =	vadd.f32 v1, v6;
	v0 =	vmul.f32 v3, v0  }
0x2cb: {  	v3 =	vld [tilespmem:s0+$0xFFFFFFD0]  }
0x2cc: {  	v6 =	vld [tilespmem:s2+$0xFFFFFFB0];
	v0 =	vadd.f32 v0, v1;
	v1 =	vmul.f32 v5, v2  }
0x2cd: {  	v2 =	vld [tilespmem:s0+$0xFFFFFFE0]  }
0x2ce: {  	v4 =	vmul.f32 v4, v8;
	v5 =	vld [tilespmem:s2+$0xFFFFFFC0];
	v0 =	vadd.f32 v1, v0  }
0x2cf: {  	v8 =	vld [tilespmem:s0+$0xFFFFFFF0]  }
0x2d0: {  	v0 =	vadd.f32 v4, v0;
	v1 =	vmul.f32 v3, v7;
	v7 =	vld [tilespmem:s2+$0xFFFFFFD0]  }
0x2d1: {  	v9 =	vld [tilespmem:s0+$0x0]  }
0x2d2: {  	v0 =	vadd.f32 v1, v0;
	v2 =	vmul.f32 v2, v6;
	v1 =	vld [tilespmem:s2+$0xFFFFFFE0]  }
.Ltmp33:
0x2d3: {  	v4 =	vld [tilespmem:s0+$0x10];
	(pc) =	sbr.rel @p1 .LBB2_65-.Ltmp33, $4  }
0x2d4: {  	v2 =	vadd.f32 v2, v0;
	v5 =	vmul.f32 v8, v5;
	v0 =	vld [tilespmem:s2+$0xFFFFFFF0]  }
0x2d5: {  	v3 =	vld [tilespmem:s0+$0x20]  }
0x2d6: {  	v6 =	vadd.f32 v5, v2;
	v7 =	vmul.f32 v9, v7;
	v2 =	vld [tilespmem:s2+$0x0]  }
0x2d7: {  	s2 =	sadd.s32 $0x200, s2;
	v5 =	vld [tilespmem:s0+$0x30]  }
0x2d8: {  	v6 =	vadd.f32 v7, v6;
	v1 =	vmul.f32 v4, v1;
	_ =	sdelay $0x1  }
0x2d9: {  	v1 =	vadd.f32 v1, v6;
	v0 =	vmul.f32 v3, v0;
	_ =	sdelay $0x1  }
.Ltmp34:
0x2da: {  	v0 =	vadd.f32 v0, v1;
	v63 =	vmul.f32 v5, v2;
	(pc) =	sbr.rel @!p0 .LBB2_70-.Ltmp34, $3  }
0x2db: {  	_ = 	snop  }
0x2dc: {  	v0 =	vadd.f32 v63, v0;
	_ =	sdelay $0x1  }
0x2dd: {  	[tilespmem:s31+$0x5680] =	vst v0  }
0x2de: {  	s0 =	simm.s32 $0x1080  }
0x2df: {  	s1 =	simm.s32 $0x80;
	s21 =	sadd.s32 $0x0, s17;
	s2 =	simm.s32 $0x1280  }
.LBB2_68:
0x2e0: {  	[tilespmem:s0], [sflag:$0x2] =	stream.linear.gather [hbm4b:s21+s3], $0x80, $0x38;
	[tilespmem:$0x6000] =	vst v63  }
0x2e1: {  	s21 =	smov.u32 s1;
	s0 =	smov.u32 s2;
	p1 =	sne.s32 s1, $0xF80  }
.Ltmp35:
0x2e2: {  	s1 =	sadd.s32 $0x80, s1;
	(pc) =	sbr.rel @p1 .LBB2_68-.Ltmp35, $2  }
0x2e3: {  	_ =	sdelay $0x2  }
0x2e4: {  	s2 =	sadd.s32 $0x200, s2;
	s21 =	sadd.s32 s21, s17  }
0x2e5: {  	[tilespmem:s0], [sflag:$0x2] =	stream.linear.gather [hbm4b:s21+s3], $0x80, $0x38;
	[tilespmem:$0x6000] =	vst v63  }
.LBB2_70:
0x2e6: {  	_ =	swait.ge [sflag:s26], $0x1000  }
0x2e7: {  	[sflag:s26] =	ssyncset.done $0x0  }
0x2e8: {  	s1 =	simm.s32 $0x1170;
	[sflag:s26] =	ssyncadd.s32 $0xFFFFF000  }
0x2e9: {  	s0 =	simm.s32 $0x40;
	v0 =	vld [tilespmem:s1+$0xFFFFFF90]  }
0x2ea: {  	v1 =	vld [tilespmem:s0+$0xFFFFFFC0]  }
0x2eb: {  	v2 =	vld [tilespmem:s1+$0xFFFFFFA0]  }
0x2ec: {  	v3 =	vld [tilespmem:s0+$0xFFFFFFD0]  }
0x2ed: {  	v4 =	vld [tilespmem:s1+$0xFFFFFFB0]  }
0x2ee: {  	v5 =	vld [tilespmem:s0+$0xFFFFFFE0]  }
0x2ef: {  	v6 =	vld [tilespmem:s1+$0xFFFFFFC0];
	v0 =	vmul.f32 v1, v0  }
0x2f0: {  	v7 =	vld [tilespmem:s0+$0xFFFFFFF0];
	v1 =	vimm.f32 $0.0e+00  }
0x2f1: {  	v8 =	vld [tilespmem:s1+$0xFFFFFFD0];
	v2 =	vmul.f32 v3, v2;
	v0 =	vadd.f32 v0, v1  }
0x2f2: {  	v9 =	vld [tilespmem:s0+$0x0]  }
0x2f3: {  	v3 =	vmul.f32 v5, v4;
	v4 =	vld [tilespmem:s0+$0x10];
	v2 =	vadd.f32 v2, v0  }
0x2f4: {  	v1 =	vld [tilespmem:s1+$0xFFFFFFE0]  }
0x2f5: {  	v6 =	vmul.f32 v7, v6;
	v0 =	vld [tilespmem:s1+$0xFFFFFFF0];
	v5 =	vadd.f32 v3, v2  }
0x2f6: {  	v3 =	vld [tilespmem:s0+$0x20]  }
0x2f7: {  	v7 =	vmul.f32 v9, v8;
	v2 =	vld [tilespmem:s1+$0x0];
	v6 =	vadd.f32 v6, v5  }
0x2f8: {  	s2 =	simm.s32 $0x1370;
	s1 =	simm.s32 $0x0;
	v5 =	vld [tilespmem:s0+$0x30]  }
.LBB2_71:
0x2f9: {  	v8 =	vld [tilespmem:s2+$0xFFFFFF90];
	v6 =	vadd.f32 v7, v6;
	v1 =	vmul.f32 v4, v1;
	s0 =	sadd.s32 $0x80, s0  }
0x2fa: {  	s1 =	sadd.s32 $0x8, s1;
	v4 =	vld [tilespmem:s0+$0xFFFFFFC0]  }
0x2fb: {  	p1 =	slt.u32 s1, $0xF8;
	v7 =	vld [tilespmem:s2+$0xFFFFFFA0];
	v1 =	vadd.f32 v1, v6;
	v0 =	vmul.f32 v3, v0  }
0x2fc: {  	v3 =	vld [tilespmem:s0+$0xFFFFFFD0]  }
0x2fd: {  	v6 =	vld [tilespmem:s2+$0xFFFFFFB0];
	v0 =	vadd.f32 v0, v1;
	v1 =	vmul.f32 v5, v2  }
0x2fe: {  	v2 =	vld [tilespmem:s0+$0xFFFFFFE0]  }
0x2ff: {  	v4 =	vmul.f32 v4, v8;
	v5 =	vld [tilespmem:s2+$0xFFFFFFC0];
	v0 =	vadd.f32 v1, v0  }
0x300: {  	v8 =	vld [tilespmem:s0+$0xFFFFFFF0]  }
0x301: {  	v0 =	vadd.f32 v4, v0;
	v1 =	vmul.f32 v3, v7;
	v7 =	vld [tilespmem:s2+$0xFFFFFFD0]  }
0x302: {  	v9 =	vld [tilespmem:s0+$0x0]  }
0x303: {  	v0 =	vadd.f32 v1, v0;
	v2 =	vmul.f32 v2, v6;
	v1 =	vld [tilespmem:s2+$0xFFFFFFE0]  }
.Ltmp36:
0x304: {  	v4 =	vld [tilespmem:s0+$0x10];
	(pc) =	sbr.rel @p1 .LBB2_71-.Ltmp36, $4  }
0x305: {  	v2 =	vadd.f32 v2, v0;
	v5 =	vmul.f32 v8, v5;
	v0 =	vld [tilespmem:s2+$0xFFFFFFF0]  }
0x306: {  	v3 =	vld [tilespmem:s0+$0x20]  }
0x307: {  	v6 =	vadd.f32 v5, v2;
	v7 =	vmul.f32 v9, v7;
	v2 =	vld [tilespmem:s2+$0x0]  }
0x308: {  	s2 =	sadd.s32 $0x200, s2;
	v5 =	vld [tilespmem:s0+$0x30]  }
0x309: {  	v6 =	vadd.f32 v7, v6;
	v1 =	vmul.f32 v4, v1;
	_ =	sdelay $0x1  }
0x30a: {  	v1 =	vadd.f32 v1, v6;
	v0 =	vmul.f32 v3, v0;
	_ =	sdelay $0x1  }
.Ltmp37:
0x30b: {  	v0 =	vadd.f32 v0, v1;
	v63 =	vmul.f32 v5, v2;
	(pc) =	sbr.rel @!p0 .LBB2_76-.Ltmp37, $3  }
0x30c: {  	_ = 	snop  }
0x30d: {  	v0 =	vadd.f32 v63, v0;
	_ =	sdelay $0x1  }
0x30e: {  	[tilespmem:s31+$0x5700] =	vst v0  }
0x30f: {  	s0 =	simm.s32 $0x1100  }
0x310: {  	s1 =	simm.s32 $0x80;
	s21 =	sadd.s32 $0x0, s19;
	s2 =	simm.s32 $0x1300  }
.LBB2_74:
0x311: {  	[tilespmem:s0], [sflag:$0x3] =	stream.linear.gather [hbm4b:s21+s3], $0x80, $0x38;
	[tilespmem:$0x6000] =	vst v63  }
0x312: {  	s21 =	smov.u32 s1;
	s0 =	smov.u32 s2;
	p1 =	sne.s32 s1, $0xF80  }
.Ltmp38:
0x313: {  	s1 =	sadd.s32 $0x80, s1;
	(pc) =	sbr.rel @p1 .LBB2_74-.Ltmp38, $2  }
0x314: {  	_ =	sdelay $0x2  }
0x315: {  	s2 =	sadd.s32 $0x200, s2;
	s21 =	sadd.s32 s21, s19  }
0x316: {  	[tilespmem:s0], [sflag:$0x3] =	stream.linear.gather [hbm4b:s21+s3], $0x80, $0x38;
	[tilespmem:$0x6000] =	vst v63  }
.LBB2_76:
0x317: {  	_ =	swait.ge [sflag:s28], $0x1000  }
0x318: {  	[sflag:s28] =	ssyncset.done $0x0  }
0x319: {  	s1 =	simm.s32 $0x11F0;
	[sflag:s28] =	ssyncadd.s32 $0xFFFFF000  }
0x31a: {  	s0 =	simm.s32 $0x40;
	v0 =	vld [tilespmem:s1+$0xFFFFFF90]  }
0x31b: {  	v1 =	vld [tilespmem:s0+$0xFFFFFFC0]  }
0x31c: {  	v2 =	vld [tilespmem:s1+$0xFFFFFFA0]  }
0x31d: {  	v3 =	vld [tilespmem:s0+$0xFFFFFFD0]  }
0x31e: {  	v4 =	vld [tilespmem:s1+$0xFFFFFFB0]  }
0x31f: {  	v5 =	vld [tilespmem:s0+$0xFFFFFFE0]  }
0x320: {  	v6 =	vld [tilespmem:s1+$0xFFFFFFC0];
	v0 =	vmul.f32 v1, v0  }
0x321: {  	v7 =	vld [tilespmem:s0+$0xFFFFFFF0];
	v1 =	vimm.f32 $0.0e+00  }
0x322: {  	v8 =	vld [tilespmem:s1+$0xFFFFFFD0];
	v2 =	vmul.f32 v3, v2;
	v0 =	vadd.f32 v0, v1  }
0x323: {  	v9 =	vld [tilespmem:s0+$0x0]  }
0x324: {  	v3 =	vmul.f32 v5, v4;
	v4 =	vld [tilespmem:s0+$0x10];
	v2 =	vadd.f32 v2, v0  }
0x325: {  	v1 =	vld [tilespmem:s1+$0xFFFFFFE0]  }
0x326: {  	v6 =	vmul.f32 v7, v6;
	v0 =	vld [tilespmem:s1+$0xFFFFFFF0];
	v5 =	vadd.f32 v3, v2  }
0x327: {  	v3 =	vld [tilespmem:s0+$0x20]  }
0x328: {  	v7 =	vmul.f32 v9, v8;
	v2 =	vld [tilespmem:s1+$0x0];
	v6 =	vadd.f32 v6, v5  }
0x329: {  	s2 =	simm.s32 $0x13F0;
	s1 =	simm.s32 $0x0;
	v5 =	vld [tilespmem:s0+$0x30]  }
.LBB2_77:
0x32a: {  	v8 =	vld [tilespmem:s2+$0xFFFFFF90];
	v6 =	vadd.f32 v7, v6;
	v1 =	vmul.f32 v4, v1;
	s0 =	sadd.s32 $0x80, s0  }
0x32b: {  	s1 =	sadd.s32 $0x8, s1;
	v4 =	vld [tilespmem:s0+$0xFFFFFFC0]  }
0x32c: {  	p1 =	slt.u32 s1, $0xF8;
	v7 =	vld [tilespmem:s2+$0xFFFFFFA0];
	v1 =	vadd.f32 v1, v6;
	v0 =	vmul.f32 v3, v0  }
0x32d: {  	v3 =	vld [tilespmem:s0+$0xFFFFFFD0]  }
0x32e: {  	v6 =	vld [tilespmem:s2+$0xFFFFFFB0];
	v0 =	vadd.f32 v0, v1;
	v1 =	vmul.f32 v5, v2  }
0x32f: {  	v2 =	vld [tilespmem:s0+$0xFFFFFFE0]  }
0x330: {  	v4 =	vmul.f32 v4, v8;
	v5 =	vld [tilespmem:s2+$0xFFFFFFC0];
	v0 =	vadd.f32 v1, v0  }
0x331: {  	v8 =	vld [tilespmem:s0+$0xFFFFFFF0]  }
0x332: {  	v0 =	vadd.f32 v4, v0;
	v1 =	vmul.f32 v3, v7;
	v7 =	vld [tilespmem:s2+$0xFFFFFFD0]  }
0x333: {  	v9 =	vld [tilespmem:s0+$0x0]  }
0x334: {  	v0 =	vadd.f32 v1, v0;
	v2 =	vmul.f32 v2, v6;
	v1 =	vld [tilespmem:s2+$0xFFFFFFE0]  }
.Ltmp39:
0x335: {  	v4 =	vld [tilespmem:s0+$0x10];
	(pc) =	sbr.rel @p1 .LBB2_77-.Ltmp39, $4  }
0x336: {  	v2 =	vadd.f32 v2, v0;
	v5 =	vmul.f32 v8, v5;
	v0 =	vld [tilespmem:s2+$0xFFFFFFF0]  }
0x337: {  	v3 =	vld [tilespmem:s0+$0x20]  }
0x338: {  	v6 =	vadd.f32 v5, v2;
	v7 =	vmul.f32 v9, v7;
	v2 =	vld [tilespmem:s2+$0x0]  }
0x339: {  	s2 =	sadd.s32 $0x200, s2;
	v5 =	vld [tilespmem:s0+$0x30]  }
0x33a: {  	v6 =	vadd.f32 v7, v6;
	v1 =	vmul.f32 v4, v1;
	_ =	sdelay $0x1  }
0x33b: {  	v1 =	vadd.f32 v1, v6;
	v0 =	vmul.f32 v3, v0;
	_ =	sdelay $0x1  }
.Ltmp40:
0x33c: {  	v0 =	vadd.f32 v0, v1;
	v63 =	vmul.f32 v5, v2;
	(pc) =	sbr.rel @!p0 .LBB2_82-.Ltmp40, $3  }
0x33d: {  	_ = 	snop  }
0x33e: {  	v0 =	vadd.f32 v63, v0;
	_ =	sdelay $0x1  }
0x33f: {  	[tilespmem:s31+$0x5780] =	vst v0  }
0x340: {  	s0 =	simm.s32 $0x0;
	s1 =	simm.s32 $0x1180  }
.LBB2_80:
0x341: {  	p0 =	seq.s32 s0, $0xF80  }
.Ltmp41:
0x342: {  	_ = 	snop;
	(pc) =	sbr.rel @!p0 .LBB2_80-.Ltmp41, $4  }
0x343: {  	_ = 	snop  }
0x344: {  	s2 =	sadd.s32 s0, s20  }
0x345: {  	[tilespmem:s1], [sflag:$0x4] =	stream.linear.gather [hbm4b:s2+s3], $0x80, $0x38;
	[tilespmem:$0x6000] =	vst v63  }
0x346: {  	s0 =	sadd.s32 $0x80, s0;
	s1 =	sadd.s32 $0x200, s1  }
.Ltmp42:
0x347: {  	(pc) =	sbr.rel .LBB2_10-.Ltmp42, $2  }
0x348: {  	_ =	sdelay $0x2  }
0x349: {  	s1 =	simm.s32 $0x1;
	p0 =	por $0x0, $0x0  }
.LBB2_83:
0x34a: {  	_ =	sfence.sel $0x180000  }
0x34b: {  	[bflag:$0x0] =	sbarrier.arrive $0xFFFF  }
0x34c: {  	_ =	strace $0x90000047  }
0x34d: {  	s0 =	stileid.u32;
	[bflag:$0x2] =	sbarrier.arrive $0xFFFF  }
0x34e: {  	p0 =	sne.s32 s0, $0x0;
	s0 =	rddreg [dreg:$0x3]  }
0x34f: {  	s0 =	sadd.s32 @!p0 $0x100000, s0  }
0x350: {  	[sflag:s0] =	ssyncadd.tile.s32 @!p0 $0x1;
	_ =	shalt  }
.Lfunc_end2:
_tile_overlayer_lowered:
.L_overlay_start_2:
0x351: {  	(tag) =	ssettag $0x2  }
0x352: {  	s0 =	rddreg [dreg:$0x0];
	s2 =	stileid.u32  }
0x353: {  	s1 =	rddreg [dreg:$0x1];
	p0 =	sne.s32 s2, $0x0  }
0x354: {  	s3 =	rddreg [dreg:$0x2];
	[bflag:$0x3] =	sbarrier.arrive $0xFFFF;
	s2 =	simm.s32 @!p0 $0x1C05  }
0x355: {  	[timem:s3], [sflag:s2] =	dma.local @!p0 [hbm:s0], s1  }
0x356: {  	s0 =	simm.s32 @!p0 $0x5  }
0x357: {  	_ =	swait.ge @!p0 [sflag:s0], s1  }
0x358: {  	s1 =	ssub.s32 @!p0 $0x0, s1;
	[sflag:s0] =	ssyncset.done @!p0 $0x0  }
0x359: {  	[sflag:s0] =	ssyncadd.s32 @!p0 s1  }
0x35a: {  	[bflag:$0x3] =	sbarrier.arrive $0xFFFF  }
0x35b: {  	_ =	shalt  }

</sc_bundles>
